<compile_context>
chip_gen: v7x
topology: tpu7x:2x2x1
jax: 0.10.2.dev20260603
libtpu: 0.0.44.dev20260713+nightly
codegen_flags: <defaults>
</compile_context>

<pallas_src>
import functools

import jax
import jax.numpy as jnp
from jax import lax
from jax.experimental import pallas as pl
from jax.experimental.pallas import tpu as pltpu
from jax.experimental.pallas import tpu_sc as plsc

NODE = 100
BATCH = 32
DIM = 64
TOPK1 = 20
TOPK2 = 25
N = NODE * BATCH
M = 2 * N
NW = 32
EPT = 2560
NG = EPT // 16
SROWS = 3328
NDUMP = SROWS - N

_HI = lax.Precision.HIGHEST
_BF = jnp.bfloat16


def _bd(a, b):
    return lax.dot_general(a.astype(_BF), b.astype(_BF),
                           (((a.ndim - 1,), (0,)), ((), ())),
                           precision=_HI, preferred_element_type=jnp.float32)


def _bdot(a, b, dims=(((1,), (0,)), ((), ()))):
    return lax.dot_general(a.astype(_BF), b.astype(_BF), dims,
                           preferred_element_type=jnp.float32)


def _ef_body(ep_ref, gcn_ref, out_ref):
    out_ref[...] = lax.dot_general(ep_ref[...], gcn_ref[...],
                                   (((0,), (0,)), ((), ())),
                                   preferred_element_type=jnp.float32)


def _h2_body(gallb_ref, w2_ref, b2_ref, a2i_ref, a2j_ref,
             h2a_ref, ai2_ref, aj2_ref):
    h2 = _bdot(gallb_ref[...], w2_ref[...]) + b2_ref[...]
    ai2_ref[...] = _bdot(h2, a2i_ref[...])
    h2a = h2[0:N, :]
    h2a_ref[...] = h2a
    aj2_ref[...] = _bdot(h2a, a2j_ref[...])


def _mt_body(sp_ref, mt_ref):
    ssum = jnp.sum(sp_ref[...], axis=0, keepdims=True)
    bits = lax.bitcast_convert_type(ssum, jnp.int32)
    e = jnp.bitwise_and(lax.shift_right_logical(bits, 23), 255)
    mt_ref[...] = 4.0 * (e.astype(jnp.float32) - 127.0)


_MESH = plsc.VectorSubcoreMesh(core_axis_name="c", subcore_axis_name="s")
_SC_PARAMS = pltpu.CompilerParams(needs_layout_passes=False)


@functools.partial(
    pl.kernel,
    out_type=[jax.ShapeDtypeStruct((NW, SROWS), jnp.float32),
              jax.ShapeDtypeStruct((NW, EPT), jnp.float32)],
    mesh=_MESH,
    compiler_params=_SC_PARAMS,
    scratch_types=[pltpu.VMEM((EPT,), jnp.int32),
                   pltpu.VMEM((EPT,), jnp.float32),
                   pltpu.VMEM((EPT,), jnp.float32),
                   pltpu.VMEM((M,), jnp.float32),
                   pltpu.VMEM((SROWS,), jnp.float32),
                   pltpu.VMEM((EPT,), jnp.float32)],
)
def _sc_a(dst_hbm, aj_hbm, corr_hbm, ai2_hbm, sp_out, log_out,
          dstv, ajv, corrv, ai2v, sloc, logv):
    c = lax.axis_index("c")
    s = lax.axis_index("s")
    wid = s * 2 + c
    pltpu.sync_copy(dst_hbm.at[wid], dstv)
    pltpu.sync_copy(aj_hbm.at[wid], ajv)
    pltpu.sync_copy(corr_hbm.at[wid], corrv)
    pltpu.sync_copy(ai2_hbm, ai2v)
    zz = jnp.zeros((16,), jnp.float32)

    def zbody(i, _):
        sloc[pl.ds(i * 16, 16)] = zz
        return 0

    lax.fori_loop(0, SROWS // 16, zbody, 0)

    def ebody(g, _):
        sl = pl.ds(g * 16, 16)
        dv = dstv[sl]
        z = ajv[sl] + plsc.load_gather(ai2v, [dv])
        lg = jnp.where(z >= 0, z, 0.2 * z) * corrv[sl]
        logv[sl] = lg
        qt = (lg * 0.25).astype(jnp.int32).astype(jnp.float32)
        pw = jnp.exp(qt * 0.6931471805599453)
        plsc.addupdate_scatter(sloc, [dv], pw)
        return 0

    lax.fori_loop(0, NG, ebody, 0)
    pltpu.sync_copy(logv, log_out.at[wid])
    pltpu.sync_copy(sloc, sp_out.at[wid])


def _fin_body(num_ref, den_ref, out_ref):
    num = num_ref[...]
    den = den_ref[...]
    r = jnp.maximum(num / den, 0.0)
    out_ref[...] = jnp.where(den > 0, r, 0.0)


def kernel(data, org_edge_index, emb_weight, extra_pram, g1_W, g1_b,
           g1_att_i, g1_att_j, bn1_gamma, bn1_beta, g2_W, g2_b,
           g2_att_i, g2_att_j):
    del org_edge_index
    f32 = jnp.float32
    i32 = jnp.int32

    x = data.reshape(-1, data.shape[-1])
    nrm = jnp.linalg.norm(emb_weight, axis=1, keepdims=True)
    cos = _bd(emb_weight, emb_weight.T) / _bd(nrm, nrm.T)
    topk_mat, topk_idx = lax.top_k(cos, TOPK1)
    cos_topk = jnp.tile(topk_mat.reshape(-1), (BATCH,))
    gated_i = jnp.repeat(jnp.arange(NODE), TOPK1)
    gated_j = topk_idx.reshape(-1)
    off = (jnp.arange(BATCH) * NODE)[:, None]
    src1 = (gated_j[None, :] + off).reshape(-1)
    dst1 = (gated_i[None, :] + off).reshape(-1)
    h = _bd(x, g1_W) + g1_b
    g = jnp.concatenate([h, jnp.tile(emb_weight, (BATCH, 1))], axis=-1)
    lg1 = jax.nn.leaky_relu(_bd(g[src1], g1_att_j) + _bd(g[dst1], g1_att_i),
                            0.2) * cos_topk
    m1 = jax.ops.segment_max(lg1, dst1, num_segments=N)
    ex1 = jnp.exp(lg1 - m1[dst1])
    den1 = jax.ops.segment_sum(ex1, dst1, num_segments=N)
    att1 = ex1 / den1[dst1]
    out1 = jax.ops.segment_sum(att1[:, None] * h[src1], dst1, num_segments=N)
    mu = out1.mean(0)
    var = out1.var(0)
    gcn = jax.nn.relu(bn1_gamma * (out1 - mu) / jnp.sqrt(var + 1e-5) + bn1_beta)

    gcn_bf = gcn.astype(_BF)
    ep_bf = extra_pram.astype(_BF)
    ef = pl.pallas_call(
        _ef_body,
        grid=(25,),
        in_specs=[pl.BlockSpec((N, 128), lambda j: (0, j)),
                  pl.BlockSpec((N, DIM), lambda j: (0, 0))],
        out_specs=pl.BlockSpec((128, DIM), lambda j: (j, 0)),
        out_shape=jax.ShapeDtypeStruct((N, DIM), f32),
    )(ep_bf, gcn_bf)

    g_all = jnp.concatenate([gcn, ef], axis=0)
    gall_bf = g_all.astype(_BF)

    nrm2 = jnp.linalg.norm(g_all, axis=-1, keepdims=True)
    D2 = lax.dot_general(gall_bf[:N], gall_bf, (((1,), (1,)), ((), ())),
                         precision=_HI, preferred_element_type=f32)
    P2 = lax.dot_general(nrm2[:N].astype(_BF), nrm2.astype(_BF),
                         (((1,), (1,)), ((), ())),
                         precision=_HI, preferred_element_type=f32)
    tv2, ti2 = lax.top_k(D2 / P2, TOPK2)

    h2a, ai2c, aj2c = pl.pallas_call(
        _h2_body,
        out_shape=[jax.ShapeDtypeStruct((N, DIM), f32),
                   jax.ShapeDtypeStruct((M, 1), f32),
                   jax.ShapeDtypeStruct((N, 1), f32)],
    )(gall_bf, g2_W, g2_b.reshape(1, DIM),
      g2_att_i.reshape(DIM, 1), g2_att_j.reshape(DIM, 1))

    rowid = jnp.arange(N, dtype=i32)
    dump = N + (rowid[:, None] % NDUMP)
    dstm = jnp.where(ti2 < N, ti2, dump)
    ajm = jnp.broadcast_to(aj2c.reshape(N)[:, None], (N, TOPK2))
    paddst = jnp.broadcast_to(
        N + (jnp.arange(EPT - 2500, dtype=i32) % NDUMP)[None, :],
        (NW, EPT - 2500))
    dstE = jnp.concatenate([dstm.reshape(NW, 2500), paddst], axis=1)
    ajE = jnp.concatenate(
        [ajm.reshape(NW, 2500), jnp.zeros((NW, EPT - 2500), f32)], axis=1)
    corrE = jnp.concatenate(
        [tv2.reshape(NW, 2500), jnp.zeros((NW, EPT - 2500), f32)], axis=1)
    src_single = jnp.concatenate(
        [jnp.repeat(jnp.arange(NODE, dtype=i32), TOPK2),
         jnp.zeros((EPT - 2500,), i32)])

    sp, logE = _sc_a(dstE, ajE, corrE, ai2c.reshape(M))

    mt = pl.pallas_call(
        _mt_body,
        out_shape=jax.ShapeDtypeStruct((1, SROWS), f32),
    )(sp).reshape(SROWS)

    ex = jnp.exp(logE - mt[dstE])
    hsrc = h2a.reshape(NW, NODE, DIM)[
        jnp.arange(NW, dtype=i32)[:, None], src_single[None, :]]
    contrib = jnp.concatenate([hsrc * ex[..., None], ex[..., None]], -1)
    accf = jax.ops.segment_sum(contrib.reshape(-1, DIM + 1),
                               dstE.reshape(-1), num_segments=SROWS)

    out = pl.pallas_call(
        _fin_body,
        out_shape=jax.ShapeDtypeStruct((N, DIM), f32),
    )(accf[:N, 0:DIM], accf[:N, DIM:DIM + 1])
    return out

# --- scband reference (transcript-rebuilt; emitter-appended) ---
"""Pipeline reference for scband-ggnn-86526411145929 (READ-ONLY COPY).

The authoritative reference and input builder live on the scoring server;
editing this copy changes nothing except your own understanding.
"""

import jax, jax.numpy as jnp
import numpy as np

NODE_NUM = 100
BATCH_NUM = 32
DIM = 64
INPUT_DIM = 10
TOPK = 20
EXTRA_NUM = 25
N = NODE_NUM * BATCH_NUM


def setup_inputs(seed: int = 0):
    key = jax.random.key(seed)
    ks = jax.random.split(key, 16)
    # nn.init.sparse_(extra_pram, sparsity=0.8, std=1): ~80% zeros, rest N(0,1)
    rng = np.random.RandomState(0)
    ep = rng.randn(N, N).astype(np.float32)
    ep[rng.rand(N, N) < 0.8] = 0.0
    b_emb = float(np.sqrt(6.0 / DIM))  # kaiming_uniform-ish bound
    inp = {
        'data': jax.random.normal(ks[0], (BATCH_NUM, NODE_NUM, INPUT_DIM), jnp.float32),
        'org_edge_index': jax.random.randint(ks[1], (2, 1000), 0, NODE_NUM),
        'emb_weight': jax.random.uniform(ks[2], (NODE_NUM, DIM), jnp.float32, -b_emb, b_emb),
        'extra_pram': jnp.asarray(ep),
        'g1_W': jax.random.normal(ks[3], (INPUT_DIM, DIM), jnp.float32) / np.sqrt(INPUT_DIM),
        'g1_b': jnp.zeros((DIM,), jnp.float32),
        'g1_att_i': jax.random.normal(ks[4], (2 * DIM,), jnp.float32) * 0.1,
        'g1_att_j': jax.random.normal(ks[5], (2 * DIM,), jnp.float32) * 0.1,
        'bn1_gamma': jnp.ones((DIM,), jnp.float32),
        'bn1_beta': jnp.zeros((DIM,), jnp.float32),
        'g2_W': jax.random.normal(ks[6], (DIM, DIM), jnp.float32) / np.sqrt(DIM),
        'g2_b': jnp.zeros((DIM,), jnp.float32),
        'g2_att_i': jax.random.normal(ks[7], (DIM,), jnp.float32) * 0.1,
        'g2_att_j': jax.random.normal(ks[8], (DIM,), jnp.float32) * 0.1,
    }
    return inp


def _segment_softmax(logits, seg, num_segments):
    m = jax.ops.segment_max(logits, seg, num_segments=num_segments)
    m = jax.lax.stop_gradient(m)
    ex = jnp.exp(logits - m[seg])
    den = jax.ops.segment_sum(ex, seg, num_segments=num_segments)
    return ex / den[seg]


def _forward(data, emb_weight, extra_pram, g1_W, g1_b, g1_att_i, g1_att_j,
             bn1_gamma, bn1_beta, g2_W, g2_b, g2_att_i, g2_att_j):
    batch_num, node_num, feat = data.shape
    # x = data.clone().detach()
    x = jax.lax.stop_gradient(data).reshape(-1, feat)
    all_embeddings = emb_weight  # embedding(arange(node_num))
    weights = jax.lax.stop_gradient(all_embeddings)  # .detach().clone()
    all_emb_rep = jnp.tile(all_embeddings, (batch_num, 1))
    # learned graph + gumbel-softmax hard adjacency (dead code downstream; kept for fidelity)
    nrm = jnp.linalg.norm(weights, axis=1, keepdims=True)
    lg = (weights @ weights.T) / (nrm @ nrm.T)
    lg = (lg + 1.0) / 2.0
    lg2 = jnp.stack([lg, 1.0 - lg], axis=-1)
    gnoise = jax.random.gumbel(jax.random.key(42), lg2.shape, jnp.float32)
    soft = jax.nn.softmax(lg2 + gnoise, axis=-1)
    adj = (soft[..., 0] >= soft[..., 1]).astype(jnp.float32)
    adj = adj * (1.0 - jnp.eye(node_num, dtype=jnp.float32))
    adj_big = jnp.tile(adj, (batch_num, batch_num))
    _ = adj_big
    # cosine top-k gated graph
    cos = (weights @ weights.T) / (nrm @ nrm.T)
    topk_mat, topk_idx = jax.lax.top_k(cos, TOPK)
    cos_topk = jnp.tile(topk_mat.reshape(-1), (batch_num,))
    gated_i = jnp.repeat(jnp.arange(node_num), TOPK)
    gated_j = topk_idx.reshape(-1)
    off = (jnp.arange(batch_num) * node_num)[:, None]
    src = (gated_j[None, :] + off).reshape(-1)  # edge_index[0] = j (source)
    dst = (gated_i[None, :] + off).reshape(-1)  # edge_index[1] = i (target)
    n_tot = node_num * batch_num
    # GraphLayer: GAT-style attention over [Wx || embedding], gated by cosine
    h = x @ g1_W + g1_b
    g = jnp.concatenate([h, all_emb_rep], axis=-1)
    logits = jax.nn.leaky_relu(g[src] @ g1_att_j + g[dst] @ g1_att_i, 0.2) * cos_topk
    att = _segment_softmax(logits, dst, n_tot)
    out = jax.ops.segment_sum(att[:, None] * h[src], dst, num_segments=n_tot)
    # BatchNorm1d (training-mode batch stats) + ReLU
    mu = out.mean(0)
    var = out.var(0)
    out = bn1_gamma * (out - mu) / jnp.sqrt(var + 1e-5) + bn1_beta
    gcn_out = jax.nn.relu(out)
    # extra correlation graph branch (extra_pram.shape[1] == gcn_out.shape[0])
    len_x = gcn_out.shape[0]
    extra_features = extra_pram.T @ gcn_out  # (gcn_out.T @ extra_pram).T
    g_all = jnp.concatenate([gcn_out, extra_features], axis=0)
    nrm2 = jnp.linalg.norm(g_all, axis=-1, keepdims=True)
    cos2 = (g_all @ g_all.T) / (nrm2 @ nrm2.T)
    topk2_mat, topk2_idx = jax.lax.top_k(cos2, EXTRA_NUM)
    corrs = topk2_mat[:len_x].reshape(-1)
    src2 = jnp.repeat(jnp.arange(len_x), EXTRA_NUM)  # extra_i = edge_index[0]
    dst2 = topk2_idx[:len_x].reshape(-1)             # extra_j = edge_index[1]
    # GraphLayer1 (no embedding concat), then ReLU (its bn is never applied in torch forward)
    h2 = g_all @ g2_W + g2_b
    logits2 = jax.nn.leaky_relu(h2[src2] @ g2_att_j + h2[dst2] @ g2_att_i, 0.2) * corrs
    att2 = _segment_softmax(logits2, dst2, 2 * len_x)
    out2 = jax.ops.segment_sum(att2[:, None] * h2[src2], dst2, num_segments=2 * len_x)
    out2 = jax.nn.relu(out2)
    gcn_out = out2[:len_x]
    # x = torch.cat(gcn_outs, dim=1) with a single edge set
    return jnp.concatenate([gcn_out], axis=1)


def reference(data, org_edge_index, emb_weight, extra_pram, g1_W, g1_b, g1_att_i,
              g1_att_j, bn1_gamma, bn1_beta, g2_W, g2_b, g2_att_i, g2_att_j):
    _ = org_edge_index  # unused in the torch forward as well
    return _forward(data, emb_weight, extra_pram, g1_W, g1_b, g1_att_i, g1_att_j,
                    bn1_gamma, bn1_beta, g2_W, g2_b, g2_att_i, g2_att_j)

if __name__ == "__main__":
    import jax
    _d = setup_inputs()
    print(jax.jit(kernel)(*tuple(_d.values())))

</pallas_src>

<mosaic_0001>
#map = affine_map<(d0, d1) -> (0, 0)>
#map1 = affine_map<(d0, d1) -> (0)>
module attributes {stable_mosaic.version = 14 : i64} {
  func.func @_sc_a(%arg0: i32, %arg1: i32, %arg2: memref<32x2560xi32, #tpu.memory_space<hbm>>, %arg3: memref<32x2560xf32, #tpu.memory_space<hbm>>, %arg4: memref<32x2560xf32, #tpu.memory_space<hbm>>, %arg5: memref<6400xf32, #tpu.memory_space<hbm>>, %arg6: memref<32x3328xf32, #tpu.memory_space<hbm>>, %arg7: memref<32x2560xf32, #tpu.memory_space<hbm>>, %arg8: memref<2560xi32, #tpu.memory_space<vmem>>, %arg9: memref<2560xf32, #tpu.memory_space<vmem>>, %arg10: memref<2560xf32, #tpu.memory_space<vmem>>, %arg11: memref<6400xf32, #tpu.memory_space<vmem>>, %arg12: memref<3328xf32, #tpu.memory_space<vmem>>, %arg13: memref<2560xf32, #tpu.memory_space<vmem>>) attributes {dimension_semantics = [#tpu.dimension_semantics<core_parallel>, #tpu.dimension_semantics<subcore_parallel>], iteration_bounds = array<i64: 2, 16>, scalar_prefetch = 0 : i64, scratch_operands = 6 : i64, tpu.core_type = #tpu.core_type<sc_vector_subcore>, window_params = [{transform_indices = #map}, {transform_indices = #map}, {transform_indices = #map}, {transform_indices = #map1}, {transform_indices = #map}, {transform_indices = #map}]} {
    %mul3A = arith.constant 2 : i32
    %mul3A_0 = arith.muli %arg1, %mul3A : i32
    %add3A = arith.addi %mul3A_0, %arg0 : i32
    "tpu.region"() ({
      %run_scoped3A = tpu.sem_alloc : memref<!tpu.dma_semaphore, #tpu.memory_space<semaphore_mem>>
      %dma_start3A = arith.constant 0 : i32
      %dma_start3A_15 = tpu.memref_slice %arg2[%add3A, %dma_start3A] : memref<32x2560xi32, #tpu.memory_space<hbm>> -> memref<1x2560xi32, #tpu.memory_space<hbm>>
      %dma_start3A_16 = tpu.memref_squeeze %dma_start3A_15 : memref<1x2560xi32, #tpu.memory_space<hbm>> -> memref<2560xi32, #tpu.memory_space<hbm>>
      %dma_start3A_17 = arith.constant 0 : i32
      %dma_start3A_18 = tpu.memref_slice %arg2[%add3A, %dma_start3A_17] : memref<32x2560xi32, #tpu.memory_space<hbm>> -> memref<1x2560xi32, #tpu.memory_space<hbm>>
      %dma_start3A_19 = tpu.memref_squeeze %dma_start3A_18 : memref<1x2560xi32, #tpu.memory_space<hbm>> -> memref<2560xi32, #tpu.memory_space<hbm>>
      tpu.enqueue_dma source(%dma_start3A_19 : memref<2560xi32, #tpu.memory_space<hbm>>) target(%arg8 : memref<2560xi32, #tpu.memory_space<vmem>>) target_semaphore(%run_scoped3A : memref<!tpu.dma_semaphore, #tpu.memory_space<semaphore_mem>>)
      %dma_wait3A = arith.constant 0 : i32
      %dma_wait3A_20 = tpu.memref_slice %arg2[%add3A, %dma_wait3A] : memref<32x2560xi32, #tpu.memory_space<hbm>> -> memref<1x2560xi32, #tpu.memory_space<hbm>>
      %dma_wait3A_21 = tpu.memref_squeeze %dma_wait3A_20 : memref<1x2560xi32, #tpu.memory_space<hbm>> -> memref<2560xi32, #tpu.memory_space<hbm>>
      %dma_wait3A_22 = arith.constant 0 : i32
      %dma_wait3A_23 = tpu.memref_slice %arg2[%add3A, %dma_wait3A_22] : memref<32x2560xi32, #tpu.memory_space<hbm>> -> memref<1x2560xi32, #tpu.memory_space<hbm>>
      %dma_wait3A_24 = tpu.memref_squeeze %dma_wait3A_23 : memref<1x2560xi32, #tpu.memory_space<hbm>> -> memref<2560xi32, #tpu.memory_space<hbm>>
      tpu.wait_dma2 semaphore(%run_scoped3A : memref<!tpu.dma_semaphore, #tpu.memory_space<semaphore_mem>>) src(%dma_wait3A_24 : memref<2560xi32, #tpu.memory_space<hbm>>) dst(%arg8 : memref<2560xi32, #tpu.memory_space<vmem>>)
      tpu.yield
    }) : () -> ()
    "tpu.region"() ({
      %run_scoped3A = tpu.sem_alloc : memref<!tpu.dma_semaphore, #tpu.memory_space<semaphore_mem>>
      %dma_start3A = arith.constant 0 : i32
      %dma_start3A_15 = tpu.memref_slice %arg3[%add3A, %dma_start3A] : memref<32x2560xf32, #tpu.memory_space<hbm>> -> memref<1x2560xf32, #tpu.memory_space<hbm>>
      %dma_start3A_16 = tpu.memref_squeeze %dma_start3A_15 : memref<1x2560xf32, #tpu.memory_space<hbm>> -> memref<2560xf32, #tpu.memory_space<hbm>>
      %dma_start3A_17 = arith.constant 0 : i32
      %dma_start3A_18 = tpu.memref_slice %arg3[%add3A, %dma_start3A_17] : memref<32x2560xf32, #tpu.memory_space<hbm>> -> memref<1x2560xf32, #tpu.memory_space<hbm>>
      %dma_start3A_19 = tpu.memref_squeeze %dma_start3A_18 : memref<1x2560xf32, #tpu.memory_space<hbm>> -> memref<2560xf32, #tpu.memory_space<hbm>>
      tpu.enqueue_dma source(%dma_start3A_19 : memref<2560xf32, #tpu.memory_space<hbm>>) target(%arg9 : memref<2560xf32, #tpu.memory_space<vmem>>) target_semaphore(%run_scoped3A : memref<!tpu.dma_semaphore, #tpu.memory_space<semaphore_mem>>)
      %dma_wait3A = arith.constant 0 : i32
      %dma_wait3A_20 = tpu.memref_slice %arg3[%add3A, %dma_wait3A] : memref<32x2560xf32, #tpu.memory_space<hbm>> -> memref<1x2560xf32, #tpu.memory_space<hbm>>
      %dma_wait3A_21 = tpu.memref_squeeze %dma_wait3A_20 : memref<1x2560xf32, #tpu.memory_space<hbm>> -> memref<2560xf32, #tpu.memory_space<hbm>>
      %dma_wait3A_22 = arith.constant 0 : i32
      %dma_wait3A_23 = tpu.memref_slice %arg3[%add3A, %dma_wait3A_22] : memref<32x2560xf32, #tpu.memory_space<hbm>> -> memref<1x2560xf32, #tpu.memory_space<hbm>>
      %dma_wait3A_24 = tpu.memref_squeeze %dma_wait3A_23 : memref<1x2560xf32, #tpu.memory_space<hbm>> -> memref<2560xf32, #tpu.memory_space<hbm>>
      tpu.wait_dma2 semaphore(%run_scoped3A : memref<!tpu.dma_semaphore, #tpu.memory_space<semaphore_mem>>) src(%dma_wait3A_24 : memref<2560xf32, #tpu.memory_space<hbm>>) dst(%arg9 : memref<2560xf32, #tpu.memory_space<vmem>>)
      tpu.yield
    }) : () -> ()
    "tpu.region"() ({
      %run_scoped3A = tpu.sem_alloc : memref<!tpu.dma_semaphore, #tpu.memory_space<semaphore_mem>>
      %dma_start3A = arith.constant 0 : i32
      %dma_start3A_15 = tpu.memref_slice %arg4[%add3A, %dma_start3A] : memref<32x2560xf32, #tpu.memory_space<hbm>> -> memref<1x2560xf32, #tpu.memory_space<hbm>>
      %dma_start3A_16 = tpu.memref_squeeze %dma_start3A_15 : memref<1x2560xf32, #tpu.memory_space<hbm>> -> memref<2560xf32, #tpu.memory_space<hbm>>
      %dma_start3A_17 = arith.constant 0 : i32
      %dma_start3A_18 = tpu.memref_slice %arg4[%add3A, %dma_start3A_17] : memref<32x2560xf32, #tpu.memory_space<hbm>> -> memref<1x2560xf32, #tpu.memory_space<hbm>>
      %dma_start3A_19 = tpu.memref_squeeze %dma_start3A_18 : memref<1x2560xf32, #tpu.memory_space<hbm>> -> memref<2560xf32, #tpu.memory_space<hbm>>
      tpu.enqueue_dma source(%dma_start3A_19 : memref<2560xf32, #tpu.memory_space<hbm>>) target(%arg10 : memref<2560xf32, #tpu.memory_space<vmem>>) target_semaphore(%run_scoped3A : memref<!tpu.dma_semaphore, #tpu.memory_space<semaphore_mem>>)
      %dma_wait3A = arith.constant 0 : i32
      %dma_wait3A_20 = tpu.memref_slice %arg4[%add3A, %dma_wait3A] : memref<32x2560xf32, #tpu.memory_space<hbm>> -> memref<1x2560xf32, #tpu.memory_space<hbm>>
      %dma_wait3A_21 = tpu.memref_squeeze %dma_wait3A_20 : memref<1x2560xf32, #tpu.memory_space<hbm>> -> memref<2560xf32, #tpu.memory_space<hbm>>
      %dma_wait3A_22 = arith.constant 0 : i32
      %dma_wait3A_23 = tpu.memref_slice %arg4[%add3A, %dma_wait3A_22] : memref<32x2560xf32, #tpu.memory_space<hbm>> -> memref<1x2560xf32, #tpu.memory_space<hbm>>
      %dma_wait3A_24 = tpu.memref_squeeze %dma_wait3A_23 : memref<1x2560xf32, #tpu.memory_space<hbm>> -> memref<2560xf32, #tpu.memory_space<hbm>>
      tpu.wait_dma2 semaphore(%run_scoped3A : memref<!tpu.dma_semaphore, #tpu.memory_space<semaphore_mem>>) src(%dma_wait3A_24 : memref<2560xf32, #tpu.memory_space<hbm>>) dst(%arg10 : memref<2560xf32, #tpu.memory_space<vmem>>)
      tpu.yield
    }) : () -> ()
    "tpu.region"() ({
      %run_scoped3A = tpu.sem_alloc : memref<!tpu.dma_semaphore, #tpu.memory_space<semaphore_mem>>
      tpu.enqueue_dma source(%arg5 : memref<6400xf32, #tpu.memory_space<hbm>>) target(%arg11 : memref<6400xf32, #tpu.memory_space<vmem>>) target_semaphore(%run_scoped3A : memref<!tpu.dma_semaphore, #tpu.memory_space<semaphore_mem>>)
      tpu.wait_dma2 semaphore(%run_scoped3A : memref<!tpu.dma_semaphore, #tpu.memory_space<semaphore_mem>>) src(%arg5 : memref<6400xf32, #tpu.memory_space<hbm>>) dst(%arg11 : memref<6400xf32, #tpu.memory_space<vmem>>)
      tpu.yield
    }) : () -> ()
    %broadcast_in_dim3A = arith.constant 0.000000e+00 : f32
    %broadcast_in_dim3A_1 = vector.broadcast %broadcast_in_dim3A : f32 to vector<16xf32>
    %scan3A = arith.constant 0 : i32
    %scan3A_2 = arith.constant 0 : i32
    %scan3A_3 = arith.constant 208 : i32
    %scan3A_4 = arith.addi %scan3A_2, %scan3A_3 : i32
    %scan3A_5 = arith.constant 1 : i32
    %scan3A_6 = scf.for %scan3A_15 = %scan3A_2 to %scan3A_4 step %scan3A_5 iter_args(%scan3A_16 = %scan3A) -> (i32)  : i32 {
      %mul3A_17 = arith.constant 16 : i32
      %mul3A_18 = arith.muli %scan3A_15, %mul3A_17 : i32
      %swap3A = arith.index_cast %mul3A_18 : i32 to index
      %swap3A_19 = tpu.vector_load %arg12[%swap3A] {strides = array<i32>} : memref<3328xf32, #tpu.memory_space<vmem>>, vector<16xf32>,
      tpu.vector_store %arg12[%swap3A], %broadcast_in_dim3A_1 {strides = array<i32>} : memref<3328xf32, #tpu.memory_space<vmem>>, vector<16xf32>,
      %scan3A_20 = arith.constant 0 : i32
      scf.yield %scan3A_20 : i32
    }
    %scan3A_7 = arith.constant 208 : i32
    %scan3A_8 = arith.constant 0 : i32
    %scan3A_9 = arith.constant 0 : i32
    %scan3A_10 = arith.constant 160 : i32
    %scan3A_11 = arith.addi %scan3A_9, %scan3A_10 : i32
    %scan3A_12 = arith.constant 1 : i32
    %scan3A_13 = scf.for %scan3A_15 = %scan3A_9 to %scan3A_11 step %scan3A_12 iter_args(%scan3A_16 = %scan3A_8) -> (i32)  : i32 {
      %mul3A_17 = arith.constant 16 : i32
      %mul3A_18 = arith.muli %scan3A_15, %mul3A_17 : i32
      %get3A = arith.index_cast %mul3A_18 : i32 to index
      %get3A_19 = tpu.vector_load %arg8[%get3A] {strides = array<i32>} : memref<2560xi32, #tpu.memory_space<vmem>>, vector<16xi32>,
      %get3A_20 = arith.index_cast %mul3A_18 : i32 to index
      %get3A_21 = tpu.vector_load %arg9[%get3A_20] {strides = array<i32>} : memref<2560xf32, #tpu.memory_space<vmem>>, vector<16xf32>,
      %gather3A = tpu.vector_load_idx %arg11[%get3A_19] : memref<6400xf32, #tpu.memory_space<vmem>>[vector<16xi32>], vector<16xf32>,
      %add3A_22 = arith.addf %get3A_21, %gather3A : vector<16xf32>
      %ge3A = arith.constant 0.000000e+00 : f32
      %ge3A_23 = vector.broadcast %ge3A : f32 to vector<16xf32>
      %ge3A_24 = arith.cmpf oge, %add3A_22, %ge3A_23 : vector<16xf32>
      %mul3A_25 = arith.constant 2.000000e-01 : f32
      %mul3A_26 = vector.broadcast %mul3A_25 : f32 to vector<16xf32>
      %mul3A_27 = arith.mulf %mul3A_26, %add3A_22 : vector<16xf32>
      %select_n3A = arith.select %ge3A_24, %add3A_22, %mul3A_27 : vector<16xi1>, vector<16xf32>
      %get3A_28 = arith.index_cast %mul3A_18 : i32 to index
      %get3A_29 = tpu.vector_load %arg10[%get3A_28] {strides = array<i32>} : memref<2560xf32, #tpu.memory_space<vmem>>, vector<16xf32>,
      %mul3A_30 = arith.mulf %select_n3A, %get3A_29 : vector<16xf32>
      %swap3A = arith.index_cast %mul3A_18 : i32 to index
      %swap3A_31 = tpu.vector_load %arg13[%swap3A] {strides = array<i32>} : memref<2560xf32, #tpu.memory_space<vmem>>, vector<16xf32>,
      tpu.vector_store %arg13[%swap3A], %mul3A_30 {strides = array<i32>} : memref<2560xf32, #tpu.memory_space<vmem>>, vector<16xf32>,
      %mul3A_32 = arith.constant 2.500000e-01 : f32
      %mul3A_33 = vector.broadcast %mul3A_32 : f32 to vector<16xf32>
      %mul3A_34 = arith.mulf %mul3A_30, %mul3A_33 : vector<16xf32>
      %convert_element_type3A = arith.fptosi %mul3A_34 : vector<16xf32> to vector<16xi32>
      %convert_element_type3A_35 = arith.sitofp %convert_element_type3A : vector<16xi32> to vector<16xf32>
      %mul3A_36 = arith.constant 0.693147182 : f32
      %mul3A_37 = vector.broadcast %mul3A_36 : f32 to vector<16xf32>
      %mul3A_38 = arith.mulf %convert_element_type3A_35, %mul3A_37 : vector<16xf32>
      %exp3A = math.exp %mul3A_38 : vector<16xf32>
      tpu.vector_store_idx %arg12[%get3A_19], %exp3A {add = true} : memref<3328xf32, #tpu.memory_space<vmem>>[vector<16xi32>], vector<16xf32>,
      %scan3A_39 = arith.constant 0 : i32
      scf.yield %scan3A_39 : i32
    }
    %scan3A_14 = arith.constant 160 : i32
    "tpu.region"() ({
      %run_scoped3A = tpu.sem_alloc : memref<!tpu.dma_semaphore, #tpu.memory_space<semaphore_mem>>
      %dma_start3A = arith.constant 0 : i32
      %dma_start3A_15 = tpu.memref_slice %arg7[%add3A, %dma_start3A] : memref<32x2560xf32, #tpu.memory_space<hbm>> -> memref<1x2560xf32, #tpu.memory_space<hbm>>
      %dma_start3A_16 = tpu.memref_squeeze %dma_start3A_15 : memref<1x2560xf32, #tpu.memory_space<hbm>> -> memref<2560xf32, #tpu.memory_space<hbm>>
      %dma_start3A_17 = arith.constant 0 : i32
      %dma_start3A_18 = tpu.memref_slice %arg7[%add3A, %dma_start3A_17] : memref<32x2560xf32, #tpu.memory_space<hbm>> -> memref<1x2560xf32, #tpu.memory_space<hbm>>
      %dma_start3A_19 = tpu.memref_squeeze %dma_start3A_18 : memref<1x2560xf32, #tpu.memory_space<hbm>> -> memref<2560xf32, #tpu.memory_space<hbm>>
      tpu.enqueue_dma source(%arg13 : memref<2560xf32, #tpu.memory_space<vmem>>) target(%dma_start3A_19 : memref<2560xf32, #tpu.memory_space<hbm>>) target_semaphore(%run_scoped3A : memref<!tpu.dma_semaphore, #tpu.memory_space<semaphore_mem>>)
      %dma_wait3A = arith.constant 0 : i32
      %dma_wait3A_20 = tpu.memref_slice %arg7[%add3A, %dma_wait3A] : memref<32x2560xf32, #tpu.memory_space<hbm>> -> memref<1x2560xf32, #tpu.memory_space<hbm>>
      %dma_wait3A_21 = tpu.memref_squeeze %dma_wait3A_20 : memref<1x2560xf32, #tpu.memory_space<hbm>> -> memref<2560xf32, #tpu.memory_space<hbm>>
      %dma_wait3A_22 = arith.constant 0 : i32
      %dma_wait3A_23 = tpu.memref_slice %arg7[%add3A, %dma_wait3A_22] : memref<32x2560xf32, #tpu.memory_space<hbm>> -> memref<1x2560xf32, #tpu.memory_space<hbm>>
      %dma_wait3A_24 = tpu.memref_squeeze %dma_wait3A_23 : memref<1x2560xf32, #tpu.memory_space<hbm>> -> memref<2560xf32, #tpu.memory_space<hbm>>
      tpu.wait_dma2 semaphore(%run_scoped3A : memref<!tpu.dma_semaphore, #tpu.memory_space<semaphore_mem>>) src(%arg13 : memref<2560xf32, #tpu.memory_space<vmem>>) dst(%dma_wait3A_24 : memref<2560xf32, #tpu.memory_space<hbm>>)
      tpu.yield
    }) : () -> ()
    "tpu.region"() ({
      %run_scoped3A = tpu.sem_alloc : memref<!tpu.dma_semaphore, #tpu.memory_space<semaphore_mem>>
      %dma_start3A = arith.constant 0 : i32
      %dma_start3A_15 = tpu.memref_slice %arg6[%add3A, %dma_start3A] : memref<32x3328xf32, #tpu.memory_space<hbm>> -> memref<1x3328xf32, #tpu.memory_space<hbm>>
      %dma_start3A_16 = tpu.memref_squeeze %dma_start3A_15 : memref<1x3328xf32, #tpu.memory_space<hbm>> -> memref<3328xf32, #tpu.memory_space<hbm>>
      %dma_start3A_17 = arith.constant 0 : i32
      %dma_start3A_18 = tpu.memref_slice %arg6[%add3A, %dma_start3A_17] : memref<32x3328xf32, #tpu.memory_space<hbm>> -> memref<1x3328xf32, #tpu.memory_space<hbm>>
      %dma_start3A_19 = tpu.memref_squeeze %dma_start3A_18 : memref<1x3328xf32, #tpu.memory_space<hbm>> -> memref<3328xf32, #tpu.memory_space<hbm>>
      tpu.enqueue_dma source(%arg12 : memref<3328xf32, #tpu.memory_space<vmem>>) target(%dma_start3A_19 : memref<3328xf32, #tpu.memory_space<hbm>>) target_semaphore(%run_scoped3A : memref<!tpu.dma_semaphore, #tpu.memory_space<semaphore_mem>>)
      %dma_wait3A = arith.constant 0 : i32
      %dma_wait3A_20 = tpu.memref_slice %arg6[%add3A, %dma_wait3A] : memref<32x3328xf32, #tpu.memory_space<hbm>> -> memref<1x3328xf32, #tpu.memory_space<hbm>>
      %dma_wait3A_21 = tpu.memref_squeeze %dma_wait3A_20 : memref<1x3328xf32, #tpu.memory_space<hbm>> -> memref<3328xf32, #tpu.memory_space<hbm>>
      %dma_wait3A_22 = arith.constant 0 : i32
      %dma_wait3A_23 = tpu.memref_slice %arg6[%add3A, %dma_wait3A_22] : memref<32x3328xf32, #tpu.memory_space<hbm>> -> memref<1x3328xf32, #tpu.memory_space<hbm>>
      %dma_wait3A_24 = tpu.memref_squeeze %dma_wait3A_23 : memref<1x3328xf32, #tpu.memory_space<hbm>> -> memref<3328xf32, #tpu.memory_space<hbm>>
      tpu.wait_dma2 semaphore(%run_scoped3A : memref<!tpu.dma_semaphore, #tpu.memory_space<semaphore_mem>>) src(%arg12 : memref<3328xf32, #tpu.memory_space<vmem>>) dst(%dma_wait3A_24 : memref<3328xf32, #tpu.memory_space<hbm>>)
      tpu.yield
    }) : () -> ()
    return
  }
}

module attributes {stable_mosaic.version = 14 : i64} {
  func.func @_ef_body(%arg0: i32, %arg1: memref<3200x128xbf16, #tpu.memory_space<vmem>>, %arg2: memref<3200x64xbf16, #tpu.memory_space<vmem>>, %arg3: memref<128x64xf32, #tpu.memory_space<vmem>>) attributes {dimension_semantics = [#tpu.dimension_semantics<arbitrary>], iteration_bounds = array<i64: 25>, scalar_prefetch = 0 : i64, scratch_operands = 0 : i64, tpu.core_type = #tpu.core_type<tc>, window_params = [{transform_indices = @transform_0, window_bounds = array<i64: 3200, 128>}, {pipeline_mode = #tpu.pipeline_mode<synchronous>, transform_indices = @transform_1, window_bounds = array<i64: 3200, 64>}, {transform_indices = @transform_2, window_bounds = array<i64: 128, 64>}]} {
    %get3A = arith.constant 0 : index
    %get3A_0 = arith.constant 0 : index
    %get3A_1 = vector.load %arg1[%get3A, %get3A_0] : memref<3200x128xbf16, #tpu.memory_space<vmem>>, vector<3200x128xbf16>
    %get3A_2 = arith.constant 0 : index
    %get3A_3 = arith.constant 0 : index
    %get3A_4 = vector.load %arg2[%get3A_2, %get3A_3] : memref<3200x64xbf16, #tpu.memory_space<vmem>>, vector<3200x64xbf16>
    %dot_general3A = arith.constant dense<0.000000e+00> : vector<128x64xf32>
    %dot_general3A_5 = tpu.matmul %get3A_1, %get3A_4, %dot_general3A {dimension_numbers = #tpu.dot_dimension_numbers<[0], [0], [1], [1], [0, 1, 1, 1], [], []>, transpose_lhs_hint = false} : vector<3200x128xbf16>, vector<3200x64xbf16>, vector<128x64xf32> -> vector<128x64xf32>
    %swap3A = arith.constant 0 : index
    %swap3A_6 = arith.constant 0 : index
    %swap3A_7 = vector.load %arg3[%swap3A, %swap3A_6] : memref<128x64xf32, #tpu.memory_space<vmem>>, vector<128x64xf32>
    tpu.vector_store %arg3[%swap3A, %swap3A_6], %dot_general3A_5 {strides = array<i32>} : memref<128x64xf32, #tpu.memory_space<vmem>>, vector<128x64xf32>,
    return
  }
  func.func @transform_0(%arg0: i32) -> (i32, i32) {
    %c0_i32 = arith.constant 0 : i32
    %c0_i32_0 = arith.constant 0 : i32
    return %c0_i32, %arg0 : i32, i32
  }
  func.func @transform_1(%arg0: i32) -> (i32, i32) {
    %c0_i32 = arith.constant 0 : i32
    %c0_i32_0 = arith.constant 0 : i32
    %c0_i32_1 = arith.constant 0 : i32
    return %c0_i32, %c0_i32_0 : i32, i32
  }
  func.func @transform_2(%arg0: i32) -> (i32, i32) {
    %c0_i32 = arith.constant 0 : i32
    %c0_i32_0 = arith.constant 0 : i32
    return %arg0, %c0_i32 : i32, i32
  }
}

module attributes {stable_mosaic.version = 14 : i64} {
  func.func @_h2_body(%arg0: memref<6400x64xbf16, #tpu.memory_space<vmem>>, %arg1: memref<64x64xf32, #tpu.memory_space<vmem>>, %arg2: memref<1x64xf32, #tpu.memory_space<vmem>>, %arg3: memref<64x1xf32, #tpu.memory_space<vmem>>, %arg4: memref<64x1xf32, #tpu.memory_space<vmem>>, %arg5: memref<3200x64xf32, #tpu.memory_space<vmem>>, %arg6: memref<6400x1xf32, #tpu.memory_space<vmem>>, %arg7: memref<3200x1xf32, #tpu.memory_space<vmem>>) attributes {dimension_semantics = [], scalar_prefetch = 0 : i64, scratch_operands = 0 : i64, tpu.core_type = #tpu.core_type<tc>} {
    %get3A = arith.constant 0 : index
    %get3A_0 = arith.constant 0 : index
    %get3A_1 = vector.load %arg0[%get3A, %get3A_0] : memref<6400x64xbf16, #tpu.memory_space<vmem>>, vector<6400x64xbf16>
    %get3A_2 = arith.constant 0 : index
    %get3A_3 = arith.constant 0 : index
    %get3A_4 = vector.load %arg1[%get3A_2, %get3A_3] : memref<64x64xf32, #tpu.memory_space<vmem>>, vector<64x64xf32>
    %convert_element_type3A = arith.truncf %get3A_4 : vector<64x64xf32> to vector<64x64xbf16>
    %dot_general3A = arith.constant dense<0.000000e+00> : vector<6400x64xf32>
    %dot_general3A_5 = tpu.matmul %get3A_1, %convert_element_type3A, %dot_general3A {dimension_numbers = #tpu.dot_dimension_numbers<[1], [0], [0], [1], [0, 0, 1, 1], [], []>, transpose_lhs_hint = false} : vector<6400x64xbf16>, vector<64x64xbf16>, vector<6400x64xf32> -> vector<6400x64xf32>
    %get3A_6 = arith.constant 0 : index
    %get3A_7 = arith.constant 0 : index
    %get3A_8 = vector.load %arg2[%get3A_6, %get3A_7] : memref<1x64xf32, #tpu.memory_space<vmem>>, vector<1x64xf32>
    %add3A = vector.broadcast %get3A_8 : vector<1x64xf32> to vector<6400x64xf32>
    %add3A_9 = arith.addf %dot_general3A_5, %add3A : vector<6400x64xf32>
    %get3A_10 = arith.constant 0 : index
    %get3A_11 = arith.constant 0 : index
    %get3A_12 = vector.load %arg3[%get3A_10, %get3A_11] : memref<64x1xf32, #tpu.memory_space<vmem>>, vector<64x1xf32>
    %convert_element_type3A_13 = arith.truncf %add3A_9 : vector<6400x64xf32> to vector<6400x64xbf16>
    %convert_element_type3A_14 = arith.truncf %get3A_12 : vector<64x1xf32> to vector<64x1xbf16>
    %dot_general3A_15 = arith.constant dense<0.000000e+00> : vector<6400x1xf32>
    %dot_general3A_16 = tpu.matmul %convert_element_type3A_13, %convert_element_type3A_14, %dot_general3A_15 {dimension_numbers = #tpu.dot_dimension_numbers<[1], [0], [0], [1], [0, 0, 1, 1], [], []>, transpose_lhs_hint = false} : vector<6400x64xbf16>, vector<64x1xbf16>, vector<6400x1xf32> -> vector<6400x1xf32>
    %swap3A = arith.constant 0 : index
    %swap3A_17 = arith.constant 0 : index
    %swap3A_18 = vector.load %arg6[%swap3A, %swap3A_17] : memref<6400x1xf32, #tpu.memory_space<vmem>>, vector<6400x1xf32>
    tpu.vector_store %arg6[%swap3A, %swap3A_17], %dot_general3A_16 {strides = array<i32>} : memref<6400x1xf32, #tpu.memory_space<vmem>>, vector<6400x1xf32>,
    %slice3A = vector.extract_strided_slice %add3A_9 {offsets = [0, 0], sizes = [3200, 64], strides = [1, 1]} : vector<6400x64xf32> to vector<3200x64xf32>
    %swap3A_19 = arith.constant 0 : index
    %swap3A_20 = arith.constant 0 : index
    %swap3A_21 = vector.load %arg5[%swap3A_19, %swap3A_20] : memref<3200x64xf32, #tpu.memory_space<vmem>>, vector<3200x64xf32>
    tpu.vector_store %arg5[%swap3A_19, %swap3A_20], %slice3A {strides = array<i32>} : memref<3200x64xf32, #tpu.memory_space<vmem>>, vector<3200x64xf32>,
    %get3A_22 = arith.constant 0 : index
    %get3A_23 = arith.constant 0 : index
    %get3A_24 = vector.load %arg4[%get3A_22, %get3A_23] : memref<64x1xf32, #tpu.memory_space<vmem>>, vector<64x1xf32>
    %convert_element_type3A_25 = arith.truncf %slice3A : vector<3200x64xf32> to vector<3200x64xbf16>
    %convert_element_type3A_26 = arith.truncf %get3A_24 : vector<64x1xf32> to vector<64x1xbf16>
    %dot_general3A_27 = arith.constant dense<0.000000e+00> : vector<3200x1xf32>
    %dot_general3A_28 = tpu.matmul %convert_element_type3A_25, %convert_element_type3A_26, %dot_general3A_27 {dimension_numbers = #tpu.dot_dimension_numbers<[1], [0], [0], [1], [0, 0, 1, 1], [], []>, transpose_lhs_hint = false} : vector<3200x64xbf16>, vector<64x1xbf16>, vector<3200x1xf32> -> vector<3200x1xf32>
    %swap3A_29 = arith.constant 0 : index
    %swap3A_30 = arith.constant 0 : index
    %swap3A_31 = vector.load %arg7[%swap3A_29, %swap3A_30] : memref<3200x1xf32, #tpu.memory_space<vmem>>, vector<3200x1xf32>
    tpu.vector_store %arg7[%swap3A_29, %swap3A_30], %dot_general3A_28 {strides = array<i32>} : memref<3200x1xf32, #tpu.memory_space<vmem>>, vector<3200x1xf32>,
    return
  }
}

module attributes {stable_mosaic.version = 14 : i64} {
  func.func @_mt_body(%arg0: memref<32x3328xf32, #tpu.memory_space<vmem>>, %arg1: memref<1x3328xf32, #tpu.memory_space<vmem>>) attributes {dimension_semantics = [], scalar_prefetch = 0 : i64, scratch_operands = 0 : i64, tpu.core_type = #tpu.core_type<tc>} {
    %get3A = arith.constant 0 : index
    %get3A_0 = arith.constant 0 : index
    %get3A_1 = vector.load %arg0[%get3A, %get3A_0] : memref<32x3328xf32, #tpu.memory_space<vmem>>, vector<32x3328xf32>
    %reduce_sum3A = arith.constant dense<0.000000e+00> : vector<3328xf32>
    %reduce_sum3A_2 = vector.multi_reduction <add>, %get3A_1, %reduce_sum3A [0] : vector<32x3328xf32> to vector<3328xf32>
    %broadcast_in_dim3A = vector.shape_cast %reduce_sum3A_2 : vector<3328xf32> to vector<1x3328xf32>
    %bitcast_convert_type3A = tpu.bitcast %broadcast_in_dim3A : vector<1x3328xf32> -> vector<1x3328xi32>
    %shift_right_logical3A = arith.constant 23 : i32
    %shift_right_logical3A_3 = vector.broadcast %shift_right_logical3A : i32 to vector<1x3328xi32>
    %shift_right_logical3A_4 = arith.shrui %bitcast_convert_type3A, %shift_right_logical3A_3 : vector<1x3328xi32>
    %and3A = arith.constant 255 : i32
    %and3A_5 = vector.broadcast %and3A : i32 to vector<1x3328xi32>
    %and3A_6 = arith.andi %shift_right_logical3A_4, %and3A_5 : vector<1x3328xi32>
    %convert_element_type3A = arith.sitofp %and3A_6 : vector<1x3328xi32> to vector<1x3328xf32>
    %sub3A = arith.constant 1.270000e+02 : f32
    %sub3A_7 = vector.broadcast %sub3A : f32 to vector<1x3328xf32>
    %sub3A_8 = arith.subf %convert_element_type3A, %sub3A_7 : vector<1x3328xf32>
    %mul3A = arith.constant 4.000000e+00 : f32
    %mul3A_9 = vector.broadcast %mul3A : f32 to vector<1x3328xf32>
    %mul3A_10 = arith.mulf %mul3A_9, %sub3A_8 : vector<1x3328xf32>
    %swap3A = arith.constant 0 : index
    %swap3A_11 = arith.constant 0 : index
    %swap3A_12 = vector.load %arg1[%swap3A, %swap3A_11] : memref<1x3328xf32, #tpu.memory_space<vmem>>, vector<1x3328xf32>
    tpu.vector_store %arg1[%swap3A, %swap3A_11], %mul3A_10 {strides = array<i32>} : memref<1x3328xf32, #tpu.memory_space<vmem>>, vector<1x3328xf32>,
    return
  }
}

module attributes {stable_mosaic.version = 14 : i64} {
  func.func @_fin_body(%arg0: memref<3200x64xf32, #tpu.memory_space<vmem>>, %arg1: memref<3200x1xf32, #tpu.memory_space<vmem>>, %arg2: memref<3200x64xf32, #tpu.memory_space<vmem>>) attributes {dimension_semantics = [], scalar_prefetch = 0 : i64, scratch_operands = 0 : i64, tpu.core_type = #tpu.core_type<tc>} {
    %get3A = arith.constant 0 : index
    %get3A_0 = arith.constant 0 : index
    %get3A_1 = vector.load %arg0[%get3A, %get3A_0] : memref<3200x64xf32, #tpu.memory_space<vmem>>, vector<3200x64xf32>
    %get3A_2 = arith.constant 0 : index
    %get3A_3 = arith.constant 0 : index
    %get3A_4 = vector.load %arg1[%get3A_2, %get3A_3] : memref<3200x1xf32, #tpu.memory_space<vmem>>, vector<3200x1xf32>
    %div3A = vector.broadcast %get3A_4 : vector<3200x1xf32> to vector<3200x64xf32>
    %div3A_5 = arith.divf %get3A_1, %div3A : vector<3200x64xf32>
    %max3A = arith.constant 0.000000e+00 : f32
    %max3A_6 = vector.broadcast %max3A : f32 to vector<3200x64xf32>
    %max3A_7 = arith.maximumf %div3A_5, %max3A_6 : vector<3200x64xf32>
    %gt3A = arith.constant 0.000000e+00 : f32
    %gt3A_8 = vector.broadcast %gt3A : f32 to vector<3200x1xf32>
    %gt3A_9 = arith.cmpf ogt, %get3A_4, %gt3A_8 : vector<3200x1xf32>
    %jit3A = arith.constant 0.000000e+00 : f32
    %broadcast_in_dim3A = vector.shape_cast %gt3A_9 : vector<3200x1xi1> to vector<3200x1xi1>
    %broadcast_in_dim3A_10 = vector.broadcast %broadcast_in_dim3A : vector<3200x1xi1> to vector<3200x64xi1>
    %broadcast_in_dim3A_11 = vector.broadcast %jit3A : f32 to vector<3200x64xf32>
    %select_n3A = arith.select %broadcast_in_dim3A_10, %max3A_7, %broadcast_in_dim3A_11 : vector<3200x64xi1>, vector<3200x64xf32>
    %swap3A = arith.constant 0 : index
    %swap3A_12 = arith.constant 0 : index
    %swap3A_13 = vector.load %arg2[%swap3A, %swap3A_12] : memref<3200x64xf32, #tpu.memory_space<vmem>>, vector<3200x64xf32>
    tpu.vector_store %arg2[%swap3A, %swap3A_12], %select_n3A {strides = array<i32>} : memref<3200x64xf32, #tpu.memory_space<vmem>>, vector<3200x64xf32>,
    return
  }
}

</mosaic_0001>

<sc_bundles>
// kernel: kernel.7.cloned.1.call-start
scs
__scs_entry_jumppad:
0x0: {  	(pc) =	sbr.rel $0x88, $3  }
0x1: {  	(tag) =	ssettag $0x0;
	lr =	simm.s32 $0x1  }
0x2: {  	[smem:$0x3F94] =	sst lr;
	_ =	strace $0xD0000000  }
0x3: {  	_ = 	snop  }
0x4: {  	_ = 	snop  }
0x5: {  	_ = 	snop  }
0x6: {  	_ = 	snop  }
0x7: {  	_ = 	snop  }
__scs_overlays_trampoline_lowered:
0x8: {  	[smem:$0x3FA3] =	sst s0  }
0x9: {  	[smem:$0x3FA4] =	sst s1  }
0xa: {  	[smem:$0x3FA5] =	sst s2  }
0xb: {  	[smem:$0x3FA6] =	sst s3  }
0xc: {  	[smem:$0x3FA7] =	sst s4  }
0xd: {  	[smem:$0x3FA8] =	sst s5  }
0xe: {  	[smem:$0x3FA9] =	sst s6  }
0xf: {  	[smem:$0x3FAA] =	sst s7  }
0x10: {  	[smem:$0x3FAB] =	sst s8  }
0x11: {  	[smem:$0x3FAC] =	sst s9;
	s0 =	simm.s32 @!p0 $0x0  }
0x12: {  	s1 =	sld [smem:$0x3F92];
	s0 =	simm.s32 @p0 $0x1  }
0x13: {  	[smem:$0x3FAD] =	sst s0;
	s0 =	simm.s32 @!p1 $0x0  }
0x14: {  	s2 =	sld [smem:$0x3F91];
	s0 =	simm.s32 @p1 $0x1  }
0x15: {  	[smem:$0x3FAE] =	sst s0;
	s0 =	simm.s32 @!p2 $0x0  }
0x16: {  	s3 =	sld [smem:$0x3FDB];
	s0 =	simm.s32 @p2 $0x1  }
0x17: {  	s4 =	simm.s32 $0x1BF5;
	[smem:$0x3FB0] =	sst s0  }
0x18: {  	s0 =	sld [smem:$0x3F93];
	_ =	swait.ge [sflag:s4], $0x0  }
0x19: {  	s7 =	sld [smem:$0x3F94]  }
0x1a: {  	s8 =	sadd.s32 $0xFFFFE003, lr  }
0x1b: {  	s9 =	sadd.s32 $0xFFFFFEF7, lr;
	s5 =	simm.s32 $0xFFFFFFFF;
	p2 =	slt.u32 s8, $0xFFFFF086  }
0x1c: {  	p1 =	slt.u32 s9, $0xF7A;
	s5 =	simm.s32 @!p2 $0x0  }
0x1d: {  	s5 =	simm.s32 @p1 $0x1;
	p0 =	seq.s32 s7, s2  }
0x1e: {  	s7 =	smul.u32 @!p0 $0xF7A, s2;
	p2 =	seq.s32 @!p0 s5, $0x0  }
0x1f: {  	s9 =	smul.u32 $0xF7A, s1;
	s8 =	simm.s32 @!p0 $0x1BF5;
	p2 =	por !p2, p0  }
0x20: {  	[sflag:s8] =	ssyncset.s32 @!p0 $0xFFFFF086;
	s6 =	sadd.s32 @!p0 s3, s7;
	s7 =	simm.s32 @!p0 $0x108  }
0x21: {  	s3 =	sadd.s32 s3, s9;
	s6 =	sadd.s32 @!p0 $0x88, s6;
	s7 =	simm.s32 @p2 $0x1082  }
0x22: {  	[simem:s7], [sflag:s8] =	dma.local @!p0 [hbm:s6], $0xF7A  }
0x23: {  	s9 =	sor.u32 $0xD0000000, s2;
	s6 =	simm.s32 $0x108;
	_ =	swait.ge @!p0 [sflag:s8], $0x0  }
0x24: {  	s3 =	sadd.s32 $0x88, s3;
	s6 =	simm.s32 @!p1 $0x1082;
	[sflag:s4] =	ssyncset.s32 $0xFFFFF086  }
0x25: {  	[simem:s6], [sflag:s4] =	dma.local [hbm:s3], $0xF7A  }
0x26: {  	[smem:$0x3F94] =	sst s1;
	(tag) =	ssettag s2;
	_ =	strace s9  }
0x27: {  	s1 =	sld [smem:$0x3FA4]  }
0x28: {  	s2 =	sld [smem:$0x3FA5]  }
0x29: {  	s4 =	sld [smem:$0x3FA7]  }
0x2a: {  	p0 =	seq.s32 s5, $0x0;
	s5 =	sld [smem:$0x3FA8]  }
0x2b: {  	s6 =	sld [smem:$0x3FA9]  }
0x2c: {  	s7 =	sld [smem:$0x3FAA]  }
0x2d: {  	s3 =	simm.s32 $0x108;
	s8 =	sld [smem:$0x3FAB]  }
0x2e: {  	s3 =	simm.s32 @!p0 $0x1082;
	s9 =	sld [smem:$0x3FAC]  }
0x2f: {  	lr =	sadd.s32 s0, s3;
	s0 =	sld [smem:$0x3FA3]  }
0x30: {  	s3 =	sld [smem:$0x3FA6]  }
0x31: {  	[smem:$0x3FAF] =	sst s10  }
0x32: {  	s10 =	sld [smem:$0x3FAD];
	_ =	sdelay $0x3  }
0x33: {  	p0 =	seq.s32 s10, $0x1;
	s10 =	sld [smem:$0x3FAF];
	_ =	sdelay $0x3  }
0x34: {  	[smem:$0x3FAF] =	sst s10  }
0x35: {  	s10 =	sld [smem:$0x3FAE];
	_ =	sdelay $0x3  }
0x36: {  	p1 =	seq.s32 s10, $0x1;
	s10 =	sld [smem:$0x3FAF];
	_ =	sdelay $0x3  }
0x37: {  	[smem:$0x3FAF] =	sst s10  }
0x38: {  	s10 =	sld [smem:$0x3FB0]  }
0x39: {  	_ = 	snop;
	(pc) =	sbr.ind lr, $3  }
0x3a: {  	_ = 	snop  }
0x3b: {  	_ = 	snop  }
0x3c: {  	p2 =	seq.s32 s10, $0x1;
	s10 =	sld [smem:$0x3FAF]  }
0x3d: {  	_ =	shalt  }
0x3e: {  	_ =	shalt  }
0x3f: {  	_ =	shalt  }
0x40: {  	_ =	shalt  }
0x41: {  	_ =	shalt  }
0x42: {  	_ =	shalt  }
0x43: {  	_ =	shalt  }
0x44: {  	_ =	shalt  }
0x45: {  	_ =	shalt  }
0x46: {  	_ =	shalt  }
0x47: {  	_ =	shalt  }
0x48: {  	_ =	shalt  }
0x49: {  	_ =	shalt  }
0x4a: {  	_ =	shalt  }
0x4b: {  	_ =	shalt  }
0x4c: {  	_ =	shalt  }
0x4d: {  	_ =	shalt  }
0x4e: {  	_ =	shalt  }
0x4f: {  	_ =	shalt  }
0x50: {  	_ =	shalt  }
0x51: {  	_ =	shalt  }
0x52: {  	_ =	shalt  }
0x53: {  	_ =	shalt  }
0x54: {  	_ =	shalt  }
0x55: {  	_ =	shalt  }
0x56: {  	_ =	shalt  }
0x57: {  	_ =	shalt  }
0x58: {  	_ =	shalt  }
0x59: {  	_ =	shalt  }
0x5a: {  	_ =	shalt  }
0x5b: {  	_ =	shalt  }
0x5c: {  	_ =	shalt  }
0x5d: {  	_ =	shalt  }
0x5e: {  	_ =	shalt  }
0x5f: {  	_ =	shalt  }
0x60: {  	_ =	shalt  }
0x61: {  	_ =	shalt  }
0x62: {  	_ =	shalt  }
0x63: {  	_ =	shalt  }
0x64: {  	_ =	shalt  }
0x65: {  	_ =	shalt  }
0x66: {  	_ =	shalt  }
0x67: {  	_ =	shalt  }
0x68: {  	_ =	shalt  }
0x69: {  	_ =	shalt  }
0x6a: {  	_ =	shalt  }
0x6b: {  	_ =	shalt  }
0x6c: {  	_ =	shalt  }
0x6d: {  	_ =	shalt  }
0x6e: {  	_ =	shalt  }
0x6f: {  	_ =	shalt  }
0x70: {  	_ =	shalt  }
0x71: {  	_ =	shalt  }
0x72: {  	_ =	shalt  }
0x73: {  	_ =	shalt  }
0x74: {  	_ =	shalt  }
0x75: {  	_ =	shalt  }
0x76: {  	_ =	shalt  }
0x77: {  	_ =	shalt  }
0x78: {  	_ =	shalt  }
0x79: {  	_ =	shalt  }
0x7a: {  	_ =	shalt  }
0x7b: {  	_ =	shalt  }
0x7c: {  	_ =	shalt  }
0x7d: {  	_ =	shalt  }
0x7e: {  	_ =	shalt  }
0x7f: {  	_ =	shalt  }
0x80: {  	_ =	shalt  }
0x81: {  	_ =	shalt  }
0x82: {  	_ =	shalt  }
0x83: {  	_ =	shalt  }
0x84: {  	_ =	shalt  }
0x85: {  	_ =	shalt  }
0x86: {  	_ =	shalt  }
0x87: {  	_ =	shalt  }
.Lfunc_end0:
.L_simem_size_0:
called_computation.4_lowered:
.L_overlay_start_0:
0x88: {  	s2 =	sld [smem:$0x3FD9]  }
0x89: {  	s3 =	sld [smem:$0x3FFE];
	_ =	sdelay $0x1  }
0x8a: {  	s1 =	srdreg.scid  }
0x8b: {  	s0 =	sand.u32 $0x1, s1  }
0x8c: {  	s17 =	sshll.u32 s0, $0xA;
	s2 =	sadd.s32 s3, s2  }
0x8d: {  	s2 =	sadd.s32 s2, s17  }
0x8e: {  	[smem:$0x3FBB] =	sst s2  }
0x8f: {  	_ = 	snop  }
0x90: {  	s2 =	sld [smem:$0x3FD0];
	(tm) =	ssettm $0x1  }
0x91: {  	s18 =	sld [smem:$0x3FFB];
	_ =	sdelay $0x3  }
0x92: {  	_ =	strace s18  }
0x93: {  	s3 =	sld [smem:$0x3FFC];
	_ =	sdelay $0x3  }
0x94: {  	_ =	strace s3  }
0x95: {  	s3 =	sld [smem:$0x3FFD];
	_ =	sdelay $0x3  }
0x96: {  	_ =	strace s3  }
0x97: {  	_ =	strace $0x8FFFFFFF  }
0x98: {  	s19 =	sld [smem:$0x3FDB];
	_ =	sdelay $0x1  }
0x99: {  	s4 =	simm.s32 $_scs_section_size  }
0x9a: {  	s5 =	simm.s32 $_size__tile_overlayer_lowered;
	s6 =	simm.s32 $_tile_overlayer_lowered  }
0x9b: {  	s22 =	simm.s32 $0x1BFF;
	s21 =	sshll.u32 s6, $0x1;
	s3 =	sadd.s32 s4, s19  }
0x9c: {  	s7 =	simm.s32 $0x0;
	s20 =	sshll.u32 s5, $0x1;
	s5 =	sadd.s32 s21, s3  }
0x9d: {  	[timem:s7], [sflag:s22] =	dma.local [hbm:s5], s20  }
0x9e: {  	_ =	swait.ge [sflag:s22], s20  }
0x9f: {  	s4 =	ssub.s32 $0x0, s20;
	[sflag:s22] =	ssyncset.done $0x0  }
0xa0: {  	[sflag:s22] =	ssyncadd.s32 s4;
	_ =	sdelay $0x1  }
0xa1: {  	s23 =	simm.s32 $0x1B8B  }
0xa2: {  	_ =	swait.ge [sflag:s23], $0x1  }
0xa3: {  	[sflag:s23] =	ssyncset.done $0x0  }
0xa4: {  	s25 =	simm.s32 $0x1B8E;
	s24 =	sld [smem:$0x3FFE];
	[sflag:s23] =	ssyncadd.s32 $0xFFFFFFFF  }
0xa5: {  	s26 =	simm.s32 $execute0_lowered;
	[smem:$0x3FD2] =	sst s25  }
0xa6: {  	s5 =	sshll.u32 s26, $0x1;
	_ =	strace $0x8000004F;
	[dreg:$0x1] =	wrdreg $0xFFFFFFFF  }
0xa7: {  	s28 =	simm.s32 $_size_execute0_lowered;
	s3 =	sadd.s32 s3, s5;
	[dreg:$0x0] =	wrdreg $0x0  }
0xa8: {  	s5 =	sshll.u32 s28, $0x1;
	[dreg:$0x2] =	wrdreg s3  }
0xa9: {  	[dreg:$0x3] =	wrdreg s5  }
0xaa: {  	[dreg:$0x4] =	wrdreg $0xC0  }
0xab: {  	_ =	task [dreg:s7], $0x5FFFF  }
0xac: {  	[dreg:$0x1] =	wrdreg $0xFFFFFFFF  }
0xad: {  	[dreg:$0x0] =	wrdreg $0x60  }
0xae: {  	[dreg:$0x2] =	wrdreg s24  }
0xaf: {  	[dreg:$0x3] =	wrdreg s2  }
0xb0: {  	[dreg:$0x4] =	wrdreg $0x9  }
0xb1: {  	_ =	task.clear_ibuf [dreg:s7], $0x5FFFF;
	_ =	strace $0x9000004F  }
0xb2: {  	s29 =	simm.s32 $0x9;
	_ =	strace $0x80000051  }
0xb3: {  	_ =	swait.ge [sflag:s29], $0x1  }
0xb4: {  	[sflag:s29] =	ssyncadd.s32 $0xFFFFFFFF  }
0xb5: {  	_ =	strace $0x90000051  }
0xb6: {  	_ =	sfence  }
0xb7: {  	s30 =	sld [smem:$0x0];
	_ =	sdelay $0x2  }
0xb8: {  	s31 =	sshll.u32 s1, $0xD;
	s1 =	sshrl.u32 s1, $0x2  }
0xb9: {  	s3 =	sand.u32 $0x4000, s31;
	s1 =	sadd.s32 s1, s30  }
0xba: {  	s0 =	sor.u32 s3, s0;
	s1 =	sshll.u32 s1, $0x11  }
0xbb: {  	s0 =	sor.u32 s1, s0  }
0xbc: {  	s0 =	sadd.s32 $0x8F2B, s0  }
0xbd: {  	[sflag:s0] =	ssyncadd.remote.s32 $0x1  }
0xbe: {  	_ =	sfence.sel $0xFFFF  }
0xbf: {  	[dreg:$0x0] =	wrdreg $0xFFFFFFFF;
	(pc) =	sbr.abs _section_cstart, $3  }
0xc0: {  	[dreg:$0x1] =	wrdreg $0xFFFFFFFF  }
0xc1: {  	_ =	task.clear_ibuf [dreg:s7], $0x2FFFF;
	_ =	strace $0x9FFFFFFF  }
0xc2: {  	(tm) =	ssettm $0x7FFFFFFF  }
0xc3: {  	_ =	shalt  }
tec
execute0_lowered:
.L_overlay_start_1:
0x0: {  	(tag) =	ssettag $0x1  }
0x1: {  	s4 =	rddreg [dreg:$0x0]  }
0x2: {  	s8 =	rddreg [dreg:$0x1]  }
0x3: {  	s0 =	rddreg [dreg:$0x2]  }
0x4: {  	s2 =	simm.s32 $0x0;
	s3 =	srdreg.scid;
	s1 =	stileid.u32  }
0x5: {  	s11 =	simm.s32 $0x400;
	s12 =	simm.s32 $0x1;
	s13 =	simm.s32 $0xA00  }
0x6: {  	s14 =	simm.s32 $0x1400;
	s15 =	simm.s32 $0x1E00;
	s16 =	simm.s32 $0x3700  }
0x7: {  	s17 =	simm.s32 $0x4400;
	s18 =	simm.s32 $0x0;
	[smem:$0x7FF] =	sst s2  }
0x8: {  	s3 =	sand.u32 $0x1, s3;
	s5 =	sshrl.u32 s1, $0x2;
	s6 =	sshll.u32 s1, $0x8  }
0x9: {  	s7 =	sshll.u32 s3, $0x7;
	s6 =	sand.u32 $0x300, s6;
	s9 =	smul.u32 $0x5000, s5  }
0xa: {  	_ =	strace $0x80000050;
	s5 =	smul.u32 $0x6800, s5;
	s6 =	sor.u32 s7, s6  }
0xb: {  	s29 =	ssub.s32 $0x2, s3;
	s3 =	sadd.s32 $0x5000, s4;
	s9 =	sor.u32 s9, s6  }
0xc: {  	s10 =	sshrl.u32 s29, $0x1;
	s30 =	sor.u32 s5, s6;
	s9 =	sshrl.u32 s9, $0x3  }
0xd: {  	s10 =	ssub.s32 s29, s10;
	s31 =	sshrl.u32 s30, $0x3;
	s4 =	sadd.s32 s4, s9  }
0xe: {  	s8 =	sadd.s32 s8, s31;
	s9 =	smax.u32 s10, $0x1;
	s10 =	simm.s32 $0x80  }
0xf: {  	v0 =	vimm.f32 $0.0e+00;
	s5 =	sadd.s32 $0x5400, s4;
	s6 =	sadd.s32 $0x2800, s4;
	s7 =	sadd.s32 $0x7C00, s4  }
.LBB2_1:
0x10: {  	[tilespmem:s2], [sflag:$0x1] =	stream.strided.gather [hbm4b:s5+s10], $0xA00, s11, s10, $0x38;
	[tilespmem:$0x4E00] =	vst v63  }
0x11: {  	_ =	swait.ge [sflag:s12], $0xA00  }
0x12: {  	[sflag:s12] =	ssyncset.done $0x0  }
0x13: {  	[sflag:s12] =	ssyncadd.s32 $0xFFFFF600  }
0x14: {  	[tilespmem:s13], [sflag:$0x1] =	stream.strided.gather [hbm4b:s6+s10], $0xA00, s11, s10, $0x38;
	[tilespmem:$0x4E00] =	vst v63  }
0x15: {  	_ =	swait.ge [sflag:s12], $0xA00  }
0x16: {  	[sflag:s12] =	ssyncset.done $0x0  }
0x17: {  	[sflag:s12] =	ssyncadd.s32 $0xFFFFF600  }
0x18: {  	[tilespmem:s14], [sflag:$0x1] =	stream.strided.gather [hbm4b:s4+s10], $0xA00, s11, s10, $0x38;
	[tilespmem:$0x4E00] =	vst v63  }
0x19: {  	_ =	swait.ge [sflag:s12], $0xA00  }
0x1a: {  	[sflag:s12] =	ssyncset.done $0x0  }
0x1b: {  	[sflag:s12] =	ssyncadd.s32 $0xFFFFF600  }
0x1c: {  	[tilespmem:s15], [sflag:$0x1] =	stream.linear.gather [hbm4b:s3+s2], $0x1900, $0x38;
	[tilespmem:$0x4E00] =	vst v63  }
0x1d: {  	_ =	swait.ge [sflag:s12], $0x1900  }
0x1e: {  	[sflag:s12] =	ssyncset.done $0x0  }
0x1f: {  	s19 =	simm.s32 $0x0;
	[sflag:s12] =	ssyncadd.s32 $0xFFFFE700  }
.LBB2_2:
0x20: {  	p0 =	sne.s32 s19, $0x33C0  }
.Ltmp0:
0x21: {  	_ = 	snop;
	(pc) =	sbr.rel @p0 .LBB2_2-.Ltmp0, $3  }
0x22: {  	_ =	sdelay $0x1  }
0x23: {  	s20 =	sshra.s32 s19, $0x2  }
0x24: {  	s19 =	sadd.s32 $0x40, s19;
	[tilespmem:s20+$0x3700] =	vst v0  }
0x25: {  	s19 =	simm.s32 $0x0;
	s20 =	simm.s32 $0x40  }
.LBB2_4:
0x26: {  	p0 =	sne.s32 s20, $0x27C0;
	v1 =	vld [tilespmem:s19+$0x0];
	_ =	sdelay $0x7  }
0x27: {  	v2 =	vld.idx.msk [tilespmem:v1+s15+$0x0], $0xffff  }
0x28: {  	v3 =	vld [tilespmem:s19+$0xA00];
	_ =	sdelay $0x4  }
0x29: {  	v2 =	vadd.f32 v2, v3;
	v3 =	vld [tilespmem:s19+$0x1400];
	_ =	sdelay $0x1  }
0x2a: {  	v4 =	vmul.f32 $2.000000030e-01, v2  }
0x2b: {  	vm0 =	vge.f32 v2, $0.0e+00  }
0x2c: {  	v2 =	vsel vm0, v2, v4  }
0x2d: {  	v2 =	vmul.f32 v2, v3;
	_ =	sdelay $0x1  }
0x2e: {  	v3 =	vmul.f32 $2.500000000e-01, v2;
	_ =	sdelay $0x1  }
0x2f: {  	v3 =	vtrunc.f32 v3  }
0x30: {  	v3 =	vcvt.f32.s32 v3;
	_ =	sdelay $0x1  }
0x31: {  	v3 =	vcvt.s32.f32 v3;
	_ =	sdelay $0x1  }
0x32: {  	v3 =	vmul.f32 $6.931471820e-01, v3;
	_ =	sdelay $0x1  }
0x33: {  	v3 =	vmul.f32 $1.442695020e+00, v3;
	_ =	sdelay $0x1  }
0x34: {  	(erf) = vpow2.f32 v3;
	_ =	sdelay $0x5  }
.Ltmp1:
0x35: {  	(pc) =	sbr.rel @p0 .LBB2_4-.Ltmp1, $3  }
0x36: {  	_ =	sdelay $0x1  }
0x37: {  	[tilespmem:s19+$0x4400] =	vst v2;
	v2 =	vpop (erf)  }
0x38: {  	s19 =	sshra.s32 s20, $0x2;
	s20 =	sadd.s32 $0x40, s20;
	[tilespmem:v1+s16+$0x0] =	vst.idx.add.f32.msk $0xffff, v2  }
0x39: {  	v1 =	vld [tilespmem:s19+$0x0];
	_ =	sdelay $0x6  }
0x3a: {  	v3 =	vld [tilespmem:s19+$0xA00]  }
0x3b: {  	v2 =	vld.idx.msk [tilespmem:v1+s15+$0x0], $0xffff;
	_ =	sdelay $0x4  }
0x3c: {  	v2 =	vadd.f32 v2, v3;
	v3 =	vld [tilespmem:s19+$0x1400];
	_ =	sdelay $0x1  }
0x3d: {  	v4 =	vmul.f32 $2.000000030e-01, v2  }
0x3e: {  	vm0 =	vge.f32 v2, $0.0e+00  }
0x3f: {  	v2 =	vsel vm0, v2, v4  }
0x40: {  	v2 =	vmul.f32 v2, v3;
	_ =	sdelay $0x1  }
0x41: {  	v3 =	vmul.f32 $2.500000000e-01, v2;
	_ =	sdelay $0x1  }
0x42: {  	v3 =	vtrunc.f32 v3  }
0x43: {  	v3 =	vcvt.f32.s32 v3;
	_ =	sdelay $0x1  }
0x44: {  	v3 =	vcvt.s32.f32 v3;
	_ =	sdelay $0x1  }
0x45: {  	v3 =	vmul.f32 $6.931471820e-01, v3;
	_ =	sdelay $0x1  }
0x46: {  	v3 =	vmul.f32 $1.442695020e+00, v3;
	_ =	sdelay $0x1  }
0x47: {  	(erf) = vpow2.f32 v3;
	_ =	sdelay $0x8  }
0x48: {  	[tilespmem:s19+$0x4400] =	vst v2;
	v2 =	vpop (erf)  }
0x49: {  	[tilespmem:v1+s16+$0x0] =	vst.idx.add.f32.msk $0xffff, v2  }
0x4a: {  	[hbm4b:s7+s10] =	stream.strided.scatter [tilespmem:s17], [sflag:$0x1], $0xA00, s11, s10, $0x38;
	[tilespmem:$0x4E00] =	vst v63  }
0x4b: {  	s18 =	sadd.s32 $0x1, s18;
	_ =	swait.ge [sflag:s12], $0xA00  }
0x4c: {  	p0 =	sne.s32 s18, s9;
	[sflag:s12] =	ssyncset.done $0x0  }
.Ltmp2:
0x4d: {  	[sflag:s12] =	ssyncadd.s32 $0xFFFFF600;
	(pc) =	sbr.rel @p0 .LBB2_1-.Ltmp2, $4  }
0x4e: {  	[hbm4b:s8+s10] =	stream.strided.scatter [tilespmem:s16], [sflag:$0x1], $0xD00, s11, s10, $0x38;
	[tilespmem:$0x4E00] =	vst v63  }
0x4f: {  	_ =	swait.ge [sflag:s12], $0xD00  }
0x50: {  	[sflag:s12] =	ssyncset.done $0x0  }
0x51: {  	[sflag:s12] =	ssyncadd.s32 $0xFFFFF300  }
0x52: {  	_ =	sfence.sel $0x180000  }
0x53: {  	[bflag:$0x0] =	sbarrier.arrive $0xFFFF  }
0x54: {  	p0 =	sne.s32 s1, $0x0;
	_ =	strace $0x90000050  }
0x55: {  	s0 =	sadd.s32 @!p0 $0x100000, s0;
	[bflag:$0x2] =	sbarrier.arrive $0xFFFF  }
0x56: {  	[sflag:s0] =	ssyncadd.tile.s32 @!p0 $0x1;
	_ =	shalt  }
.Lfunc_end2:
_tile_overlayer_lowered:
.L_overlay_start_2:
0x57: {  	(tag) =	ssettag $0x2  }
0x58: {  	s0 =	rddreg [dreg:$0x0];
	s2 =	stileid.u32  }
0x59: {  	s1 =	rddreg [dreg:$0x1];
	p0 =	sne.s32 s2, $0x0  }
0x5a: {  	s3 =	rddreg [dreg:$0x2];
	[bflag:$0x3] =	sbarrier.arrive $0xFFFF;
	s2 =	simm.s32 @!p0 $0x1C01  }
0x5b: {  	[timem:s3], [sflag:s2] =	dma.local @!p0 [hbm:s0], s1  }
0x5c: {  	s0 =	simm.s32 @!p0 $0x1  }
0x5d: {  	_ =	swait.ge @!p0 [sflag:s0], s1  }
0x5e: {  	s1 =	ssub.s32 @!p0 $0x0, s1;
	[sflag:s0] =	ssyncset.done @!p0 $0x0  }
0x5f: {  	[sflag:s0] =	ssyncadd.s32 @!p0 s1  }
0x60: {  	[bflag:$0x3] =	sbarrier.arrive $0xFFFF  }
0x61: {  	_ =	shalt  }

// kernel: scatter_offload_async_start.1
scs
__scs_entry_jumppad:
0x0: {  	(pc) =	sbr.rel $0x88, $3  }
0x1: {  	(tag) =	ssettag $0x0;
	lr =	simm.s32 $0x1  }
0x2: {  	[smem:$0x3F94] =	sst lr;
	_ =	strace $0xD0000000  }
0x3: {  	_ = 	snop  }
0x4: {  	_ = 	snop  }
0x5: {  	_ = 	snop  }
0x6: {  	_ = 	snop  }
0x7: {  	_ = 	snop  }
__scs_overlays_trampoline_lowered:
0x8: {  	[smem:$0x3FA3] =	sst s0  }
0x9: {  	[smem:$0x3FA4] =	sst s1  }
0xa: {  	[smem:$0x3FA5] =	sst s2  }
0xb: {  	[smem:$0x3FA6] =	sst s3  }
0xc: {  	[smem:$0x3FA7] =	sst s4  }
0xd: {  	[smem:$0x3FA8] =	sst s5  }
0xe: {  	[smem:$0x3FA9] =	sst s6  }
0xf: {  	[smem:$0x3FAA] =	sst s7  }
0x10: {  	[smem:$0x3FAB] =	sst s8  }
0x11: {  	[smem:$0x3FAC] =	sst s9;
	s0 =	simm.s32 @!p0 $0x0  }
0x12: {  	s1 =	sld [smem:$0x3F92];
	s0 =	simm.s32 @p0 $0x1  }
0x13: {  	[smem:$0x3FAD] =	sst s0;
	s0 =	simm.s32 @!p1 $0x0  }
0x14: {  	s2 =	sld [smem:$0x3F91];
	s0 =	simm.s32 @p1 $0x1  }
0x15: {  	[smem:$0x3FAE] =	sst s0;
	s0 =	simm.s32 @!p2 $0x0  }
0x16: {  	s3 =	sld [smem:$0x3FDB];
	s0 =	simm.s32 @p2 $0x1  }
0x17: {  	s4 =	simm.s32 $0x1BF5;
	[smem:$0x3FB0] =	sst s0  }
0x18: {  	s0 =	sld [smem:$0x3F93];
	_ =	swait.ge [sflag:s4], $0x0  }
0x19: {  	s7 =	sld [smem:$0x3F94]  }
0x1a: {  	s8 =	sadd.s32 $0xFFFFE003, lr  }
0x1b: {  	s9 =	sadd.s32 $0xFFFFFEF7, lr;
	s5 =	simm.s32 $0xFFFFFFFF;
	p2 =	slt.u32 s8, $0xFFFFF086  }
0x1c: {  	p1 =	slt.u32 s9, $0xF7A;
	s5 =	simm.s32 @!p2 $0x0  }
0x1d: {  	s5 =	simm.s32 @p1 $0x1;
	p0 =	seq.s32 s7, s2  }
0x1e: {  	s7 =	smul.u32 @!p0 $0xF7A, s2;
	p2 =	seq.s32 @!p0 s5, $0x0  }
0x1f: {  	s9 =	smul.u32 $0xF7A, s1;
	s8 =	simm.s32 @!p0 $0x1BF5;
	p2 =	por !p2, p0  }
0x20: {  	[sflag:s8] =	ssyncset.s32 @!p0 $0xFFFFF086;
	s6 =	sadd.s32 @!p0 s3, s7;
	s7 =	simm.s32 @!p0 $0x108  }
0x21: {  	s3 =	sadd.s32 s3, s9;
	s6 =	sadd.s32 @!p0 $0x88, s6;
	s7 =	simm.s32 @p2 $0x1082  }
0x22: {  	[simem:s7], [sflag:s8] =	dma.local @!p0 [hbm:s6], $0xF7A  }
0x23: {  	s9 =	sor.u32 $0xD0000000, s2;
	s6 =	simm.s32 $0x108;
	_ =	swait.ge @!p0 [sflag:s8], $0x0  }
0x24: {  	s3 =	sadd.s32 $0x88, s3;
	s6 =	simm.s32 @!p1 $0x1082;
	[sflag:s4] =	ssyncset.s32 $0xFFFFF086  }
0x25: {  	[simem:s6], [sflag:s4] =	dma.local [hbm:s3], $0xF7A  }
0x26: {  	[smem:$0x3F94] =	sst s1;
	(tag) =	ssettag s2;
	_ =	strace s9  }
0x27: {  	s1 =	sld [smem:$0x3FA4]  }
0x28: {  	s2 =	sld [smem:$0x3FA5]  }
0x29: {  	s4 =	sld [smem:$0x3FA7]  }
0x2a: {  	p0 =	seq.s32 s5, $0x0;
	s5 =	sld [smem:$0x3FA8]  }
0x2b: {  	s6 =	sld [smem:$0x3FA9]  }
0x2c: {  	s7 =	sld [smem:$0x3FAA]  }
0x2d: {  	s3 =	simm.s32 $0x108;
	s8 =	sld [smem:$0x3FAB]  }
0x2e: {  	s3 =	simm.s32 @!p0 $0x1082;
	s9 =	sld [smem:$0x3FAC]  }
0x2f: {  	lr =	sadd.s32 s0, s3;
	s0 =	sld [smem:$0x3FA3]  }
0x30: {  	s3 =	sld [smem:$0x3FA6]  }
0x31: {  	[smem:$0x3FAF] =	sst s10  }
0x32: {  	s10 =	sld [smem:$0x3FAD];
	_ =	sdelay $0x3  }
0x33: {  	p0 =	seq.s32 s10, $0x1;
	s10 =	sld [smem:$0x3FAF];
	_ =	sdelay $0x3  }
0x34: {  	[smem:$0x3FAF] =	sst s10  }
0x35: {  	s10 =	sld [smem:$0x3FAE];
	_ =	sdelay $0x3  }
0x36: {  	p1 =	seq.s32 s10, $0x1;
	s10 =	sld [smem:$0x3FAF];
	_ =	sdelay $0x3  }
0x37: {  	[smem:$0x3FAF] =	sst s10  }
0x38: {  	s10 =	sld [smem:$0x3FB0]  }
0x39: {  	_ = 	snop;
	(pc) =	sbr.ind lr, $3  }
0x3a: {  	_ = 	snop  }
0x3b: {  	_ = 	snop  }
0x3c: {  	p2 =	seq.s32 s10, $0x1;
	s10 =	sld [smem:$0x3FAF]  }
0x3d: {  	_ =	shalt  }
0x3e: {  	_ =	shalt  }
0x3f: {  	_ =	shalt  }
0x40: {  	_ =	shalt  }
0x41: {  	_ =	shalt  }
0x42: {  	_ =	shalt  }
0x43: {  	_ =	shalt  }
0x44: {  	_ =	shalt  }
0x45: {  	_ =	shalt  }
0x46: {  	_ =	shalt  }
0x47: {  	_ =	shalt  }
0x48: {  	_ =	shalt  }
0x49: {  	_ =	shalt  }
0x4a: {  	_ =	shalt  }
0x4b: {  	_ =	shalt  }
0x4c: {  	_ =	shalt  }
0x4d: {  	_ =	shalt  }
0x4e: {  	_ =	shalt  }
0x4f: {  	_ =	shalt  }
0x50: {  	_ =	shalt  }
0x51: {  	_ =	shalt  }
0x52: {  	_ =	shalt  }
0x53: {  	_ =	shalt  }
0x54: {  	_ =	shalt  }
0x55: {  	_ =	shalt  }
0x56: {  	_ =	shalt  }
0x57: {  	_ =	shalt  }
0x58: {  	_ =	shalt  }
0x59: {  	_ =	shalt  }
0x5a: {  	_ =	shalt  }
0x5b: {  	_ =	shalt  }
0x5c: {  	_ =	shalt  }
0x5d: {  	_ =	shalt  }
0x5e: {  	_ =	shalt  }
0x5f: {  	_ =	shalt  }
0x60: {  	_ =	shalt  }
0x61: {  	_ =	shalt  }
0x62: {  	_ =	shalt  }
0x63: {  	_ =	shalt  }
0x64: {  	_ =	shalt  }
0x65: {  	_ =	shalt  }
0x66: {  	_ =	shalt  }
0x67: {  	_ =	shalt  }
0x68: {  	_ =	shalt  }
0x69: {  	_ =	shalt  }
0x6a: {  	_ =	shalt  }
0x6b: {  	_ =	shalt  }
0x6c: {  	_ =	shalt  }
0x6d: {  	_ =	shalt  }
0x6e: {  	_ =	shalt  }
0x6f: {  	_ =	shalt  }
0x70: {  	_ =	shalt  }
0x71: {  	_ =	shalt  }
0x72: {  	_ =	shalt  }
0x73: {  	_ =	shalt  }
0x74: {  	_ =	shalt  }
0x75: {  	_ =	shalt  }
0x76: {  	_ =	shalt  }
0x77: {  	_ =	shalt  }
0x78: {  	_ =	shalt  }
0x79: {  	_ =	shalt  }
0x7a: {  	_ =	shalt  }
0x7b: {  	_ =	shalt  }
0x7c: {  	_ =	shalt  }
0x7d: {  	_ =	shalt  }
0x7e: {  	_ =	shalt  }
0x7f: {  	_ =	shalt  }
0x80: {  	_ =	shalt  }
0x81: {  	_ =	shalt  }
0x82: {  	_ =	shalt  }
0x83: {  	_ =	shalt  }
0x84: {  	_ =	shalt  }
0x85: {  	_ =	shalt  }
0x86: {  	_ =	shalt  }
0x87: {  	_ =	shalt  }
.Lfunc_end0:
.L_simem_size_0:
called_computation.1_lowered:
.L_overlay_start_0:
0x88: {  	s0 =	sld [smem:$0x3FD9]  }
0x89: {  	s1 =	sld [smem:$0x3FFE];
	_ =	sdelay $0x3  }
0x8a: {  	s0 =	sadd.s32 s1, s0  }
0x8b: {  	[smem:$0x3FBB] =	sst s0  }
0x8c: {  	_ = 	snop  }
0x8d: {  	(tm) =	ssettm $0x1  }
0x8e: {  	s15 =	sld [smem:$0x3FFB];
	_ =	sdelay $0x3  }
0x8f: {  	_ =	strace s15  }
0x90: {  	s0 =	sld [smem:$0x3FFC];
	_ =	sdelay $0x3  }
0x91: {  	_ =	strace s0  }
0x92: {  	s0 =	sld [smem:$0x3FFD];
	_ =	sdelay $0x3  }
0x93: {  	_ =	strace s0  }
0x94: {  	_ =	strace $0x8FFFFFFF  }
0x95: {  	s16 =	sld [smem:$0x3FDB];
	_ =	sdelay $0x1  }
0x96: {  	s17 =	simm.s32 $_scs_section_size  }
0x97: {  	s2 =	simm.s32 $_size__tile_overlayer_lowered;
	s3 =	simm.s32 $_tile_overlayer_lowered  }
0x98: {  	s20 =	simm.s32 $0x1BFF;
	s19 =	sshll.u32 s3, $0x1;
	s0 =	sadd.s32 s17, s16  }
0x99: {  	s4 =	simm.s32 $0x0;
	s18 =	sshll.u32 s2, $0x1;
	s2 =	sadd.s32 s19, s0  }
0x9a: {  	[timem:s4], [sflag:s20] =	dma.local [hbm:s2], s18  }
0x9b: {  	_ =	swait.ge [sflag:s20], s18  }
0x9c: {  	s1 =	ssub.s32 $0x0, s18;
	[sflag:s20] =	ssyncset.done $0x0  }
0x9d: {  	[sflag:s20] =	ssyncadd.s32 s1;
	_ =	sdelay $0x1  }
0x9e: {  	s21 =	simm.s32 $0x1B8B  }
0x9f: {  	_ =	swait.ge [sflag:s21], $0x1  }
0xa0: {  	[sflag:s21] =	ssyncset.done $0x0  }
0xa1: {  	s23 =	simm.s32 $0x1B8E;
	s22 =	sld [smem:$0x3FFE];
	[sflag:s21] =	ssyncadd.s32 $0xFFFFFFFF  }
0xa2: {  	s24 =	simm.s32 $execute0_lowered;
	[smem:$0x3FD2] =	sst s23  }
0xa3: {  	s2 =	sshll.u32 s24, $0x1;
	_ =	strace $0x80000049;
	[dreg:$0x1] =	wrdreg $0xFFFFFFFF  }
0xa4: {  	s25 =	simm.s32 $_size_execute0_lowered;
	s0 =	sadd.s32 s0, s2;
	[dreg:$0x0] =	wrdreg $0x0  }
0xa5: {  	s2 =	sshll.u32 s25, $0x1;
	[dreg:$0x2] =	wrdreg s0  }
0xa6: {  	[dreg:$0x3] =	wrdreg s2  }
0xa7: {  	[dreg:$0x4] =	wrdreg $0xC0  }
0xa8: {  	_ =	task [dreg:s4], $0x5FFFF  }
0xa9: {  	[dreg:$0x1] =	wrdreg $0xFFFFFFFF  }
0xaa: {  	[dreg:$0x0] =	wrdreg $0x60  }
0xab: {  	[dreg:$0x2] =	wrdreg s22  }
0xac: {  	[dreg:$0x3] =	wrdreg $0x9  }
0xad: {  	_ =	task.clear_ibuf [dreg:s4], $0x4FFFF;
	_ =	strace $0x90000049  }
0xae: {  	s26 =	simm.s32 $0x9;
	_ =	strace $0x8000004B  }
0xaf: {  	_ =	swait.ge [sflag:s26], $0x1  }
0xb0: {  	[sflag:s26] =	ssyncadd.s32 $0xFFFFFFFF  }
0xb1: {  	_ =	strace $0x9000004B  }
0xb2: {  	_ =	sfence  }
0xb3: {  	s28 =	sld [smem:$0x0];
	_ =	sdelay $0x1  }
0xb4: {  	s29 =	srdreg.scid  }
0xb5: {  	s30 =	sshll.u32 s29, $0xD;
	s31 =	sshrl.u32 s29, $0x2  }
0xb6: {  	s1 =	sand.u32 $0x1, s29;
	s2 =	sand.u32 $0x4000, s30;
	s0 =	sadd.s32 s31, s28  }
0xb7: {  	s1 =	sor.u32 s2, s1;
	s0 =	sshll.u32 s0, $0x11  }
0xb8: {  	s0 =	sor.u32 s0, s1  }
0xb9: {  	s0 =	sadd.s32 $0x8F2B, s0  }
0xba: {  	[sflag:s0] =	ssyncadd.remote.s32 $0x1  }
0xbb: {  	_ =	sfence.sel $0xFFFF  }
0xbc: {  	[dreg:$0x0] =	wrdreg $0xFFFFFFFF;
	(pc) =	sbr.abs _section_cstart, $3  }
0xbd: {  	[dreg:$0x1] =	wrdreg $0xFFFFFFFF  }
0xbe: {  	_ =	task.clear_ibuf [dreg:s4], $0x2FFFF;
	_ =	strace $0x9FFFFFFF  }
0xbf: {  	(tm) =	ssettm $0x7FFFFFFF  }
tec
execute0_lowered:
.L_overlay_start_1:
0x0: {  	(tag) =	ssettag $0x1  }
0x1: {  	s0 =	rddreg [dreg:$0x0];
	_ =	strace $0x8000004A;
	s3 =	simm.s32 $0x1  }
0x2: {  	v1 =	vimm.s32 $0xFFFFFFFF;
	[sflag:s3] =	ssyncpa.u1 $0x0  }
0x3: {  	[tilespmem:$0x10] =	vst v1  }
0x4: {  	v0 =	vimm.f32 $0.0e+00;
	[tilespmem:$0x20] =	vst v1  }
0x5: {  	[tilespmem:$0x30] =	vst v0  }
0x6: {  	s2 =	simm.s32 $0x2;
	s26 =	stileid.u32;
	s5 =	simm.s32 $0x7;
	[tilespmem:$0x40] =	vst v0  }
0x7: {  	s7 =	simm.s32 $0x8;
	s31 =	simm.s32 $0x9;
	s14 =	simm.s32 $0x0;
	[tilespmem:$0x50] =	vst v0  }
0x8: {  	s15 =	simm.s32 $0x100;
	s18 =	simm.s32 $0x10;
	s19 =	simm.s32 $0x8DA0;
	[tilespmem:$0x60] =	vst v1  }
0x9: {  	s20 =	simm.s32 $0xF;
	s21 =	simm.s32 $0x50;
	s22 =	simm.s32 $0x3F7F;
	[tilespmem:$0x70] =	vst v1  }
0xa: {  	s23 =	simm.s32 $0x20;
	s24 =	simm.s32 $0x30;
	s25 =	simm.s32 $0x7DFF;
	[tilespmem:$0x80] =	vst v1  }
0xb: {  	s30 =	simm.s32 $0x0;
	s29 =	simm.s32 $0x0;
	s6 =	smul.u32 $0xFA0, s26;
	v1 =	vimm.s32 $0x0;
	[tilespmem:$0xB0] =	vst v0  }
.Ltmp0:
0xc: {  	s1 =	sadd.s32 $0x8000, s0;
	s4 =	sadd.s32 $0x4000, s0;
	[tilespmem:$0x90] =	vst v1;
	(pc) =	sbr.rel .LBB2_1-.Ltmp0, $4  }
0xd: {  	s8 =	sadd.s32 $0x6000, s0;
	s10 =	sshll.u32 s26, $0x1;
	[tilespmem:$0xA0] =	vst v1;
	[sflag:s2] =	ssyncpa.u1 $0x0  }
0xe: {  	s12 =	sshllo.u32 s26, $0x1;
	s26 =	simm.s32 $0x80;
	[sflag:s5] =	ssyncpa.u1 $0x0  }
0xf: {  	vm0 =	vmmov $0xffff;
	v2 =	vlaneseq.u32;
	s11 =	sor.u32 $0x81, s10;
	s13 =	sor.u32 $0x80, s10;
	[sflag:s7] =	ssyncpa.u1 $0x0  }
0x10: {  	vm1 =	vmxor vm1, vm1;
	vm2 =	vmmov $0x1;
	vm3 =	vcmask $0x3F3C;
	s9 =	sadd.s32 $0xFA0, s6;
	s28 =	smov.u32 s6;
	[sflag:s31] =	ssyncpa.u1 $0x0  }
.LBB2_3:
0x11: {  	s0 =	sshrl.u32 s28, $0x3  }
0x12: {  	s2 =	sand.u32 $0x7, s28;
	s0 =	sadd.s32 s4, s0  }
0x13: {  	[tilespmem:s15], [sflag:$0x7] =	stream.linear.gather [hbm4b:s0+s2], $0xFA0, $0x38;
	[tilespmem:$0x8DC0] =	vst v63  }
.LBB2_4:
0x14: {  	s0 =	sadd.s32 $0xFA0, s28  }
0x15: {  	s2 =	smov.u32 s6;
	s29 =	sadd.s32 $0x1, s29;
	p0 =	slt.s32 s0, s9  }
0x16: {  	s2 =	smov.u32 @p0 s0;
	p0 =	sne.s32 s29, $0x4  }
.Ltmp1:
0x17: {  	_ = 	snop;
	(pc) =	sbr.rel @!p0 .LBB2_13-.Ltmp1, $2  }
0x18: {  	_ =	sdelay $0x2  }
0x19: {  	s30 =	smov.u32 s28;
	s28 =	smov.u32 s2  }
.LBB2_1:
0x1a: {  	p0 =	sgt.s32 s29, $0x1  }
.Ltmp2:
0x1b: {  	_ = 	snop;
	(pc) =	sbr.rel @p0 .LBB2_11-.Ltmp2, $1  }
0x1c: {  	_ =	sdelay $0x3  }
0x1d: {  	p0 =	seq.s32 s29, $0x0  }
.Ltmp3:
0x1e: {  	_ = 	snop;
	(pc) =	sbr.rel @p0 .LBB2_3-.Ltmp3, $1  }
0x1f: {  	_ =	sdelay $0x3  }
0x20: {  	_ =	swait.ge [sflag:s5], $0xFA0  }
0x21: {  	[sflag:s5] =	ssyncset.done $0x0  }
0x22: {  	[sflag:s5] =	ssyncadd.s32 $0xFFFFF060;
	(ifvalue) =	ssetifvalue $0xFFFFFFFF;
	v3 =	vld.msk [tilespmem:s15+$0x0 ss:$0x1], $0xffff;
	_ =	sdelay $0x4  }
0x23: {  	v4 =	vperm.xlane v3, v1  }
0x24: {  	vm4 =	vlt.u32 v3, $0x1000  }
0x25: {  	v3 =	vnsel vm4, $0xFFFFFFFE, v3;
	vm4 =	vlt.u32 v4, $0x1000  }
0x26: {  	[tilespmem:$0x70] =	vst v3;
	v3 =	vnsel vm4, $0xFFFFFFFE, v4  }
0x27: {  	s17 =	simm.s32 $0x1090;
	[tilespmem:$0x80] =	vst v3  }
0x28: {  	v3 =	vld.msk [tilespmem:s17+$0x0 ss:$0x1], $0xffff;
	_ =	sdelay $0x4  }
0x29: {  	(xrf1) =	vunique.msk.u32 $0xffff, v3;
	_ =	sdelay $0xd  }
0x2a: {  	v4 =	vimm.s32 $0xFFFFFFFF;
	v5, _, _ =	vpop (xrf1)  }
0x2b: {  	vm5 =	vne.s32 v3, v4;
	vm4 =	veq.s32 v5, v2  }
0x2c: {  	vm6 =	vlt.u32 v3, $0x1000;
	vm4 =	vmand vm5, vm4  }
0x2d: {  	vm4 =	vmand vm6, vm4  }
0x2e: {  	v4 =	vnsel vm4, $0xFFFFFFFF, v3;
	_ =	sdelay $0x3  }
0x2f: {  	s0 =	simm.s32 $0x3F70;
	(ifvalue) =	ssetifvalue $0xFFFFFFFF  }
0x30: {  	v3 =	vperm.xlane v3, v1;
	[tilespmem:s0], [sflag:$0x8] =	stream.indirect_vreg.gather [hbm4b:s1+s14], $0x1, v4, vm0, $0x4038;
	v4 =	vnsel vm6, $0xFFFFFFFE, v4;
	[tilespmem:$0x8DC0] =	vst v63  }
0x31: {  	s2 =	simm.s32 $0x0;
	s16 =	simm.s32 $0x1080;
	[tilespmem:s17+$0x0] =	vst v4  }
.LBB2_6:
0x32: {  	v4 =	vld.msk [tilespmem:s16+$0x0 ss:$0x1], $0xffff;
	s2 =	sadd.s32 $0x10, s2;
	v5 =	vmov v3;
	s17 =	smov.u32 s16  }
0x33: {  	p0 =	slt.u32 s2, $0xF90;
	_ =	sdelay $0x4  }
0x34: {  	v3 =	vperm.xlane v4, v1;
	(xrf1) =	vunique.msk.u32 $0xffff, v4;
	_ =	sdelay $0xd  }
0x35: {  	v6, _, _ =	vpop (xrf1)  }
0x36: {  	vm5 =	vne.s32 v4, v5;
	vm4 =	veq.s32 v6, v2  }
0x37: {  	vm6 =	vlt.u32 v4, $0x1000;
	vm4 =	vmand vm5, vm4  }
0x38: {  	vm4 =	vmand vm6, vm4  }
0x39: {  	v4 =	vnsel vm4, $0xFFFFFFFF, v4  }
.Ltmp4:
0x3a: {  	v5 =	vnsel vm6, $0xFFFFFFFE, v4;
	(pc) =	sbr.rel @p0 .LBB2_6-.Ltmp4, $3  }
0x3b: {  	_ =	sdelay $0x1  }
0x3c: {  	s16 =	sadd.s32 $0xFFFFFFF0, s16;
	s0 =	sadd.s32 $0xFFFFFFF0, s0;
	(ifvalue) =	ssetifvalue $0xFFFFFFFF  }
0x3d: {  	[tilespmem:s0], [sflag:$0x8] =	stream.indirect_vreg.gather [hbm4b:s1+s14], $0x1, v4, vm0, $0x4038;
	[tilespmem:s17+$0x0] =	vst v5  }
.Ltmp5:
0x3e: {  	(pc) =	sbr.rel .LBB2_4-.Ltmp5, $4  }
0x3f: {  	_ = 	snop  }
0x40: {  	s0 =	sshrl.u32 s30, $0x3  }
0x41: {  	s2 =	simm.s32 $0x4F20;
	s0 =	sadd.s32 s8, s0  }
0x42: {  	[tilespmem:s2], [sflag:$0x8] =	stream.linear.gather [hbm:s0], $0xFA0, $0x38;
	[tilespmem:$0x8DC0] =	vst v63  }
.LBB2_11:
0x43: {  	p0 =	seq.s32 s29, $0x2  }
.Ltmp6:
0x44: {  	_ = 	snop;
	(pc) =	sbr.rel @!p0 .LBB2_12-.Ltmp6, $1  }
0x45: {  	_ =	sdelay $0x3  }
0x46: {  	_ =	swait.ge [sflag:s7], $0x1F40  }
0x47: {  	[sflag:s7] =	ssyncset.done $0x0  }
0x48: {  	s0 =	simm.s32 $0x109F;
	[sflag:s7] =	ssyncadd.s32 $0xFFFFE0C0  }
0x49: {  	[spmem:s11] =	stream.linear.scatter [tilespmem:s0], [sflag:$0x1], $0x1, $0x38;
	[tilespmem:$0x8DC0] =	vst v63  }
0x4a: {  	_ =	swait.ge [sflag:s3], $0x1  }
0x4b: {  	[sflag:s3] =	ssyncset.done $0x0  }
0x4c: {  	[sflag:s3] =	ssyncadd.s32 $0xFFFFFFFF  }
0x4d: {  	v4 =	vld [tilespmem:$0x10]  }
0x4e: {  	v5 =	vld [tilespmem:$0x70]  }
0x4f: {  	v3 =	vld [tilespmem:$0x80];
	_ =	sdelay $0x2  }
0x50: {  	(v2sf) =	vpush v4, $0x0  }
0x51: {  	(v2sf) =	vpush v5, $0x0  }
0x52: {  	(v2sf) =	vpush v3, $0x0;
	_ =	sdelay $0xc  }
0x53: {  	s16 =	spop (v2sf)  }
0x54: {  	s2 =	spop (v2sf)  }
0x55: {  	s30 =	spop (v2sf)  }
0x56: {  	p0 =	seq.s32 s16, s2;
	p1 =	seq.s32 s30, s16  }
0x57: {  	p1 =	por p0, p1  }
0x58: {  	v4 =	vpsel p1, $0xFFFFFFFF, v4  }
0x59: {  	[tilespmem:s18+$0x0] =	vst.msk $0x1, v4  }
0x5a: {  	v4 =	vld [tilespmem:$0x30]  }
0x5b: {  	v5 =	vld [tilespmem:$0x4F20]  }
0x5c: {  	v6 =	vld [tilespmem:$0x40];
	_ =	sdelay $0x3  }
0x5d: {  	vm4 =	vmmov vm1;
	v5 =	vadd.f32 v5, v4  }
0x5e: {  	vm5 =	vmmov vm2;
	s31 =	simm.s32 $0x4F20;
	vm4 =	vmmov @p0 vm2;
	v4 =	vadd.f32 v6, v4  }
0x5f: {  	vm5 =	vmmov @p1 vm1;
	[tilespmem:s31+$0x0] =	vst.msk vm4, v5  }
0x60: {  	[tilespmem:s19+$0x0] =	vst.msk vm5, v4  }
0x61: {  	v4 =	vld [tilespmem:$0x3F70];
	_ =	sdelay $0x3  }
0x62: {  	v5 =	vimm.f32 $0.0e+00  }
0x63: {  	v4 =	vshift.insert v4, v5, s20;
	_ =	sdelay $0x1  }
0x64: {  	[tilespmem:s21+$0x0] =	vst.msk $0x1, v4  }
0x65: {  	[tilespmem:s22+$0x0] =	vst.msk $0x1, v5  }
0x66: {  	v4 =	vld [tilespmem:$0x1090];
	_ =	sdelay $0x4  }
0x67: {  	v4 =	vshift.insert v4, v1, s20;
	_ =	sdelay $0x1  }
0x68: {  	[tilespmem:s23+$0x0] =	vst.msk $0x1, v4  }
0x69: {  	s17 =	simm.s32 $0x100;
	v6 =	vld [tilespmem:s31+$0x0]  }
0x6a: {  	v7 =	vld [tilespmem:s17+$0x0];
	_ =	sdelay $0x3  }
0x6b: {  	v5 =	vadd.f32 v6, v5  }
0x6c: {  	vm4 =	vne.s32 v7, $0xFFFFFFFF  }
0x6d: {  	(xrf2) =	vadd.seg.scan.f32 vm4, v5;
	_ =	sdelay $0x3  }
0x6e: {  	s0 =	simm.s32 $0x2FE0;
	v5 =	vperm.xlane v4, v1  }
0x6f: {  	v6 =	vld [tilespmem:s0+$0x0]  }
0x70: {  	vm5 =	veq.s32 v7, v3;
	vm6 =	veq.s32 v7, v5  }
0x71: {  	vm7 =	vgt.u32 v7, $0xFFFFFFFD;
	vm6 =	vmor vm6, vm5  }
0x72: {  	vm6 =	vmor vm6, vm7  }
0x73: {  	v9 =	vld [tilespmem:$0xA0];
	v7 =	vsel vm6, $0xFFFFFFFF, v7  }
0x74: {  	v10 =	vld [tilespmem:$0x90];
	v6 =	vsel vm5, $0x0, v6;
	v8, _, _ =	vpop (xrf2)  }
0x75: {  	v6 =	vadd.f32 v8, v6  }
0x76: {  	s2 =	simm.s32 $0x6E60  }
0x77: {  	vm4 =	vmand vm4, vm3;
	[tilespmem:s2+$0x0] =	vst v6;
	(ifvalue) =	ssetifvalue $0xFFFFFFFF  }
0x78: {  	vm6 =	veq.s32 v9, $0x1;
	[hbm4b:s1+s14] =	stream.indirect_vreg.scatter [tilespmem:s2], [sflag:$0x2], $0x1, v7, vm0, $0x4038;
	v7 =	vsel vm4, $0x0, v8;
	[tilespmem:$0x8DC0] =	vst v63  }
0x79: {  	s16 =	simm.s32 $0x0;
	s17 =	simm.s32 $0x110;
	vm4 =	vmor vm6, vm5;
	v6 =	vsel vm5, v8, v10;
	v7 =	vshift.insert v7, v0, s20  }
.LBB2_9:
0x7a: {  	v8 =	vld [tilespmem:s17+$0x0];
	s31 =	sadd.s32 $0x10, s31  }
0x7b: {  	s0 =	sadd.s32 $0x10, s0;
	v9 =	vld [tilespmem:s31+$0x0]  }
0x7c: {  	s16 =	sadd.s32 $0x10, s16;
	v10 =	vld [tilespmem:s0+$0x0]  }
0x7d: {  	p0 =	slt.u32 s16, $0xF90;
	_ =	sdelay $0x2  }
0x7e: {  	v7 =	vadd.f32 v9, v7  }
0x7f: {  	vm5 =	vne.s32 v8, $0xFFFFFFFF  }
0x80: {  	vm6 =	vmand vm5, vm3;
	(xrf2) =	vadd.seg.scan.f32 vm5, v7;
	_ =	sdelay $0x5  }
0x81: {  	vm7 =	veq.s32 v8, v5;
	vm5 =	veq.s32 v8, v3  }
0x82: {  	vm8 =	vgt.u32 v8, $0xFFFFFFFD;
	vm4 =	vmor vm4, vm5;
	vm7 =	vmor vm7, vm5  }
0x83: {  	vm7 =	vmor vm7, vm8  }
0x84: {  	v8 =	vsel vm7, $0xFFFFFFFF, v8  }
.Ltmp7:
0x85: {  	v7 =	vsel vm5, $0x0, v10;
	v9, _, _ =	vpop (xrf2);
	(pc) =	sbr.rel @p0 .LBB2_9-.Ltmp7, $4  }
0x86: {  	v6 =	vsel vm5, v9, v6;
	v10 =	vadd.f32 v9, v7;
	v7 =	vsel vm6, $0x0, v9  }
0x87: {  	s2 =	sadd.s32 $0x10, s2;
	v7 =	vshift.insert v7, v0, s20  }
0x88: {  	s17 =	sadd.s32 $0x10, s17;
	[tilespmem:s2+$0x0] =	vst v10;
	(ifvalue) =	ssetifvalue $0xFFFFFFFF  }
0x89: {  	[hbm4b:s1+s14] =	stream.indirect_vreg.scatter [tilespmem:s2], [sflag:$0x2], $0x1, v8, vm0, $0x4038;
	[tilespmem:$0x8DC0] =	vst v63  }
0x8a: {  	v3 =	vld [tilespmem:$0x7DF0];
	_ =	sdelay $0x4  }
0x8b: {  	v3 =	vshift.insert v3, v0, s20;
	_ =	sdelay $0x1  }
0x8c: {  	[tilespmem:s24+$0x0] =	vst.msk $0x1, v3  }
0x8d: {  	v3 =	vsel vm4, $0x1, v1;
	[tilespmem:$0x90] =	vst v6  }
0x8e: {  	[tilespmem:$0xA0] =	vst v3  }
0x8f: {  	[spmem:s12] =	stream.linear.scatter [tilespmem:s25], [sflag:$0x1], $0x1, $0x38;
	[tilespmem:$0x8DC0] =	vst v63  }
0x90: {  	v3 =	vmctz.xlane vm4;
	_ =	swait.ge [sflag:s3], $0x1  }
0x91: {  	(v2sf) =	vpush v4, $0x0  }
0x92: {  	(v2sf) =	vpush v3, $0x0;
	_ =	sdelay $0xd  }
0x93: {  	s0 =	spop (v2sf)  }
0x94: {  	s2 =	spop (v2sf)  }
0x95: {  	[sflag:s3] =	ssyncset.done $0x0;
	p0 =	sne.s32 s30, s0;
	p1 =	slt.s32 s2, $0xF  }
0x96: {  	[sflag:s3] =	ssyncadd.s32 $0xFFFFFFFF;
	v3 =	vimm.s32 @!p0 $0xFFFFFFFF;
	s2 =	simm.s32 @!p1 $0xF  }
0x97: {  	[tilespmem:$0x80] =	vst @!p0 v3;
	s31 =	sadd.s32 $0x90, s2  }
0x98: {  	[spmem:s10] =	stream.linear.scatter [tilespmem:s31], [sflag:$0x1], $0x1, $0x38;
	[tilespmem:$0x8DC0] =	vst v63  }
0x99: {  	_ =	swait.ge [sflag:s3], $0x1  }
0x9a: {  	[sflag:s3] =	ssyncset.done $0x0  }
0x9b: {  	[sflag:s3] =	ssyncadd.s32 $0xFFFFFFFF  }
0x9c: {  	[spmem:s13] =	stream.linear.scatter [tilespmem:s26], [sflag:$0x1], $0x1, $0x38;
	[tilespmem:$0x8DC0] =	vst v63  }
0x9d: {  	_ =	swait.ge [sflag:s3], $0x1  }
0x9e: {  	[sflag:s3] =	ssyncset.done $0x0  }
0x9f: {  	[sflag:s3] =	ssyncadd.s32 $0xFFFFFFFF;
	(ifvalue) =	ssetifvalue $0xFFFFFFFF;
	v3 =	vld [tilespmem:$0x10];
	_ =	sdelay $0x3  }
.Ltmp8:
0xa0: {  	_ = 	snop;
	(pc) =	sbr.rel .LBB2_4-.Ltmp8, $3  }
0xa1: {  	_ =	sdelay $0x1  }
0xa2: {  	(ifvalue) =	ssetifvalue $0xFFFFFFFF  }
0xa3: {  	[hbm4b:s1+s14] =	stream.indirect_vreg.scatter [tilespmem:s19], [sflag:$0x9], $0x1, v3, vm0, $0x4038;
	[tilespmem:$0x8DC0] =	vst v63  }
.LBB2_12:
0xa4: {  	s0 =	simm.s32 $0x2  }
0xa5: {  	_ =	swait.ge [sflag:s0], $0xFA0  }
0xa6: {  	[sflag:s0] =	ssyncset.done $0x0  }
0xa7: {  	s31 =	simm.s32 $0x9;
	[sflag:s0] =	ssyncadd.s32 $0xFFFFF060  }
0xa8: {  	_ =	swait.ge [sflag:s31], $0x10  }
0xa9: {  	[sflag:s31] =	ssyncset.done $0x0  }
0xaa: {  	[sflag:s31] =	ssyncadd.s32 $0xFFFFFFF0  }
.LBB2_13:
0xab: {  	_ =	sfence.sel $0x180000  }
0xac: {  	s0 =	simm.s32 $0x7;
	[bflag:$0x0] =	sbarrier.arrive $0xFFFF  }
0xad: {  	s26 =	simm.s32 $0x8;
	[sflag:s0] =	ssyncpa.u1 $0x1  }
0xae: {  	s28 =	simm.s32 $0x9;
	[sflag:s26] =	ssyncpa.u1 $0x1  }
0xaf: {  	[sflag:s28] =	ssyncpa.u1 $0x1  }
0xb0: {  	_ =	sfence.stream.spmem  }
0xb1: {  	s29 =	simm.s32 $0x3;
	[bflag:$0x0] =	sbarrier.arrive $0xFFFF  }
0xb2: {  	s30 =	simm.s32 $0x4;
	[sflag:s29] =	ssyncpa.u1 $0x1  }
0xb3: {  	s31 =	simm.s32 $0x3C;
	s2 =	stileid.u32;
	[sflag:s30] =	ssyncpa.u1 $0x1  }
0xb4: {  	p0 =	sne.s32 s2, $0x0;
	[sflag:s31] =	ssyncpa.u1 $0x1  }
0xb5: {  	s0 =	simm.s32 @p0 $0x1;
	_ =	sfence @p0  }
0xb6: {  	[sflag:s0] =	ssyncpa.u1 @p0 $0x1;
	s0 =	simm.s32 @p0 $0x2  }
0xb7: {  	[sflag:s0] =	ssyncpa.u1 @p0 $0x1  }
0xb8: {  	_ =	strace @p0 $0x9000004A  }
0xb9: {  	[bflag:$0x2] =	sbarrier.arrive @p0 $0xFFFF  }
0xba: {  	_ =	shalt @p0  }
.LBB2_14:
0xbb: {  	_ =	sfence.stream.spmem;
	s0 =	simm.s32 $0x5  }
0xbc: {  	s2 =	simm.s32 $0x80;
	s3 =	simm.s32 $0xC0;
	[sflag:s0] =	ssyncpa.u1 $0x0  }
0xbd: {  	[tilespmem:s3], [sflag:$0x5] =	stream.linear.gather [spmem:s2], $0x20, $0x38;
	[tilespmem:$0x8DC0] =	vst v63  }
0xbe: {  	s2 =	simm.s32 $0x0;
	s3 =	simm.s32 $0xE0  }
0xbf: {  	[tilespmem:s3], [sflag:$0x5] =	stream.linear.gather [spmem:s2], $0x20, $0x38;
	[tilespmem:$0x8DC0] =	vst v63  }
.Ltmp9:
0xc0: {  	_ = 	snop;
	(pc) =	sbr.rel .LBB2_15-.Ltmp9, $4  }
0xc1: {  	_ =	swait.ge [sflag:s0], $0x40  }
0xc2: {  	[sflag:s0] =	ssyncset.done $0x0  }
0xc3: {  	s31 =	simm.s32 $0x6;
	[sflag:s0] =	ssyncadd.s32 $0xFFFFFFC0  }
0xc4: {  	s4 =	simm.s32 $0x0;
	[sflag:s31] =	ssyncpa.u1 $0x0  }
.LBB2_20:
0xc5: {  	p0 =	sgt.u32 s0, $0xFFF  }
0xc6: {  	s5 =	sshrl.u32 @!p0 s0, $0x3  }
0xc7: {  	s0 =	sand.u32 @!p0 $0x7, s0;
	s6 =	simm.s32 @!p0 $0xB0;
	s5 =	sadd.s32 @!p0 s1, s5  }
0xc8: {  	[tilespmem:s6], [sflag:$0x6] =	stream.linear.gather @!p0 [hbm4b:s5+s0], $0x1, $0x38;
	[tilespmem:$0x8DC0] =	vst v63  }
0xc9: {  	s0 =	simm.s32 @!p0 $0x6  }
0xca: {  	_ =	swait.ge @!p0 [sflag:s0], $0x1  }
0xcb: {  	[sflag:s0] =	ssyncset.done @!p0 $0x0  }
0xcc: {  	[sflag:s0] =	ssyncadd.s32 @!p0 $0xFFFFFFFF  }
0xcd: {  	v2 =	vmov @!p0 s4;
	v1 =	vld.msk @!p0 [tilespmem:$0xB0], $0x1;
	_ =	sdelay $0x3  }
0xce: {  	s0 =	simm.s32 @!p0 $0xE0  }
0xcf: {  	[tilespmem:v2+s0+$0x0], v1 =	vst.idx.ret.add.f32.msk @!p0 $0x1, v1  }
0xd0: {  	[tilespmem:s2+$0xC0] =	vst.msk $0x1, v0  }
0xd1: {  	v0 =	vld.msk [tilespmem:s4+$0xE0], $0x1;
	_ =	sdelay $0x4  }
0xd2: {  	[tilespmem:s2+$0xE0] =	vst.msk $0x1, v0;
	s2 =	sadd.s32 $0x1, s2  }
.LBB2_22:
0xd3: {  	s4 =	sadd.s32 $0x1, s4  }
0xd4: {  	p0 =	sne.s32 s4, $0x20  }
.Ltmp10:
0xd5: {  	_ = 	snop;
	(pc) =	sbr.rel @!p0 .LBB2_23-.Ltmp10, $1  }
0xd6: {  	_ =	sdelay $0x3  }
.LBB2_15:
0xd7: {  	v0 =	vld.msk [tilespmem:s4+$0xC0], $0x1;
	_ =	sdelay $0x4  }
0xd8: {  	(v2sf) =	vpush v0, $0x0;
	_ =	sdelay $0xe  }
0xd9: {  	s0 =	spop (v2sf)  }
0xda: {  	p0 =	seq.s32 s0, $0xFFFFFFFF  }
.Ltmp11:
0xdb: {  	_ = 	snop;
	(pc) =	sbr.rel @p0 .LBB2_22-.Ltmp11, $1  }
0xdc: {  	_ =	sdelay $0x3  }
0xdd: {  	p0 =	slt.s32 s2, $0x1  }
.Ltmp12:
0xde: {  	_ = 	snop;
	(pc) =	sbr.rel @p0 .LBB2_20-.Ltmp12, $1  }
0xdf: {  	_ =	sdelay $0x3  }
0xe0: {  	s5 =	simm.s32 $0xC0;
	p0 =	por $0x0, $0x0  }
0xe1: {  	v1 =	vld.msk @!p0 [tilespmem:s5+$0x0], $0x1;
	_ =	sdelay $0x4  }
0xe2: {  	(v2sf) =	vpush @!p0 v1, $0x0;
	_ =	sdelay $0xd  }
0xe3: {  	p2 =	sne.s32 s2, $0x1  }
.Ltmp13:
0xe4: {  	s6 =	spop @!p0 (v2sf);
	(pc) =	sbr.rel @!p2 .LBB2_19-.Ltmp13, $4  }
0xe5: {  	p1 =	seq.s32 @!p0 s0, s6  }
0xe6: {  	s6 =	simm.s32 $0x0;
	p1 =	por !p1, p0  }
0xe7: {  	s8 =	simm.s32 $0xFFFFFFFF;
	s6 =	simm.s32 @p1 $0xFFFFFFFF  }
0xe8: {  	s7 =	simm.s32 $0x1;
	s6 =	smov.u32 @p0 s8  }
.LBB2_18:
0xe9: {  	s8 =	smov.u32 s6;
	p0 =	sne.s32 s6, $0xFFFFFFFF  }
0xea: {  	s5 =	sadd.s32 $0x1, s5;
	s6 =	smov.u32 s7;
	s7 =	sadd.s32 $0x1, s7  }
0xeb: {  	p1 =	sne.s32 s2, s7;
	v1 =	vld.msk @!p0 [tilespmem:s5+$0x0], $0x1;
	_ =	sdelay $0x4  }
0xec: {  	(v2sf) =	vpush @!p0 v1, $0x0;
	_ =	sdelay $0xe  }
.Ltmp14:
0xed: {  	s9 =	spop @!p0 (v2sf);
	(pc) =	sbr.rel @p1 .LBB2_18-.Ltmp14, $4  }
0xee: {  	p2 =	seq.s32 @!p0 s0, s9  }
0xef: {  	p2 =	por !p2, p0  }
0xf0: {  	s6 =	simm.s32 @p2 $0xFFFFFFFF  }
0xf1: {  	s6 =	smov.u32 @p0 s8  }
.LBB2_19:
0xf2: {  	p0 =	sne.s32 s6, $0xFFFFFFFF  }
.Ltmp15:
0xf3: {  	_ = 	snop;
	(pc) =	sbr.rel @!p0 .LBB2_20-.Ltmp15, $1  }
0xf4: {  	_ =	sdelay $0x3  }
0xf5: {  	v0 =	vld.msk [tilespmem:s4+$0xE0], $0x1;
	v1 =	vmov s6  }
.Ltmp16:
0xf6: {  	_ = 	snop;
	(pc) =	sbr.rel .LBB2_22-.Ltmp16, $2  }
0xf7: {  	_ =	sdelay $0x2  }
0xf8: {  	[tilespmem:v1+s3+$0x0], v0 =	vst.idx.ret.add.f32.msk $0x1, v0  }
.LBB2_23:
0xf9: {  	p0 =	slt.s32 s2, $0x1  }
.Ltmp17:
0xfa: {  	_ = 	snop;
	(pc) =	sbr.rel @p0 .LBB2_27-.Ltmp17, $3  }
0xfb: {  	_ =	sdelay $0x1  }
0xfc: {  	s0 =	simm.s32 $0x6  }
0xfd: {  	[sflag:s0] =	ssyncpa.u1 $0x1;
	s0 =	simm.s32 $0x0  }
0xfe: {  	s3 =	simm.s32 $0xC0  }
0xff: {  	v0 =	vld.msk [tilespmem:s3+$0x0], $0x1;
	_ =	sdelay $0x4  }
0x100: {  	(v2sf) =	vpush v0, $0x0;
	_ =	sdelay $0xe  }
0x101: {  	s2 =	sadd.s32 $0xFFFFFFFF, s2;
	s4 =	spop (v2sf)  }
0x102: {  	p1 =	sne.s32 s2, $0x0;
	p0 =	sgt.u32 s4, $0xFFF  }
.Ltmp18:
0x103: {  	s5 =	sshrl.u32 @!p0 s4, $0x3;
	(pc) =	sbr.rel @!p1 .LBB2_26-.Ltmp18, $4  }
0x104: {  	s3 =	simm.s32 $0xE0;
	s4 =	sand.u32 @!p0 $0x7, s4;
	s5 =	sadd.s32 @!p0 s1, s5  }
0x105: {  	[hbm4b:s5+s4] =	stream.linear.scatter @!p0 [tilespmem:s3], [sflag:$0x5], $0x1, $0x38;
	[tilespmem:$0x8DC0] =	vst v63  }
0x106: {  	s5 =	simm.s32 $0x0  }
0x107: {  	s4 =	simm.s32 $0xC1;
	s5 =	simm.s32 @!p0 $0x4  }
.LBB2_25:
0x108: {  	v0 =	vld.msk [tilespmem:s4+$0x0], $0x1;
	s2 =	sadd.s32 $0xFFFFFFFF, s2;
	s0 =	sadd.s32 s0, s5  }
0x109: {  	p0 =	sne.s32 s2, $0x0;
	_ =	sdelay $0x3  }
0x10a: {  	(v2sf) =	vpush v0, $0x0;
	_ =	sdelay $0xe  }
.Ltmp19:
0x10b: {  	s6 =	spop (v2sf);
	(pc) =	sbr.rel @p0 .LBB2_25-.Ltmp19, $4  }
0x10c: {  	s5 =	simm.s32 $0x0;
	p1 =	sgt.u32 s6, $0xFFF  }
0x10d: {  	s3 =	sadd.s32 $0x1, s3;
	s5 =	simm.s32 @!p1 $0x4;
	s7 =	sshrl.u32 @!p1 s6, $0x3  }
0x10e: {  	s4 =	sadd.s32 $0x1, s4;
	s6 =	sand.u32 @!p1 $0x7, s6;
	s7 =	sadd.s32 @!p1 s1, s7  }
0x10f: {  	[hbm4b:s7+s6] =	stream.linear.scatter @!p1 [tilespmem:s3], [sflag:$0x5], $0x1, $0x38;
	[tilespmem:$0x8DC0] =	vst v63  }
.LBB2_26:
0x110: {  	s0 =	sadd.s32 s0, s5  }
0x111: {  	s0 =	sshrl.u32 s0, $0x2  }
.LBB2_27:
0x112: {  	s1 =	simm.s32 $0x5  }
0x113: {  	_ =	swait.ge [sflag:s1], s0  }
0x114: {  	s28 =	ssub.s32 $0x0, s0;
	[sflag:s1] =	ssyncset.done $0x0  }
0x115: {  	[sflag:s1] =	ssyncadd.s32 s28  }
0x116: {  	[sflag:s1] =	ssyncpa.u1 $0x1  }
0x117: {  	s29 =	simm.s32 $0x1;
	_ =	sfence  }
0x118: {  	s30 =	simm.s32 $0x2;
	[sflag:s29] =	ssyncpa.u1 $0x1  }
0x119: {  	[sflag:s30] =	ssyncpa.u1 $0x1  }
0x11a: {  	_ =	strace $0x9000004A  }
0x11b: {  	[bflag:$0x2] =	sbarrier.arrive $0xFFFF  }
0x11c: {  	s31 =	rddreg [dreg:$0x1]  }
0x11d: {  	s0 =	sadd.s32 $0x100000, s31  }
0x11e: {  	[sflag:s0] =	ssyncadd.tile.s32 $0x1;
	_ =	shalt  }
.Lfunc_end2:
_tile_overlayer_lowered:
.L_overlay_start_2:
0x11f: {  	(tag) =	ssettag $0x2  }
0x120: {  	s0 =	rddreg [dreg:$0x0];
	s2 =	stileid.u32  }
0x121: {  	s1 =	rddreg [dreg:$0x1];
	p0 =	sne.s32 s2, $0x0  }
0x122: {  	s3 =	rddreg [dreg:$0x2];
	[bflag:$0x3] =	sbarrier.arrive $0xFFFF;
	s2 =	simm.s32 @!p0 $0x1C01  }
0x123: {  	[timem:s3], [sflag:s2] =	dma.local @!p0 [hbm:s0], s1  }
0x124: {  	s0 =	simm.s32 @!p0 $0x1  }
0x125: {  	_ =	swait.ge @!p0 [sflag:s0], s1  }
0x126: {  	s1 =	ssub.s32 @!p0 $0x0, s1;
	[sflag:s0] =	ssyncset.done @!p0 $0x0  }
0x127: {  	[sflag:s0] =	ssyncadd.s32 @!p0 s1  }
0x128: {  	[bflag:$0x3] =	sbarrier.arrive $0xFFFF  }
0x129: {  	_ =	shalt  }

// kernel: scatter_offload_async_start.2
scs
__scs_entry_jumppad:
0x0: {  	(pc) =	sbr.rel $0x88, $3  }
0x1: {  	(tag) =	ssettag $0x0;
	lr =	simm.s32 $0x1  }
0x2: {  	[smem:$0x3F94] =	sst lr;
	_ =	strace $0xD0000000  }
0x3: {  	_ = 	snop  }
0x4: {  	_ = 	snop  }
0x5: {  	_ = 	snop  }
0x6: {  	_ = 	snop  }
0x7: {  	_ = 	snop  }
__scs_overlays_trampoline_lowered:
0x8: {  	[smem:$0x3FA3] =	sst s0  }
0x9: {  	[smem:$0x3FA4] =	sst s1  }
0xa: {  	[smem:$0x3FA5] =	sst s2  }
0xb: {  	[smem:$0x3FA6] =	sst s3  }
0xc: {  	[smem:$0x3FA7] =	sst s4  }
0xd: {  	[smem:$0x3FA8] =	sst s5  }
0xe: {  	[smem:$0x3FA9] =	sst s6  }
0xf: {  	[smem:$0x3FAA] =	sst s7  }
0x10: {  	[smem:$0x3FAB] =	sst s8  }
0x11: {  	[smem:$0x3FAC] =	sst s9;
	s0 =	simm.s32 @!p0 $0x0  }
0x12: {  	s1 =	sld [smem:$0x3F92];
	s0 =	simm.s32 @p0 $0x1  }
0x13: {  	[smem:$0x3FAD] =	sst s0;
	s0 =	simm.s32 @!p1 $0x0  }
0x14: {  	s2 =	sld [smem:$0x3F91];
	s0 =	simm.s32 @p1 $0x1  }
0x15: {  	[smem:$0x3FAE] =	sst s0;
	s0 =	simm.s32 @!p2 $0x0  }
0x16: {  	s3 =	sld [smem:$0x3FDB];
	s0 =	simm.s32 @p2 $0x1  }
0x17: {  	s4 =	simm.s32 $0x1BF5;
	[smem:$0x3FB0] =	sst s0  }
0x18: {  	s0 =	sld [smem:$0x3F93];
	_ =	swait.ge [sflag:s4], $0x0  }
0x19: {  	s7 =	sld [smem:$0x3F94]  }
0x1a: {  	s8 =	sadd.s32 $0xFFFFE003, lr  }
0x1b: {  	s9 =	sadd.s32 $0xFFFFFEF7, lr;
	s5 =	simm.s32 $0xFFFFFFFF;
	p2 =	slt.u32 s8, $0xFFFFF086  }
0x1c: {  	p1 =	slt.u32 s9, $0xF7A;
	s5 =	simm.s32 @!p2 $0x0  }
0x1d: {  	s5 =	simm.s32 @p1 $0x1;
	p0 =	seq.s32 s7, s2  }
0x1e: {  	s7 =	smul.u32 @!p0 $0xF7A, s2;
	p2 =	seq.s32 @!p0 s5, $0x0  }
0x1f: {  	s9 =	smul.u32 $0xF7A, s1;
	s8 =	simm.s32 @!p0 $0x1BF5;
	p2 =	por !p2, p0  }
0x20: {  	[sflag:s8] =	ssyncset.s32 @!p0 $0xFFFFF086;
	s6 =	sadd.s32 @!p0 s3, s7;
	s7 =	simm.s32 @!p0 $0x108  }
0x21: {  	s3 =	sadd.s32 s3, s9;
	s6 =	sadd.s32 @!p0 $0x88, s6;
	s7 =	simm.s32 @p2 $0x1082  }
0x22: {  	[simem:s7], [sflag:s8] =	dma.local @!p0 [hbm:s6], $0xF7A  }
0x23: {  	s9 =	sor.u32 $0xD0000000, s2;
	s6 =	simm.s32 $0x108;
	_ =	swait.ge @!p0 [sflag:s8], $0x0  }
0x24: {  	s3 =	sadd.s32 $0x88, s3;
	s6 =	simm.s32 @!p1 $0x1082;
	[sflag:s4] =	ssyncset.s32 $0xFFFFF086  }
0x25: {  	[simem:s6], [sflag:s4] =	dma.local [hbm:s3], $0xF7A  }
0x26: {  	[smem:$0x3F94] =	sst s1;
	(tag) =	ssettag s2;
	_ =	strace s9  }
0x27: {  	s1 =	sld [smem:$0x3FA4]  }
0x28: {  	s2 =	sld [smem:$0x3FA5]  }
0x29: {  	s4 =	sld [smem:$0x3FA7]  }
0x2a: {  	p0 =	seq.s32 s5, $0x0;
	s5 =	sld [smem:$0x3FA8]  }
0x2b: {  	s6 =	sld [smem:$0x3FA9]  }
0x2c: {  	s7 =	sld [smem:$0x3FAA]  }
0x2d: {  	s3 =	simm.s32 $0x108;
	s8 =	sld [smem:$0x3FAB]  }
0x2e: {  	s3 =	simm.s32 @!p0 $0x1082;
	s9 =	sld [smem:$0x3FAC]  }
0x2f: {  	lr =	sadd.s32 s0, s3;
	s0 =	sld [smem:$0x3FA3]  }
0x30: {  	s3 =	sld [smem:$0x3FA6]  }
0x31: {  	[smem:$0x3FAF] =	sst s10  }
0x32: {  	s10 =	sld [smem:$0x3FAD];
	_ =	sdelay $0x3  }
0x33: {  	p0 =	seq.s32 s10, $0x1;
	s10 =	sld [smem:$0x3FAF];
	_ =	sdelay $0x3  }
0x34: {  	[smem:$0x3FAF] =	sst s10  }
0x35: {  	s10 =	sld [smem:$0x3FAE];
	_ =	sdelay $0x3  }
0x36: {  	p1 =	seq.s32 s10, $0x1;
	s10 =	sld [smem:$0x3FAF];
	_ =	sdelay $0x3  }
0x37: {  	[smem:$0x3FAF] =	sst s10  }
0x38: {  	s10 =	sld [smem:$0x3FB0]  }
0x39: {  	_ = 	snop;
	(pc) =	sbr.ind lr, $3  }
0x3a: {  	_ = 	snop  }
0x3b: {  	_ = 	snop  }
0x3c: {  	p2 =	seq.s32 s10, $0x1;
	s10 =	sld [smem:$0x3FAF]  }
0x3d: {  	_ =	shalt  }
0x3e: {  	_ =	shalt  }
0x3f: {  	_ =	shalt  }
0x40: {  	_ =	shalt  }
0x41: {  	_ =	shalt  }
0x42: {  	_ =	shalt  }
0x43: {  	_ =	shalt  }
0x44: {  	_ =	shalt  }
0x45: {  	_ =	shalt  }
0x46: {  	_ =	shalt  }
0x47: {  	_ =	shalt  }
0x48: {  	_ =	shalt  }
0x49: {  	_ =	shalt  }
0x4a: {  	_ =	shalt  }
0x4b: {  	_ =	shalt  }
0x4c: {  	_ =	shalt  }
0x4d: {  	_ =	shalt  }
0x4e: {  	_ =	shalt  }
0x4f: {  	_ =	shalt  }
0x50: {  	_ =	shalt  }
0x51: {  	_ =	shalt  }
0x52: {  	_ =	shalt  }
0x53: {  	_ =	shalt  }
0x54: {  	_ =	shalt  }
0x55: {  	_ =	shalt  }
0x56: {  	_ =	shalt  }
0x57: {  	_ =	shalt  }
0x58: {  	_ =	shalt  }
0x59: {  	_ =	shalt  }
0x5a: {  	_ =	shalt  }
0x5b: {  	_ =	shalt  }
0x5c: {  	_ =	shalt  }
0x5d: {  	_ =	shalt  }
0x5e: {  	_ =	shalt  }
0x5f: {  	_ =	shalt  }
0x60: {  	_ =	shalt  }
0x61: {  	_ =	shalt  }
0x62: {  	_ =	shalt  }
0x63: {  	_ =	shalt  }
0x64: {  	_ =	shalt  }
0x65: {  	_ =	shalt  }
0x66: {  	_ =	shalt  }
0x67: {  	_ =	shalt  }
0x68: {  	_ =	shalt  }
0x69: {  	_ =	shalt  }
0x6a: {  	_ =	shalt  }
0x6b: {  	_ =	shalt  }
0x6c: {  	_ =	shalt  }
0x6d: {  	_ =	shalt  }
0x6e: {  	_ =	shalt  }
0x6f: {  	_ =	shalt  }
0x70: {  	_ =	shalt  }
0x71: {  	_ =	shalt  }
0x72: {  	_ =	shalt  }
0x73: {  	_ =	shalt  }
0x74: {  	_ =	shalt  }
0x75: {  	_ =	shalt  }
0x76: {  	_ =	shalt  }
0x77: {  	_ =	shalt  }
0x78: {  	_ =	shalt  }
0x79: {  	_ =	shalt  }
0x7a: {  	_ =	shalt  }
0x7b: {  	_ =	shalt  }
0x7c: {  	_ =	shalt  }
0x7d: {  	_ =	shalt  }
0x7e: {  	_ =	shalt  }
0x7f: {  	_ =	shalt  }
0x80: {  	_ =	shalt  }
0x81: {  	_ =	shalt  }
0x82: {  	_ =	shalt  }
0x83: {  	_ =	shalt  }
0x84: {  	_ =	shalt  }
0x85: {  	_ =	shalt  }
0x86: {  	_ =	shalt  }
0x87: {  	_ =	shalt  }
.Lfunc_end0:
.L_simem_size_0:
called_computation.2_lowered:
.L_overlay_start_0:
0x88: {  	s2 =	sld [smem:$0x3FD9]  }
0x89: {  	s3 =	sld [smem:$0x3FFE];
	_ =	sdelay $0x1  }
0x8a: {  	s1 =	srdreg.scid  }
0x8b: {  	s0 =	sand.u32 $0x1, s1  }
0x8c: {  	s16 =	sshll.u32 s0, $0xA;
	s2 =	sadd.s32 s3, s2  }
0x8d: {  	s2 =	sadd.s32 s2, s16  }
0x8e: {  	[smem:$0x3FBB] =	sst s2  }
0x8f: {  	_ = 	snop  }
0x90: {  	s2 =	sld [smem:$0x3FD0];
	(tm) =	ssettm $0x1  }
0x91: {  	s17 =	sld [smem:$0x3FFB];
	_ =	sdelay $0x3  }
0x92: {  	_ =	strace s17  }
0x93: {  	s3 =	sld [smem:$0x3FFC];
	_ =	sdelay $0x3  }
0x94: {  	_ =	strace s3  }
0x95: {  	s3 =	sld [smem:$0x3FFD];
	_ =	sdelay $0x3  }
0x96: {  	_ =	strace s3  }
0x97: {  	_ =	strace $0x8FFFFFFF  }
0x98: {  	s18 =	sld [smem:$0x3FDB];
	_ =	sdelay $0x1  }
0x99: {  	s4 =	simm.s32 $_scs_section_size  }
0x9a: {  	s5 =	simm.s32 $_size__tile_overlayer_lowered;
	s6 =	simm.s32 $_tile_overlayer_lowered  }
0x9b: {  	s21 =	simm.s32 $0x1BFF;
	s20 =	sshll.u32 s6, $0x1;
	s3 =	sadd.s32 s4, s18  }
0x9c: {  	s7 =	simm.s32 $0x0;
	s19 =	sshll.u32 s5, $0x1;
	s5 =	sadd.s32 s20, s3  }
0x9d: {  	[timem:s7], [sflag:s21] =	dma.local [hbm:s5], s19  }
0x9e: {  	_ =	swait.ge [sflag:s21], s19  }
0x9f: {  	s4 =	ssub.s32 $0x0, s19;
	[sflag:s21] =	ssyncset.done $0x0  }
0xa0: {  	[sflag:s21] =	ssyncadd.s32 s4;
	_ =	sdelay $0x1  }
0xa1: {  	s22 =	simm.s32 $0x1B8B  }
0xa2: {  	_ =	swait.ge [sflag:s22], $0x1  }
0xa3: {  	[sflag:s22] =	ssyncset.done $0x0  }
0xa4: {  	s23 =	sld [smem:$0x3FFE];
	[sflag:s22] =	ssyncadd.s32 $0xFFFFFFFF  }
0xa5: {  	s25 =	simm.s32 $0x1B8E;
	s24 =	sld [smem:$0x0]  }
0xa6: {  	s26 =	simm.s32 $execute0_lowered;
	[smem:$0x3FD2] =	sst s25  }
0xa7: {  	s6 =	sshll.u32 s26, $0x1;
	_ =	strace $0x8000004C;
	[dreg:$0x1] =	wrdreg $0xFFFFFFFF  }
0xa8: {  	s28 =	simm.s32 $_size_execute0_lowered;
	s3 =	sadd.s32 s3, s6;
	[dreg:$0x0] =	wrdreg $0x0  }
0xa9: {  	s6 =	sshll.u32 s28, $0x1;
	[dreg:$0x2] =	wrdreg s3  }
0xaa: {  	[dreg:$0x3] =	wrdreg s6  }
0xab: {  	[dreg:$0x4] =	wrdreg $0xC0  }
0xac: {  	_ =	task [dreg:s7], $0x5FFFF  }
0xad: {  	[dreg:$0x1] =	wrdreg $0xFFFFFFFF  }
0xae: {  	[dreg:$0x0] =	wrdreg $0x60  }
0xaf: {  	[dreg:$0x2] =	wrdreg s23  }
0xb0: {  	[dreg:$0x3] =	wrdreg s2  }
0xb1: {  	[dreg:$0x4] =	wrdreg s1  }
0xb2: {  	[dreg:$0x5] =	wrdreg s24  }
0xb3: {  	[dreg:$0x6] =	wrdreg $0x9  }
0xb4: {  	_ =	task.clear_ibuf [dreg:s7], $0x7FFFF;
	_ =	strace $0x9000004C  }
0xb5: {  	s29 =	simm.s32 $0x9;
	_ =	strace $0x8000004E  }
0xb6: {  	_ =	swait.ge [sflag:s29], $0x1  }
0xb7: {  	[sflag:s29] =	ssyncadd.s32 $0xFFFFFFFF  }
0xb8: {  	_ =	strace $0x9000004E  }
0xb9: {  	_ =	sfence  }
0xba: {  	s30 =	sld [smem:$0x0];
	_ =	sdelay $0x2  }
0xbb: {  	s31 =	sshll.u32 s1, $0xD;
	s1 =	sshrl.u32 s1, $0x2  }
0xbc: {  	s3 =	sand.u32 $0x4000, s31;
	s1 =	sadd.s32 s1, s30  }
0xbd: {  	s0 =	sor.u32 s3, s0;
	s1 =	sshll.u32 s1, $0x11  }
0xbe: {  	s0 =	sor.u32 s1, s0  }
0xbf: {  	s0 =	sadd.s32 $0x8F2B, s0  }
0xc0: {  	[sflag:s0] =	ssyncadd.remote.s32 $0x1  }
0xc1: {  	_ =	sfence.sel $0xFFFF  }
0xc2: {  	[dreg:$0x0] =	wrdreg $0xFFFFFFFF;
	(pc) =	sbr.abs _section_cstart, $3  }
0xc3: {  	[dreg:$0x1] =	wrdreg $0xFFFFFFFF  }
0xc4: {  	_ =	task.clear_ibuf [dreg:s7], $0x2FFFF;
	_ =	strace $0x9FFFFFFF  }
0xc5: {  	(tm) =	ssettm $0x7FFFFFFF  }
tec
execute0_lowered:
.L_overlay_start_1:
0x0: {  	(tag) =	ssettag $0x1  }
0x1: {  	s2 =	rddreg [dreg:$0x0]  }
0x2: {  	s0 =	rddreg [dreg:$0x1]  }
0x3: {  	s4 =	rddreg [dreg:$0x2];
	_ =	strace $0x8000004D;
	s1 =	simm.s32 $0x1  }
0x4: {  	s3 =	simm.s32 $0x88;
	v0 =	vimm.s32 $0x0;
	[sflag:s1] =	ssyncpa.u1 $0x0  }
0x5: {  	[tilespmem:s3+$0x30] =	vst v0  }
0x6: {  	s1 =	sadd.s32 $0x104200, s2;
	s6 =	sadd.s32 $0xA200, s2;
	[tilespmem:s3+$0x20] =	vst v0  }
0x7: {  	s2 =	sadd.s32 $0x8200, s2;
	s7 =	sand.u32 $0x1, s4;
	s4 =	simm.s32 $0x40;
	[tilespmem:s3+$0x10] =	vst v0  }
.LBB2_1:
0x8: {  	s4 =	sadd.s32 $0x40, s4  }
0x9: {  	[tilespmem:s3+$0x0] =	vst v0;
	s3 =	sadd.s32 $0x40, s3;
	p0 =	slt.u32 s4, $0x5040  }
.Ltmp0:
0xa: {  	(pc) =	sbr.rel @p0 .LBB2_1-.Ltmp0, $4  }
0xb: {  	_ = 	snop  }
0xc: {  	[tilespmem:s3+$0x30] =	vst v0  }
0xd: {  	[tilespmem:s3+$0x20] =	vst v0  }
0xe: {  	[tilespmem:s3+$0x10] =	vst v0  }
0xf: {  	s8 =	stileid.u32  }
0x10: {  	s4 =	smul.u32 $0x6, s8  }
0x11: {  	s5 =	smin.u32 s8, $0x4  }
0x12: {  	s4 =	sadd.s32 s5, s4  }
0x13: {  	p0 =	slt.u32 s8, $0x4;
	s12 =	smul.u32 $0x140, s4;
	s4 =	simm.s32 $0x8C0  }
0x14: {  	s4 =	simm.s32 @!p0 $0x780  }
0x15: {  	s25 =	simm.s32 $0x2;
	s4 =	sadd.s32 s4, s12  }
0x16: {  	s28 =	simm.s32 $0x9;
	s9 =	simm.s32 $0xA;
	s14 =	smin.u32 s4, $0x7D00  }
0x17: {  	s30 =	simm.s32 $0xB;
	[dreg:$0x5] =	wrdreg s7;
	s4 =	ssub.s32 s14, s12  }
0x18: {  	s31 =	smul.u32 $0xFA0, s7;
	s13 =	simm.s32 $0x1;
	p0 =	sgt.s32 s4, $0x0  }
0x19: {  	s19 =	simm.s32 $0x0;
	s20 =	simm.s32 $0xA808;
	s4 =	simm.s32 @!p0 $0x0  }
0x1a: {  	s21 =	simm.s32 $0xFFFFFFFF;
	p1 =	por $0x0, $0x0;
	s26 =	smul.u32 $0xCCCD, s4  }
0x1b: {  	[tilespmem:s3+$0x0] =	vst v0;
	s23 =	simm.s32 $0x0;
	[sflag:s25] =	ssyncpa.u1 $0x0;
	s18 =	sshll.u32 s8, $0x7  }
0x1c: {  	s0 =	sadd.s32 s31, s0;
	[dreg:$0xb] =	wrdreg s18;
	s3 =	sshrl.u32 s26, $0x18  }
0x1d: {  	v0 =	vimm.s32 $0xFFFFFFFF;
	s17 =	sadd.s32 s31, s2;
	[dreg:$0xa] =	wrdreg s0;
	s29 =	smul.u32 $0x140, s3  }
0x1e: {  	s25 =	simm.s32 $0x0;
	[tilespmem:$0xA108] =	vst v0;
	[sflag:s28] =	ssyncpa.u1 $0x0;
	[dreg:$0x9] =	wrdreg s17  }
.Ltmp1:
0x1f: {  	p0 =	sne.s32 s4, s29;
	s4 =	simm.s32 $0x1;
	(pc) =	sbr.rel .LBB2_3-.Ltmp1, $4  }
0x20: {  	[sflag:s9] =	ssyncpa.u1 $0x0;
	[dreg:$0x6] =	wrdreg s12;
	s4 =	simm.s32 @!p0 $0x0  }
0x21: {  	[sflag:s30] =	ssyncpa.u1 $0x0;
	[dreg:$0x7] =	wrdreg s14;
	s15 =	sadd.s32 s3, s4  }
0x22: {  	s24 =	smov.u32 s12;
	s22 =	sadd.s32 $0x1, s15;
	[dreg:$0x8] =	wrdreg s15  }
0x23: {  	v0 =	vlaneseq.u32;
	s26 =	simm.s32 $0x0;
	p0 =	por $0x1, $0x1;
	[dreg:$0xc] =	wrdreg s22  }
.LBB2_22:
0x24: {  	s0 =	sshrl.u32 s3, $0x2  }
.LBB2_24:
0x25: {  	s3 =	simm.s32 $0xC  }
0x26: {  	_ =	swait.ge [sflag:s3], s0  }
0x27: {  	s31 =	ssub.s32 $0x0, s0;
	v1 =	vmov s4;
	vm0 =	veq.s32 v0, $0x0;
	[sflag:s3] =	ssyncset.done $0x0  }
0x28: {  	vm15 =	veq.s32 v0, $0x2;
	v1 =	vsel vm0, s2, v1;
	[sflag:s3] =	ssyncadd.s32 s31  }
0x29: {  	v1 =	vsel vm15, s26, v1;
	[sflag:s3] =	ssyncpa.u1 $0x1  }
0x2a: {  	[tilespmem:$0xA108] =	vst v1  }
.LBB2_25:
0x2b: {  	s0 =	sadd.s32 $0x140, s24  }
0x2c: {  	s2 =	smov.u32 s12;
	p2 =	slt.s32 s0, s14  }
0x2d: {  	s2 =	smov.u32 @p2 s0;
	p2 =	sne.s32 s25, s22  }
.Ltmp2:
0x2e: {  	_ = 	snop;
	(pc) =	sbr.rel @!p2 .LBB2_26-.Ltmp2, $4  }
0x2f: {  	_ = 	snop  }
0x30: {  	s26 =	smov.u32 s23;
	s31 =	sadd.s32 $0x1, s25;
	p0 =	por !p0, !p0  }
0x31: {  	s23 =	smov.u32 s24;
	s20 =	sadd.s32 $0x140, s20;
	s21 =	sadd.s32 $0x1, s21  }
0x32: {  	p1 =	por !p1, !p1;
	s25 =	smov.u32 s31;
	s24 =	smov.u32 s2  }
.LBB2_3:
0x33: {  	p2 =	sge.u32 s25, s15  }
0x34: {  	s0 =	smulhi.u32 @!p2 $0xAAAAAAAB, s25  }
0x35: {  	s2 =	smov.u32 s24;
	p3 =	sgt.s32 @!p2 s24, $0x7BC0  }
0x36: {  	s3 =	sshra.s32 @!p2 s24, $0x1F;
	p3 =	por !p3, p2;
	s0 =	sshrl.u32 @!p2 s0, $0x1  }
0x37: {  	s3 =	sand.u32 @!p2 s3, s24;
	s2 =	simm.s32 @p3 $0x7BC0;
	s0 =	smul.u32 @!p2 $0x3, s0  }
0x38: {  	s2 =	ssub.s32 @!p2 s2, s3  }
0x39: {  	s2 =	sadd.s32 @!p2 $0xFFFF8440, s2;
	s0 =	ssub.s32 @!p2 s25, s0  }
0x3a: {  	s3 =	sshll.u32 @!p2 s2, $0x2;
	p3 =	sgt.s32 @!p2 s2, $0x13F;
	s0 =	smul.u32 @!p2 $0x500, s0  }
0x3b: {  	s4 =	sand.u32 @!p2 $0x7, s24;
	s2 =	ssub.s32 @!p2 $0x500, s3;
	p3 =	por !p3, p2  }
0x3c: {  	s3 =	sshrl.u32 @!p2 s24, $0x3;
	s2 =	sshrl.u32 @!p2 s2, $0x2;
	s0 =	sshrl.u32 @!p2 s0, $0x2  }
0x3d: {  	s3 =	sadd.s32 @!p2 s3, s17;
	s2 =	simm.s32 @!p3 $0x0;
	s0 =	sadd.s32 @!p2 $0xA948, s0  }
0x3e: {  	[tilespmem:s0], [sflag:$0xA] =	stream.linear.gather @!p2 [hbm4b:s3+s4], s2, $0x38;
	[tilespmem:$0x1EF88] =	vst v63  }
0x3f: {  	s0 =	sadd.s32 $0xFFFFFFFF, s25  }
0x40: {  	p2 =	sge.u32 s0, s15  }
.Ltmp3:
0x41: {  	_ = 	snop;
	(pc) =	sbr.rel @p2 .LBB2_7-.Ltmp3, $1  }
0x42: {  	_ =	sdelay $0x3  }
0x43: {  	p2 =	sgt.s32 s23, $0x7BC0;
	s2 =	smov.u32 s23;
	s3 =	sshra.s32 s23, $0x1F  }
0x44: {  	s2 =	simm.s32 @!p2 $0x7BC0;
	s3 =	sand.u32 s3, s23  }
0x45: {  	s17 =	smulhi.u32 $0xAAAAAAAB, s21;
	s2 =	ssub.s32 s2, s3  }
0x46: {  	s0 =	sand.u32 $0x1, s0;
	s2 =	sadd.s32 $0xFFFF8440, s2  }
0x47: {  	s5 =	simm.s32 $0xA;
	s3 =	sshrl.u32 s17, $0x1;
	s4 =	sshll.u32 s2, $0x2  }
0x48: {  	s7 =	sshrl.u32 s23, $0x3;
	s3 =	smul.u32 $0xFFFFF100, s3;
	s4 =	ssub.s32 $0x500, s4  }
0x49: {  	s18 =	smul.u32 $0x500, s0;
	p2 =	sgt.s32 s2, $0x13F;
	s2 =	sshrl.u32 s4, $0x2  }
0x4a: {  	s9 =	sand.u32 $0x7, s23;
	s3 =	sshra.s32 s3, $0x2;
	s2 =	simm.s32 @p2 $0x0  }
0x4b: {  	s0 =	sadd.s32 s3, s20;
	s4 =	sshrl.u32 s18, $0x2;
	_ =	swait.ge [sflag:s5], s2  }
0x4c: {  	s22 =	ssub.s32 $0x0, s2;
	[sflag:s5] =	ssyncset.done $0x0;
	s8 =	rddreg [dreg:$0xa]  }
0x4d: {  	s4 =	sadd.s32 $0xAD08, s4;
	[sflag:s5] =	ssyncadd.s32 s22;
	s3 =	sadd.s32 s7, s8  }
0x4e: {  	[tilespmem:s4], [sflag:$0xB] =	stream.linear.gather [hbm4b:s3+s9], s2, $0x38;
	[tilespmem:$0x1EF88] =	vst v63  }
0x4f: {  	v1 =	vld.msk [tilespmem:s0+$0x0], $0xffff;
	_ =	sdelay $0x4  }
0x50: {  	v1 =	vshll.u32 v1, $0x4  }
0x51: {  	(v2sf) =	vpush v1, $0x0  }
0x52: {  	(v2sf) =	vpush v1, $0x1  }
0x53: {  	(v2sf) =	vpush v1, $0x2;
	_ =	sdelay $0x3  }
0x54: {  	(v2sf) =	vpush v1, $0x3;
	_ =	sdelay $0x1  }
0x55: {  	(v2sf) =	vpush v1, $0x4  }
0x56: {  	s2 =	simm.s32 $0x1;
	(v2sf) =	vpush v1, $0x5  }
0x57: {  	s2 =	simm.s32 @!p0 $0x0  }
0x58: {  	s2 =	smul.u32 $0x28000, s2;
	(v2sf) =	vpush v1, $0x6;
	_ =	sdelay $0x1  }
0x59: {  	s2 =	sshrl.u32 s2, $0x2  }
0x5a: {  	s28 =	sadd.s32 $0xB708, s2  }
0x5b: {  	s12 =	sadd.s32 $0xFFFFF880, s28;
	s17 =	sadd.s32 $0xFFFFF900, s28;
	s10 =	spop (v2sf);
	(v2sf) =	vpush v1, $0x7  }
0x5c: {  	s18 =	sadd.s32 $0xFFFFF980, s28;
	s11 =	sand.u32 $0x1FFFFFF0, s10;
	s14 =	spop (v2sf)  }
0x5d: {  	(v2sf) =	vpush v1, $0x8;
	s2 =	sadd.s32 s6, s11;
	s15 =	sand.u32 $0x1FFFFFF0, s14;
	s16 =	spop (v2sf)  }
0x5e: {  	[tilespmem:s12], [sflag:$0x9] =	stream.linear.gather [hbm4b:s2+s19], $0x40, $0x38;
	[tilespmem:$0x1EF88] =	vst v63  }
0x5f: {  	s5 =	sadd.s32 $0xFFFFFA00, s28;
	s2 =	sadd.s32 s6, s15;
	s3 =	sand.u32 $0x1FFFFFF0, s16  }
0x60: {  	(v2sf) =	vpush v1, $0x9;
	[tilespmem:s17], [sflag:$0x9] =	stream.linear.gather [hbm4b:s2+s19], $0x40, $0x38;
	[tilespmem:$0x1EF88] =	vst v63  }
0x61: {  	s7 =	sadd.s32 $0xFFFFFA80, s28;
	s22 =	spop (v2sf);
	s3 =	sadd.s32 s6, s3  }
0x62: {  	(v2sf) =	vpush v1, $0xA;
	[tilespmem:s18], [sflag:$0x9] =	stream.linear.gather [hbm4b:s3+s19], $0x40, $0x38;
	[tilespmem:$0x1EF88] =	vst v63  }
0x63: {  	s11 =	sadd.s32 $0xFFFFFB00, s28;
	s4 =	spop (v2sf);
	(v2sf) =	vpush v1, $0xB;
	s3 =	sand.u32 $0x1FFFFFF0, s22  }
0x64: {  	s8 =	spop (v2sf);
	s2 =	sadd.s32 s6, s3;
	s3 =	sand.u32 $0x1FFFFFF0, s4  }
0x65: {  	(v2sf) =	vpush v1, $0xC;
	[tilespmem:s5], [sflag:$0x9] =	stream.linear.gather [hbm4b:s2+s19], $0x40, $0x38;
	[tilespmem:$0x1EF88] =	vst v63  }
0x66: {  	s9 =	sand.u32 $0x1FFFFFF0, s8;
	s10 =	spop (v2sf);
	s3 =	sadd.s32 s6, s3  }
0x67: {  	(v2sf) =	vpush v1, $0xD;
	[tilespmem:s7], [sflag:$0x9] =	stream.linear.gather [hbm4b:s3+s19], $0x40, $0x38;
	[tilespmem:$0x1EF88] =	vst v63  }
0x68: {  	s12 =	sadd.s32 $0xFFFFFB80, s28;
	s2 =	sadd.s32 s6, s9;
	s3 =	sand.u32 $0x1FFFFFF0, s10  }
0x69: {  	[tilespmem:s11], [sflag:$0x9] =	stream.linear.gather [hbm4b:s2+s19], $0x40, $0x38;
	[tilespmem:$0x1EF88] =	vst v63  }
0x6a: {  	s17 =	sadd.s32 $0xFFFFFC00, s28;
	s3 =	sadd.s32 s6, s3;
	s14 =	spop (v2sf)  }
0x6b: {  	[tilespmem:s12], [sflag:$0x9] =	stream.linear.gather [hbm4b:s3+s19], $0x40, $0x38;
	(v2sf) =	vpush v1, $0xE;
	[tilespmem:$0x1EF88] =	vst v63  }
0x6c: {  	s18 =	sadd.s32 $0xFFFFFC80, s28;
	s15 =	sand.u32 $0x1FFFFFF0, s14;
	s16 =	spop (v2sf)  }
0x6d: {  	s5 =	sadd.s32 $0xFFFFFD00, s28;
	(v2sf) =	vpush v1, $0xF;
	s2 =	sadd.s32 s6, s15;
	s3 =	sand.u32 $0x1FFFFFF0, s16  }
0x6e: {  	[tilespmem:s17], [sflag:$0x9] =	stream.linear.gather [hbm4b:s2+s19], $0x40, $0x38;
	[tilespmem:$0x1EF88] =	vst v63  }
0x6f: {  	s7 =	sadd.s32 $0xFFFFFD80, s28;
	s22 =	spop (v2sf);
	s3 =	sadd.s32 s6, s3  }
0x70: {  	[tilespmem:s18], [sflag:$0x9] =	stream.linear.gather [hbm4b:s3+s19], $0x40, $0x38;
	[tilespmem:$0x1EF88] =	vst v63  }
0x71: {  	s11 =	sadd.s32 $0xFFFFFE00, s28;
	s4 =	spop (v2sf);
	s3 =	sand.u32 $0x1FFFFFF0, s22  }
0x72: {  	s8 =	spop (v2sf);
	s2 =	sadd.s32 s6, s3;
	s3 =	sand.u32 $0x1FFFFFF0, s4  }
0x73: {  	[tilespmem:s5], [sflag:$0x9] =	stream.linear.gather [hbm4b:s2+s19], $0x40, $0x38;
	[tilespmem:$0x1EF88] =	vst v63  }
0x74: {  	s9 =	sand.u32 $0x1FFFFFF0, s8;
	s10 =	spop (v2sf);
	s3 =	sadd.s32 s6, s3  }
0x75: {  	[tilespmem:s7], [sflag:$0x9] =	stream.linear.gather [hbm4b:s3+s19], $0x40, $0x38;
	[tilespmem:$0x1EF88] =	vst v63  }
0x76: {  	s14 =	spop (v2sf);
	s2 =	sadd.s32 s6, s9;
	s3 =	sand.u32 $0x1FFFFFF0, s10  }
0x77: {  	[tilespmem:s11], [sflag:$0x9] =	stream.linear.gather [hbm4b:s2+s19], $0x40, $0x38;
	[tilespmem:$0x1EF88] =	vst v63  }
0x78: {  	s12 =	sadd.s32 $0xFFFFFE80, s28;
	s15 =	sand.u32 $0x1FFFFFF0, s14;
	s3 =	sadd.s32 s6, s3  }
0x79: {  	[tilespmem:s12], [sflag:$0x9] =	stream.linear.gather [hbm4b:s3+s19], $0x40, $0x38;
	[tilespmem:$0x1EF88] =	vst v63  }
0x7a: {  	s17 =	sadd.s32 $0xFFFFFF00, s28;
	s2 =	sadd.s32 s6, s15;
	s16 =	spop (v2sf)  }
0x7b: {  	[tilespmem:s17], [sflag:$0x9] =	stream.linear.gather [hbm4b:s2+s19], $0x40, $0x38;
	[tilespmem:$0x1EF88] =	vst v63  }
0x7c: {  	s29 =	simm.s32 $0x0;
	s3 =	sand.u32 $0x1FFFFFF0, s16;
	s18 =	spop (v2sf)  }
0x7d: {  	s22 =	sadd.s32 $0xFFFFFF80, s28;
	s3 =	sadd.s32 s6, s3;
	s2 =	sand.u32 $0x1FFFFFF0, s18  }
0x7e: {  	[tilespmem:s22], [sflag:$0x9] =	stream.linear.gather [hbm4b:s3+s19], $0x40, $0x38;
	[tilespmem:$0x1EF88] =	vst v63  }
0x7f: {  	s31 =	sadd.s32 $0x10, s0;
	s30 =	sadd.s32 $0x800, s28;
	s2 =	sadd.s32 s6, s2  }
.LBB2_5:
0x80: {  	[tilespmem:s28], [sflag:$0x9] =	stream.linear.gather [hbm4b:s2+s19], $0x40, $0x38;
	[tilespmem:$0x1EF88] =	vst v63  }
0x81: {  	s29 =	sadd.s32 $0x10, s29;
	s28 =	smov.u32 s30  }
0x82: {  	p2 =	slt.u32 s29, $0x130;
	v1 =	vld.msk [tilespmem:s31+$0x0], $0xffff;
	_ =	sdelay $0x4  }
0x83: {  	v1 =	vshll.u32 v1, $0x4  }
0x84: {  	(v2sf) =	vpush v1, $0x0  }
0x85: {  	(v2sf) =	vpush v1, $0x1  }
0x86: {  	(v2sf) =	vpush v1, $0x2;
	_ =	sdelay $0x1  }
0x87: {  	(v2sf) =	vpush v1, $0x3;
	_ =	sdelay $0x1  }
0x88: {  	(v2sf) =	vpush v1, $0x4;
	_ =	sdelay $0x1  }
0x89: {  	(v2sf) =	vpush v1, $0x5;
	_ =	sdelay $0x1  }
0x8a: {  	(v2sf) =	vpush v1, $0x6  }
0x8b: {  	s4 =	sadd.s32 $0xFFFFFE80, s30;
	s0 =	sadd.s32 $0xFFFFFF00, s30  }
0x8c: {  	s3 =	sadd.s32 $0xFFFFFD00, s30;
	s2 =	sadd.s32 $0xFFFFFD80, s30;
	s5 =	sadd.s32 $0xFFFFFE00, s30;
	(v2sf) =	vpush v1, $0x7  }
0x8d: {  	s10 =	sadd.s32 $0xFFFFFB80, s30;
	s9 =	sadd.s32 $0xFFFFFC00, s30;
	s16 =	sadd.s32 $0xFFFFFC80, s30  }
0x8e: {  	s11 =	sadd.s32 $0xFFFFFA00, s30;
	s12 =	sadd.s32 $0xFFFFFA80, s30;
	s15 =	sadd.s32 $0xFFFFFB00, s30;
	(v2sf) =	vpush v1, $0x8  }
0x8f: {  	s18 =	sadd.s32 $0xFFFFF900, s30;
	s7 =	sadd.s32 $0xFFFFF980, s30;
	s22 =	spop (v2sf)  }
0x90: {  	s8 =	sadd.s32 $0xFFFFF880, s30;
	s22 =	sand.u32 $0x1FFFFFF0, s22;
	s14 =	spop (v2sf);
	(v2sf) =	vpush v1, $0x9  }
0x91: {  	s22 =	sadd.s32 s6, s22;
	s14 =	sand.u32 $0x1FFFFFF0, s14;
	s17 =	spop (v2sf)  }
0x92: {  	[tilespmem:s8], [sflag:$0x9] =	stream.linear.gather [hbm4b:s22+s19], $0x40, $0x38;
	(v2sf) =	vpush v1, $0xA;
	[tilespmem:$0x1EF88] =	vst v63  }
0x93: {  	s8 =	sadd.s32 s6, s14;
	s14 =	sand.u32 $0x1FFFFFF0, s17;
	s17 =	spop (v2sf)  }
0x94: {  	[tilespmem:s18], [sflag:$0x9] =	stream.linear.gather [hbm4b:s8+s19], $0x40, $0x38;
	(v2sf) =	vpush v1, $0xB;
	[tilespmem:$0x1EF88] =	vst v63  }
0x95: {  	s8 =	sadd.s32 s6, s14;
	s14 =	sand.u32 $0x1FFFFFF0, s17;
	s17 =	spop (v2sf)  }
0x96: {  	[tilespmem:s7], [sflag:$0x9] =	stream.linear.gather [hbm4b:s8+s19], $0x40, $0x38;
	(v2sf) =	vpush v1, $0xC;
	[tilespmem:$0x1EF88] =	vst v63  }
0x97: {  	s7 =	sadd.s32 s6, s14;
	s8 =	sand.u32 $0x1FFFFFF0, s17;
	s14 =	spop (v2sf)  }
0x98: {  	[tilespmem:s11], [sflag:$0x9] =	stream.linear.gather [hbm4b:s7+s19], $0x40, $0x38;
	(v2sf) =	vpush v1, $0xD;
	[tilespmem:$0x1EF88] =	vst v63  }
0x99: {  	s7 =	sadd.s32 s6, s8;
	s8 =	sand.u32 $0x1FFFFFF0, s14;
	s11 =	spop (v2sf)  }
0x9a: {  	[tilespmem:s12], [sflag:$0x9] =	stream.linear.gather [hbm4b:s7+s19], $0x40, $0x38;
	(v2sf) =	vpush v1, $0xE;
	[tilespmem:$0x1EF88] =	vst v63  }
0x9b: {  	s7 =	sadd.s32 s6, s8;
	s8 =	sand.u32 $0x1FFFFFF0, s11;
	s11 =	spop (v2sf)  }
0x9c: {  	[tilespmem:s15], [sflag:$0x9] =	stream.linear.gather [hbm4b:s7+s19], $0x40, $0x38;
	(v2sf) =	vpush v1, $0xF;
	[tilespmem:$0x1EF88] =	vst v63  }
0x9d: {  	s7 =	sadd.s32 s6, s8;
	s8 =	sand.u32 $0x1FFFFFF0, s11;
	s11 =	spop (v2sf)  }
0x9e: {  	[tilespmem:s10], [sflag:$0x9] =	stream.linear.gather [hbm4b:s7+s19], $0x40, $0x38;
	[tilespmem:$0x1EF88] =	vst v63  }
0x9f: {  	s7 =	sadd.s32 s6, s8;
	s8 =	sand.u32 $0x1FFFFFF0, s11;
	s10 =	spop (v2sf)  }
0xa0: {  	[tilespmem:s9], [sflag:$0x9] =	stream.linear.gather [hbm4b:s7+s19], $0x40, $0x38;
	[tilespmem:$0x1EF88] =	vst v63  }
0xa1: {  	s7 =	sadd.s32 s6, s8;
	s8 =	sand.u32 $0x1FFFFFF0, s10;
	s9 =	spop (v2sf)  }
0xa2: {  	[tilespmem:s16], [sflag:$0x9] =	stream.linear.gather [hbm4b:s7+s19], $0x40, $0x38;
	[tilespmem:$0x1EF88] =	vst v63  }
0xa3: {  	s7 =	sadd.s32 s6, s8;
	s8 =	sand.u32 $0x1FFFFFF0, s9;
	s9 =	spop (v2sf)  }
0xa4: {  	[tilespmem:s3], [sflag:$0x9] =	stream.linear.gather [hbm4b:s7+s19], $0x40, $0x38;
	[tilespmem:$0x1EF88] =	vst v63  }
0xa5: {  	s3 =	sadd.s32 s6, s8;
	s7 =	sand.u32 $0x1FFFFFF0, s9;
	s8 =	spop (v2sf)  }
0xa6: {  	[tilespmem:s2], [sflag:$0x9] =	stream.linear.gather [hbm4b:s3+s19], $0x40, $0x38;
	[tilespmem:$0x1EF88] =	vst v63  }
0xa7: {  	s2 =	sadd.s32 s6, s7;
	s3 =	sand.u32 $0x1FFFFFF0, s8;
	s7 =	spop (v2sf)  }
0xa8: {  	[tilespmem:s5], [sflag:$0x9] =	stream.linear.gather [hbm4b:s2+s19], $0x40, $0x38;
	[tilespmem:$0x1EF88] =	vst v63  }
0xa9: {  	s2 =	sadd.s32 s6, s3;
	s3 =	sand.u32 $0x1FFFFFF0, s7;
	s5 =	spop (v2sf)  }
0xaa: {  	[tilespmem:s4], [sflag:$0x9] =	stream.linear.gather [hbm4b:s2+s19], $0x40, $0x38;
	[tilespmem:$0x1EF88] =	vst v63  }
0xab: {  	s2 =	sadd.s32 s6, s3  }
.Ltmp4:
0xac: {  	s3 =	sand.u32 $0x1FFFFFF0, s5;
	s4 =	spop (v2sf);
	(pc) =	sbr.rel @p2 .LBB2_5-.Ltmp4, $4  }
0xad: {  	[tilespmem:s0], [sflag:$0x9] =	stream.linear.gather [hbm4b:s2+s19], $0x40, $0x38;
	[tilespmem:$0x1EF88] =	vst v63  }
0xae: {  	s0 =	sadd.s32 s6, s3;
	s2 =	sadd.s32 $0xFFFFFF80, s30;
	s3 =	sand.u32 $0x1FFFFFF0, s4  }
0xaf: {  	[tilespmem:s2], [sflag:$0x9] =	stream.linear.gather [hbm4b:s0+s19], $0x40, $0x38;
	[tilespmem:$0x1EF88] =	vst v63  }
0xb0: {  	s31 =	sadd.s32 $0x10, s31;
	s30 =	sadd.s32 $0x800, s30;
	s2 =	sadd.s32 s6, s3  }
0xb1: {  	[tilespmem:s28], [sflag:$0x9] =	stream.linear.gather [hbm4b:s2+s19], $0x40, $0x38;
	[tilespmem:$0x1EF88] =	vst v63  }
0xb2: {  	s12 =	rddreg [dreg:$0x6]  }
0xb3: {  	s14 =	rddreg [dreg:$0x7]  }
0xb4: {  	s15 =	rddreg [dreg:$0x8]  }
0xb5: {  	s17 =	rddreg [dreg:$0x9]  }
0xb6: {  	s18 =	rddreg [dreg:$0xb]  }
0xb7: {  	s22 =	rddreg [dreg:$0xc]  }
.LBB2_7:
0xb8: {  	p2 =	slt.u32 s25, $0x2  }
.Ltmp5:
0xb9: {  	_ = 	snop;
	(pc) =	sbr.rel @p2 .LBB2_25-.Ltmp5, $1  }
0xba: {  	_ =	sdelay $0x3  }
0xbb: {  	p2 =	sgt.s32 s26, $0x7BC0;
	s0 =	smov.u32 s26;
	s2 =	sshra.s32 s26, $0x1F  }
0xbc: {  	s0 =	simm.s32 @!p2 $0x7BC0;
	s2 =	sand.u32 s2, s26  }
0xbd: {  	s0 =	ssub.s32 s0, s2  }
0xbe: {  	s0 =	sadd.s32 $0xFFFF8440, s0  }
0xbf: {  	s3 =	simm.s32 $0x9;
	s29 =	sshll.u32 s0, $0x2  }
0xc0: {  	_ =	swait.ge [sflag:s3], $0x5000;
	s2 =	ssub.s32 $0x500, s29  }
0xc1: {  	[sflag:s3] =	ssyncset.done $0x0;
	p2 =	sgt.s32 s0, $0x13F;
	s0 =	sshrl.u32 s2, $0x2  }
0xc2: {  	s30 =	simm.s32 $0xB;
	[sflag:s3] =	ssyncadd.s32 $0xFFFFB000;
	s0 =	simm.s32 @p2 $0x0  }
0xc3: {  	_ =	swait.ge [sflag:s30], s0  }
0xc4: {  	s0 =	ssub.s32 $0x0, s0;
	[sflag:s30] =	ssyncset.done $0x0  }
0xc5: {  	[sflag:s30] =	ssyncadd.s32 s0  }
0xc6: {  	v1 =	vld [tilespmem:$0xA108];
	_ =	sdelay $0x4  }
0xc7: {  	(v2sf) =	vpush v1, $0x0  }
0xc8: {  	(v2sf) =	vpush v1, $0x1  }
0xc9: {  	(v2sf) =	vpush v1, $0x2;
	_ =	sdelay $0x3  }
0xca: {  	s0 =	sadd.s32 $0x140, s26  }
0xcb: {  	s4 =	ssub.s32 $0xFA00, s26;
	p2 =	slt.s32 s14, s0  }
0xcc: {  	s0 =	smov.u32 @p2 s14;
	p2 =	sgt.s32 s4, $0x0  }
0xcd: {  	s0 =	ssub.s32 s0, s26;
	s4 =	simm.s32 @!p2 $0x0  }
0xce: {  	p2 =	slt.s32 s4, s0  }
0xcf: {  	s0 =	smov.u32 @p2 s4  }
0xd0: {  	s2 =	simm.s32 $0x1;
	p2 =	slt.s32 s0, $0x1  }
.Ltmp6:
0xd1: {  	s2 =	simm.s32 @!p1 $0x0;
	(pc) =	sbr.rel @p2 .LBB2_12-.Ltmp6, $4  }
0xd2: {  	s7 =	smul.u32 $0x500, s2  }
0xd3: {  	s3 =	spop (v2sf)  }
0xd4: {  	s31 =	sshrl.u32 s7, $0x2;
	s5 =	spop (v2sf)  }
0xd5: {  	s28 =	sadd.s32 $0xAD08, s31;
	s26 =	spop (v2sf)  }
0xd6: {  	s4 =	smin.u32 s0, $0x10  }
0xd7: {  	v1 =	vmov s4  }
0xd8: {  	p3 =	sgt.s32 s0, $0x10;
	vm1 =	vgt.u32 v1, v0  }
.Ltmp7:
0xd9: {  	_ = 	snop;
	(pc) =	sbr.rel @!p3 .LBB2_11-.Ltmp7, $2  }
0xda: {  	_ =	sdelay $0x2  }
0xdb: {  	s9 =	simm.s32 $0x10;
	s10 =	sadd.s32 $0xFFFFFFF0, s0;
	s4 =	smov.u32 s28;
	vm0 =	vmmov vm1  }
.LBB2_10:
0xdc: {  	s7 =	smin.u32 s10, $0x10;
	s9 =	sadd.s32 $0x10, s9;
	v1 =	vld.msk [tilespmem:s4+$0x0 ss:$0x1], vm1  }
0xdd: {  	v2 =	vmov s7;
	p3 =	slt.s32 s9, s0  }
0xde: {  	vm1 =	vgt.u32 v2, v0  }
.Ltmp8:
0xdf: {  	(pc) =	sbr.rel @p3 .LBB2_10-.Ltmp8, $3  }
0xe0: {  	_ =	sdelay $0x1  }
0xe1: {  	v1 =	vshll.u32 v1, $0x4  }
0xe2: {  	s10 =	sadd.s32 $0xFFFFFFF0, s10;
	[tilespmem:s4+$0x0] =	vst.msk vm0, v1;
	s4 =	sadd.s32 $0x10, s4;
	vm0 =	vmmov vm1  }
.LBB2_11:
0xe3: {  	_ =	sdelay $0x4  }
0xe4: {  	v1 =	vld.msk [tilespmem:s4+$0x0 ss:$0x1], vm1;
	_ =	sdelay $0x4  }
0xe5: {  	v1 =	vshll.u32 v1, $0x4  }
0xe6: {  	[tilespmem:s4+$0x0] =	vst.msk vm0, v1  }
.LBB2_12:
0xe7: {  	s4 =	sand.u32 $0x1, s25  }
0xe8: {  	s4 =	smul.u32 $0x140, s4  }
0xe9: {  	p3 =	sne.s32 s5, $0xFFFFFFFF  }
0xea: {  	v1 =	vld.msk @!p3 [tilespmem:s4+$0xAD08], $0x1;
	_ =	sdelay $0x4  }
0xeb: {  	(v2sf) =	vpush @!p3 v1, $0x0;
	_ =	sdelay $0xc  }
.Ltmp9:
0xec: {  	_ = 	snop;
	(pc) =	sbr.rel @p2 .LBB2_23-.Ltmp9, $4  }
0xed: {  	_ = 	snop  }
0xee: {  	s29 =	spop @!p3 (v2sf)  }
0xef: {  	s31 =	simm.s32 $0xC;
	s26 =	simm.s32 @!p3 $0x0;
	s4 =	smov.u32 s29  }
0xf0: {  	[sflag:s31] =	ssyncpa.u1 $0x0;
	s29 =	smov.u32 @p3 s3;
	s4 =	smov.u32 @p3 s5  }
0xf1: {  	v1 =	vld.msk [tilespmem:s28+$0x0], $0x1;
	_ =	sdelay $0x4  }
0xf2: {  	(v2sf) =	vpush v1, $0x0;
	_ =	sdelay $0xe  }
0xf3: {  	s2 =	smul.u32 $0x28000, s2;
	s5 =	spop (v2sf)  }
0xf4: {  	s31 =	ssub.s32 $0x0, s0;
	p2 =	seq.s32 s29, s5  }
0xf5: {  	s3 =	smov.u32 s29;
	s2 =	sshrl.u32 s2, $0x2;
	p3 =	sgt.s32 @!p2 s29, $0x0  }
0xf6: {  	s30 =	sadd.s32 $0xAFA8, s2;
	s2 =	sadd.s32 $0x1, s31;
	p3 =	por !p3, p2  }
0xf7: {  	s3 =	simm.s32 @p3 $0x0;
	p3 =	seq.s32 s2, $0x0  }
.Ltmp10:
0xf8: {  	_ = 	snop;
	(pc) =	sbr.rel @p3 .LBB2_15-.Ltmp10, $4  }
0xf9: {  	_ = 	snop  }
0xfa: {  	s0 =	simm.s32 $0x0;
	s9 =	simm.s32 @!p2 $0x1;
	s3 =	smin.u32 @!p2 s3, $0xC7F8  }
0xfb: {  	s10 =	simm.s32 @!p2 $0x50C8;
	s9 =	smov.u32 @p2 s0;
	s7 =	sand.u32 @!p2 $0xFFF8, s3  }
0xfc: {  	s16 =	sand.u32 @!p2 $0x7, s3;
	s3 =	sadd.s32 $0x1, s28;
	s11 =	sadd.s32 @!p2 s1, s7  }
.LBB2_14:
0xfd: {  	s7 =	smov.u32 s9  }
0xfe: {  	[tilespmem:s10], [sflag:$0x2] =	stream.linear.gather @!p2 [hbm4b:s11+s16], $0x40, $0x38;
	[tilespmem:$0x1EF88] =	vst v63  }
0xff: {  	s2 =	sadd.s32 $0x1, s2;
	s8 =	smov.u32 s5;
	v1 =	vld.msk [tilespmem:s3+$0x0], $0x1  }
0x100: {  	p3 =	seq.s32 s2, $0x0;
	_ =	sdelay $0x3  }
0x101: {  	(v2sf) =	vpush v1, $0x0;
	_ =	sdelay $0xe  }
0x102: {  	s5 =	spop (v2sf)  }
0x103: {  	p2 =	seq.s32 s8, s5  }
0x104: {  	p4 =	sgt.s32 @!p2 s8, $0x0;
	s10 =	sshll.u32 @!p2 s9, $0x8;
	s9 =	sadd.s32 @!p2 $0x1, s9  }
.Ltmp11:
0x105: {  	p4 =	por !p4, p2;
	s10 =	sshra.s32 @!p2 s10, $0x2;
	(pc) =	sbr.rel @!p3 .LBB2_14-.Ltmp11, $4  }
0x106: {  	s9 =	smov.u32 @p2 s7;
	s8 =	simm.s32 @p4 $0x0;
	s10 =	sadd.s32 @!p2 $0x50C8, s10  }
0x107: {  	s7 =	smin.u32 @!p2 s8, $0xC7F8  }
0x108: {  	s8 =	sand.u32 @!p2 $0xFFF8, s7;
	s16 =	sand.u32 @!p2 $0x7, s7  }
0x109: {  	s3 =	sadd.s32 $0x1, s3;
	s11 =	sadd.s32 @!p2 s1, s8  }
.LBB2_15:
0x10a: {  	[tilespmem:s10], [sflag:$0x2] =	stream.linear.gather @!p2 [hbm4b:s11+s16], $0x40, $0x38;
	[tilespmem:$0x1EF88] =	vst v63  }
.Ltmp12:
0x10b: {  	s2 =	sshll.u32 s9, $0x6;
	(pc) =	sbr.rel .LBB2_16-.Ltmp12, $4  }
0x10c: {  	s3 =	simm.s32 $0x2;
	s2 =	sand.u32 $0x3FFFFFC0, s2  }
0x10d: {  	_ =	swait.ge [sflag:s3], s2  }
0x10e: {  	s2 =	ssub.s32 $0x0, s2;
	[sflag:s3] =	ssyncset.done $0x0  }
0x10f: {  	[sflag:s3] =	ssyncadd.s32 s2;
	s3 =	simm.s32 $0x0  }
.LBB2_17:
0x110: {  	v1 =	vld [tilespmem:s30+$0xFFFFFFE0];
	_ =	sdelay $0x4  }
0x111: {  	[tilespmem:s5+$0x88] =	vst.add.f32.msk $0xffff, v1  }
0x112: {  	v1 =	vld [tilespmem:s30+$0xFFFFFFF0];
	_ =	sdelay $0x4  }
0x113: {  	[tilespmem:s5+$0x98] =	vst.add.f32.msk $0xffff, v1  }
0x114: {  	v1 =	vld [tilespmem:s30+$0x0];
	_ =	sdelay $0x4  }
0x115: {  	[tilespmem:s5+$0xA8] =	vst.add.f32.msk $0xffff, v1  }
0x116: {  	v1 =	vld [tilespmem:s30+$0x10];
	_ =	sdelay $0x4  }
0x117: {  	[tilespmem:s5+$0xB8] =	vst.add.f32.msk $0xffff, v1  }
.LBB2_21:
0x118: {  	s31 =	sadd.s32 $0x1, s31  }
0x119: {  	p2 =	seq.s32 s31, $0x0  }
.Ltmp13:
0x11a: {  	_ = 	snop;
	(pc) =	sbr.rel @p2 .LBB2_22-.Ltmp13, $2  }
0x11b: {  	_ =	sdelay $0x2  }
0x11c: {  	s30 =	sadd.s32 $0x80, s30;
	s28 =	sadd.s32 $0x1, s28;
	s29 =	smov.u32 s2  }
.LBB2_16:
0x11d: {  	v1 =	vld.msk [tilespmem:s28+$0x0], $0x1;
	_ =	sdelay $0x4  }
0x11e: {  	(v2sf) =	vpush v1, $0x0;
	_ =	sdelay $0xe  }
0x11f: {  	s2 =	spop (v2sf)  }
0x120: {  	p2 =	sne.s32 s29, s2  }
.Ltmp14:
0x121: {  	_ = 	snop;
	(pc) =	sbr.rel @!p2 .LBB2_17-.Ltmp14, $3  }
0x122: {  	_ =	sdelay $0x1  }
0x123: {  	s5 =	sshll.u32 s26, $0x8  }
0x124: {  	s5 =	sshra.s32 s5, $0x2  }
0x125: {  	p2 =	seq.s32 s29, s4  }
.Ltmp15:
0x126: {  	_ = 	snop;
	(pc) =	sbr.rel @!p2 .LBB2_19-.Ltmp15, $1  }
0x127: {  	_ =	sdelay $0x3  }
.Ltmp16:
0x128: {  	s5 =	sadd.s32 $0x88, s5;
	(pc) =	sbr.rel .LBB2_20-.Ltmp16, $4  }
0x129: {  	[spmem:s18] =	stream.linear.scatter [tilespmem:s5], [sflag:$0x1], $0x40, $0x38;
	[tilespmem:$0x1EF88] =	vst v63  }
0x12a: {  	_ =	swait.ge [sflag:s13], $0x40  }
0x12b: {  	[sflag:s13] =	ssyncset.done $0x0  }
0x12c: {  	[sflag:s13] =	ssyncadd.s32 $0xFFFFFFC0  }
.LBB2_19:
0x12d: {  	s7 =	sshll.u32 s0, $0x8  }
0x12e: {  	s7 =	sshra.s32 s7, $0x2  }
0x12f: {  	v1 =	vld [tilespmem:s7+$0x50C8];
	_ =	sdelay $0x4  }
0x130: {  	[tilespmem:s5+$0x88] =	vst.add.f32.msk $0xffff, v1  }
0x131: {  	v1 =	vld [tilespmem:s7+$0x50D8];
	_ =	sdelay $0x4  }
0x132: {  	[tilespmem:s5+$0x98] =	vst.add.f32.msk $0xffff, v1  }
0x133: {  	v1 =	vld [tilespmem:s7+$0x50E8];
	_ =	sdelay $0x4  }
0x134: {  	[tilespmem:s5+$0xA8] =	vst.add.f32.msk $0xffff, v1  }
0x135: {  	v1 =	vld [tilespmem:s7+$0x50F8];
	_ =	sdelay $0x2  }
0x136: {  	p2 =	sgt.u32 s29, $0xC7F8  }
0x137: {  	s7 =	sand.u32 @!p2 $0xFFF8, s29  }
0x138: {  	s8 =	sadd.s32 $0x88, s5;
	[tilespmem:s5+$0xB8] =	vst.add.f32.msk $0xffff, v1;
	s5 =	sadd.s32 @!p2 s1, s7;
	s7 =	sand.u32 @!p2 $0x7, s29  }
0x139: {  	[hbm4b:s5+s7] =	stream.linear.scatter @!p2 [tilespmem:s8], [sflag:$0xC], $0x40, $0x38;
	[tilespmem:$0x1EF88] =	vst v63  }
0x13a: {  	s5 =	simm.s32 $0x0  }
0x13b: {  	s5 =	simm.s32 @!p2 $0x100  }
0x13c: {  	s3 =	sadd.s32 s5, s3  }
.LBB2_20:
0x13d: {  	s5 =	sadd.s32 $0x1, s26  }
0x13e: {  	s7 =	smulhi.u32 $0xCCCCCCCD, s5;
	_ =	sdelay $0x1  }
0x13f: {  	v1 =	vld [tilespmem:s30+$0xFFFFFFE0];
	s7 =	sshrl.u32 s7, $0x8  }
0x140: {  	s7 =	smul.u32 $0x140, s7;
	_ =	sdelay $0x1  }
0x141: {  	s26 =	ssub.s32 s5, s7  }
0x142: {  	s5 =	sshll.u32 s26, $0x6  }
0x143: {  	[tilespmem:s5+$0x88] =	vst v1  }
0x144: {  	v1 =	vld [tilespmem:s30+$0xFFFFFFF0];
	_ =	sdelay $0x4  }
0x145: {  	[tilespmem:s5+$0x98] =	vst v1  }
0x146: {  	v1 =	vld [tilespmem:s30+$0x0];
	_ =	sdelay $0x4  }
0x147: {  	[tilespmem:s5+$0xA8] =	vst v1  }
0x148: {  	v1 =	vld [tilespmem:s30+$0x10]  }
.Ltmp17:
0x149: {  	_ = 	snop;
	(pc) =	sbr.rel .LBB2_21-.Ltmp17, $2  }
0x14a: {  	_ =	sdelay $0x2  }
0x14b: {  	s0 =	sadd.s32 $0x1, s0;
	[tilespmem:s5+$0xB8] =	vst v1  }
.LBB2_23:
.Ltmp18:
0x14c: {  	(pc) =	sbr.rel .LBB2_24-.Ltmp18, $4  }
0x14d: {  	_ = 	snop  }
0x14e: {  	s0 =	simm.s32 $0x2  }
0x14f: {  	_ =	swait.ge [sflag:s0], $0x0  }
0x150: {  	s2 =	smov.u32 s29;
	[sflag:s0] =	ssyncset.done $0x0;
	s0 =	simm.s32 $0x0  }
.LBB2_26:
0x151: {  	_ =	sfence.sel $0x180000  }
0x152: {  	s0 =	simm.s32 $0x9;
	[bflag:$0x0] =	sbarrier.arrive $0xFFFF  }
0x153: {  	s24 =	simm.s32 $0xA;
	[sflag:s0] =	ssyncpa.u1 $0x1  }
0x154: {  	s25 =	simm.s32 $0xB;
	[sflag:s24] =	ssyncpa.u1 $0x1  }
0x155: {  	s26 =	simm.s32 $0x2;
	[sflag:s25] =	ssyncpa.u1 $0x1  }
0x156: {  	[sflag:s26] =	ssyncpa.u1 $0x1  }
0x157: {  	v0 =	vld [tilespmem:$0xA108];
	_ =	sdelay $0x4  }
0x158: {  	(v2sf) =	vpush v0, $0x0  }
0x159: {  	(v2sf) =	vpush v0, $0x1;
	_ =	sdelay $0x1  }
0x15a: {  	(v2sf) =	vpush v0, $0x2;
	_ =	sdelay $0xb  }
0x15b: {  	s0 =	spop (v2sf)  }
0x15c: {  	s2 =	spop (v2sf)  }
0x15d: {  	s3 =	smov.u32 s0;
	p0 =	sne.s32 s0, s2  }
0x15e: {  	s4 =	spop (v2sf);
	s3 =	simm.s32 @!p0 $0xFFFFFFFF  }
0x15f: {  	v2 =	vimm.s32 $0x1;
	v3 =	vlaneseq.u32;
	p0 =	seq.s32 s4, $0xFFFFFFFF;
	v1 =	vmov s3  }
0x160: {  	s14 =	stileid.u32;
	v0 =	vperm.xlane v0, v2;
	p1 =	sne.s32 @!p0 s0, s2;
	v1 =	vperm.xlane v1, v3  }
0x161: {  	vm0 =	vcmask $0x3F04;
	s6 =	simm.s32 $0xA108;
	s0 =	simm.s32 @!p0 $0x1;
	p1 =	por !p1, p0  }
0x162: {  	s3 =	sshll.u32 s14, $0x1;
	s2 =	sshll.u32 @!p0 s4, $0x8;
	s0 =	simm.s32 @p1 $0x0;
	v0 =	vsel vm0, v1, v0  }
0x163: {  	s5 =	sor.u32 $0x800, s3;
	s2 =	sshra.s32 @!p0 s2, $0x2;
	s0 =	sor.u32 @!p0 s0, s3;
	[tilespmem:$0xA108] =	vst v0  }
0x164: {  	[spmem:s5] =	stream.linear.scatter [tilespmem:s6], [sflag:$0x1], $0x2, $0x38;
	[tilespmem:$0x1EF88] =	vst v63  }
0x165: {  	s2 =	sadd.s32 @!p0 $0x88, s2;
	s0 =	sshll.u32 @!p0 s0, $0x6  }
0x166: {  	[spmem:s0] =	stream.linear.scatter @!p0 [tilespmem:s2], [sflag:$0x1], $0x40, $0x38;
	[tilespmem:$0x1EF88] =	vst v63  }
0x167: {  	s0 =	simm.s32 @!p0 $0x42  }
0x168: {  	s28 =	simm.s32 $0x1;
	s0 =	simm.s32 @p0 $0x2  }
0x169: {  	_ =	swait.ge [sflag:s28], s0  }
0x16a: {  	s0 =	ssub.s32 $0x0, s0;
	[sflag:s28] =	ssyncset.done $0x0  }
0x16b: {  	p0 =	sne.s32 s14, $0x0;
	[sflag:s28] =	ssyncadd.s32 s0  }
.Ltmp19:
0x16c: {  	_ =	sfence.stream.spmem;
	(pc) =	sbr.rel @p0 .LBB2_43-.Ltmp19, $4  }
0x16d: {  	s29 =	simm.s32 $0x3;
	[bflag:$0x0] =	sbarrier.arrive $0xFFFF  }
0x16e: {  	s30 =	simm.s32 $0x4;
	[sflag:s29] =	ssyncpa.u1 $0x1  }
0x16f: {  	s31 =	simm.s32 $0x3C;
	[sflag:s30] =	ssyncpa.u1 $0x1  }
0x170: {  	s13 =	rddreg [dreg:$0x5];
	[sflag:s31] =	ssyncpa.u1 $0x1  }
0x171: {  	_ =	sfence.stream.spmem;
	s0 =	simm.s32 $0x5  }
0x172: {  	s2 =	simm.s32 $0x800;
	s3 =	simm.s32 $0xA118;
	[sflag:s0] =	ssyncpa.u1 $0x0  }
0x173: {  	[tilespmem:s3], [sflag:$0x5] =	stream.linear.gather [spmem:s2], $0x20, $0x38;
	[tilespmem:$0x1EF88] =	vst v63  }
0x174: {  	s26 =	simm.s32 $0x0;
	s28 =	simm.s32 $0xA138  }
0x175: {  	[tilespmem:s28], [sflag:$0x5] =	stream.linear.gather [spmem:s26], $0x800, $0x38;
	[tilespmem:$0x1EF88] =	vst v63  }
0x176: {  	_ =	swait.ge [sflag:s0], $0x820  }
0x177: {  	[sflag:s0] =	ssyncset.done $0x0  }
0x178: {  	s29 =	simm.s32 $0x0;
	[sflag:s0] =	ssyncadd.s32 $0xFFFFF7E0  }
0x179: {  	v0 =	vld.msk [tilespmem:s29+$0xA118], $0x1;
	_ =	sdelay $0x1  }
0x17a: {  	s30 =	simm.s32 $0x1  }
0x17b: {  	v1 =	vld.msk [tilespmem:s30+$0xA118], $0x1;
	_ =	sdelay $0x1  }
0x17c: {  	(v2sf) =	vpush v0, $0x0;
	_ =	sdelay $0x2  }
0x17d: {  	(v2sf) =	vpush v1, $0x0;
	_ =	sdelay $0x2  }
0x17e: {  	s31 =	simm.s32 $0x2  }
0x17f: {  	v0 =	vld.msk [tilespmem:s31+$0xA118], $0x1;
	_ =	sdelay $0x2  }
0x180: {  	s2 =	simm.s32 $0xFFFFFFFF;
	s3 =	simm.s32 $0xFFFFFFFF;
	s0 =	simm.s32 $0xC  }
.LBB2_28:
0x181: {  	s4 =	smov.u32 s3;
	s5 =	smov.u32 s2  }
0x182: {  	s2 =	sshra.s32 s0, $0x2;
	p1 =	sne.s32 s0, $0x7C;
	s0 =	sadd.s32 $0x4, s0;
	(v2sf) =	vpush v0, $0x0  }
0x183: {  	v0 =	vld.msk [tilespmem:s2+$0xA118], $0x1  }
.Ltmp20:
0x184: {  	(pc) =	sbr.rel @p1 .LBB2_28-.Ltmp20, $4  }
0x185: {  	s3 =	spop (v2sf)  }
0x186: {  	p2 =	sne.s32 s5, $0xFFFFFFFF;
	s2 =	smov.u32 s3  }
0x187: {  	p3 =	seq.s32 s3, $0xFFFFFFFF;
	s2 =	smov.u32 @p2 s5  }
0x188: {  	s3 =	smov.u32 @p3 s4;
	s2 =	smov.u32 @p3 s5  }
0x189: {  	(v2sf) =	vpush v0, $0x0;
	_ =	sdelay $0x8  }
0x18a: {  	s0 =	spop (v2sf)  }
0x18b: {  	p1 =	sne.s32 s2, $0xFFFFFFFF;
	s4 =	smov.u32 s0  }
0x18c: {  	s6 =	simm.s32 $0x0;
	p2 =	seq.s32 s0, $0xFFFFFFFF;
	s4 =	smov.u32 @p1 s2  }
0x18d: {  	s9 =	simm.s32 $0xA0C8;
	s4 =	smov.u32 @p2 s2;
	s2 =	spop (v2sf)  }
0x18e: {  	s0 =	smov.u32 @p2 s3;
	p1 =	sne.s32 s4, $0xFFFFFFFF;
	s5 =	smov.u32 s2  }
.Ltmp21:
0x18f: {  	p2 =	seq.s32 s2, $0xFFFFFFFF;
	s5 =	smov.u32 @p1 s4;
	(pc) =	sbr.rel .LBB2_30-.Ltmp21, $4  }
0x190: {  	s10 =	simm.s32 $0x0;
	s5 =	smov.u32 @p2 s4;
	s7 =	spop (v2sf)  }
0x191: {  	s2 =	smov.u32 @p2 s0;
	p1 =	sne.s32 s5, $0xFFFFFFFF;
	s8 =	smov.u32 s7  }
0x192: {  	s0 =	simm.s32 $0x6;
	p2 =	seq.s32 s7, $0xFFFFFFFF;
	s8 =	smov.u32 @p1 s5  }
0x193: {  	[sflag:s0] =	ssyncpa.u1 $0x0;
	s7 =	smov.u32 @p2 s2;
	s8 =	smov.u32 @p2 s5  }
.LBB2_36:
0x194: {  	p1 =	sgt.u32 s2, $0xC7F8  }
0x195: {  	p2 =	seq.s32 @!p1 s2, s8  }
0x196: {  	p1 =	por p1, p2  }
0x197: {  	p2 =	sne.s32 @!p1 s2, s7  }
0x198: {  	p1 =	por p1, !p2  }
0x199: {  	s2 =	sshll.u32 @p1 s10, $0x8  }
0x19a: {  	s3 =	sand.u32 @!p1 $0xFFF8, s2  }
0x19b: {  	s2 =	sand.u32 @!p1 $0x7, s2;
	s3 =	sadd.s32 @!p1 s1, s3  }
0x19c: {  	[tilespmem:s9], [sflag:$0x6] =	stream.linear.gather @!p1 [hbm4b:s3+s2], $0x40, $0x38;
	[tilespmem:$0x1EF88] =	vst v63  }
0x19d: {  	_ =	swait.ge @!p1 [sflag:s0], $0x40  }
0x19e: {  	[sflag:s0] =	ssyncset.done @!p1 $0x0  }
0x19f: {  	[sflag:s0] =	ssyncadd.s32 @!p1 $0xFFFFFFC0  }
0x1a0: {  	v1 =	vld @!p1 [tilespmem:$0xA0C8];
	_ =	sdelay $0x2  }
0x1a1: {  	s2 =	sshll.u32 @!p1 s10, $0x8  }
0x1a2: {  	s3 =	sshrl.u32 @!p1 s2, $0x2  }
0x1a3: {  	[tilespmem:s3+$0xA138] =	vst.add.f32.msk @!p1 $0xffff, v1  }
0x1a4: {  	v1 =	vld @!p1 [tilespmem:$0xA0D8];
	_ =	sdelay $0x4  }
0x1a5: {  	[tilespmem:s3+$0xA148] =	vst.add.f32.msk @!p1 $0xffff, v1  }
0x1a6: {  	v1 =	vld @!p1 [tilespmem:$0xA0E8];
	_ =	sdelay $0x4  }
0x1a7: {  	[tilespmem:s3+$0xA158] =	vst.add.f32.msk @!p1 $0xffff, v1  }
0x1a8: {  	v1 =	vld @!p1 [tilespmem:$0xA0F8];
	_ =	sdelay $0x4  }
0x1a9: {  	[tilespmem:s3+$0xA168] =	vst.add.f32.msk @!p1 $0xffff, v1  }
0x1aa: {  	s2 =	sshrl.u32 s2, $0x2;
	[tilespmem:s6+$0xA118] =	vst.msk $0x1, v0  }
0x1ab: {  	v0 =	vld [tilespmem:s2+$0xA138];
	_ =	sdelay $0x2  }
0x1ac: {  	s31 =	sshll.u32 s6, $0x8  }
0x1ad: {  	s3 =	sshra.s32 s31, $0x2  }
0x1ae: {  	[tilespmem:s3+$0xA138] =	vst v0  }
0x1af: {  	v0 =	vld [tilespmem:s2+$0xA148];
	_ =	sdelay $0x4  }
0x1b0: {  	[tilespmem:s3+$0xA148] =	vst v0  }
0x1b1: {  	v0 =	vld [tilespmem:s2+$0xA158];
	_ =	sdelay $0x4  }
0x1b2: {  	[tilespmem:s3+$0xA158] =	vst v0  }
0x1b3: {  	v0 =	vld [tilespmem:s2+$0xA168];
	_ =	sdelay $0x4  }
0x1b4: {  	s6 =	sadd.s32 $0x1, s6;
	[tilespmem:s3+$0xA168] =	vst v0  }
.LBB2_37:
0x1b5: {  	s10 =	sadd.s32 $0x1, s10  }
0x1b6: {  	p1 =	sne.s32 s10, $0x20  }
.Ltmp22:
0x1b7: {  	_ = 	snop;
	(pc) =	sbr.rel @!p1 .LBB2_38-.Ltmp22, $1  }
0x1b8: {  	_ =	sdelay $0x3  }
.LBB2_30:
0x1b9: {  	v0 =	vld.msk [tilespmem:s10+$0xA118], $0x1;
	_ =	sdelay $0x4  }
0x1ba: {  	(v2sf) =	vpush v0, $0x0;
	_ =	sdelay $0xe  }
0x1bb: {  	s2 =	spop (v2sf)  }
0x1bc: {  	p1 =	seq.s32 s2, $0xFFFFFFFF  }
.Ltmp23:
0x1bd: {  	_ = 	snop;
	(pc) =	sbr.rel @p1 .LBB2_37-.Ltmp23, $1  }
0x1be: {  	_ =	sdelay $0x3  }
0x1bf: {  	p1 =	slt.s32 s6, $0x1  }
.Ltmp24:
0x1c0: {  	_ = 	snop;
	(pc) =	sbr.rel @p1 .LBB2_36-.Ltmp24, $1  }
0x1c1: {  	_ =	sdelay $0x3  }
0x1c2: {  	s3 =	simm.s32 $0xA118;
	p1 =	por $0x0, $0x0  }
0x1c3: {  	v1 =	vld.msk @!p1 [tilespmem:s3+$0x0], $0x1;
	_ =	sdelay $0x4  }
0x1c4: {  	(v2sf) =	vpush @!p1 v1, $0x0;
	_ =	sdelay $0xd  }
0x1c5: {  	p3 =	sne.s32 s6, $0x1  }
.Ltmp25:
0x1c6: {  	s4 =	spop @!p1 (v2sf);
	(pc) =	sbr.rel @!p3 .LBB2_34-.Ltmp25, $4  }
0x1c7: {  	p2 =	seq.s32 @!p1 s2, s4  }
0x1c8: {  	s4 =	simm.s32 $0x0;
	p2 =	por !p2, p1  }
0x1c9: {  	s11 =	simm.s32 $0xFFFFFFFF;
	s4 =	simm.s32 @p2 $0xFFFFFFFF  }
0x1ca: {  	s5 =	simm.s32 $0x1;
	s4 =	smov.u32 @p1 s11  }
.LBB2_33:
0x1cb: {  	s11 =	smov.u32 s4;
	p1 =	sne.s32 s4, $0xFFFFFFFF  }
0x1cc: {  	s3 =	sadd.s32 $0x1, s3;
	s4 =	smov.u32 s5;
	s5 =	sadd.s32 $0x1, s5  }
0x1cd: {  	p2 =	sne.s32 s6, s5;
	v1 =	vld.msk @!p1 [tilespmem:s3+$0x0], $0x1;
	_ =	sdelay $0x4  }
0x1ce: {  	(v2sf) =	vpush @!p1 v1, $0x0;
	_ =	sdelay $0xe  }
.Ltmp26:
0x1cf: {  	s12 =	spop @!p1 (v2sf);
	(pc) =	sbr.rel @p2 .LBB2_33-.Ltmp26, $4  }
0x1d0: {  	p3 =	seq.s32 @!p1 s2, s12  }
0x1d1: {  	p3 =	por !p3, p1  }
0x1d2: {  	s4 =	simm.s32 @p3 $0xFFFFFFFF  }
0x1d3: {  	s4 =	smov.u32 @p1 s11  }
.LBB2_34:
0x1d4: {  	p1 =	seq.s32 s4, $0xFFFFFFFF  }
.Ltmp27:
0x1d5: {  	_ = 	snop;
	(pc) =	sbr.rel @p1 .LBB2_36-.Ltmp27, $1  }
0x1d6: {  	_ =	sdelay $0x3  }
0x1d7: {  	s2 =	sshll.u32 s10, $0x6  }
0x1d8: {  	s2 =	sand.u32 $0x3FFFFFC0, s2  }
0x1d9: {  	v0 =	vld [tilespmem:s2+$0xA138];
	_ =	sdelay $0x2  }
0x1da: {  	s3 =	sshll.u32 s4, $0x8  }
0x1db: {  	s3 =	sshra.s32 s3, $0x2  }
0x1dc: {  	[tilespmem:s3+$0xA138] =	vst.add.f32.msk $0xffff, v0  }
0x1dd: {  	v0 =	vld [tilespmem:s2+$0xA148];
	_ =	sdelay $0x4  }
0x1de: {  	[tilespmem:s3+$0xA148] =	vst.add.f32.msk $0xffff, v0  }
0x1df: {  	v0 =	vld [tilespmem:s2+$0xA158];
	_ =	sdelay $0x4  }
0x1e0: {  	[tilespmem:s3+$0xA158] =	vst.add.f32.msk $0xffff, v0  }
0x1e1: {  	v0 =	vld [tilespmem:s2+$0xA168]  }
.Ltmp28:
0x1e2: {  	_ = 	snop;
	(pc) =	sbr.rel .LBB2_37-.Ltmp28, $2  }
0x1e3: {  	_ =	sdelay $0x2  }
0x1e4: {  	[tilespmem:s3+$0xA168] =	vst.add.f32.msk $0xffff, v0  }
.LBB2_38:
0x1e5: {  	s0 =	simm.s32 $0x6;
	p1 =	seq.s32 s6, $0x0  }
0x1e6: {  	[sflag:s0] =	ssyncpa.u1 $0x1;
	v0 =	vimm.s32 @p1 $0xFFFFFFFF  }
0x1e7: {  	s0 =	sadd.s32 $0xFFFFFFFF, s6;
	[tilespmem:$0xA938] =	vst @p1 v0  }
0x1e8: {  	v0 =	vld.msk @!p1 [tilespmem:s0+$0xA118], $0x1;
	_ =	sdelay $0x1  }
0x1e9: {  	v1 =	vld.msk @!p1 [tilespmem:$0xA118], $0x1;
	_ =	sdelay $0x2  }
0x1ea: {  	p2 =	seq.s32 @!p1 s0, $0x0;
	v0 =	vbroadcast @!p1 v0, $0x0  }
0x1eb: {  	vm0 =	vmmov @!p1 $0x1;
	p2 =	por !p2, p1  }
0x1ec: {  	v1 =	vnsel @!p1 vm0, $0xFFFFFFFF, v1;
	vm0 =	vcmask @!p1 $0x308;
	v0 =	vpsel !p2, $0xFFFFFFFF, v0  }
0x1ed: {  	p2 =	sne.s32 @!p1 s8, s7;
	v0 =	vsel @!p1 vm0, v1, v0  }
0x1ee: {  	s2 =	simm.s32 @!p1 $0xA138;
	s3 =	simm.s32 @!p1 $0x0;
	p3 =	por !p2, p1;
	[tilespmem:$0xA938] =	vst @!p1 v0  }
0x1ef: {  	[spmem:s3] =	stream.linear.scatter @!p1 [tilespmem:s2], [sflag:$0x1], $0x40, $0x38;
	[tilespmem:$0x1EF88] =	vst v63  }
0x1f0: {  	s2 =	sshll.u32 @!p3 s0, $0x8  }
0x1f1: {  	s2 =	sshra.s32 @!p3 s2, $0x2  }
0x1f2: {  	s3 =	simm.s32 @!p3 $0x40;
	s2 =	sadd.s32 @!p3 $0xA138, s2  }
0x1f3: {  	[spmem:s3] =	stream.linear.scatter @!p3 [tilespmem:s2], [sflag:$0x1], $0x40, $0x38;
	[tilespmem:$0x1EF88] =	vst v63  }
0x1f4: {  	s2 =	simm.s32 @!p3 $0x1  }
0x1f5: {  	_ =	swait.ge @!p3 [sflag:s2], $0x80  }
0x1f6: {  	p1 =	por p2, p1;
	[sflag:s2] =	ssyncset.done @!p3 $0x0  }
0x1f7: {  	[sflag:s2] =	ssyncadd.s32 @!p3 $0xFFFFFF80;
	s2 =	simm.s32 @!p1 $0x1  }
0x1f8: {  	_ =	swait.ge @!p1 [sflag:s2], $0x40  }
0x1f9: {  	s29 =	simm.s32 $0xA938;
	[sflag:s2] =	ssyncset.done @!p1 $0x0  }
0x1fa: {  	s30 =	simm.s32 $0x800;
	s31 =	simm.s32 $0x1;
	[sflag:s2] =	ssyncadd.s32 @!p1 $0xFFFFFFC0  }
0x1fb: {  	[spmem:s30] =	stream.linear.scatter [tilespmem:s29], [sflag:$0x1], $0x10, $0x38;
	[tilespmem:$0x1EF88] =	vst v63  }
0x1fc: {  	_ =	swait.ge [sflag:s31], $0x10  }
0x1fd: {  	[sflag:s31] =	ssyncset.done $0x0  }
0x1fe: {  	p1 =	seq.s32 s13, $0x0;
	s9 =	rddreg [dreg:$0x2];
	[sflag:s31] =	ssyncadd.s32 $0xFFFFFFF0  }
0x1ff: {  	s3 =	sshll.u32 @p1 s9, $0xE;
	s8 =	rddreg [dreg:$0x3]  }
0x200: {  	s2 =	sadd.s32 @p1 $0x15C3C, s3;
	s3 =	sshll.u32 @p1 s8, $0x11  }
0x201: {  	_ =	sfence.stream.spmem;
	s2 =	sor.u32 @p1 s3, s2  }
0x202: {  	[sflag:s2] =	ssyncadd.remote.s32 @p1 $0x1;
	s2 =	simm.s32 @p1 $0x4  }
0x203: {  	s4 =	simm.s32 @!p1 $0x3C;
	s3 =	sand.u32 $0xFFFFFFFE, s9;
	_ =	swait.ge @p1 [sflag:s2], $0x12  }
0x204: {  	s5 =	simm.s32 @!p1 $0x0;
	s3 =	sadd.s32 @!p1 $0x4, s3;
	[sflag:s2] =	ssyncset.done @p1 $0x0  }
0x205: {  	s7 =	simm.s32 @!p1 $0x80;
	[sflag:s2] =	ssyncadd.s32 @p1 $0xFFFFFFEE;
	s2 =	sshll.u32 @!p1 s3, $0x1A  }
0x206: {  	s3 =	sshll.u32 @!p1 s3, $0xD;
	s2 =	sor.u32 @!p1 s2, s8;
	_ =	swait.eq @!p1 [sflag:s4], $0x1  }
0x207: {  	s3 =	sor.u32 @!p1 $0x1C04, s3;
	s4 =	simm.s32 @!p1 $0x1C03;
	s2 =	sor.u32 @!p1 $0x80004000, s2  }
0x208: {  	[spmem:s7], [sflag:s3] =	dma.general @!p1 [spmem:s5], [sflag:s4], length:$0x10, [dreg:$0x0], stride_count:$0x0, ici_dest:s2, dma_misc:DstOpCode:WRITE  }
0x209: {  	p2 =	slt.s32 s0, $0x2;
	s5 =	simm.s32 @!p1 $0x100;
	s7 =	simm.s32 @!p1 $0x102  }
0x20a: {  	[spmem:s7], [sflag:s3] =	dma.general @!p1 [spmem:s5], [sflag:s4], length:$0x2, [dreg:$0x0], stride_count:$0x0, ici_dest:s2, dma_misc:DstOpCode:WRITE  }
.Ltmp29:
0x20b: {  	s2 =	simm.s32 @!p1 $0x3;
	(pc) =	sbr.rel @p2 .LBB2_42-.Ltmp29, $4  }
0x20c: {  	s3 =	sshll.u32 @!p1 s9, $0xE;
	_ =	swait.ge @!p1 [sflag:s2], $0x12  }
0x20d: {  	s4 =	sshll.u32 @!p1 s8, $0x11;
	s3 =	sadd.s32 @!p1 $0x11C3C, s3;
	[sflag:s2] =	ssyncset.done @!p1 $0x0  }
0x20e: {  	[sflag:s2] =	ssyncadd.s32 @!p1 $0xFFFFFFEE;
	s2 =	sor.u32 @!p1 s4, s3  }
0x20f: {  	s0 =	simm.s32 $0x0;
	[sflag:s2] =	ssyncadd.remote.s32 @!p1 $0xFFFFFFFF  }
0x210: {  	s0 =	simm.s32 $0xA119  }
0x211: {  	v0 =	vld.msk [tilespmem:s0+$0x0], $0x1;
	_ =	sdelay $0x4  }
0x212: {  	(v2sf) =	vpush v0, $0x0;
	_ =	sdelay $0xc  }
0x213: {  	s2 =	sadd.s32 $0xFFFFFFFE, s6  }
0x214: {  	s2 =	sadd.s32 $0xFFFFFFFF, s2  }
0x215: {  	p2 =	sne.s32 s2, $0x0;
	s3 =	spop (v2sf)  }
.Ltmp30:
0x216: {  	p1 =	sgt.u32 s3, $0xC7F8;
	(pc) =	sbr.rel @!p2 .LBB2_41-.Ltmp30, $4  }
0x217: {  	s5 =	simm.s32 $0x0;
	s4 =	sand.u32 @!p1 $0xFFF8, s3  }
0x218: {  	s0 =	simm.s32 $0xA178;
	s3 =	sand.u32 @!p1 $0x7, s3;
	s4 =	sadd.s32 @!p1 s1, s4  }
0x219: {  	[hbm4b:s4+s3] =	stream.linear.scatter @!p1 [tilespmem:s0], [sflag:$0x5], $0x40, $0x38;
	[tilespmem:$0x1EF88] =	vst v63  }
0x21a: {  	s5 =	simm.s32 @!p1 $0x100;
	s3 =	simm.s32 $0x0;
	s4 =	simm.s32 $0xA11A  }
.LBB2_40:
0x21b: {  	v0 =	vld.msk [tilespmem:s4+$0x0], $0x1;
	s2 =	sadd.s32 $0xFFFFFFFF, s2;
	s3 =	sadd.s32 s3, s5  }
0x21c: {  	p1 =	sne.s32 s2, $0x0;
	_ =	sdelay $0x3  }
0x21d: {  	(v2sf) =	vpush v0, $0x0;
	_ =	sdelay $0xe  }
.Ltmp31:
0x21e: {  	s6 =	spop (v2sf);
	(pc) =	sbr.rel @p1 .LBB2_40-.Ltmp31, $4  }
0x21f: {  	s5 =	simm.s32 $0x0;
	p2 =	sgt.u32 s6, $0xC7F8  }
0x220: {  	s0 =	sadd.s32 $0x40, s0;
	s5 =	simm.s32 @!p2 $0x100;
	s7 =	sand.u32 @!p2 $0xFFF8, s6  }
0x221: {  	s4 =	sadd.s32 $0x1, s4;
	s6 =	sand.u32 @!p2 $0x7, s6;
	s7 =	sadd.s32 @!p2 s1, s7  }
0x222: {  	[hbm4b:s7+s6] =	stream.linear.scatter @!p2 [tilespmem:s0], [sflag:$0x5], $0x40, $0x38;
	[tilespmem:$0x1EF88] =	vst v63  }
.LBB2_41:
0x223: {  	s0 =	sadd.s32 s3, s5  }
0x224: {  	s0 =	sshrl.u32 s0, $0x2  }
.LBB2_42:
0x225: {  	s2 =	simm.s32 $0x5  }
0x226: {  	_ =	swait.ge [sflag:s2], s0  }
0x227: {  	s31 =	ssub.s32 $0x0, s0;
	[sflag:s2] =	ssyncset.done $0x0  }
0x228: {  	[sflag:s2] =	ssyncadd.s32 s31  }
0x229: {  	[sflag:s2] =	ssyncpa.u1 $0x1  }
.LBB2_43:
0x22a: {  	s0 =	sor.u32 s13, s14  }
0x22b: {  	p1 =	sne.s32 s0, $0x0  }
.Ltmp32:
0x22c: {  	_ = 	snop;
	(pc) =	sbr.rel @p1 .LBB2_58-.Ltmp32, $3  }
0x22d: {  	_ =	sdelay $0x1  }
0x22e: {  	[bflag:$0x0] =	sbarrier.arrive $0xFFFF  }
0x22f: {  	_ =	sfence  }
0x230: {  	s2 =	simm.s32 $0x7  }
0x231: {  	s0 =	simm.s32 $0x800;
	s3 =	simm.s32 $0xA118;
	[sflag:s2] =	ssyncpa.u1 $0x0  }
0x232: {  	[tilespmem:s3], [sflag:$0x7] =	stream.linear.gather [spmem:s0], $0x20, $0x38;
	[tilespmem:$0x1EF88] =	vst v63  }
0x233: {  	s30 =	simm.s32 $0xA138;
	s0 =	simm.s32 $0x0  }
0x234: {  	[tilespmem:s30], [sflag:$0x7] =	stream.linear.gather [spmem:s0], $0x800, $0x38;
	[tilespmem:$0x1EF88] =	vst v63  }
.Ltmp33:
0x235: {  	_ = 	snop;
	(pc) =	sbr.rel .LBB2_45-.Ltmp33, $4  }
0x236: {  	_ =	swait.ge [sflag:s2], $0x820  }
0x237: {  	[sflag:s2] =	ssyncset.done $0x0  }
0x238: {  	s31 =	simm.s32 $0x8;
	[sflag:s2] =	ssyncadd.s32 $0xFFFFF7E0  }
0x239: {  	s2 =	simm.s32 $0x0;
	[sflag:s31] =	ssyncpa.u1 $0x0  }
.LBB2_51:
0x23a: {  	p1 =	slt.u32 s3, $0xC7F9  }
0x23b: {  	s4 =	sand.u32 @p1 $0xFFF8, s3  }
0x23c: {  	s3 =	sand.u32 @p1 $0x7, s3;
	s5 =	simm.s32 @p1 $0xA0C8;
	s4 =	sadd.s32 @p1 s1, s4  }
0x23d: {  	[tilespmem:s5], [sflag:$0x8] =	stream.linear.gather @p1 [hbm4b:s4+s3], $0x40, $0x38;
	[tilespmem:$0x1EF88] =	vst v63  }
0x23e: {  	s3 =	simm.s32 @p1 $0x8  }
0x23f: {  	_ =	swait.ge @p1 [sflag:s3], $0x40  }
0x240: {  	[sflag:s3] =	ssyncset.done @p1 $0x0  }
0x241: {  	[sflag:s3] =	ssyncadd.s32 @p1 $0xFFFFFFC0  }
0x242: {  	v1 =	vld @p1 [tilespmem:$0xA0C8];
	_ =	sdelay $0x2  }
0x243: {  	s3 =	sshll.u32 @p1 s2, $0x8  }
0x244: {  	s4 =	sshrl.u32 @p1 s3, $0x2  }
0x245: {  	[tilespmem:s4+$0xA138] =	vst.add.f32.msk @p1 $0xffff, v1  }
0x246: {  	v1 =	vld @p1 [tilespmem:$0xA0D8];
	_ =	sdelay $0x4  }
0x247: {  	[tilespmem:s4+$0xA148] =	vst.add.f32.msk @p1 $0xffff, v1  }
0x248: {  	v1 =	vld @p1 [tilespmem:$0xA0E8];
	_ =	sdelay $0x4  }
0x249: {  	[tilespmem:s4+$0xA158] =	vst.add.f32.msk @p1 $0xffff, v1  }
0x24a: {  	v1 =	vld @p1 [tilespmem:$0xA0F8];
	_ =	sdelay $0x3  }
0x24b: {  	s5 =	sshll.u32 @!p1 s2, $0x8  }
0x24c: {  	s5 =	smov.u32 @p1 s3;
	[tilespmem:s4+$0xA168] =	vst.add.f32.msk @p1 $0xffff, v1  }
0x24d: {  	s3 =	sshrl.u32 s5, $0x2;
	[tilespmem:s0+$0xA118] =	vst.msk $0x1, v0  }
0x24e: {  	v0 =	vld [tilespmem:s3+$0xA138];
	_ =	sdelay $0x2  }
0x24f: {  	s31 =	sshll.u32 s0, $0x8  }
0x250: {  	s4 =	sshra.s32 s31, $0x2  }
0x251: {  	[tilespmem:s4+$0xA138] =	vst v0  }
0x252: {  	v0 =	vld [tilespmem:s3+$0xA148];
	_ =	sdelay $0x4  }
0x253: {  	[tilespmem:s4+$0xA148] =	vst v0  }
0x254: {  	v0 =	vld [tilespmem:s3+$0xA158];
	_ =	sdelay $0x4  }
0x255: {  	[tilespmem:s4+$0xA158] =	vst v0  }
0x256: {  	v0 =	vld [tilespmem:s3+$0xA168];
	_ =	sdelay $0x4  }
0x257: {  	s0 =	sadd.s32 $0x1, s0;
	[tilespmem:s4+$0xA168] =	vst v0  }
.LBB2_52:
0x258: {  	s2 =	sadd.s32 $0x1, s2  }
0x259: {  	p1 =	sne.s32 s2, $0x20  }
.Ltmp34:
0x25a: {  	_ = 	snop;
	(pc) =	sbr.rel @!p1 .LBB2_53-.Ltmp34, $1  }
0x25b: {  	_ =	sdelay $0x3  }
.LBB2_45:
0x25c: {  	v0 =	vld.msk [tilespmem:s2+$0xA118], $0x1;
	_ =	sdelay $0x4  }
0x25d: {  	(v2sf) =	vpush v0, $0x0;
	_ =	sdelay $0xe  }
0x25e: {  	s3 =	spop (v2sf)  }
0x25f: {  	p1 =	seq.s32 s3, $0xFFFFFFFF  }
.Ltmp35:
0x260: {  	_ = 	snop;
	(pc) =	sbr.rel @p1 .LBB2_52-.Ltmp35, $1  }
0x261: {  	_ =	sdelay $0x3  }
0x262: {  	p1 =	slt.s32 s0, $0x1  }
.Ltmp36:
0x263: {  	_ = 	snop;
	(pc) =	sbr.rel @p1 .LBB2_51-.Ltmp36, $1  }
0x264: {  	_ =	sdelay $0x3  }
0x265: {  	s4 =	simm.s32 $0xA118;
	p1 =	por $0x0, $0x0  }
0x266: {  	v1 =	vld.msk @!p1 [tilespmem:s4+$0x0], $0x1;
	_ =	sdelay $0x4  }
0x267: {  	(v2sf) =	vpush @!p1 v1, $0x0;
	_ =	sdelay $0xd  }
0x268: {  	p3 =	sne.s32 s0, $0x1  }
.Ltmp37:
0x269: {  	s5 =	spop @!p1 (v2sf);
	(pc) =	sbr.rel @!p3 .LBB2_49-.Ltmp37, $4  }
0x26a: {  	p2 =	seq.s32 @!p1 s3, s5  }
0x26b: {  	s5 =	simm.s32 $0x0;
	p2 =	por !p2, p1  }
0x26c: {  	s7 =	simm.s32 $0xFFFFFFFF;
	s5 =	simm.s32 @p2 $0xFFFFFFFF  }
0x26d: {  	s6 =	simm.s32 $0x1;
	s5 =	smov.u32 @p1 s7  }
.LBB2_48:
0x26e: {  	s7 =	smov.u32 s5;
	p1 =	sne.s32 s5, $0xFFFFFFFF  }
0x26f: {  	s4 =	sadd.s32 $0x1, s4;
	s5 =	smov.u32 s6;
	s6 =	sadd.s32 $0x1, s6  }
0x270: {  	p2 =	sne.s32 s0, s6;
	v1 =	vld.msk @!p1 [tilespmem:s4+$0x0], $0x1;
	_ =	sdelay $0x4  }
0x271: {  	(v2sf) =	vpush @!p1 v1, $0x0;
	_ =	sdelay $0xe  }
.Ltmp38:
0x272: {  	s8 =	spop @!p1 (v2sf);
	(pc) =	sbr.rel @p2 .LBB2_48-.Ltmp38, $4  }
0x273: {  	p3 =	seq.s32 @!p1 s3, s8  }
0x274: {  	p3 =	por !p3, p1  }
0x275: {  	s5 =	simm.s32 @p3 $0xFFFFFFFF  }
0x276: {  	s5 =	smov.u32 @p1 s7  }
.LBB2_49:
0x277: {  	p1 =	seq.s32 s5, $0xFFFFFFFF  }
.Ltmp39:
0x278: {  	_ = 	snop;
	(pc) =	sbr.rel @p1 .LBB2_51-.Ltmp39, $1  }
0x279: {  	_ =	sdelay $0x3  }
0x27a: {  	s3 =	sshll.u32 s2, $0x6  }
0x27b: {  	s3 =	sand.u32 $0x3FFFFFC0, s3  }
0x27c: {  	v0 =	vld [tilespmem:s3+$0xA138];
	_ =	sdelay $0x2  }
0x27d: {  	s4 =	sshll.u32 s5, $0x8  }
0x27e: {  	s4 =	sshra.s32 s4, $0x2  }
0x27f: {  	[tilespmem:s4+$0xA138] =	vst.add.f32.msk $0xffff, v0  }
0x280: {  	v0 =	vld [tilespmem:s3+$0xA148];
	_ =	sdelay $0x4  }
0x281: {  	[tilespmem:s4+$0xA148] =	vst.add.f32.msk $0xffff, v0  }
0x282: {  	v0 =	vld [tilespmem:s3+$0xA158];
	_ =	sdelay $0x4  }
0x283: {  	[tilespmem:s4+$0xA158] =	vst.add.f32.msk $0xffff, v0  }
0x284: {  	v0 =	vld [tilespmem:s3+$0xA168]  }
.Ltmp40:
0x285: {  	_ = 	snop;
	(pc) =	sbr.rel .LBB2_52-.Ltmp40, $2  }
0x286: {  	_ =	sdelay $0x2  }
0x287: {  	[tilespmem:s4+$0xA168] =	vst.add.f32.msk $0xffff, v0  }
.LBB2_53:
0x288: {  	p1 =	slt.s32 s0, $0x1  }
.Ltmp41:
0x289: {  	_ = 	snop;
	(pc) =	sbr.rel @p1 .LBB2_57-.Ltmp41, $3  }
0x28a: {  	_ =	sdelay $0x1  }
0x28b: {  	s2 =	simm.s32 $0x8  }
0x28c: {  	[sflag:s2] =	ssyncpa.u1 $0x1;
	s2 =	simm.s32 $0x0  }
0x28d: {  	s3 =	simm.s32 $0xA118  }
0x28e: {  	v0 =	vld.msk [tilespmem:s3+$0x0], $0x1;
	_ =	sdelay $0x4  }
0x28f: {  	(v2sf) =	vpush v0, $0x0;
	_ =	sdelay $0xe  }
0x290: {  	s0 =	sadd.s32 $0xFFFFFFFF, s0;
	s4 =	spop (v2sf)  }
0x291: {  	p2 =	sne.s32 s0, $0x0;
	p1 =	sgt.u32 s4, $0xC7F8  }
.Ltmp42:
0x292: {  	s5 =	sand.u32 @!p1 $0xFFF8, s4;
	(pc) =	sbr.rel @!p2 .LBB2_56-.Ltmp42, $4  }
0x293: {  	s3 =	simm.s32 $0xA138;
	s4 =	sand.u32 @!p1 $0x7, s4;
	s5 =	sadd.s32 @!p1 s1, s5  }
0x294: {  	[hbm4b:s5+s4] =	stream.linear.scatter @!p1 [tilespmem:s3], [sflag:$0x7], $0x40, $0x38;
	[tilespmem:$0x1EF88] =	vst v63  }
0x295: {  	s5 =	simm.s32 $0x0  }
0x296: {  	s4 =	simm.s32 $0xA119;
	s5 =	simm.s32 @!p1 $0x100  }
.LBB2_55:
0x297: {  	v0 =	vld.msk [tilespmem:s4+$0x0], $0x1;
	s0 =	sadd.s32 $0xFFFFFFFF, s0;
	s2 =	sadd.s32 s2, s5  }
0x298: {  	p1 =	sne.s32 s0, $0x0;
	_ =	sdelay $0x3  }
0x299: {  	(v2sf) =	vpush v0, $0x0;
	_ =	sdelay $0xe  }
.Ltmp43:
0x29a: {  	s6 =	spop (v2sf);
	(pc) =	sbr.rel @p1 .LBB2_55-.Ltmp43, $4  }
0x29b: {  	s5 =	simm.s32 $0x0;
	p2 =	sgt.u32 s6, $0xC7F8  }
0x29c: {  	s3 =	sadd.s32 $0x40, s3;
	s5 =	simm.s32 @!p2 $0x100;
	s7 =	sand.u32 @!p2 $0xFFF8, s6  }
0x29d: {  	s4 =	sadd.s32 $0x1, s4;
	s6 =	sand.u32 @!p2 $0x7, s6;
	s7 =	sadd.s32 @!p2 s1, s7  }
0x29e: {  	[hbm4b:s7+s6] =	stream.linear.scatter @!p2 [tilespmem:s3], [sflag:$0x7], $0x40, $0x38;
	[tilespmem:$0x1EF88] =	vst v63  }
.LBB2_56:
0x29f: {  	s0 =	sadd.s32 s2, s5  }
0x2a0: {  	s2 =	sshrl.u32 s0, $0x2  }
.LBB2_57:
0x2a1: {  	s0 =	simm.s32 $0x7  }
0x2a2: {  	_ =	swait.ge [sflag:s0], s2  }
0x2a3: {  	s1 =	ssub.s32 $0x0, s2;
	[sflag:s0] =	ssyncset.done $0x0  }
0x2a4: {  	[sflag:s0] =	ssyncadd.s32 s1  }
0x2a5: {  	[sflag:s0] =	ssyncpa.u1 $0x1  }
.LBB2_58:
0x2a6: {  	_ =	sfence;
	s0 =	simm.s32 $0x1  }
0x2a7: {  	[sflag:s0] =	ssyncpa.u1 $0x1  }
0x2a8: {  	_ =	strace $0x9000004D  }
0x2a9: {  	[bflag:$0x2] =	sbarrier.arrive $0xFFFF  }
0x2aa: {  	s0 =	rddreg [dreg:$0x4]  }
0x2ab: {  	s0 =	sadd.s32 @!p0 $0x100000, s0  }
0x2ac: {  	[sflag:s0] =	ssyncadd.tile.s32 @!p0 $0x1;
	_ =	shalt  }
.Lfunc_end2:
_tile_overlayer_lowered:
.L_overlay_start_2:
0x2ad: {  	(tag) =	ssettag $0x2  }
0x2ae: {  	s0 =	rddreg [dreg:$0x0];
	s2 =	stileid.u32  }
0x2af: {  	s1 =	rddreg [dreg:$0x1];
	p0 =	sne.s32 s2, $0x0  }
0x2b0: {  	s3 =	rddreg [dreg:$0x2];
	[bflag:$0x3] =	sbarrier.arrive $0xFFFF;
	s2 =	simm.s32 @!p0 $0x1C01  }
0x2b1: {  	[timem:s3], [sflag:s2] =	dma.local @!p0 [hbm:s0], s1  }
0x2b2: {  	s0 =	simm.s32 @!p0 $0x1  }
0x2b3: {  	_ =	swait.ge @!p0 [sflag:s0], s1  }
0x2b4: {  	s1 =	ssub.s32 @!p0 $0x0, s1;
	[sflag:s0] =	ssyncset.done @!p0 $0x0  }
0x2b5: {  	[sflag:s0] =	ssyncadd.s32 @!p0 s1  }
0x2b6: {  	[bflag:$0x3] =	sbarrier.arrive $0xFFFF  }
0x2b7: {  	_ =	shalt  }

// kernel: scatter_offload_async_start.3
scs
__scs_entry_jumppad:
0x0: {  	(pc) =	sbr.rel $0x88, $3  }
0x1: {  	(tag) =	ssettag $0x0;
	lr =	simm.s32 $0x1  }
0x2: {  	[smem:$0x3F94] =	sst lr;
	_ =	strace $0xD0000000  }
0x3: {  	_ = 	snop  }
0x4: {  	_ = 	snop  }
0x5: {  	_ = 	snop  }
0x6: {  	_ = 	snop  }
0x7: {  	_ = 	snop  }
__scs_overlays_trampoline_lowered:
0x8: {  	[smem:$0x3FA3] =	sst s0  }
0x9: {  	[smem:$0x3FA4] =	sst s1  }
0xa: {  	[smem:$0x3FA5] =	sst s2  }
0xb: {  	[smem:$0x3FA6] =	sst s3  }
0xc: {  	[smem:$0x3FA7] =	sst s4  }
0xd: {  	[smem:$0x3FA8] =	sst s5  }
0xe: {  	[smem:$0x3FA9] =	sst s6  }
0xf: {  	[smem:$0x3FAA] =	sst s7  }
0x10: {  	[smem:$0x3FAB] =	sst s8  }
0x11: {  	[smem:$0x3FAC] =	sst s9;
	s0 =	simm.s32 @!p0 $0x0  }
0x12: {  	s1 =	sld [smem:$0x3F92];
	s0 =	simm.s32 @p0 $0x1  }
0x13: {  	[smem:$0x3FAD] =	sst s0;
	s0 =	simm.s32 @!p1 $0x0  }
0x14: {  	s2 =	sld [smem:$0x3F91];
	s0 =	simm.s32 @p1 $0x1  }
0x15: {  	[smem:$0x3FAE] =	sst s0;
	s0 =	simm.s32 @!p2 $0x0  }
0x16: {  	s3 =	sld [smem:$0x3FDB];
	s0 =	simm.s32 @p2 $0x1  }
0x17: {  	s4 =	simm.s32 $0x1BF5;
	[smem:$0x3FB0] =	sst s0  }
0x18: {  	s0 =	sld [smem:$0x3F93];
	_ =	swait.ge [sflag:s4], $0x0  }
0x19: {  	s7 =	sld [smem:$0x3F94]  }
0x1a: {  	s8 =	sadd.s32 $0xFFFFE003, lr  }
0x1b: {  	s9 =	sadd.s32 $0xFFFFFEF7, lr;
	s5 =	simm.s32 $0xFFFFFFFF;
	p2 =	slt.u32 s8, $0xFFFFF086  }
0x1c: {  	p1 =	slt.u32 s9, $0xF7A;
	s5 =	simm.s32 @!p2 $0x0  }
0x1d: {  	s5 =	simm.s32 @p1 $0x1;
	p0 =	seq.s32 s7, s2  }
0x1e: {  	s7 =	smul.u32 @!p0 $0xF7A, s2;
	p2 =	seq.s32 @!p0 s5, $0x0  }
0x1f: {  	s9 =	smul.u32 $0xF7A, s1;
	s8 =	simm.s32 @!p0 $0x1BF5;
	p2 =	por !p2, p0  }
0x20: {  	[sflag:s8] =	ssyncset.s32 @!p0 $0xFFFFF086;
	s6 =	sadd.s32 @!p0 s3, s7;
	s7 =	simm.s32 @!p0 $0x108  }
0x21: {  	s3 =	sadd.s32 s3, s9;
	s6 =	sadd.s32 @!p0 $0x88, s6;
	s7 =	simm.s32 @p2 $0x1082  }
0x22: {  	[simem:s7], [sflag:s8] =	dma.local @!p0 [hbm:s6], $0xF7A  }
0x23: {  	s9 =	sor.u32 $0xD0000000, s2;
	s6 =	simm.s32 $0x108;
	_ =	swait.ge @!p0 [sflag:s8], $0x0  }
0x24: {  	s3 =	sadd.s32 $0x88, s3;
	s6 =	simm.s32 @!p1 $0x1082;
	[sflag:s4] =	ssyncset.s32 $0xFFFFF086  }
0x25: {  	[simem:s6], [sflag:s4] =	dma.local [hbm:s3], $0xF7A  }
0x26: {  	[smem:$0x3F94] =	sst s1;
	(tag) =	ssettag s2;
	_ =	strace s9  }
0x27: {  	s1 =	sld [smem:$0x3FA4]  }
0x28: {  	s2 =	sld [smem:$0x3FA5]  }
0x29: {  	s4 =	sld [smem:$0x3FA7]  }
0x2a: {  	p0 =	seq.s32 s5, $0x0;
	s5 =	sld [smem:$0x3FA8]  }
0x2b: {  	s6 =	sld [smem:$0x3FA9]  }
0x2c: {  	s7 =	sld [smem:$0x3FAA]  }
0x2d: {  	s3 =	simm.s32 $0x108;
	s8 =	sld [smem:$0x3FAB]  }
0x2e: {  	s3 =	simm.s32 @!p0 $0x1082;
	s9 =	sld [smem:$0x3FAC]  }
0x2f: {  	lr =	sadd.s32 s0, s3;
	s0 =	sld [smem:$0x3FA3]  }
0x30: {  	s3 =	sld [smem:$0x3FA6]  }
0x31: {  	[smem:$0x3FAF] =	sst s10  }
0x32: {  	s10 =	sld [smem:$0x3FAD];
	_ =	sdelay $0x3  }
0x33: {  	p0 =	seq.s32 s10, $0x1;
	s10 =	sld [smem:$0x3FAF];
	_ =	sdelay $0x3  }
0x34: {  	[smem:$0x3FAF] =	sst s10  }
0x35: {  	s10 =	sld [smem:$0x3FAE];
	_ =	sdelay $0x3  }
0x36: {  	p1 =	seq.s32 s10, $0x1;
	s10 =	sld [smem:$0x3FAF];
	_ =	sdelay $0x3  }
0x37: {  	[smem:$0x3FAF] =	sst s10  }
0x38: {  	s10 =	sld [smem:$0x3FB0]  }
0x39: {  	_ = 	snop;
	(pc) =	sbr.ind lr, $3  }
0x3a: {  	_ = 	snop  }
0x3b: {  	_ = 	snop  }
0x3c: {  	p2 =	seq.s32 s10, $0x1;
	s10 =	sld [smem:$0x3FAF]  }
0x3d: {  	_ =	shalt  }
0x3e: {  	_ =	shalt  }
0x3f: {  	_ =	shalt  }
0x40: {  	_ =	shalt  }
0x41: {  	_ =	shalt  }
0x42: {  	_ =	shalt  }
0x43: {  	_ =	shalt  }
0x44: {  	_ =	shalt  }
0x45: {  	_ =	shalt  }
0x46: {  	_ =	shalt  }
0x47: {  	_ =	shalt  }
0x48: {  	_ =	shalt  }
0x49: {  	_ =	shalt  }
0x4a: {  	_ =	shalt  }
0x4b: {  	_ =	shalt  }
0x4c: {  	_ =	shalt  }
0x4d: {  	_ =	shalt  }
0x4e: {  	_ =	shalt  }
0x4f: {  	_ =	shalt  }
0x50: {  	_ =	shalt  }
0x51: {  	_ =	shalt  }
0x52: {  	_ =	shalt  }
0x53: {  	_ =	shalt  }
0x54: {  	_ =	shalt  }
0x55: {  	_ =	shalt  }
0x56: {  	_ =	shalt  }
0x57: {  	_ =	shalt  }
0x58: {  	_ =	shalt  }
0x59: {  	_ =	shalt  }
0x5a: {  	_ =	shalt  }
0x5b: {  	_ =	shalt  }
0x5c: {  	_ =	shalt  }
0x5d: {  	_ =	shalt  }
0x5e: {  	_ =	shalt  }
0x5f: {  	_ =	shalt  }
0x60: {  	_ =	shalt  }
0x61: {  	_ =	shalt  }
0x62: {  	_ =	shalt  }
0x63: {  	_ =	shalt  }
0x64: {  	_ =	shalt  }
0x65: {  	_ =	shalt  }
0x66: {  	_ =	shalt  }
0x67: {  	_ =	shalt  }
0x68: {  	_ =	shalt  }
0x69: {  	_ =	shalt  }
0x6a: {  	_ =	shalt  }
0x6b: {  	_ =	shalt  }
0x6c: {  	_ =	shalt  }
0x6d: {  	_ =	shalt  }
0x6e: {  	_ =	shalt  }
0x6f: {  	_ =	shalt  }
0x70: {  	_ =	shalt  }
0x71: {  	_ =	shalt  }
0x72: {  	_ =	shalt  }
0x73: {  	_ =	shalt  }
0x74: {  	_ =	shalt  }
0x75: {  	_ =	shalt  }
0x76: {  	_ =	shalt  }
0x77: {  	_ =	shalt  }
0x78: {  	_ =	shalt  }
0x79: {  	_ =	shalt  }
0x7a: {  	_ =	shalt  }
0x7b: {  	_ =	shalt  }
0x7c: {  	_ =	shalt  }
0x7d: {  	_ =	shalt  }
0x7e: {  	_ =	shalt  }
0x7f: {  	_ =	shalt  }
0x80: {  	_ =	shalt  }
0x81: {  	_ =	shalt  }
0x82: {  	_ =	shalt  }
0x83: {  	_ =	shalt  }
0x84: {  	_ =	shalt  }
0x85: {  	_ =	shalt  }
0x86: {  	_ =	shalt  }
0x87: {  	_ =	shalt  }
.Lfunc_end0:
.L_simem_size_0:
called_computation.3_lowered:
.L_overlay_start_0:
0x88: {  	s2 =	sld [smem:$0x3FD9]  }
0x89: {  	s3 =	sld [smem:$0x3FFE];
	_ =	sdelay $0x1  }
0x8a: {  	s1 =	srdreg.scid  }
0x8b: {  	s0 =	sand.u32 $0x1, s1  }
0x8c: {  	s15 =	sshll.u32 s0, $0xA;
	s2 =	sadd.s32 s3, s2  }
0x8d: {  	s2 =	sadd.s32 s2, s15  }
0x8e: {  	[smem:$0x3FBB] =	sst s2  }
0x8f: {  	_ = 	snop  }
0x90: {  	(tm) =	ssettm $0x1  }
0x91: {  	s16 =	sld [smem:$0x3FFB];
	_ =	sdelay $0x3  }
0x92: {  	_ =	strace s16  }
0x93: {  	s2 =	sld [smem:$0x3FFC];
	_ =	sdelay $0x3  }
0x94: {  	_ =	strace s2  }
0x95: {  	s2 =	sld [smem:$0x3FFD];
	_ =	sdelay $0x3  }
0x96: {  	_ =	strace s2  }
0x97: {  	_ =	strace $0x8FFFFFFF  }
0x98: {  	s17 =	sld [smem:$0x3FDB];
	_ =	sdelay $0x1  }
0x99: {  	s18 =	simm.s32 $_scs_section_size  }
0x9a: {  	s4 =	simm.s32 $_size__tile_overlayer_lowered;
	s5 =	simm.s32 $_tile_overlayer_lowered  }
0x9b: {  	s21 =	simm.s32 $0x1BFF;
	s20 =	sshll.u32 s5, $0x1;
	s2 =	sadd.s32 s18, s17  }
0x9c: {  	s6 =	simm.s32 $0x0;
	s19 =	sshll.u32 s4, $0x1;
	s4 =	sadd.s32 s20, s2  }
0x9d: {  	[timem:s6], [sflag:s21] =	dma.local [hbm:s4], s19  }
0x9e: {  	_ =	swait.ge [sflag:s21], s19  }
0x9f: {  	s3 =	ssub.s32 $0x0, s19;
	[sflag:s21] =	ssyncset.done $0x0  }
0xa0: {  	[sflag:s21] =	ssyncadd.s32 s3;
	_ =	sdelay $0x1  }
0xa1: {  	s22 =	simm.s32 $0x1B8B  }
0xa2: {  	_ =	swait.ge [sflag:s22], $0x1  }
0xa3: {  	[sflag:s22] =	ssyncset.done $0x0  }
0xa4: {  	s23 =	sld [smem:$0x3FFE];
	[sflag:s22] =	ssyncadd.s32 $0xFFFFFFFF  }
0xa5: {  	s25 =	simm.s32 $0x1B8E;
	s24 =	sld [smem:$0x0]  }
0xa6: {  	s26 =	simm.s32 $execute0_lowered;
	[smem:$0x3FD2] =	sst s25  }
0xa7: {  	s5 =	sshll.u32 s26, $0x1;
	_ =	strace $0x80000052;
	[dreg:$0x1] =	wrdreg $0xFFFFFFFF  }
0xa8: {  	s28 =	simm.s32 $_size_execute0_lowered;
	s2 =	sadd.s32 s2, s5;
	[dreg:$0x0] =	wrdreg $0x0  }
0xa9: {  	s5 =	sshll.u32 s28, $0x1;
	[dreg:$0x2] =	wrdreg s2  }
0xaa: {  	[dreg:$0x3] =	wrdreg s5  }
0xab: {  	[dreg:$0x4] =	wrdreg $0xC0  }
0xac: {  	_ =	task [dreg:s6], $0x5FFFF  }
0xad: {  	[dreg:$0x1] =	wrdreg $0xFFFFFFFF  }
0xae: {  	[dreg:$0x0] =	wrdreg $0x60  }
0xaf: {  	[dreg:$0x2] =	wrdreg s23  }
0xb0: {  	[dreg:$0x3] =	wrdreg s1  }
0xb1: {  	[dreg:$0x4] =	wrdreg s24  }
0xb2: {  	[dreg:$0x5] =	wrdreg $0x9  }
0xb3: {  	_ =	task.clear_ibuf [dreg:s6], $0x6FFFF;
	_ =	strace $0x90000052  }
0xb4: {  	s29 =	simm.s32 $0x9;
	_ =	strace $0x80000054  }
0xb5: {  	_ =	swait.ge [sflag:s29], $0x1  }
0xb6: {  	[sflag:s29] =	ssyncadd.s32 $0xFFFFFFFF  }
0xb7: {  	_ =	strace $0x90000054  }
0xb8: {  	_ =	sfence  }
0xb9: {  	s30 =	sld [smem:$0x0];
	_ =	sdelay $0x2  }
0xba: {  	s31 =	sshll.u32 s1, $0xD;
	s1 =	sshrl.u32 s1, $0x2  }
0xbb: {  	s3 =	sand.u32 $0x4000, s31;
	s1 =	sadd.s32 s1, s30  }
0xbc: {  	s0 =	sor.u32 s3, s0;
	s1 =	sshll.u32 s1, $0x11  }
0xbd: {  	s0 =	sor.u32 s1, s0  }
0xbe: {  	s0 =	sadd.s32 $0x8F2B, s0  }
0xbf: {  	[sflag:s0] =	ssyncadd.remote.s32 $0x1  }
0xc0: {  	_ =	sfence.sel $0xFFFF  }
0xc1: {  	[dreg:$0x0] =	wrdreg $0xFFFFFFFF;
	(pc) =	sbr.abs _section_cstart, $3  }
0xc2: {  	[dreg:$0x1] =	wrdreg $0xFFFFFFFF  }
0xc3: {  	_ =	task.clear_ibuf [dreg:s6], $0x2FFFF;
	_ =	strace $0x9FFFFFFF  }
0xc4: {  	(tm) =	ssettm $0x7FFFFFFF  }
0xc5: {  	_ =	shalt  }
tec
execute0_lowered:
.L_overlay_start_1:
0x0: {  	(tag) =	ssettag $0x1  }
0x1: {  	s4 =	rddreg [dreg:$0x0]  }
0x2: {  	s2 =	rddreg [dreg:$0x1];
	_ =	strace $0x80000053;
	s3 =	simm.s32 $0x1  }
0x3: {  	v0 =	vimm.s32 $0x0;
	[sflag:s3] =	ssyncpa.u1 $0x0  }
0x4: {  	[tilespmem:$0xA8] =	vst v0  }
0x5: {  	[tilespmem:$0xB8] =	vst v0  }
0x6: {  	[tilespmem:$0xC8] =	vst v0  }
0x7: {  	[tilespmem:$0xD8] =	vst v0  }
0x8: {  	[tilespmem:$0xE8] =	vst v0  }
0x9: {  	[tilespmem:$0xF8] =	vst v0  }
0xa: {  	[tilespmem:$0x108] =	vst v0  }
0xb: {  	[tilespmem:$0x118] =	vst v0  }
0xc: {  	[tilespmem:$0x128] =	vst v0  }
0xd: {  	[tilespmem:$0x138] =	vst v0  }
0xe: {  	[tilespmem:$0x148] =	vst v0  }
0xf: {  	[tilespmem:$0x158] =	vst v0  }
0x10: {  	[tilespmem:$0x168] =	vst v0  }
0x11: {  	[tilespmem:$0x178] =	vst v0  }
0x12: {  	[tilespmem:$0x188] =	vst v0  }
0x13: {  	[tilespmem:$0x198] =	vst v0  }
0x14: {  	[tilespmem:$0x1A8] =	vst v0  }
0x15: {  	[tilespmem:$0x1B8] =	vst v0  }
0x16: {  	[tilespmem:$0x1C8] =	vst v0  }
0x17: {  	[tilespmem:$0x1D8] =	vst v0  }
0x18: {  	[tilespmem:$0x1E8] =	vst v0  }
0x19: {  	[tilespmem:$0x1F8] =	vst v0  }
0x1a: {  	[tilespmem:$0x208] =	vst v0  }
0x1b: {  	[tilespmem:$0x218] =	vst v0  }
0x1c: {  	[tilespmem:$0x228] =	vst v0  }
0x1d: {  	[tilespmem:$0x238] =	vst v0  }
0x1e: {  	[tilespmem:$0x248] =	vst v0  }
0x1f: {  	[tilespmem:$0x258] =	vst v0  }
0x20: {  	[tilespmem:$0x268] =	vst v0  }
0x21: {  	[tilespmem:$0x278] =	vst v0  }
0x22: {  	[tilespmem:$0x288] =	vst v0  }
0x23: {  	[tilespmem:$0x298] =	vst v0  }
0x24: {  	[tilespmem:$0x2A8] =	vst v0  }
0x25: {  	[tilespmem:$0x2B8] =	vst v0  }
0x26: {  	[tilespmem:$0x2C8] =	vst v0  }
0x27: {  	[tilespmem:$0x2D8] =	vst v0  }
0x28: {  	[tilespmem:$0x2E8] =	vst v0  }
0x29: {  	[tilespmem:$0x2F8] =	vst v0  }
0x2a: {  	[tilespmem:$0x308] =	vst v0  }
0x2b: {  	[tilespmem:$0x318] =	vst v0  }
0x2c: {  	[tilespmem:$0x328] =	vst v0  }
0x2d: {  	[tilespmem:$0x338] =	vst v0  }
0x2e: {  	[tilespmem:$0x348] =	vst v0  }
0x2f: {  	[tilespmem:$0x358] =	vst v0  }
0x30: {  	[tilespmem:$0x368] =	vst v0  }
0x31: {  	[tilespmem:$0x378] =	vst v0  }
0x32: {  	[tilespmem:$0x388] =	vst v0  }
0x33: {  	[tilespmem:$0x398] =	vst v0  }
0x34: {  	[tilespmem:$0x3A8] =	vst v0  }
0x35: {  	[tilespmem:$0x3B8] =	vst v0  }
0x36: {  	[tilespmem:$0x3C8] =	vst v0  }
0x37: {  	[tilespmem:$0x3D8] =	vst v0  }
0x38: {  	[tilespmem:$0x3E8] =	vst v0  }
0x39: {  	[tilespmem:$0x3F8] =	vst v0  }
0x3a: {  	[tilespmem:$0x408] =	vst v0  }
0x3b: {  	[tilespmem:$0x418] =	vst v0  }
0x3c: {  	[tilespmem:$0x428] =	vst v0  }
0x3d: {  	[tilespmem:$0x438] =	vst v0  }
0x3e: {  	[tilespmem:$0x448] =	vst v0  }
0x3f: {  	[tilespmem:$0x458] =	vst v0  }
0x40: {  	[tilespmem:$0x468] =	vst v0  }
0x41: {  	[tilespmem:$0x478] =	vst v0  }
0x42: {  	[tilespmem:$0x488] =	vst v0  }
0x43: {  	[tilespmem:$0x498] =	vst v0  }
0x44: {  	[tilespmem:$0x4A8] =	vst v0  }
0x45: {  	[tilespmem:$0x4B8] =	vst v0  }
0x46: {  	[tilespmem:$0x4C8] =	vst v0  }
0x47: {  	[tilespmem:$0x4D8] =	vst v0  }
0x48: {  	[tilespmem:$0x4E8] =	vst v0  }
0x49: {  	[tilespmem:$0x4F8] =	vst v0  }
0x4a: {  	[tilespmem:$0x508] =	vst v0  }
0x4b: {  	[tilespmem:$0x518] =	vst v0  }
0x4c: {  	[tilespmem:$0x528] =	vst v0  }
0x4d: {  	[tilespmem:$0x538] =	vst v0  }
0x4e: {  	[tilespmem:$0x548] =	vst v0  }
0x4f: {  	[tilespmem:$0x558] =	vst v0  }
0x50: {  	[tilespmem:$0x568] =	vst v0  }
0x51: {  	[tilespmem:$0x578] =	vst v0  }
0x52: {  	[tilespmem:$0x588] =	vst v0  }
0x53: {  	[tilespmem:$0x598] =	vst v0  }
0x54: {  	[tilespmem:$0x5A8] =	vst v0  }
0x55: {  	[tilespmem:$0x5B8] =	vst v0  }
0x56: {  	[tilespmem:$0x5C8] =	vst v0  }
0x57: {  	[tilespmem:$0x5D8] =	vst v0  }
0x58: {  	[tilespmem:$0x5E8] =	vst v0  }
0x59: {  	[tilespmem:$0x5F8] =	vst v0  }
0x5a: {  	[tilespmem:$0x608] =	vst v0  }
0x5b: {  	[tilespmem:$0x618] =	vst v0  }
0x5c: {  	[tilespmem:$0x628] =	vst v0  }
0x5d: {  	[tilespmem:$0x638] =	vst v0  }
0x5e: {  	[tilespmem:$0x648] =	vst v0  }
0x5f: {  	[tilespmem:$0x658] =	vst v0  }
0x60: {  	[tilespmem:$0x668] =	vst v0  }
0x61: {  	[tilespmem:$0x678] =	vst v0  }
0x62: {  	[tilespmem:$0x688] =	vst v0  }
0x63: {  	[tilespmem:$0x698] =	vst v0  }
0x64: {  	[tilespmem:$0x6A8] =	vst v0  }
0x65: {  	[tilespmem:$0x6B8] =	vst v0  }
0x66: {  	[tilespmem:$0x6C8] =	vst v0  }
0x67: {  	[tilespmem:$0x6D8] =	vst v0  }
0x68: {  	[tilespmem:$0x6E8] =	vst v0  }
0x69: {  	[tilespmem:$0x6F8] =	vst v0  }
0x6a: {  	[tilespmem:$0x708] =	vst v0  }
0x6b: {  	[tilespmem:$0x718] =	vst v0  }
0x6c: {  	[tilespmem:$0x728] =	vst v0  }
0x6d: {  	[tilespmem:$0x738] =	vst v0  }
0x6e: {  	[tilespmem:$0x748] =	vst v0  }
0x6f: {  	[tilespmem:$0x758] =	vst v0  }
0x70: {  	[tilespmem:$0x768] =	vst v0  }
0x71: {  	[tilespmem:$0x778] =	vst v0  }
0x72: {  	[tilespmem:$0x788] =	vst v0  }
0x73: {  	[tilespmem:$0x798] =	vst v0  }
0x74: {  	[tilespmem:$0x7A8] =	vst v0  }
0x75: {  	[tilespmem:$0x7B8] =	vst v0  }
0x76: {  	[tilespmem:$0x7C8] =	vst v0  }
0x77: {  	[tilespmem:$0x7D8] =	vst v0  }
0x78: {  	[tilespmem:$0x7E8] =	vst v0  }
0x79: {  	[tilespmem:$0x7F8] =	vst v0  }
0x7a: {  	[tilespmem:$0x808] =	vst v0  }
0x7b: {  	[tilespmem:$0x818] =	vst v0  }
0x7c: {  	[tilespmem:$0x828] =	vst v0  }
0x7d: {  	[tilespmem:$0x838] =	vst v0  }
0x7e: {  	[tilespmem:$0x848] =	vst v0  }
0x7f: {  	[tilespmem:$0x858] =	vst v0  }
0x80: {  	[tilespmem:$0x868] =	vst v0  }
0x81: {  	[tilespmem:$0x878] =	vst v0  }
0x82: {  	[tilespmem:$0x888] =	vst v0  }
0x83: {  	[tilespmem:$0x898] =	vst v0  }
0x84: {  	[tilespmem:$0x8A8] =	vst v0  }
0x85: {  	[tilespmem:$0x8B8] =	vst v0  }
0x86: {  	[tilespmem:$0x8C8] =	vst v0  }
0x87: {  	[tilespmem:$0x8D8] =	vst v0  }
0x88: {  	[tilespmem:$0x8E8] =	vst v0  }
0x89: {  	[tilespmem:$0x8F8] =	vst v0  }
0x8a: {  	[tilespmem:$0x908] =	vst v0  }
0x8b: {  	[tilespmem:$0x918] =	vst v0  }
0x8c: {  	[tilespmem:$0x928] =	vst v0  }
0x8d: {  	[tilespmem:$0x938] =	vst v0  }
0x8e: {  	[tilespmem:$0x948] =	vst v0  }
0x8f: {  	[tilespmem:$0x958] =	vst v0  }
0x90: {  	[tilespmem:$0x968] =	vst v0  }
0x91: {  	[tilespmem:$0x978] =	vst v0  }
0x92: {  	[tilespmem:$0x988] =	vst v0  }
0x93: {  	[tilespmem:$0x998] =	vst v0  }
0x94: {  	[tilespmem:$0x9A8] =	vst v0  }
0x95: {  	[tilespmem:$0x9B8] =	vst v0  }
0x96: {  	[tilespmem:$0x9C8] =	vst v0  }
0x97: {  	[tilespmem:$0x9D8] =	vst v0  }
0x98: {  	[tilespmem:$0x9E8] =	vst v0  }
0x99: {  	[tilespmem:$0x9F8] =	vst v0  }
0x9a: {  	[tilespmem:$0xA08] =	vst v0  }
0x9b: {  	[tilespmem:$0xA18] =	vst v0  }
0x9c: {  	[tilespmem:$0xA28] =	vst v0  }
0x9d: {  	[tilespmem:$0xA38] =	vst v0  }
0x9e: {  	[tilespmem:$0xA48] =	vst v0  }
0x9f: {  	[tilespmem:$0xA58] =	vst v0  }
0xa0: {  	[tilespmem:$0xA68] =	vst v0  }
0xa1: {  	[tilespmem:$0xA78] =	vst v0  }
0xa2: {  	[tilespmem:$0xA88] =	vst v0  }
0xa3: {  	[tilespmem:$0xA98] =	vst v0  }
0xa4: {  	[tilespmem:$0xAA8] =	vst v0  }
0xa5: {  	[tilespmem:$0xAB8] =	vst v0  }
0xa6: {  	[tilespmem:$0xAC8] =	vst v0  }
0xa7: {  	[tilespmem:$0xAD8] =	vst v0  }
0xa8: {  	[tilespmem:$0xAE8] =	vst v0  }
0xa9: {  	[tilespmem:$0xAF8] =	vst v0  }
0xaa: {  	[tilespmem:$0xB08] =	vst v0  }
0xab: {  	[tilespmem:$0xB18] =	vst v0  }
0xac: {  	[tilespmem:$0xB28] =	vst v0  }
0xad: {  	[tilespmem:$0xB38] =	vst v0  }
0xae: {  	[tilespmem:$0xB48] =	vst v0  }
0xaf: {  	[tilespmem:$0xB58] =	vst v0  }
0xb0: {  	[tilespmem:$0xB68] =	vst v0  }
0xb1: {  	[tilespmem:$0xB78] =	vst v0  }
0xb2: {  	[tilespmem:$0xB88] =	vst v0  }
0xb3: {  	[tilespmem:$0xB98] =	vst v0  }
0xb4: {  	[tilespmem:$0xBA8] =	vst v0  }
0xb5: {  	[tilespmem:$0xBB8] =	vst v0  }
0xb6: {  	[tilespmem:$0xBC8] =	vst v0  }
0xb7: {  	[tilespmem:$0xBD8] =	vst v0  }
0xb8: {  	[tilespmem:$0xBE8] =	vst v0  }
0xb9: {  	[tilespmem:$0xBF8] =	vst v0  }
0xba: {  	[tilespmem:$0xC08] =	vst v0  }
0xbb: {  	[tilespmem:$0xC18] =	vst v0  }
0xbc: {  	[tilespmem:$0xC28] =	vst v0  }
0xbd: {  	[tilespmem:$0xC38] =	vst v0  }
0xbe: {  	[tilespmem:$0xC48] =	vst v0  }
0xbf: {  	[tilespmem:$0xC58] =	vst v0  }
0xc0: {  	[tilespmem:$0xC68] =	vst v0  }
0xc1: {  	[tilespmem:$0xC78] =	vst v0  }
0xc2: {  	[tilespmem:$0xC88] =	vst v0  }
0xc3: {  	[tilespmem:$0xC98] =	vst v0  }
0xc4: {  	[tilespmem:$0xCA8] =	vst v0  }
0xc5: {  	[tilespmem:$0xCB8] =	vst v0  }
0xc6: {  	[tilespmem:$0xCC8] =	vst v0  }
0xc7: {  	[tilespmem:$0xCD8] =	vst v0  }
0xc8: {  	[tilespmem:$0xCE8] =	vst v0  }
0xc9: {  	[tilespmem:$0xCF8] =	vst v0  }
0xca: {  	[tilespmem:$0xD08] =	vst v0  }
0xcb: {  	[tilespmem:$0xD18] =	vst v0  }
0xcc: {  	[tilespmem:$0xD28] =	vst v0  }
0xcd: {  	[tilespmem:$0xD38] =	vst v0  }
0xce: {  	[tilespmem:$0xD48] =	vst v0  }
0xcf: {  	[tilespmem:$0xD58] =	vst v0  }
0xd0: {  	[tilespmem:$0xD68] =	vst v0  }
0xd1: {  	[tilespmem:$0xD78] =	vst v0  }
0xd2: {  	[tilespmem:$0xD88] =	vst v0  }
0xd3: {  	[tilespmem:$0xD98] =	vst v0  }
0xd4: {  	[tilespmem:$0xDA8] =	vst v0  }
0xd5: {  	[tilespmem:$0xDB8] =	vst v0  }
0xd6: {  	[tilespmem:$0xDC8] =	vst v0  }
0xd7: {  	[tilespmem:$0xDD8] =	vst v0  }
0xd8: {  	[tilespmem:$0xDE8] =	vst v0  }
0xd9: {  	[tilespmem:$0xDF8] =	vst v0  }
0xda: {  	[tilespmem:$0xE08] =	vst v0  }
0xdb: {  	[tilespmem:$0xE18] =	vst v0  }
0xdc: {  	[tilespmem:$0xE28] =	vst v0  }
0xdd: {  	[tilespmem:$0xE38] =	vst v0  }
0xde: {  	[tilespmem:$0xE48] =	vst v0  }
0xdf: {  	[tilespmem:$0xE58] =	vst v0  }
0xe0: {  	[tilespmem:$0xE68] =	vst v0  }
0xe1: {  	[tilespmem:$0xE78] =	vst v0  }
0xe2: {  	[tilespmem:$0xE88] =	vst v0  }
0xe3: {  	[tilespmem:$0xE98] =	vst v0  }
0xe4: {  	[tilespmem:$0xEA8] =	vst v0  }
0xe5: {  	[tilespmem:$0xEB8] =	vst v0  }
0xe6: {  	[tilespmem:$0xEC8] =	vst v0  }
0xe7: {  	[tilespmem:$0xED8] =	vst v0  }
0xe8: {  	[tilespmem:$0xEE8] =	vst v0  }
0xe9: {  	[tilespmem:$0xEF8] =	vst v0  }
0xea: {  	[tilespmem:$0xF08] =	vst v0  }
0xeb: {  	[tilespmem:$0xF18] =	vst v0  }
0xec: {  	[tilespmem:$0xF28] =	vst v0  }
0xed: {  	[tilespmem:$0xF38] =	vst v0  }
0xee: {  	[tilespmem:$0xF48] =	vst v0  }
0xef: {  	[tilespmem:$0xF58] =	vst v0  }
0xf0: {  	[tilespmem:$0xF68] =	vst v0  }
0xf1: {  	[tilespmem:$0xF78] =	vst v0  }
0xf2: {  	[tilespmem:$0xF88] =	vst v0  }
0xf3: {  	[tilespmem:$0xF98] =	vst v0  }
0xf4: {  	[tilespmem:$0xFA8] =	vst v0  }
0xf5: {  	[tilespmem:$0xFB8] =	vst v0  }
0xf6: {  	[tilespmem:$0xFC8] =	vst v0  }
0xf7: {  	[tilespmem:$0xFD8] =	vst v0  }
0xf8: {  	[tilespmem:$0xFE8] =	vst v0  }
0xf9: {  	[tilespmem:$0xFF8] =	vst v0  }
0xfa: {  	[tilespmem:$0x1008] =	vst v0  }
0xfb: {  	[tilespmem:$0x1018] =	vst v0  }
0xfc: {  	[tilespmem:$0x1028] =	vst v0  }
0xfd: {  	[tilespmem:$0x1038] =	vst v0  }
0xfe: {  	[tilespmem:$0x1048] =	vst v0  }
0xff: {  	[tilespmem:$0x1058] =	vst v0  }
0x100: {  	[tilespmem:$0x1068] =	vst v0  }
0x101: {  	[tilespmem:$0x1078] =	vst v0  }
0x102: {  	[tilespmem:$0x1088] =	vst v0  }
0x103: {  	[tilespmem:$0x1098] =	vst v0  }
0x104: {  	[tilespmem:$0x10A8] =	vst v0  }
0x105: {  	[tilespmem:$0x10B8] =	vst v0  }
0x106: {  	[tilespmem:$0x10C8] =	vst v0  }
0x107: {  	[tilespmem:$0x10D8] =	vst v0  }
0x108: {  	[tilespmem:$0x10E8] =	vst v0  }
0x109: {  	[tilespmem:$0x10F8] =	vst v0  }
0x10a: {  	[tilespmem:$0x1108] =	vst v0  }
0x10b: {  	[tilespmem:$0x1118] =	vst v0  }
0x10c: {  	[tilespmem:$0x1128] =	vst v0  }
0x10d: {  	[tilespmem:$0x1138] =	vst v0  }
0x10e: {  	[tilespmem:$0x1148] =	vst v0  }
0x10f: {  	[tilespmem:$0x1158] =	vst v0  }
0x110: {  	[tilespmem:$0x1168] =	vst v0  }
0x111: {  	[tilespmem:$0x1178] =	vst v0  }
0x112: {  	[tilespmem:$0x1188] =	vst v0  }
0x113: {  	[tilespmem:$0x1198] =	vst v0  }
0x114: {  	[tilespmem:$0x11A8] =	vst v0  }
0x115: {  	[tilespmem:$0x11B8] =	vst v0  }
0x116: {  	[tilespmem:$0x11C8] =	vst v0  }
0x117: {  	[tilespmem:$0x11D8] =	vst v0  }
0x118: {  	[tilespmem:$0x11E8] =	vst v0  }
0x119: {  	[tilespmem:$0x11F8] =	vst v0  }
0x11a: {  	[tilespmem:$0x1208] =	vst v0  }
0x11b: {  	[tilespmem:$0x1218] =	vst v0  }
0x11c: {  	[tilespmem:$0x1228] =	vst v0  }
0x11d: {  	[tilespmem:$0x1238] =	vst v0  }
0x11e: {  	[tilespmem:$0x1248] =	vst v0  }
0x11f: {  	[tilespmem:$0x1258] =	vst v0  }
0x120: {  	[tilespmem:$0x1268] =	vst v0  }
0x121: {  	[tilespmem:$0x1278] =	vst v0  }
0x122: {  	[tilespmem:$0x21A8] =	vst v0  }
0x123: {  	[tilespmem:$0x21B8] =	vst v0  }
0x124: {  	[tilespmem:$0x1288] =	vst v0  }
0x125: {  	[tilespmem:$0x1298] =	vst v0  }
0x126: {  	[tilespmem:$0x12A8] =	vst v0  }
0x127: {  	[tilespmem:$0x12B8] =	vst v0  }
0x128: {  	[tilespmem:$0x12C8] =	vst v0  }
0x129: {  	[tilespmem:$0x12D8] =	vst v0  }
0x12a: {  	[tilespmem:$0x12E8] =	vst v0  }
0x12b: {  	[tilespmem:$0x12F8] =	vst v0  }
0x12c: {  	[tilespmem:$0x1308] =	vst v0  }
0x12d: {  	[tilespmem:$0x1318] =	vst v0  }
0x12e: {  	[tilespmem:$0x1328] =	vst v0  }
0x12f: {  	[tilespmem:$0x1338] =	vst v0  }
0x130: {  	[tilespmem:$0x1348] =	vst v0  }
0x131: {  	[tilespmem:$0x1358] =	vst v0  }
0x132: {  	[tilespmem:$0x1368] =	vst v0  }
0x133: {  	[tilespmem:$0x1378] =	vst v0  }
0x134: {  	[tilespmem:$0x1388] =	vst v0  }
0x135: {  	[tilespmem:$0x1398] =	vst v0  }
0x136: {  	[tilespmem:$0x13A8] =	vst v0  }
0x137: {  	[tilespmem:$0x13B8] =	vst v0  }
0x138: {  	[tilespmem:$0x13C8] =	vst v0  }
0x139: {  	[tilespmem:$0x13D8] =	vst v0  }
0x13a: {  	[tilespmem:$0x13E8] =	vst v0  }
0x13b: {  	[tilespmem:$0x13F8] =	vst v0  }
0x13c: {  	[tilespmem:$0x1408] =	vst v0  }
0x13d: {  	[tilespmem:$0x1418] =	vst v0  }
0x13e: {  	[tilespmem:$0x1428] =	vst v0  }
0x13f: {  	[tilespmem:$0x1438] =	vst v0  }
0x140: {  	[tilespmem:$0x1448] =	vst v0  }
0x141: {  	[tilespmem:$0x1458] =	vst v0  }
0x142: {  	[tilespmem:$0x1468] =	vst v0  }
0x143: {  	[tilespmem:$0x1478] =	vst v0  }
0x144: {  	[tilespmem:$0x1488] =	vst v0  }
0x145: {  	[tilespmem:$0x1498] =	vst v0  }
0x146: {  	[tilespmem:$0x14A8] =	vst v0  }
0x147: {  	[tilespmem:$0x14B8] =	vst v0  }
0x148: {  	[tilespmem:$0x14C8] =	vst v0  }
0x149: {  	[tilespmem:$0x14D8] =	vst v0  }
0x14a: {  	[tilespmem:$0x14E8] =	vst v0  }
0x14b: {  	[tilespmem:$0x14F8] =	vst v0  }
0x14c: {  	[tilespmem:$0x1508] =	vst v0  }
0x14d: {  	[tilespmem:$0x1518] =	vst v0  }
0x14e: {  	[tilespmem:$0x1528] =	vst v0  }
0x14f: {  	[tilespmem:$0x1538] =	vst v0  }
0x150: {  	[tilespmem:$0x1548] =	vst v0  }
0x151: {  	[tilespmem:$0x1558] =	vst v0  }
0x152: {  	[tilespmem:$0x1568] =	vst v0  }
0x153: {  	[tilespmem:$0x1578] =	vst v0  }
0x154: {  	[tilespmem:$0x1588] =	vst v0  }
0x155: {  	[tilespmem:$0x1598] =	vst v0  }
0x156: {  	[tilespmem:$0x15A8] =	vst v0  }
0x157: {  	[tilespmem:$0x15B8] =	vst v0  }
0x158: {  	[tilespmem:$0x15C8] =	vst v0  }
0x159: {  	[tilespmem:$0x15D8] =	vst v0  }
0x15a: {  	[tilespmem:$0x15E8] =	vst v0  }
0x15b: {  	[tilespmem:$0x15F8] =	vst v0  }
0x15c: {  	[tilespmem:$0x1608] =	vst v0  }
0x15d: {  	[tilespmem:$0x1618] =	vst v0  }
0x15e: {  	[tilespmem:$0x1628] =	vst v0  }
0x15f: {  	[tilespmem:$0x1638] =	vst v0  }
0x160: {  	[tilespmem:$0x1648] =	vst v0  }
0x161: {  	[tilespmem:$0x1658] =	vst v0  }
0x162: {  	[tilespmem:$0x1668] =	vst v0  }
0x163: {  	[tilespmem:$0x1678] =	vst v0  }
0x164: {  	[tilespmem:$0x1688] =	vst v0  }
0x165: {  	[tilespmem:$0x1698] =	vst v0  }
0x166: {  	[tilespmem:$0x16A8] =	vst v0  }
0x167: {  	[tilespmem:$0x16B8] =	vst v0  }
0x168: {  	[tilespmem:$0x16C8] =	vst v0  }
0x169: {  	[tilespmem:$0x16D8] =	vst v0  }
0x16a: {  	[tilespmem:$0x16E8] =	vst v0  }
0x16b: {  	[tilespmem:$0x16F8] =	vst v0  }
0x16c: {  	[tilespmem:$0x1708] =	vst v0  }
0x16d: {  	[tilespmem:$0x1718] =	vst v0  }
0x16e: {  	[tilespmem:$0x1728] =	vst v0  }
0x16f: {  	[tilespmem:$0x1738] =	vst v0  }
0x170: {  	[tilespmem:$0x1748] =	vst v0  }
0x171: {  	[tilespmem:$0x1758] =	vst v0  }
0x172: {  	[tilespmem:$0x1768] =	vst v0  }
0x173: {  	[tilespmem:$0x1778] =	vst v0  }
0x174: {  	[tilespmem:$0x1788] =	vst v0  }
0x175: {  	[tilespmem:$0x1798] =	vst v0  }
0x176: {  	[tilespmem:$0x17A8] =	vst v0  }
0x177: {  	[tilespmem:$0x17B8] =	vst v0  }
0x178: {  	[tilespmem:$0x17C8] =	vst v0  }
0x179: {  	[tilespmem:$0x17D8] =	vst v0  }
0x17a: {  	[tilespmem:$0x17E8] =	vst v0  }
0x17b: {  	[tilespmem:$0x17F8] =	vst v0  }
0x17c: {  	[tilespmem:$0x1808] =	vst v0  }
0x17d: {  	[tilespmem:$0x1818] =	vst v0  }
0x17e: {  	[tilespmem:$0x1828] =	vst v0  }
0x17f: {  	[tilespmem:$0x1838] =	vst v0  }
0x180: {  	[tilespmem:$0x1848] =	vst v0  }
0x181: {  	[tilespmem:$0x1858] =	vst v0  }
0x182: {  	[tilespmem:$0x1868] =	vst v0  }
0x183: {  	[tilespmem:$0x1878] =	vst v0  }
0x184: {  	[tilespmem:$0x1888] =	vst v0  }
0x185: {  	[tilespmem:$0x1898] =	vst v0  }
0x186: {  	[tilespmem:$0x18A8] =	vst v0  }
0x187: {  	[tilespmem:$0x18B8] =	vst v0  }
0x188: {  	[tilespmem:$0x18C8] =	vst v0  }
0x189: {  	[tilespmem:$0x18D8] =	vst v0  }
0x18a: {  	[tilespmem:$0x18E8] =	vst v0  }
0x18b: {  	[tilespmem:$0x18F8] =	vst v0  }
0x18c: {  	[tilespmem:$0x1908] =	vst v0  }
0x18d: {  	[tilespmem:$0x1918] =	vst v0  }
0x18e: {  	[tilespmem:$0x1928] =	vst v0  }
0x18f: {  	[tilespmem:$0x1938] =	vst v0  }
0x190: {  	[tilespmem:$0x1948] =	vst v0  }
0x191: {  	[tilespmem:$0x1958] =	vst v0  }
0x192: {  	[tilespmem:$0x1968] =	vst v0  }
0x193: {  	[tilespmem:$0x1978] =	vst v0  }
0x194: {  	[tilespmem:$0x1988] =	vst v0  }
0x195: {  	[tilespmem:$0x1998] =	vst v0  }
0x196: {  	[tilespmem:$0x19A8] =	vst v0  }
0x197: {  	[tilespmem:$0x19B8] =	vst v0  }
0x198: {  	[tilespmem:$0x19C8] =	vst v0  }
0x199: {  	[tilespmem:$0x19D8] =	vst v0  }
0x19a: {  	[tilespmem:$0x19E8] =	vst v0  }
0x19b: {  	[tilespmem:$0x19F8] =	vst v0  }
0x19c: {  	[tilespmem:$0x1A08] =	vst v0  }
0x19d: {  	[tilespmem:$0x1A18] =	vst v0  }
0x19e: {  	[tilespmem:$0x1A28] =	vst v0  }
0x19f: {  	[tilespmem:$0x1A38] =	vst v0  }
0x1a0: {  	[tilespmem:$0x1A48] =	vst v0  }
0x1a1: {  	[tilespmem:$0x1A58] =	vst v0  }
0x1a2: {  	[tilespmem:$0x1A68] =	vst v0  }
0x1a3: {  	[tilespmem:$0x1A78] =	vst v0  }
0x1a4: {  	[tilespmem:$0x1A88] =	vst v0  }
0x1a5: {  	[tilespmem:$0x1A98] =	vst v0  }
0x1a6: {  	[tilespmem:$0x1AA8] =	vst v0  }
0x1a7: {  	[tilespmem:$0x1AB8] =	vst v0  }
0x1a8: {  	[tilespmem:$0x1AC8] =	vst v0  }
0x1a9: {  	[tilespmem:$0x1AD8] =	vst v0  }
0x1aa: {  	[tilespmem:$0x1AE8] =	vst v0  }
0x1ab: {  	[tilespmem:$0x1AF8] =	vst v0  }
0x1ac: {  	[tilespmem:$0x1B08] =	vst v0  }
0x1ad: {  	[tilespmem:$0x1B18] =	vst v0  }
0x1ae: {  	[tilespmem:$0x1B28] =	vst v0  }
0x1af: {  	[tilespmem:$0x1B38] =	vst v0  }
0x1b0: {  	[tilespmem:$0x1B48] =	vst v0  }
0x1b1: {  	[tilespmem:$0x1B58] =	vst v0  }
0x1b2: {  	[tilespmem:$0x1B68] =	vst v0  }
0x1b3: {  	[tilespmem:$0x1B78] =	vst v0  }
0x1b4: {  	[tilespmem:$0x1B88] =	vst v0  }
0x1b5: {  	[tilespmem:$0x1B98] =	vst v0  }
0x1b6: {  	[tilespmem:$0x1BA8] =	vst v0  }
0x1b7: {  	[tilespmem:$0x1BB8] =	vst v0  }
0x1b8: {  	[tilespmem:$0x1BC8] =	vst v0  }
0x1b9: {  	[tilespmem:$0x1BD8] =	vst v0  }
0x1ba: {  	[tilespmem:$0x1BE8] =	vst v0  }
0x1bb: {  	[tilespmem:$0x1BF8] =	vst v0  }
0x1bc: {  	[tilespmem:$0x1C08] =	vst v0  }
0x1bd: {  	[tilespmem:$0x1C18] =	vst v0  }
0x1be: {  	[tilespmem:$0x1C28] =	vst v0  }
0x1bf: {  	[tilespmem:$0x1C38] =	vst v0  }
0x1c0: {  	[tilespmem:$0x1C48] =	vst v0  }
0x1c1: {  	[tilespmem:$0x1C58] =	vst v0  }
0x1c2: {  	[tilespmem:$0x1C68] =	vst v0  }
0x1c3: {  	[tilespmem:$0x1C78] =	vst v0  }
0x1c4: {  	[tilespmem:$0x1C88] =	vst v0  }
0x1c5: {  	[tilespmem:$0x1C98] =	vst v0  }
0x1c6: {  	[tilespmem:$0x1CA8] =	vst v0  }
0x1c7: {  	[tilespmem:$0x1CB8] =	vst v0  }
0x1c8: {  	[tilespmem:$0x1CC8] =	vst v0  }
0x1c9: {  	[tilespmem:$0x1CD8] =	vst v0  }
0x1ca: {  	[tilespmem:$0x1CE8] =	vst v0  }
0x1cb: {  	[tilespmem:$0x1CF8] =	vst v0  }
0x1cc: {  	[tilespmem:$0x1D08] =	vst v0  }
0x1cd: {  	[tilespmem:$0x1D18] =	vst v0  }
0x1ce: {  	[tilespmem:$0x1D28] =	vst v0  }
0x1cf: {  	[tilespmem:$0x1D38] =	vst v0  }
0x1d0: {  	[tilespmem:$0x1D48] =	vst v0  }
0x1d1: {  	[tilespmem:$0x1D58] =	vst v0  }
0x1d2: {  	[tilespmem:$0x1D68] =	vst v0  }
0x1d3: {  	[tilespmem:$0x1D78] =	vst v0  }
0x1d4: {  	[tilespmem:$0x1D88] =	vst v0  }
0x1d5: {  	[tilespmem:$0x1D98] =	vst v0  }
0x1d6: {  	[tilespmem:$0x1DA8] =	vst v0  }
0x1d7: {  	[tilespmem:$0x1DB8] =	vst v0  }
0x1d8: {  	[tilespmem:$0x1DC8] =	vst v0  }
0x1d9: {  	[tilespmem:$0x1DD8] =	vst v0  }
0x1da: {  	[tilespmem:$0x1DE8] =	vst v0  }
0x1db: {  	[tilespmem:$0x1DF8] =	vst v0  }
0x1dc: {  	[tilespmem:$0x1E08] =	vst v0  }
0x1dd: {  	[tilespmem:$0x1E18] =	vst v0  }
0x1de: {  	[tilespmem:$0x1E28] =	vst v0  }
0x1df: {  	[tilespmem:$0x1E38] =	vst v0  }
0x1e0: {  	[tilespmem:$0x1E48] =	vst v0  }
0x1e1: {  	[tilespmem:$0x1E58] =	vst v0  }
0x1e2: {  	[tilespmem:$0x1E68] =	vst v0  }
0x1e3: {  	[tilespmem:$0x1E78] =	vst v0  }
0x1e4: {  	[tilespmem:$0x1E88] =	vst v0  }
0x1e5: {  	[tilespmem:$0x1E98] =	vst v0  }
0x1e6: {  	[tilespmem:$0x1EA8] =	vst v0  }
0x1e7: {  	[tilespmem:$0x1EB8] =	vst v0  }
0x1e8: {  	[tilespmem:$0x1EC8] =	vst v0  }
0x1e9: {  	[tilespmem:$0x1ED8] =	vst v0  }
0x1ea: {  	[tilespmem:$0x1EE8] =	vst v0  }
0x1eb: {  	[tilespmem:$0x1EF8] =	vst v0  }
0x1ec: {  	[tilespmem:$0x1F08] =	vst v0  }
0x1ed: {  	[tilespmem:$0x1F18] =	vst v0  }
0x1ee: {  	[tilespmem:$0x1F28] =	vst v0  }
0x1ef: {  	[tilespmem:$0x1F38] =	vst v0  }
0x1f0: {  	[tilespmem:$0x1F48] =	vst v0  }
0x1f1: {  	[tilespmem:$0x1F58] =	vst v0  }
0x1f2: {  	[tilespmem:$0x1F68] =	vst v0  }
0x1f3: {  	[tilespmem:$0x1F78] =	vst v0  }
0x1f4: {  	[tilespmem:$0x1F88] =	vst v0  }
0x1f5: {  	[tilespmem:$0x1F98] =	vst v0  }
0x1f6: {  	[tilespmem:$0x1FA8] =	vst v0  }
0x1f7: {  	[tilespmem:$0x1FB8] =	vst v0  }
0x1f8: {  	[tilespmem:$0x1FC8] =	vst v0  }
0x1f9: {  	[tilespmem:$0x1FD8] =	vst v0  }
0x1fa: {  	[tilespmem:$0x1FE8] =	vst v0  }
0x1fb: {  	[tilespmem:$0x1FF8] =	vst v0  }
0x1fc: {  	[tilespmem:$0x2008] =	vst v0  }
0x1fd: {  	[tilespmem:$0x2018] =	vst v0  }
0x1fe: {  	[tilespmem:$0x2028] =	vst v0  }
0x1ff: {  	[tilespmem:$0x2038] =	vst v0  }
0x200: {  	[tilespmem:$0x2048] =	vst v0  }
0x201: {  	[tilespmem:$0x2058] =	vst v0  }
0x202: {  	[tilespmem:$0x2068] =	vst v0  }
0x203: {  	[tilespmem:$0x2078] =	vst v0  }
0x204: {  	[tilespmem:$0x2088] =	vst v0  }
0x205: {  	[tilespmem:$0x2098] =	vst v0  }
0x206: {  	[tilespmem:$0x20A8] =	vst v0  }
0x207: {  	[tilespmem:$0x20B8] =	vst v0  }
0x208: {  	[tilespmem:$0x20C8] =	vst v0  }
0x209: {  	[tilespmem:$0x20D8] =	vst v0  }
0x20a: {  	[tilespmem:$0x20E8] =	vst v0  }
0x20b: {  	[tilespmem:$0x20F8] =	vst v0  }
0x20c: {  	[tilespmem:$0x2108] =	vst v0  }
0x20d: {  	[tilespmem:$0x2118] =	vst v0  }
0x20e: {  	[tilespmem:$0x2128] =	vst v0  }
0x20f: {  	[tilespmem:$0x2138] =	vst v0  }
0x210: {  	[tilespmem:$0x2148] =	vst v0  }
0x211: {  	[tilespmem:$0x2158] =	vst v0  }
0x212: {  	[tilespmem:$0x2168] =	vst v0  }
0x213: {  	[tilespmem:$0x2178] =	vst v0  }
0x214: {  	[tilespmem:$0x2188] =	vst v0  }
0x215: {  	[tilespmem:$0x2198] =	vst v0  }
0x216: {  	[tilespmem:$0x21C8] =	vst v0  }
0x217: {  	[tilespmem:$0x21D8] =	vst v0  }
0x218: {  	[tilespmem:$0x21E8] =	vst v0  }
0x219: {  	[tilespmem:$0x21F8] =	vst v0  }
0x21a: {  	[tilespmem:$0x2208] =	vst v0  }
0x21b: {  	[tilespmem:$0x2218] =	vst v0  }
0x21c: {  	[tilespmem:$0x2228] =	vst v0  }
0x21d: {  	[tilespmem:$0x2238] =	vst v0  }
0x21e: {  	[tilespmem:$0x2248] =	vst v0  }
0x21f: {  	[tilespmem:$0x2258] =	vst v0  }
0x220: {  	[tilespmem:$0x2268] =	vst v0  }
0x221: {  	[tilespmem:$0x2278] =	vst v0  }
0x222: {  	[tilespmem:$0x2288] =	vst v0  }
0x223: {  	[tilespmem:$0x2298] =	vst v0  }
0x224: {  	[tilespmem:$0x22A8] =	vst v0  }
0x225: {  	[tilespmem:$0x22B8] =	vst v0  }
0x226: {  	[tilespmem:$0x22C8] =	vst v0  }
0x227: {  	[tilespmem:$0x22D8] =	vst v0  }
0x228: {  	[tilespmem:$0x22E8] =	vst v0  }
0x229: {  	[tilespmem:$0x22F8] =	vst v0  }
0x22a: {  	[tilespmem:$0x2308] =	vst v0  }
0x22b: {  	[tilespmem:$0x2318] =	vst v0  }
0x22c: {  	[tilespmem:$0x2328] =	vst v0  }
0x22d: {  	[tilespmem:$0x2338] =	vst v0  }
0x22e: {  	[tilespmem:$0x2348] =	vst v0  }
0x22f: {  	[tilespmem:$0x2358] =	vst v0  }
0x230: {  	[tilespmem:$0x2368] =	vst v0  }
0x231: {  	[tilespmem:$0x2378] =	vst v0  }
0x232: {  	[tilespmem:$0x2388] =	vst v0  }
0x233: {  	[tilespmem:$0x2398] =	vst v0  }
0x234: {  	[tilespmem:$0x23A8] =	vst v0  }
0x235: {  	[tilespmem:$0x23B8] =	vst v0  }
0x236: {  	[tilespmem:$0x23C8] =	vst v0  }
0x237: {  	[tilespmem:$0x23D8] =	vst v0  }
0x238: {  	[tilespmem:$0x23E8] =	vst v0  }
0x239: {  	[tilespmem:$0x23F8] =	vst v0  }
0x23a: {  	[tilespmem:$0x2408] =	vst v0  }
0x23b: {  	[tilespmem:$0x2418] =	vst v0  }
0x23c: {  	[tilespmem:$0x2428] =	vst v0  }
0x23d: {  	[tilespmem:$0x2438] =	vst v0  }
0x23e: {  	[tilespmem:$0x2448] =	vst v0  }
0x23f: {  	[tilespmem:$0x2458] =	vst v0  }
0x240: {  	[tilespmem:$0x2468] =	vst v0  }
0x241: {  	[tilespmem:$0x2478] =	vst v0  }
0x242: {  	[tilespmem:$0x2488] =	vst v0  }
0x243: {  	[tilespmem:$0x2498] =	vst v0  }
0x244: {  	[tilespmem:$0x24A8] =	vst v0  }
0x245: {  	[tilespmem:$0x24B8] =	vst v0  }
0x246: {  	[tilespmem:$0x24C8] =	vst v0  }
0x247: {  	[tilespmem:$0x24D8] =	vst v0  }
0x248: {  	[tilespmem:$0x24E8] =	vst v0  }
0x249: {  	[tilespmem:$0x24F8] =	vst v0  }
0x24a: {  	[tilespmem:$0x2508] =	vst v0  }
0x24b: {  	[tilespmem:$0x2518] =	vst v0  }
0x24c: {  	[tilespmem:$0x2528] =	vst v0  }
0x24d: {  	[tilespmem:$0x2538] =	vst v0  }
0x24e: {  	[tilespmem:$0x2548] =	vst v0  }
0x24f: {  	[tilespmem:$0x2558] =	vst v0  }
0x250: {  	[tilespmem:$0x2568] =	vst v0  }
0x251: {  	[tilespmem:$0x2578] =	vst v0  }
0x252: {  	[tilespmem:$0x2588] =	vst v0  }
0x253: {  	[tilespmem:$0x2598] =	vst v0  }
0x254: {  	[tilespmem:$0x25A8] =	vst v0  }
0x255: {  	[tilespmem:$0x25B8] =	vst v0  }
0x256: {  	[tilespmem:$0x25C8] =	vst v0  }
0x257: {  	[tilespmem:$0x25D8] =	vst v0  }
0x258: {  	[tilespmem:$0x25E8] =	vst v0  }
0x259: {  	[tilespmem:$0x25F8] =	vst v0  }
0x25a: {  	[tilespmem:$0x2608] =	vst v0  }
0x25b: {  	[tilespmem:$0x2618] =	vst v0  }
0x25c: {  	[tilespmem:$0x2628] =	vst v0  }
0x25d: {  	[tilespmem:$0x2638] =	vst v0  }
0x25e: {  	[tilespmem:$0x2648] =	vst v0  }
0x25f: {  	[tilespmem:$0x2658] =	vst v0  }
0x260: {  	[tilespmem:$0x2668] =	vst v0  }
0x261: {  	[tilespmem:$0x2678] =	vst v0  }
0x262: {  	[tilespmem:$0x2688] =	vst v0  }
0x263: {  	[tilespmem:$0x2698] =	vst v0  }
0x264: {  	[tilespmem:$0x26A8] =	vst v0  }
0x265: {  	[tilespmem:$0x26B8] =	vst v0  }
0x266: {  	[tilespmem:$0x26C8] =	vst v0  }
0x267: {  	[tilespmem:$0x26D8] =	vst v0  }
0x268: {  	[tilespmem:$0x26E8] =	vst v0  }
0x269: {  	[tilespmem:$0x26F8] =	vst v0  }
0x26a: {  	[tilespmem:$0x2708] =	vst v0  }
0x26b: {  	[tilespmem:$0x2718] =	vst v0  }
0x26c: {  	[tilespmem:$0x2728] =	vst v0  }
0x26d: {  	[tilespmem:$0x2738] =	vst v0  }
0x26e: {  	[tilespmem:$0x2748] =	vst v0  }
0x26f: {  	[tilespmem:$0x2758] =	vst v0  }
0x270: {  	[tilespmem:$0x2768] =	vst v0  }
0x271: {  	[tilespmem:$0x2778] =	vst v0  }
0x272: {  	[tilespmem:$0x2788] =	vst v0  }
0x273: {  	[tilespmem:$0x2798] =	vst v0  }
0x274: {  	[tilespmem:$0x27A8] =	vst v0  }
0x275: {  	[tilespmem:$0x27B8] =	vst v0  }
0x276: {  	[tilespmem:$0x27C8] =	vst v0  }
0x277: {  	[tilespmem:$0x27D8] =	vst v0  }
0x278: {  	[tilespmem:$0x27E8] =	vst v0  }
0x279: {  	[tilespmem:$0x27F8] =	vst v0  }
0x27a: {  	[tilespmem:$0x2808] =	vst v0  }
0x27b: {  	[tilespmem:$0x2818] =	vst v0  }
0x27c: {  	[tilespmem:$0x2828] =	vst v0  }
0x27d: {  	[tilespmem:$0x2838] =	vst v0  }
0x27e: {  	[tilespmem:$0x2848] =	vst v0  }
0x27f: {  	[tilespmem:$0x2858] =	vst v0  }
0x280: {  	[tilespmem:$0x2868] =	vst v0  }
0x281: {  	[tilespmem:$0x2878] =	vst v0  }
0x282: {  	[tilespmem:$0x2888] =	vst v0  }
0x283: {  	[tilespmem:$0x2898] =	vst v0  }
0x284: {  	[tilespmem:$0x28A8] =	vst v0  }
0x285: {  	[tilespmem:$0x28B8] =	vst v0  }
0x286: {  	[tilespmem:$0x28C8] =	vst v0  }
0x287: {  	[tilespmem:$0x28D8] =	vst v0  }
0x288: {  	[tilespmem:$0x28E8] =	vst v0  }
0x289: {  	[tilespmem:$0x28F8] =	vst v0  }
0x28a: {  	[tilespmem:$0x2908] =	vst v0  }
0x28b: {  	[tilespmem:$0x2918] =	vst v0  }
0x28c: {  	[tilespmem:$0x2928] =	vst v0  }
0x28d: {  	[tilespmem:$0x2938] =	vst v0  }
0x28e: {  	[tilespmem:$0x2948] =	vst v0  }
0x28f: {  	[tilespmem:$0x2958] =	vst v0  }
0x290: {  	[tilespmem:$0x2968] =	vst v0  }
0x291: {  	[tilespmem:$0x2978] =	vst v0  }
0x292: {  	[tilespmem:$0x2988] =	vst v0  }
0x293: {  	[tilespmem:$0x2998] =	vst v0  }
0x294: {  	[tilespmem:$0x29A8] =	vst v0  }
0x295: {  	[tilespmem:$0x29B8] =	vst v0  }
0x296: {  	[tilespmem:$0x29C8] =	vst v0  }
0x297: {  	[tilespmem:$0x29D8] =	vst v0  }
0x298: {  	[tilespmem:$0x29E8] =	vst v0  }
0x299: {  	[tilespmem:$0x29F8] =	vst v0  }
0x29a: {  	[tilespmem:$0x2A08] =	vst v0  }
0x29b: {  	[tilespmem:$0x2A18] =	vst v0  }
0x29c: {  	[tilespmem:$0x2A28] =	vst v0  }
0x29d: {  	[tilespmem:$0x2A38] =	vst v0  }
0x29e: {  	[tilespmem:$0x2A48] =	vst v0  }
0x29f: {  	[tilespmem:$0x2A58] =	vst v0  }
0x2a0: {  	[tilespmem:$0x2A68] =	vst v0  }
0x2a1: {  	[tilespmem:$0x2A78] =	vst v0  }
0x2a2: {  	[tilespmem:$0x2A88] =	vst v0  }
0x2a3: {  	[tilespmem:$0x2A98] =	vst v0  }
0x2a4: {  	[tilespmem:$0x2AA8] =	vst v0  }
0x2a5: {  	[tilespmem:$0x2AB8] =	vst v0  }
0x2a6: {  	[tilespmem:$0x2AC8] =	vst v0  }
0x2a7: {  	[tilespmem:$0x2AD8] =	vst v0  }
0x2a8: {  	[tilespmem:$0x2AE8] =	vst v0  }
0x2a9: {  	[tilespmem:$0x2AF8] =	vst v0  }
0x2aa: {  	[tilespmem:$0x2B08] =	vst v0  }
0x2ab: {  	[tilespmem:$0x2B18] =	vst v0  }
0x2ac: {  	[tilespmem:$0x2B28] =	vst v0  }
0x2ad: {  	[tilespmem:$0x2B38] =	vst v0  }
0x2ae: {  	[tilespmem:$0x2B48] =	vst v0  }
0x2af: {  	[tilespmem:$0x2B58] =	vst v0  }
0x2b0: {  	[tilespmem:$0x2B68] =	vst v0  }
0x2b1: {  	[tilespmem:$0x2B78] =	vst v0  }
0x2b2: {  	[tilespmem:$0x2B88] =	vst v0  }
0x2b3: {  	[tilespmem:$0x2B98] =	vst v0  }
0x2b4: {  	[tilespmem:$0x2BA8] =	vst v0  }
0x2b5: {  	[tilespmem:$0x2BB8] =	vst v0  }
0x2b6: {  	[tilespmem:$0x2BC8] =	vst v0  }
0x2b7: {  	[tilespmem:$0x2BD8] =	vst v0  }
0x2b8: {  	[tilespmem:$0x2BE8] =	vst v0  }
0x2b9: {  	[tilespmem:$0x2BF8] =	vst v0  }
0x2ba: {  	[tilespmem:$0x2C08] =	vst v0  }
0x2bb: {  	[tilespmem:$0x2C18] =	vst v0  }
0x2bc: {  	[tilespmem:$0x2C28] =	vst v0  }
0x2bd: {  	[tilespmem:$0x2C38] =	vst v0  }
0x2be: {  	[tilespmem:$0x2C48] =	vst v0  }
0x2bf: {  	[tilespmem:$0x2C58] =	vst v0  }
0x2c0: {  	[tilespmem:$0x2C68] =	vst v0  }
0x2c1: {  	[tilespmem:$0x2C78] =	vst v0  }
0x2c2: {  	[tilespmem:$0x2C88] =	vst v0  }
0x2c3: {  	[tilespmem:$0x2C98] =	vst v0  }
0x2c4: {  	[tilespmem:$0x2CA8] =	vst v0  }
0x2c5: {  	[tilespmem:$0x2CB8] =	vst v0  }
0x2c6: {  	[tilespmem:$0x2CC8] =	vst v0  }
0x2c7: {  	[tilespmem:$0x2CD8] =	vst v0  }
0x2c8: {  	[tilespmem:$0x2CE8] =	vst v0  }
0x2c9: {  	[tilespmem:$0x2CF8] =	vst v0  }
0x2ca: {  	[tilespmem:$0x2D08] =	vst v0  }
0x2cb: {  	[tilespmem:$0x2D18] =	vst v0  }
0x2cc: {  	[tilespmem:$0x2D28] =	vst v0  }
0x2cd: {  	[tilespmem:$0x2D38] =	vst v0  }
0x2ce: {  	[tilespmem:$0x2D48] =	vst v0  }
0x2cf: {  	[tilespmem:$0x2D58] =	vst v0  }
0x2d0: {  	[tilespmem:$0x2D68] =	vst v0  }
0x2d1: {  	[tilespmem:$0x2D78] =	vst v0  }
0x2d2: {  	[tilespmem:$0x2D88] =	vst v0  }
0x2d3: {  	[tilespmem:$0x2D98] =	vst v0  }
0x2d4: {  	[tilespmem:$0x2DA8] =	vst v0  }
0x2d5: {  	[tilespmem:$0x2DB8] =	vst v0  }
0x2d6: {  	[tilespmem:$0x2DC8] =	vst v0  }
0x2d7: {  	[tilespmem:$0x2DD8] =	vst v0  }
0x2d8: {  	[tilespmem:$0x2DE8] =	vst v0  }
0x2d9: {  	[tilespmem:$0x2DF8] =	vst v0  }
0x2da: {  	[tilespmem:$0x2E08] =	vst v0  }
0x2db: {  	[tilespmem:$0x2E18] =	vst v0  }
0x2dc: {  	[tilespmem:$0x2E28] =	vst v0  }
0x2dd: {  	[tilespmem:$0x2E38] =	vst v0  }
0x2de: {  	[tilespmem:$0x2E48] =	vst v0  }
0x2df: {  	[tilespmem:$0x2E58] =	vst v0  }
0x2e0: {  	[tilespmem:$0x2E68] =	vst v0  }
0x2e1: {  	[tilespmem:$0x2E78] =	vst v0  }
0x2e2: {  	[tilespmem:$0x2E88] =	vst v0  }
0x2e3: {  	[tilespmem:$0x2E98] =	vst v0  }
0x2e4: {  	[tilespmem:$0x2EA8] =	vst v0  }
0x2e5: {  	[tilespmem:$0x2EB8] =	vst v0  }
0x2e6: {  	[tilespmem:$0x2EC8] =	vst v0  }
0x2e7: {  	[tilespmem:$0x2ED8] =	vst v0  }
0x2e8: {  	[tilespmem:$0x2EE8] =	vst v0  }
0x2e9: {  	[tilespmem:$0x2EF8] =	vst v0  }
0x2ea: {  	[tilespmem:$0x2F08] =	vst v0  }
0x2eb: {  	[tilespmem:$0x2F18] =	vst v0  }
0x2ec: {  	[tilespmem:$0x2F28] =	vst v0  }
0x2ed: {  	[tilespmem:$0x2F38] =	vst v0  }
0x2ee: {  	[tilespmem:$0x2F48] =	vst v0  }
0x2ef: {  	[tilespmem:$0x2F58] =	vst v0  }
0x2f0: {  	[tilespmem:$0x2F68] =	vst v0  }
0x2f1: {  	[tilespmem:$0x2F78] =	vst v0  }
0x2f2: {  	[tilespmem:$0x2F88] =	vst v0  }
0x2f3: {  	[tilespmem:$0x2F98] =	vst v0  }
0x2f4: {  	[tilespmem:$0x2FA8] =	vst v0  }
0x2f5: {  	[tilespmem:$0x2FB8] =	vst v0  }
0x2f6: {  	[tilespmem:$0x2FC8] =	vst v0  }
0x2f7: {  	[tilespmem:$0x2FD8] =	vst v0  }
0x2f8: {  	[tilespmem:$0x2FE8] =	vst v0  }
0x2f9: {  	[tilespmem:$0x2FF8] =	vst v0  }
0x2fa: {  	[tilespmem:$0x3008] =	vst v0  }
0x2fb: {  	[tilespmem:$0x3018] =	vst v0  }
0x2fc: {  	[tilespmem:$0x3028] =	vst v0  }
0x2fd: {  	[tilespmem:$0x3038] =	vst v0  }
0x2fe: {  	[tilespmem:$0x3048] =	vst v0  }
0x2ff: {  	[tilespmem:$0x3058] =	vst v0  }
0x300: {  	[tilespmem:$0x3068] =	vst v0  }
0x301: {  	[tilespmem:$0x3078] =	vst v0  }
0x302: {  	[tilespmem:$0x3088] =	vst v0  }
0x303: {  	[tilespmem:$0x3098] =	vst v0  }
0x304: {  	[tilespmem:$0x30A8] =	vst v0  }
0x305: {  	[tilespmem:$0x30B8] =	vst v0  }
0x306: {  	[tilespmem:$0x30C8] =	vst v0  }
0x307: {  	[tilespmem:$0x30D8] =	vst v0  }
0x308: {  	[tilespmem:$0x30E8] =	vst v0  }
0x309: {  	[tilespmem:$0x30F8] =	vst v0  }
0x30a: {  	[tilespmem:$0x3108] =	vst v0  }
0x30b: {  	[tilespmem:$0x3118] =	vst v0  }
0x30c: {  	[tilespmem:$0x3128] =	vst v0  }
0x30d: {  	[tilespmem:$0x3138] =	vst v0  }
0x30e: {  	[tilespmem:$0x3148] =	vst v0  }
0x30f: {  	[tilespmem:$0x3158] =	vst v0  }
0x310: {  	[tilespmem:$0x3168] =	vst v0  }
0x311: {  	[tilespmem:$0x3178] =	vst v0  }
0x312: {  	[tilespmem:$0x3188] =	vst v0  }
0x313: {  	[tilespmem:$0x3198] =	vst v0  }
0x314: {  	[tilespmem:$0x31A8] =	vst v0  }
0x315: {  	[tilespmem:$0x31B8] =	vst v0  }
0x316: {  	[tilespmem:$0x40E8] =	vst v0  }
0x317: {  	[tilespmem:$0x40F8] =	vst v0  }
0x318: {  	[tilespmem:$0x31C8] =	vst v0  }
0x319: {  	[tilespmem:$0x31D8] =	vst v0  }
0x31a: {  	[tilespmem:$0x31E8] =	vst v0  }
0x31b: {  	[tilespmem:$0x31F8] =	vst v0  }
0x31c: {  	[tilespmem:$0x3208] =	vst v0  }
0x31d: {  	[tilespmem:$0x3218] =	vst v0  }
0x31e: {  	[tilespmem:$0x3228] =	vst v0  }
0x31f: {  	[tilespmem:$0x3238] =	vst v0  }
0x320: {  	[tilespmem:$0x3248] =	vst v0  }
0x321: {  	[tilespmem:$0x3258] =	vst v0  }
0x322: {  	[tilespmem:$0x3268] =	vst v0  }
0x323: {  	[tilespmem:$0x3278] =	vst v0  }
0x324: {  	[tilespmem:$0x3288] =	vst v0  }
0x325: {  	[tilespmem:$0x3298] =	vst v0  }
0x326: {  	[tilespmem:$0x32A8] =	vst v0  }
0x327: {  	[tilespmem:$0x32B8] =	vst v0  }
0x328: {  	[tilespmem:$0x32C8] =	vst v0  }
0x329: {  	[tilespmem:$0x32D8] =	vst v0  }
0x32a: {  	[tilespmem:$0x32E8] =	vst v0  }
0x32b: {  	[tilespmem:$0x32F8] =	vst v0  }
0x32c: {  	[tilespmem:$0x3308] =	vst v0  }
0x32d: {  	[tilespmem:$0x3318] =	vst v0  }
0x32e: {  	[tilespmem:$0x3328] =	vst v0  }
0x32f: {  	[tilespmem:$0x3338] =	vst v0  }
0x330: {  	[tilespmem:$0x3348] =	vst v0  }
0x331: {  	[tilespmem:$0x3358] =	vst v0  }
0x332: {  	[tilespmem:$0x3368] =	vst v0  }
0x333: {  	[tilespmem:$0x3378] =	vst v0  }
0x334: {  	[tilespmem:$0x3388] =	vst v0  }
0x335: {  	[tilespmem:$0x3398] =	vst v0  }
0x336: {  	[tilespmem:$0x33A8] =	vst v0  }
0x337: {  	[tilespmem:$0x33B8] =	vst v0  }
0x338: {  	[tilespmem:$0x33C8] =	vst v0  }
0x339: {  	[tilespmem:$0x33D8] =	vst v0  }
0x33a: {  	[tilespmem:$0x33E8] =	vst v0  }
0x33b: {  	[tilespmem:$0x33F8] =	vst v0  }
0x33c: {  	[tilespmem:$0x3408] =	vst v0  }
0x33d: {  	[tilespmem:$0x3418] =	vst v0  }
0x33e: {  	[tilespmem:$0x3428] =	vst v0  }
0x33f: {  	[tilespmem:$0x3438] =	vst v0  }
0x340: {  	[tilespmem:$0x3448] =	vst v0  }
0x341: {  	[tilespmem:$0x3458] =	vst v0  }
0x342: {  	[tilespmem:$0x3468] =	vst v0  }
0x343: {  	[tilespmem:$0x3478] =	vst v0  }
0x344: {  	[tilespmem:$0x3488] =	vst v0  }
0x345: {  	[tilespmem:$0x3498] =	vst v0  }
0x346: {  	[tilespmem:$0x34A8] =	vst v0  }
0x347: {  	[tilespmem:$0x34B8] =	vst v0  }
0x348: {  	[tilespmem:$0x34C8] =	vst v0  }
0x349: {  	[tilespmem:$0x34D8] =	vst v0  }
0x34a: {  	[tilespmem:$0x34E8] =	vst v0  }
0x34b: {  	[tilespmem:$0x34F8] =	vst v0  }
0x34c: {  	[tilespmem:$0x3508] =	vst v0  }
0x34d: {  	[tilespmem:$0x3518] =	vst v0  }
0x34e: {  	[tilespmem:$0x3528] =	vst v0  }
0x34f: {  	[tilespmem:$0x3538] =	vst v0  }
0x350: {  	[tilespmem:$0x3548] =	vst v0  }
0x351: {  	[tilespmem:$0x3558] =	vst v0  }
0x352: {  	[tilespmem:$0x3568] =	vst v0  }
0x353: {  	[tilespmem:$0x3578] =	vst v0  }
0x354: {  	[tilespmem:$0x3588] =	vst v0  }
0x355: {  	[tilespmem:$0x3598] =	vst v0  }
0x356: {  	[tilespmem:$0x35A8] =	vst v0  }
0x357: {  	[tilespmem:$0x35B8] =	vst v0  }
0x358: {  	[tilespmem:$0x35C8] =	vst v0  }
0x359: {  	[tilespmem:$0x35D8] =	vst v0  }
0x35a: {  	[tilespmem:$0x35E8] =	vst v0  }
0x35b: {  	[tilespmem:$0x35F8] =	vst v0  }
0x35c: {  	[tilespmem:$0x3608] =	vst v0  }
0x35d: {  	[tilespmem:$0x3618] =	vst v0  }
0x35e: {  	[tilespmem:$0x3628] =	vst v0  }
0x35f: {  	[tilespmem:$0x3638] =	vst v0  }
0x360: {  	[tilespmem:$0x3648] =	vst v0  }
0x361: {  	[tilespmem:$0x3658] =	vst v0  }
0x362: {  	[tilespmem:$0x3668] =	vst v0  }
0x363: {  	[tilespmem:$0x3678] =	vst v0  }
0x364: {  	[tilespmem:$0x3688] =	vst v0  }
0x365: {  	[tilespmem:$0x3698] =	vst v0  }
0x366: {  	[tilespmem:$0x36A8] =	vst v0  }
0x367: {  	[tilespmem:$0x36B8] =	vst v0  }
0x368: {  	[tilespmem:$0x36C8] =	vst v0  }
0x369: {  	[tilespmem:$0x36D8] =	vst v0  }
0x36a: {  	[tilespmem:$0x36E8] =	vst v0  }
0x36b: {  	[tilespmem:$0x36F8] =	vst v0  }
0x36c: {  	[tilespmem:$0x3708] =	vst v0  }
0x36d: {  	[tilespmem:$0x3718] =	vst v0  }
0x36e: {  	[tilespmem:$0x3728] =	vst v0  }
0x36f: {  	[tilespmem:$0x3738] =	vst v0  }
0x370: {  	[tilespmem:$0x3748] =	vst v0  }
0x371: {  	[tilespmem:$0x3758] =	vst v0  }
0x372: {  	[tilespmem:$0x3768] =	vst v0  }
0x373: {  	[tilespmem:$0x3778] =	vst v0  }
0x374: {  	[tilespmem:$0x3788] =	vst v0  }
0x375: {  	[tilespmem:$0x3798] =	vst v0  }
0x376: {  	[tilespmem:$0x37A8] =	vst v0  }
0x377: {  	[tilespmem:$0x37B8] =	vst v0  }
0x378: {  	[tilespmem:$0x37C8] =	vst v0  }
0x379: {  	[tilespmem:$0x37D8] =	vst v0  }
0x37a: {  	[tilespmem:$0x37E8] =	vst v0  }
0x37b: {  	[tilespmem:$0x37F8] =	vst v0  }
0x37c: {  	[tilespmem:$0x3808] =	vst v0  }
0x37d: {  	[tilespmem:$0x3818] =	vst v0  }
0x37e: {  	[tilespmem:$0x3828] =	vst v0  }
0x37f: {  	[tilespmem:$0x3838] =	vst v0  }
0x380: {  	[tilespmem:$0x3848] =	vst v0  }
0x381: {  	[tilespmem:$0x3858] =	vst v0  }
0x382: {  	[tilespmem:$0x3868] =	vst v0  }
0x383: {  	[tilespmem:$0x3878] =	vst v0  }
0x384: {  	[tilespmem:$0x3888] =	vst v0  }
0x385: {  	[tilespmem:$0x3898] =	vst v0  }
0x386: {  	[tilespmem:$0x38A8] =	vst v0  }
0x387: {  	[tilespmem:$0x38B8] =	vst v0  }
0x388: {  	[tilespmem:$0x38C8] =	vst v0  }
0x389: {  	[tilespmem:$0x38D8] =	vst v0  }
0x38a: {  	[tilespmem:$0x38E8] =	vst v0  }
0x38b: {  	[tilespmem:$0x38F8] =	vst v0  }
0x38c: {  	[tilespmem:$0x3908] =	vst v0  }
0x38d: {  	[tilespmem:$0x3918] =	vst v0  }
0x38e: {  	[tilespmem:$0x3928] =	vst v0  }
0x38f: {  	[tilespmem:$0x3938] =	vst v0  }
0x390: {  	[tilespmem:$0x3948] =	vst v0  }
0x391: {  	[tilespmem:$0x3958] =	vst v0  }
0x392: {  	[tilespmem:$0x3968] =	vst v0  }
0x393: {  	[tilespmem:$0x3978] =	vst v0  }
0x394: {  	[tilespmem:$0x3988] =	vst v0  }
0x395: {  	[tilespmem:$0x3998] =	vst v0  }
0x396: {  	[tilespmem:$0x39A8] =	vst v0  }
0x397: {  	[tilespmem:$0x39B8] =	vst v0  }
0x398: {  	[tilespmem:$0x39C8] =	vst v0  }
0x399: {  	[tilespmem:$0x39D8] =	vst v0  }
0x39a: {  	[tilespmem:$0x39E8] =	vst v0  }
0x39b: {  	[tilespmem:$0x39F8] =	vst v0  }
0x39c: {  	[tilespmem:$0x3A08] =	vst v0  }
0x39d: {  	[tilespmem:$0x3A18] =	vst v0  }
0x39e: {  	[tilespmem:$0x3A28] =	vst v0  }
0x39f: {  	[tilespmem:$0x3A38] =	vst v0  }
0x3a0: {  	[tilespmem:$0x3A48] =	vst v0  }
0x3a1: {  	[tilespmem:$0x3A58] =	vst v0  }
0x3a2: {  	[tilespmem:$0x3A68] =	vst v0  }
0x3a3: {  	[tilespmem:$0x3A78] =	vst v0  }
0x3a4: {  	[tilespmem:$0x3A88] =	vst v0  }
0x3a5: {  	[tilespmem:$0x3A98] =	vst v0  }
0x3a6: {  	[tilespmem:$0x3AA8] =	vst v0  }
0x3a7: {  	[tilespmem:$0x3AB8] =	vst v0  }
0x3a8: {  	[tilespmem:$0x3AC8] =	vst v0  }
0x3a9: {  	[tilespmem:$0x3AD8] =	vst v0  }
0x3aa: {  	[tilespmem:$0x3AE8] =	vst v0  }
0x3ab: {  	[tilespmem:$0x3AF8] =	vst v0  }
0x3ac: {  	[tilespmem:$0x3B08] =	vst v0  }
0x3ad: {  	[tilespmem:$0x3B18] =	vst v0  }
0x3ae: {  	[tilespmem:$0x3B28] =	vst v0  }
0x3af: {  	[tilespmem:$0x3B38] =	vst v0  }
0x3b0: {  	[tilespmem:$0x3B48] =	vst v0  }
0x3b1: {  	[tilespmem:$0x3B58] =	vst v0  }
0x3b2: {  	[tilespmem:$0x3B68] =	vst v0  }
0x3b3: {  	[tilespmem:$0x3B78] =	vst v0  }
0x3b4: {  	[tilespmem:$0x3B88] =	vst v0  }
0x3b5: {  	[tilespmem:$0x3B98] =	vst v0  }
0x3b6: {  	[tilespmem:$0x3BA8] =	vst v0  }
0x3b7: {  	[tilespmem:$0x3BB8] =	vst v0  }
0x3b8: {  	[tilespmem:$0x3BC8] =	vst v0  }
0x3b9: {  	[tilespmem:$0x3BD8] =	vst v0  }
0x3ba: {  	[tilespmem:$0x3BE8] =	vst v0  }
0x3bb: {  	[tilespmem:$0x3BF8] =	vst v0  }
0x3bc: {  	[tilespmem:$0x3C08] =	vst v0  }
0x3bd: {  	[tilespmem:$0x3C18] =	vst v0  }
0x3be: {  	[tilespmem:$0x3C28] =	vst v0  }
0x3bf: {  	[tilespmem:$0x3C38] =	vst v0  }
0x3c0: {  	[tilespmem:$0x3C48] =	vst v0  }
0x3c1: {  	[tilespmem:$0x3C58] =	vst v0  }
0x3c2: {  	[tilespmem:$0x3C68] =	vst v0  }
0x3c3: {  	[tilespmem:$0x3C78] =	vst v0  }
0x3c4: {  	[tilespmem:$0x3C88] =	vst v0  }
0x3c5: {  	[tilespmem:$0x3C98] =	vst v0  }
0x3c6: {  	[tilespmem:$0x3CA8] =	vst v0  }
0x3c7: {  	[tilespmem:$0x3CB8] =	vst v0  }
0x3c8: {  	[tilespmem:$0x3CC8] =	vst v0  }
0x3c9: {  	[tilespmem:$0x3CD8] =	vst v0  }
0x3ca: {  	[tilespmem:$0x3CE8] =	vst v0  }
0x3cb: {  	[tilespmem:$0x3CF8] =	vst v0  }
0x3cc: {  	[tilespmem:$0x3D08] =	vst v0  }
0x3cd: {  	[tilespmem:$0x3D18] =	vst v0  }
0x3ce: {  	[tilespmem:$0x3D28] =	vst v0  }
0x3cf: {  	[tilespmem:$0x3D38] =	vst v0  }
0x3d0: {  	[tilespmem:$0x3D48] =	vst v0  }
0x3d1: {  	[tilespmem:$0x3D58] =	vst v0  }
0x3d2: {  	[tilespmem:$0x3D68] =	vst v0  }
0x3d3: {  	[tilespmem:$0x3D78] =	vst v0  }
0x3d4: {  	[tilespmem:$0x3D88] =	vst v0  }
0x3d5: {  	[tilespmem:$0x3D98] =	vst v0  }
0x3d6: {  	[tilespmem:$0x3DA8] =	vst v0  }
0x3d7: {  	[tilespmem:$0x3DB8] =	vst v0  }
0x3d8: {  	[tilespmem:$0x3DC8] =	vst v0  }
0x3d9: {  	[tilespmem:$0x3DD8] =	vst v0  }
0x3da: {  	[tilespmem:$0x3DE8] =	vst v0  }
0x3db: {  	[tilespmem:$0x3DF8] =	vst v0  }
0x3dc: {  	[tilespmem:$0x3E08] =	vst v0  }
0x3dd: {  	[tilespmem:$0x3E18] =	vst v0  }
0x3de: {  	[tilespmem:$0x3E28] =	vst v0  }
0x3df: {  	[tilespmem:$0x3E38] =	vst v0  }
0x3e0: {  	[tilespmem:$0x3E48] =	vst v0  }
0x3e1: {  	[tilespmem:$0x3E58] =	vst v0  }
0x3e2: {  	[tilespmem:$0x3E68] =	vst v0  }
0x3e3: {  	[tilespmem:$0x3E78] =	vst v0  }
0x3e4: {  	[tilespmem:$0x3E88] =	vst v0  }
0x3e5: {  	[tilespmem:$0x3E98] =	vst v0  }
0x3e6: {  	[tilespmem:$0x3EA8] =	vst v0  }
0x3e7: {  	[tilespmem:$0x3EB8] =	vst v0  }
0x3e8: {  	[tilespmem:$0x3EC8] =	vst v0  }
0x3e9: {  	[tilespmem:$0x3ED8] =	vst v0  }
0x3ea: {  	[tilespmem:$0x3EE8] =	vst v0  }
0x3eb: {  	[tilespmem:$0x3EF8] =	vst v0  }
0x3ec: {  	[tilespmem:$0x3F08] =	vst v0  }
0x3ed: {  	[tilespmem:$0x3F18] =	vst v0  }
0x3ee: {  	[tilespmem:$0x3F28] =	vst v0  }
0x3ef: {  	[tilespmem:$0x3F38] =	vst v0  }
0x3f0: {  	[tilespmem:$0x3F48] =	vst v0  }
0x3f1: {  	[tilespmem:$0x3F58] =	vst v0  }
0x3f2: {  	[tilespmem:$0x3F68] =	vst v0  }
0x3f3: {  	[tilespmem:$0x3F78] =	vst v0  }
0x3f4: {  	[tilespmem:$0x3F88] =	vst v0  }
0x3f5: {  	[tilespmem:$0x3F98] =	vst v0  }
0x3f6: {  	[tilespmem:$0x3FA8] =	vst v0  }
0x3f7: {  	[tilespmem:$0x3FB8] =	vst v0  }
0x3f8: {  	[tilespmem:$0x3FC8] =	vst v0  }
0x3f9: {  	[tilespmem:$0x3FD8] =	vst v0  }
0x3fa: {  	[tilespmem:$0x3FE8] =	vst v0  }
0x3fb: {  	[tilespmem:$0x3FF8] =	vst v0  }
0x3fc: {  	[tilespmem:$0x4008] =	vst v0  }
0x3fd: {  	[tilespmem:$0x4018] =	vst v0  }
0x3fe: {  	[tilespmem:$0x4028] =	vst v0  }
0x3ff: {  	[tilespmem:$0x4038] =	vst v0  }
0x400: {  	[tilespmem:$0x4048] =	vst v0  }
0x401: {  	[tilespmem:$0x4058] =	vst v0  }
0x402: {  	[tilespmem:$0x4068] =	vst v0  }
0x403: {  	[tilespmem:$0x4078] =	vst v0  }
0x404: {  	[tilespmem:$0x4088] =	vst v0  }
0x405: {  	[tilespmem:$0x4098] =	vst v0  }
0x406: {  	[tilespmem:$0x40A8] =	vst v0  }
0x407: {  	[tilespmem:$0x40B8] =	vst v0  }
0x408: {  	[tilespmem:$0x40C8] =	vst v0  }
0x409: {  	[tilespmem:$0x40D8] =	vst v0  }
0x40a: {  	[tilespmem:$0x4108] =	vst v0  }
0x40b: {  	[tilespmem:$0x4118] =	vst v0  }
0x40c: {  	[tilespmem:$0x4128] =	vst v0  }
0x40d: {  	[tilespmem:$0x4138] =	vst v0  }
0x40e: {  	[tilespmem:$0x4148] =	vst v0  }
0x40f: {  	[tilespmem:$0x4158] =	vst v0  }
0x410: {  	[tilespmem:$0x4168] =	vst v0  }
0x411: {  	[tilespmem:$0x4178] =	vst v0  }
0x412: {  	[tilespmem:$0x4188] =	vst v0  }
0x413: {  	[tilespmem:$0x4198] =	vst v0  }
0x414: {  	[tilespmem:$0x41A8] =	vst v0  }
0x415: {  	[tilespmem:$0x41B8] =	vst v0  }
0x416: {  	[tilespmem:$0x41C8] =	vst v0  }
0x417: {  	[tilespmem:$0x41D8] =	vst v0  }
0x418: {  	[tilespmem:$0x41E8] =	vst v0  }
0x419: {  	[tilespmem:$0x41F8] =	vst v0  }
0x41a: {  	[tilespmem:$0x4208] =	vst v0  }
0x41b: {  	[tilespmem:$0x4218] =	vst v0  }
0x41c: {  	[tilespmem:$0x4228] =	vst v0  }
0x41d: {  	[tilespmem:$0x4238] =	vst v0  }
0x41e: {  	[tilespmem:$0x4248] =	vst v0  }
0x41f: {  	[tilespmem:$0x4258] =	vst v0  }
0x420: {  	[tilespmem:$0x4268] =	vst v0  }
0x421: {  	[tilespmem:$0x4278] =	vst v0  }
0x422: {  	[tilespmem:$0x4288] =	vst v0  }
0x423: {  	[tilespmem:$0x4298] =	vst v0  }
0x424: {  	[tilespmem:$0x42A8] =	vst v0  }
0x425: {  	[tilespmem:$0x42B8] =	vst v0  }
0x426: {  	[tilespmem:$0x42C8] =	vst v0  }
0x427: {  	[tilespmem:$0x42D8] =	vst v0  }
0x428: {  	[tilespmem:$0x42E8] =	vst v0  }
0x429: {  	[tilespmem:$0x42F8] =	vst v0  }
0x42a: {  	[tilespmem:$0x4308] =	vst v0  }
0x42b: {  	[tilespmem:$0x4318] =	vst v0  }
0x42c: {  	[tilespmem:$0x4328] =	vst v0  }
0x42d: {  	[tilespmem:$0x4338] =	vst v0  }
0x42e: {  	[tilespmem:$0x4348] =	vst v0  }
0x42f: {  	[tilespmem:$0x4358] =	vst v0  }
0x430: {  	[tilespmem:$0x4368] =	vst v0  }
0x431: {  	[tilespmem:$0x4378] =	vst v0  }
0x432: {  	[tilespmem:$0x4388] =	vst v0  }
0x433: {  	[tilespmem:$0x4398] =	vst v0  }
0x434: {  	[tilespmem:$0x43A8] =	vst v0  }
0x435: {  	[tilespmem:$0x43B8] =	vst v0  }
0x436: {  	[tilespmem:$0x43C8] =	vst v0  }
0x437: {  	[tilespmem:$0x43D8] =	vst v0  }
0x438: {  	[tilespmem:$0x43E8] =	vst v0  }
0x439: {  	[tilespmem:$0x43F8] =	vst v0  }
0x43a: {  	[tilespmem:$0x4408] =	vst v0  }
0x43b: {  	[tilespmem:$0x4418] =	vst v0  }
0x43c: {  	[tilespmem:$0x4428] =	vst v0  }
0x43d: {  	[tilespmem:$0x4438] =	vst v0  }
0x43e: {  	[tilespmem:$0x4448] =	vst v0  }
0x43f: {  	[tilespmem:$0x4458] =	vst v0  }
0x440: {  	[tilespmem:$0x4468] =	vst v0  }
0x441: {  	[tilespmem:$0x4478] =	vst v0  }
0x442: {  	[tilespmem:$0x4488] =	vst v0  }
0x443: {  	[tilespmem:$0x4498] =	vst v0  }
0x444: {  	[tilespmem:$0x44A8] =	vst v0  }
0x445: {  	[tilespmem:$0x44B8] =	vst v0  }
0x446: {  	[tilespmem:$0x44C8] =	vst v0  }
0x447: {  	[tilespmem:$0x44D8] =	vst v0  }
0x448: {  	[tilespmem:$0x44E8] =	vst v0  }
0x449: {  	[tilespmem:$0x44F8] =	vst v0  }
0x44a: {  	[tilespmem:$0x4508] =	vst v0  }
0x44b: {  	[tilespmem:$0x4518] =	vst v0  }
0x44c: {  	[tilespmem:$0x4528] =	vst v0  }
0x44d: {  	[tilespmem:$0x4538] =	vst v0  }
0x44e: {  	[tilespmem:$0x4548] =	vst v0  }
0x44f: {  	[tilespmem:$0x4558] =	vst v0  }
0x450: {  	[tilespmem:$0x4568] =	vst v0  }
0x451: {  	[tilespmem:$0x4578] =	vst v0  }
0x452: {  	[tilespmem:$0x4588] =	vst v0  }
0x453: {  	[tilespmem:$0x4598] =	vst v0  }
0x454: {  	[tilespmem:$0x45A8] =	vst v0  }
0x455: {  	[tilespmem:$0x45B8] =	vst v0  }
0x456: {  	[tilespmem:$0x45C8] =	vst v0  }
0x457: {  	[tilespmem:$0x45D8] =	vst v0  }
0x458: {  	[tilespmem:$0x45E8] =	vst v0  }
0x459: {  	[tilespmem:$0x45F8] =	vst v0  }
0x45a: {  	[tilespmem:$0x4608] =	vst v0  }
0x45b: {  	[tilespmem:$0x4618] =	vst v0  }
0x45c: {  	[tilespmem:$0x4628] =	vst v0  }
0x45d: {  	[tilespmem:$0x4638] =	vst v0  }
0x45e: {  	[tilespmem:$0x4648] =	vst v0  }
0x45f: {  	[tilespmem:$0x4658] =	vst v0  }
0x460: {  	[tilespmem:$0x4668] =	vst v0  }
0x461: {  	[tilespmem:$0x4678] =	vst v0  }
0x462: {  	[tilespmem:$0x4688] =	vst v0  }
0x463: {  	[tilespmem:$0x4698] =	vst v0  }
0x464: {  	[tilespmem:$0x46A8] =	vst v0  }
0x465: {  	[tilespmem:$0x46B8] =	vst v0  }
0x466: {  	[tilespmem:$0x46C8] =	vst v0  }
0x467: {  	[tilespmem:$0x46D8] =	vst v0  }
0x468: {  	[tilespmem:$0x46E8] =	vst v0  }
0x469: {  	[tilespmem:$0x46F8] =	vst v0  }
0x46a: {  	[tilespmem:$0x4708] =	vst v0  }
0x46b: {  	[tilespmem:$0x4718] =	vst v0  }
0x46c: {  	[tilespmem:$0x4728] =	vst v0  }
0x46d: {  	[tilespmem:$0x4738] =	vst v0  }
0x46e: {  	[tilespmem:$0x4748] =	vst v0  }
0x46f: {  	[tilespmem:$0x4758] =	vst v0  }
0x470: {  	[tilespmem:$0x4768] =	vst v0  }
0x471: {  	[tilespmem:$0x4778] =	vst v0  }
0x472: {  	[tilespmem:$0x4788] =	vst v0  }
0x473: {  	[tilespmem:$0x4798] =	vst v0  }
0x474: {  	[tilespmem:$0x47A8] =	vst v0  }
0x475: {  	[tilespmem:$0x47B8] =	vst v0  }
0x476: {  	[tilespmem:$0x47C8] =	vst v0  }
0x477: {  	[tilespmem:$0x47D8] =	vst v0  }
0x478: {  	[tilespmem:$0x47E8] =	vst v0  }
0x479: {  	[tilespmem:$0x47F8] =	vst v0  }
0x47a: {  	[tilespmem:$0x4808] =	vst v0  }
0x47b: {  	[tilespmem:$0x4818] =	vst v0  }
0x47c: {  	[tilespmem:$0x4828] =	vst v0  }
0x47d: {  	[tilespmem:$0x4838] =	vst v0  }
0x47e: {  	[tilespmem:$0x4848] =	vst v0  }
0x47f: {  	[tilespmem:$0x4858] =	vst v0  }
0x480: {  	[tilespmem:$0x4868] =	vst v0  }
0x481: {  	[tilespmem:$0x4878] =	vst v0  }
0x482: {  	[tilespmem:$0x4888] =	vst v0  }
0x483: {  	[tilespmem:$0x4898] =	vst v0  }
0x484: {  	[tilespmem:$0x48A8] =	vst v0  }
0x485: {  	[tilespmem:$0x48B8] =	vst v0  }
0x486: {  	[tilespmem:$0x48C8] =	vst v0  }
0x487: {  	[tilespmem:$0x48D8] =	vst v0  }
0x488: {  	[tilespmem:$0x48E8] =	vst v0  }
0x489: {  	[tilespmem:$0x48F8] =	vst v0  }
0x48a: {  	[tilespmem:$0x4908] =	vst v0  }
0x48b: {  	[tilespmem:$0x4918] =	vst v0  }
0x48c: {  	[tilespmem:$0x4928] =	vst v0  }
0x48d: {  	[tilespmem:$0x4938] =	vst v0  }
0x48e: {  	[tilespmem:$0x4948] =	vst v0  }
0x48f: {  	[tilespmem:$0x4958] =	vst v0  }
0x490: {  	[tilespmem:$0x4968] =	vst v0  }
0x491: {  	[tilespmem:$0x4978] =	vst v0  }
0x492: {  	[tilespmem:$0x4988] =	vst v0  }
0x493: {  	[tilespmem:$0x4998] =	vst v0  }
0x494: {  	[tilespmem:$0x49A8] =	vst v0  }
0x495: {  	[tilespmem:$0x49B8] =	vst v0  }
0x496: {  	[tilespmem:$0x49C8] =	vst v0  }
0x497: {  	[tilespmem:$0x49D8] =	vst v0  }
0x498: {  	[tilespmem:$0x49E8] =	vst v0  }
0x499: {  	[tilespmem:$0x49F8] =	vst v0  }
0x49a: {  	[tilespmem:$0x4A08] =	vst v0  }
0x49b: {  	[tilespmem:$0x4A18] =	vst v0  }
0x49c: {  	[tilespmem:$0x4A28] =	vst v0  }
0x49d: {  	[tilespmem:$0x4A38] =	vst v0  }
0x49e: {  	[tilespmem:$0x4A48] =	vst v0  }
0x49f: {  	[tilespmem:$0x4A58] =	vst v0  }
0x4a0: {  	[tilespmem:$0x4A68] =	vst v0  }
0x4a1: {  	[tilespmem:$0x4A78] =	vst v0  }
0x4a2: {  	[tilespmem:$0x4A88] =	vst v0  }
0x4a3: {  	[tilespmem:$0x4A98] =	vst v0  }
0x4a4: {  	[tilespmem:$0x4AA8] =	vst v0  }
0x4a5: {  	[tilespmem:$0x4AB8] =	vst v0  }
0x4a6: {  	[tilespmem:$0x4AC8] =	vst v0  }
0x4a7: {  	[tilespmem:$0x4AD8] =	vst v0  }
0x4a8: {  	[tilespmem:$0x4AE8] =	vst v0  }
0x4a9: {  	[tilespmem:$0x4AF8] =	vst v0  }
0x4aa: {  	[tilespmem:$0x4B08] =	vst v0  }
0x4ab: {  	[tilespmem:$0x4B18] =	vst v0  }
0x4ac: {  	[tilespmem:$0x4B28] =	vst v0  }
0x4ad: {  	[tilespmem:$0x4B38] =	vst v0  }
0x4ae: {  	[tilespmem:$0x4B48] =	vst v0  }
0x4af: {  	[tilespmem:$0x4B58] =	vst v0  }
0x4b0: {  	[tilespmem:$0x4B68] =	vst v0  }
0x4b1: {  	[tilespmem:$0x4B78] =	vst v0  }
0x4b2: {  	[tilespmem:$0x4B88] =	vst v0  }
0x4b3: {  	[tilespmem:$0x4B98] =	vst v0  }
0x4b4: {  	[tilespmem:$0x4BA8] =	vst v0  }
0x4b5: {  	[tilespmem:$0x4BB8] =	vst v0  }
0x4b6: {  	[tilespmem:$0x4BC8] =	vst v0  }
0x4b7: {  	[tilespmem:$0x4BD8] =	vst v0  }
0x4b8: {  	[tilespmem:$0x4BE8] =	vst v0  }
0x4b9: {  	[tilespmem:$0x4BF8] =	vst v0  }
0x4ba: {  	[tilespmem:$0x4C08] =	vst v0  }
0x4bb: {  	[tilespmem:$0x4C18] =	vst v0  }
0x4bc: {  	[tilespmem:$0x4C28] =	vst v0  }
0x4bd: {  	[tilespmem:$0x4C38] =	vst v0  }
0x4be: {  	[tilespmem:$0x4C48] =	vst v0  }
0x4bf: {  	[tilespmem:$0x4C58] =	vst v0  }
0x4c0: {  	[tilespmem:$0x4C68] =	vst v0  }
0x4c1: {  	[tilespmem:$0x4C78] =	vst v0  }
0x4c2: {  	[tilespmem:$0x4C88] =	vst v0  }
0x4c3: {  	[tilespmem:$0x4C98] =	vst v0  }
0x4c4: {  	[tilespmem:$0x4CA8] =	vst v0  }
0x4c5: {  	[tilespmem:$0x4CB8] =	vst v0  }
0x4c6: {  	[tilespmem:$0x4CC8] =	vst v0  }
0x4c7: {  	[tilespmem:$0x4CD8] =	vst v0  }
0x4c8: {  	[tilespmem:$0x4CE8] =	vst v0  }
0x4c9: {  	[tilespmem:$0x4CF8] =	vst v0  }
0x4ca: {  	[tilespmem:$0x4D08] =	vst v0  }
0x4cb: {  	[tilespmem:$0x4D18] =	vst v0  }
0x4cc: {  	[tilespmem:$0x4D28] =	vst v0  }
0x4cd: {  	[tilespmem:$0x4D38] =	vst v0  }
0x4ce: {  	[tilespmem:$0x4D48] =	vst v0  }
0x4cf: {  	[tilespmem:$0x4D58] =	vst v0  }
0x4d0: {  	[tilespmem:$0x4D68] =	vst v0  }
0x4d1: {  	[tilespmem:$0x4D78] =	vst v0  }
0x4d2: {  	[tilespmem:$0x4D88] =	vst v0  }
0x4d3: {  	[tilespmem:$0x4D98] =	vst v0  }
0x4d4: {  	[tilespmem:$0x4DA8] =	vst v0  }
0x4d5: {  	[tilespmem:$0x4DB8] =	vst v0  }
0x4d6: {  	[tilespmem:$0x4DC8] =	vst v0  }
0x4d7: {  	[tilespmem:$0x4DD8] =	vst v0  }
0x4d8: {  	[tilespmem:$0x4DE8] =	vst v0  }
0x4d9: {  	[tilespmem:$0x4DF8] =	vst v0  }
0x4da: {  	[tilespmem:$0x4E08] =	vst v0  }
0x4db: {  	[tilespmem:$0x4E18] =	vst v0  }
0x4dc: {  	[tilespmem:$0x4E28] =	vst v0  }
0x4dd: {  	[tilespmem:$0x4E38] =	vst v0  }
0x4de: {  	[tilespmem:$0x4E48] =	vst v0  }
0x4df: {  	[tilespmem:$0x4E58] =	vst v0  }
0x4e0: {  	[tilespmem:$0x4E68] =	vst v0  }
0x4e1: {  	[tilespmem:$0x4E78] =	vst v0  }
0x4e2: {  	[tilespmem:$0x4E88] =	vst v0  }
0x4e3: {  	[tilespmem:$0x4E98] =	vst v0  }
0x4e4: {  	[tilespmem:$0x4EA8] =	vst v0  }
0x4e5: {  	[tilespmem:$0x4EB8] =	vst v0  }
0x4e6: {  	[tilespmem:$0x4EC8] =	vst v0  }
0x4e7: {  	[tilespmem:$0x4ED8] =	vst v0  }
0x4e8: {  	[tilespmem:$0x4EE8] =	vst v0  }
0x4e9: {  	[tilespmem:$0x4EF8] =	vst v0  }
0x4ea: {  	[tilespmem:$0x4F08] =	vst v0  }
0x4eb: {  	[tilespmem:$0x4F18] =	vst v0  }
0x4ec: {  	[tilespmem:$0x4F28] =	vst v0  }
0x4ed: {  	[tilespmem:$0x4F38] =	vst v0  }
0x4ee: {  	[tilespmem:$0x4F48] =	vst v0  }
0x4ef: {  	[tilespmem:$0x4F58] =	vst v0  }
0x4f0: {  	[tilespmem:$0x4F68] =	vst v0  }
0x4f1: {  	[tilespmem:$0x4F78] =	vst v0  }
0x4f2: {  	[tilespmem:$0x4F88] =	vst v0  }
0x4f3: {  	[tilespmem:$0x4F98] =	vst v0  }
0x4f4: {  	[tilespmem:$0x4FA8] =	vst v0  }
0x4f5: {  	[tilespmem:$0x4FB8] =	vst v0  }
0x4f6: {  	[tilespmem:$0x4FC8] =	vst v0  }
0x4f7: {  	[tilespmem:$0x4FD8] =	vst v0  }
0x4f8: {  	[tilespmem:$0x4FE8] =	vst v0  }
0x4f9: {  	[tilespmem:$0x4FF8] =	vst v0  }
0x4fa: {  	[tilespmem:$0x5008] =	vst v0  }
0x4fb: {  	[tilespmem:$0x5018] =	vst v0  }
0x4fc: {  	[tilespmem:$0x5028] =	vst v0  }
0x4fd: {  	[tilespmem:$0x5038] =	vst v0  }
0x4fe: {  	[tilespmem:$0x5048] =	vst v0  }
0x4ff: {  	[tilespmem:$0x5058] =	vst v0  }
0x500: {  	[tilespmem:$0x5068] =	vst v0  }
0x501: {  	[tilespmem:$0x5078] =	vst v0  }
0x502: {  	[tilespmem:$0x5088] =	vst v0  }
0x503: {  	[tilespmem:$0x5098] =	vst v0  }
0x504: {  	[tilespmem:$0x50A8] =	vst v0  }
0x505: {  	[tilespmem:$0x50B8] =	vst v0  }
0x506: {  	[tilespmem:$0x50C8] =	vst v0  }
0x507: {  	[tilespmem:$0x50D8] =	vst v0  }
0x508: {  	[tilespmem:$0x50E8] =	vst v0  }
0x509: {  	[tilespmem:$0x50F8] =	vst v0  }
0x50a: {  	[tilespmem:$0x5188] =	vst v0  }
0x50b: {  	[tilespmem:$0x5FE8] =	vst v0  }
0x50c: {  	[tilespmem:$0x5FD8] =	vst v0  }
0x50d: {  	[tilespmem:$0x5FC8] =	vst v0  }
0x50e: {  	[tilespmem:$0x5FB8] =	vst v0  }
0x50f: {  	[tilespmem:$0x5FA8] =	vst v0  }
0x510: {  	[tilespmem:$0x5F98] =	vst v0  }
0x511: {  	[tilespmem:$0x5F88] =	vst v0  }
0x512: {  	[tilespmem:$0x5F78] =	vst v0  }
0x513: {  	[tilespmem:$0x5F68] =	vst v0  }
0x514: {  	[tilespmem:$0x5F58] =	vst v0  }
0x515: {  	[tilespmem:$0x5F48] =	vst v0  }
0x516: {  	[tilespmem:$0x5F38] =	vst v0  }
0x517: {  	[tilespmem:$0x5F28] =	vst v0  }
0x518: {  	[tilespmem:$0x5F18] =	vst v0  }
0x519: {  	[tilespmem:$0x5F08] =	vst v0  }
0x51a: {  	[tilespmem:$0x5EF8] =	vst v0  }
0x51b: {  	[tilespmem:$0x5EE8] =	vst v0  }
0x51c: {  	[tilespmem:$0x5ED8] =	vst v0  }
0x51d: {  	[tilespmem:$0x5EC8] =	vst v0  }
0x51e: {  	[tilespmem:$0x5EB8] =	vst v0  }
0x51f: {  	[tilespmem:$0x5EA8] =	vst v0  }
0x520: {  	[tilespmem:$0x5E98] =	vst v0  }
0x521: {  	[tilespmem:$0x5E88] =	vst v0  }
0x522: {  	[tilespmem:$0x5E78] =	vst v0  }
0x523: {  	[tilespmem:$0x5E68] =	vst v0  }
0x524: {  	[tilespmem:$0x5E58] =	vst v0  }
0x525: {  	[tilespmem:$0x5E48] =	vst v0  }
0x526: {  	[tilespmem:$0x5E38] =	vst v0  }
0x527: {  	[tilespmem:$0x5E28] =	vst v0  }
0x528: {  	[tilespmem:$0x5E18] =	vst v0  }
0x529: {  	[tilespmem:$0x5E08] =	vst v0  }
0x52a: {  	[tilespmem:$0x5DF8] =	vst v0  }
0x52b: {  	[tilespmem:$0x5DE8] =	vst v0  }
0x52c: {  	[tilespmem:$0x5DD8] =	vst v0  }
0x52d: {  	[tilespmem:$0x5DC8] =	vst v0  }
0x52e: {  	[tilespmem:$0x5DB8] =	vst v0  }
0x52f: {  	[tilespmem:$0x5DA8] =	vst v0  }
0x530: {  	[tilespmem:$0x5D98] =	vst v0  }
0x531: {  	[tilespmem:$0x5D88] =	vst v0  }
0x532: {  	[tilespmem:$0x5D78] =	vst v0  }
0x533: {  	[tilespmem:$0x5D68] =	vst v0  }
0x534: {  	[tilespmem:$0x5D58] =	vst v0  }
0x535: {  	[tilespmem:$0x5D48] =	vst v0  }
0x536: {  	[tilespmem:$0x5D38] =	vst v0  }
0x537: {  	[tilespmem:$0x5D28] =	vst v0  }
0x538: {  	[tilespmem:$0x5D18] =	vst v0  }
0x539: {  	[tilespmem:$0x5D08] =	vst v0  }
0x53a: {  	[tilespmem:$0x5CF8] =	vst v0  }
0x53b: {  	[tilespmem:$0x5CE8] =	vst v0  }
0x53c: {  	[tilespmem:$0x5CD8] =	vst v0  }
0x53d: {  	[tilespmem:$0x5CC8] =	vst v0  }
0x53e: {  	[tilespmem:$0x5CB8] =	vst v0  }
0x53f: {  	[tilespmem:$0x5CA8] =	vst v0  }
0x540: {  	[tilespmem:$0x5C98] =	vst v0  }
0x541: {  	[tilespmem:$0x5C88] =	vst v0  }
0x542: {  	[tilespmem:$0x5C78] =	vst v0  }
0x543: {  	[tilespmem:$0x5C68] =	vst v0  }
0x544: {  	[tilespmem:$0x5C58] =	vst v0  }
0x545: {  	[tilespmem:$0x5C48] =	vst v0  }
0x546: {  	[tilespmem:$0x5C38] =	vst v0  }
0x547: {  	[tilespmem:$0x5C28] =	vst v0  }
0x548: {  	[tilespmem:$0x5C18] =	vst v0  }
0x549: {  	[tilespmem:$0x5C08] =	vst v0  }
0x54a: {  	[tilespmem:$0x5BF8] =	vst v0  }
0x54b: {  	[tilespmem:$0x5BE8] =	vst v0  }
0x54c: {  	[tilespmem:$0x5BD8] =	vst v0  }
0x54d: {  	[tilespmem:$0x5BC8] =	vst v0  }
0x54e: {  	[tilespmem:$0x5BB8] =	vst v0  }
0x54f: {  	[tilespmem:$0x5BA8] =	vst v0  }
0x550: {  	[tilespmem:$0x5B98] =	vst v0  }
0x551: {  	[tilespmem:$0x5B88] =	vst v0  }
0x552: {  	[tilespmem:$0x5B78] =	vst v0  }
0x553: {  	[tilespmem:$0x5B68] =	vst v0  }
0x554: {  	[tilespmem:$0x5B58] =	vst v0  }
0x555: {  	[tilespmem:$0x5B48] =	vst v0  }
0x556: {  	[tilespmem:$0x5B38] =	vst v0  }
0x557: {  	[tilespmem:$0x5B28] =	vst v0  }
0x558: {  	[tilespmem:$0x5B18] =	vst v0  }
0x559: {  	[tilespmem:$0x5B08] =	vst v0  }
0x55a: {  	[tilespmem:$0x5AF8] =	vst v0  }
0x55b: {  	[tilespmem:$0x5AE8] =	vst v0  }
0x55c: {  	[tilespmem:$0x5AD8] =	vst v0  }
0x55d: {  	[tilespmem:$0x5AC8] =	vst v0  }
0x55e: {  	[tilespmem:$0x5AB8] =	vst v0  }
0x55f: {  	[tilespmem:$0x5AA8] =	vst v0  }
0x560: {  	[tilespmem:$0x5A98] =	vst v0  }
0x561: {  	[tilespmem:$0x5A88] =	vst v0  }
0x562: {  	[tilespmem:$0x5A78] =	vst v0  }
0x563: {  	[tilespmem:$0x5A68] =	vst v0  }
0x564: {  	[tilespmem:$0x5A58] =	vst v0  }
0x565: {  	[tilespmem:$0x5A48] =	vst v0  }
0x566: {  	[tilespmem:$0x5A38] =	vst v0  }
0x567: {  	[tilespmem:$0x5A28] =	vst v0  }
0x568: {  	[tilespmem:$0x5A18] =	vst v0  }
0x569: {  	[tilespmem:$0x5A08] =	vst v0  }
0x56a: {  	[tilespmem:$0x59F8] =	vst v0  }
0x56b: {  	[tilespmem:$0x59E8] =	vst v0  }
0x56c: {  	[tilespmem:$0x59D8] =	vst v0  }
0x56d: {  	[tilespmem:$0x59C8] =	vst v0  }
0x56e: {  	[tilespmem:$0x59B8] =	vst v0  }
0x56f: {  	[tilespmem:$0x59A8] =	vst v0  }
0x570: {  	[tilespmem:$0x5998] =	vst v0  }
0x571: {  	[tilespmem:$0x5988] =	vst v0  }
0x572: {  	[tilespmem:$0x5978] =	vst v0  }
0x573: {  	[tilespmem:$0x5968] =	vst v0  }
0x574: {  	[tilespmem:$0x5958] =	vst v0  }
0x575: {  	[tilespmem:$0x5948] =	vst v0  }
0x576: {  	[tilespmem:$0x5938] =	vst v0  }
0x577: {  	[tilespmem:$0x5928] =	vst v0  }
0x578: {  	[tilespmem:$0x5918] =	vst v0  }
0x579: {  	[tilespmem:$0x5908] =	vst v0  }
0x57a: {  	[tilespmem:$0x58F8] =	vst v0  }
0x57b: {  	[tilespmem:$0x58E8] =	vst v0  }
0x57c: {  	[tilespmem:$0x58D8] =	vst v0  }
0x57d: {  	[tilespmem:$0x58C8] =	vst v0  }
0x57e: {  	[tilespmem:$0x58B8] =	vst v0  }
0x57f: {  	[tilespmem:$0x58A8] =	vst v0  }
0x580: {  	[tilespmem:$0x5898] =	vst v0  }
0x581: {  	[tilespmem:$0x5888] =	vst v0  }
0x582: {  	[tilespmem:$0x5878] =	vst v0  }
0x583: {  	[tilespmem:$0x5868] =	vst v0  }
0x584: {  	[tilespmem:$0x5858] =	vst v0  }
0x585: {  	[tilespmem:$0x5848] =	vst v0  }
0x586: {  	[tilespmem:$0x5838] =	vst v0  }
0x587: {  	[tilespmem:$0x5828] =	vst v0  }
0x588: {  	[tilespmem:$0x5818] =	vst v0  }
0x589: {  	[tilespmem:$0x5808] =	vst v0  }
0x58a: {  	[tilespmem:$0x57F8] =	vst v0  }
0x58b: {  	[tilespmem:$0x57E8] =	vst v0  }
0x58c: {  	[tilespmem:$0x57D8] =	vst v0  }
0x58d: {  	[tilespmem:$0x57C8] =	vst v0  }
0x58e: {  	[tilespmem:$0x57B8] =	vst v0  }
0x58f: {  	[tilespmem:$0x57A8] =	vst v0  }
0x590: {  	[tilespmem:$0x5798] =	vst v0  }
0x591: {  	[tilespmem:$0x5788] =	vst v0  }
0x592: {  	[tilespmem:$0x5778] =	vst v0  }
0x593: {  	[tilespmem:$0x5768] =	vst v0  }
0x594: {  	[tilespmem:$0x5758] =	vst v0  }
0x595: {  	[tilespmem:$0x5748] =	vst v0  }
0x596: {  	[tilespmem:$0x5738] =	vst v0  }
0x597: {  	[tilespmem:$0x5728] =	vst v0  }
0x598: {  	[tilespmem:$0x5718] =	vst v0  }
0x599: {  	[tilespmem:$0x5708] =	vst v0  }
0x59a: {  	[tilespmem:$0x56F8] =	vst v0  }
0x59b: {  	[tilespmem:$0x56E8] =	vst v0  }
0x59c: {  	[tilespmem:$0x56D8] =	vst v0  }
0x59d: {  	[tilespmem:$0x56C8] =	vst v0  }
0x59e: {  	[tilespmem:$0x56B8] =	vst v0  }
0x59f: {  	[tilespmem:$0x56A8] =	vst v0  }
0x5a0: {  	[tilespmem:$0x5698] =	vst v0  }
0x5a1: {  	[tilespmem:$0x5688] =	vst v0  }
0x5a2: {  	[tilespmem:$0x5678] =	vst v0  }
0x5a3: {  	[tilespmem:$0x5668] =	vst v0  }
0x5a4: {  	[tilespmem:$0x5658] =	vst v0  }
0x5a5: {  	[tilespmem:$0x5648] =	vst v0  }
0x5a6: {  	[tilespmem:$0x5638] =	vst v0  }
0x5a7: {  	[tilespmem:$0x5628] =	vst v0  }
0x5a8: {  	[tilespmem:$0x5618] =	vst v0  }
0x5a9: {  	[tilespmem:$0x5608] =	vst v0  }
0x5aa: {  	[tilespmem:$0x55F8] =	vst v0  }
0x5ab: {  	[tilespmem:$0x55E8] =	vst v0  }
0x5ac: {  	[tilespmem:$0x55D8] =	vst v0  }
0x5ad: {  	[tilespmem:$0x55C8] =	vst v0  }
0x5ae: {  	[tilespmem:$0x55B8] =	vst v0  }
0x5af: {  	[tilespmem:$0x55A8] =	vst v0  }
0x5b0: {  	[tilespmem:$0x5598] =	vst v0  }
0x5b1: {  	[tilespmem:$0x5588] =	vst v0  }
0x5b2: {  	[tilespmem:$0x5578] =	vst v0  }
0x5b3: {  	[tilespmem:$0x5568] =	vst v0  }
0x5b4: {  	[tilespmem:$0x5558] =	vst v0  }
0x5b5: {  	[tilespmem:$0x5548] =	vst v0  }
0x5b6: {  	[tilespmem:$0x5538] =	vst v0  }
0x5b7: {  	[tilespmem:$0x5528] =	vst v0  }
0x5b8: {  	[tilespmem:$0x5518] =	vst v0  }
0x5b9: {  	[tilespmem:$0x5508] =	vst v0  }
0x5ba: {  	[tilespmem:$0x54F8] =	vst v0  }
0x5bb: {  	[tilespmem:$0x54E8] =	vst v0  }
0x5bc: {  	[tilespmem:$0x54D8] =	vst v0  }
0x5bd: {  	[tilespmem:$0x54C8] =	vst v0  }
0x5be: {  	[tilespmem:$0x54B8] =	vst v0  }
0x5bf: {  	[tilespmem:$0x54A8] =	vst v0  }
0x5c0: {  	[tilespmem:$0x5498] =	vst v0  }
0x5c1: {  	[tilespmem:$0x5488] =	vst v0  }
0x5c2: {  	[tilespmem:$0x5478] =	vst v0  }
0x5c3: {  	[tilespmem:$0x5468] =	vst v0  }
0x5c4: {  	[tilespmem:$0x5458] =	vst v0  }
0x5c5: {  	[tilespmem:$0x5448] =	vst v0  }
0x5c6: {  	[tilespmem:$0x5438] =	vst v0  }
0x5c7: {  	[tilespmem:$0x5428] =	vst v0  }
0x5c8: {  	[tilespmem:$0x5418] =	vst v0  }
0x5c9: {  	[tilespmem:$0x5408] =	vst v0  }
0x5ca: {  	[tilespmem:$0x53F8] =	vst v0  }
0x5cb: {  	[tilespmem:$0x53E8] =	vst v0  }
0x5cc: {  	[tilespmem:$0x53D8] =	vst v0  }
0x5cd: {  	[tilespmem:$0x53C8] =	vst v0  }
0x5ce: {  	[tilespmem:$0x53B8] =	vst v0  }
0x5cf: {  	[tilespmem:$0x53A8] =	vst v0  }
0x5d0: {  	[tilespmem:$0x5398] =	vst v0  }
0x5d1: {  	[tilespmem:$0x5388] =	vst v0  }
0x5d2: {  	[tilespmem:$0x5378] =	vst v0  }
0x5d3: {  	[tilespmem:$0x5368] =	vst v0  }
0x5d4: {  	[tilespmem:$0x5358] =	vst v0  }
0x5d5: {  	[tilespmem:$0x5348] =	vst v0  }
0x5d6: {  	[tilespmem:$0x5338] =	vst v0  }
0x5d7: {  	[tilespmem:$0x5328] =	vst v0  }
0x5d8: {  	[tilespmem:$0x5318] =	vst v0  }
0x5d9: {  	[tilespmem:$0x5308] =	vst v0  }
0x5da: {  	[tilespmem:$0x52F8] =	vst v0  }
0x5db: {  	[tilespmem:$0x52E8] =	vst v0  }
0x5dc: {  	[tilespmem:$0x52D8] =	vst v0  }
0x5dd: {  	[tilespmem:$0x52C8] =	vst v0  }
0x5de: {  	[tilespmem:$0x52B8] =	vst v0  }
0x5df: {  	[tilespmem:$0x52A8] =	vst v0  }
0x5e0: {  	[tilespmem:$0x5298] =	vst v0  }
0x5e1: {  	[tilespmem:$0x5288] =	vst v0  }
0x5e2: {  	[tilespmem:$0x5278] =	vst v0  }
0x5e3: {  	[tilespmem:$0x5268] =	vst v0  }
0x5e4: {  	[tilespmem:$0x5258] =	vst v0  }
0x5e5: {  	[tilespmem:$0x5248] =	vst v0  }
0x5e6: {  	[tilespmem:$0x5238] =	vst v0  }
0x5e7: {  	[tilespmem:$0x5228] =	vst v0  }
0x5e8: {  	[tilespmem:$0x5218] =	vst v0  }
0x5e9: {  	[tilespmem:$0x5208] =	vst v0  }
0x5ea: {  	[tilespmem:$0x51F8] =	vst v0  }
0x5eb: {  	[tilespmem:$0x51E8] =	vst v0  }
0x5ec: {  	[tilespmem:$0x51D8] =	vst v0  }
0x5ed: {  	s10 =	stileid.u32;
	[tilespmem:$0x51C8] =	vst v0  }
0x5ee: {  	s0 =	sshll.u32 s10, $0x3;
	s1 =	smin.u32 s10, $0x7;
	[tilespmem:$0x51B8] =	vst v0  }
0x5ef: {  	[tilespmem:$0x51A8] =	vst v0;
	s0 =	sor.u32 s1, s0  }
0x5f0: {  	p0 =	slt.u32 s10, $0x7;
	[tilespmem:$0x5198] =	vst v0;
	s1 =	simm.s32 $0xAB0;
	s8 =	smul.u32 $0x130, s0  }
0x5f1: {  	s1 =	simm.s32 @!p0 $0x980;
	[tilespmem:$0x5178] =	vst v0  }
0x5f2: {  	[tilespmem:$0x5118] =	vst v0;
	s0 =	sadd.s32 s1, s8  }
0x5f3: {  	s6 =	simm.s32 $0x2;
	s29 =	simm.s32 $0x9;
	[tilespmem:$0x5168] =	vst v0;
	s9 =	smin.u32 s0, $0xA000  }
0x5f4: {  	s30 =	simm.s32 $0xA;
	s12 =	simm.s32 $0xB;
	[tilespmem:$0x5158] =	vst v0;
	s0 =	ssub.s32 s9, s8  }
0x5f5: {  	s18 =	simm.s32 $0x0;
	p1 =	por $0x0, $0x0;
	[tilespmem:$0x5148] =	vst v0;
	p0 =	sgt.s32 s0, $0x0  }
0x5f6: {  	s19 =	simm.s32 $0xC;
	s23 =	simm.s32 $0x0;
	[tilespmem:$0x5138] =	vst v0;
	s0 =	simm.s32 @!p0 $0x0  }
0x5f7: {  	s20 =	simm.s32 $0x0;
	s22 =	simm.s32 $0x0;
	[tilespmem:$0x5128] =	vst v0;
	s28 =	smul.u32 $0xD795, s0  }
0x5f8: {  	s2 =	sand.u32 $0x1, s2;
	s31 =	smul.u32 $0x280, s10;
	[tilespmem:$0x5108] =	vst v0;
	[sflag:s6] =	ssyncpa.u1 $0x0  }
0x5f9: {  	v0 =	vimm.s32 $0xFFFFFFFF;
	[dreg:$0x4] =	wrdreg s2;
	s2 =	smul.u32 $0x1400, s2;
	s1 =	sshrl.u32 s28, $0x18  }
0x5fa: {  	s5 =	sadd.s32 $0x14F400, s4;
	[tilespmem:$0xBF48] =	vst v0;
	[sflag:s29] =	ssyncpa.u1 $0x0;
	s7 =	smul.u32 $0x130, s1  }
.Ltmp0:
0x5fb: {  	s16 =	sshrl.u32 s31, $0x2;
	s2 =	sadd.s32 s2, s4;
	(pc) =	sbr.rel .LBB2_1-.Ltmp0, $4  }
0x5fc: {  	[sflag:s30] =	ssyncpa.u1 $0x0;
	p0 =	sne.s32 s0, s7;
	s0 =	simm.s32 $0x1  }
0x5fd: {  	s4 =	sadd.s32 $0x28F400, s4;
	[sflag:s12] =	ssyncpa.u1 $0x0;
	s0 =	simm.s32 @!p0 $0x0  }
0x5fe: {  	s14 =	sadd.s32 $0x14CC00, s2;
	s15 =	sadd.s32 $0x14A400, s2;
	s13 =	sadd.s32 s1, s0  }
0x5ff: {  	v0 =	vlaneseq.u32;
	s21 =	smov.u32 s8;
	p0 =	por $0x1, $0x1;
	s17 =	sadd.s32 $0x1, s13  }
.LBB2_22:
0x600: {  	s0 =	sshrl.u32 s0, $0x2  }
.LBB2_24:
0x601: {  	_ =	swait.ge [sflag:s19], s0  }
0x602: {  	s30 =	ssub.s32 $0x0, s0;
	v1 =	vmov s25;
	vm0 =	veq.s32 v0, $0x0;
	[sflag:s19] =	ssyncset.done $0x0  }
0x603: {  	vm15 =	veq.s32 v0, $0x2;
	v1 =	vsel vm0, s31, v1;
	[sflag:s19] =	ssyncadd.s32 s30  }
0x604: {  	v1 =	vsel vm15, s23, v1;
	[sflag:s19] =	ssyncpa.u1 $0x1  }
0x605: {  	[tilespmem:$0xBF48] =	vst v1  }
.LBB2_25:
0x606: {  	s0 =	sadd.s32 $0x130, s21  }
0x607: {  	s1 =	smov.u32 s8;
	p2 =	slt.s32 s0, s9  }
0x608: {  	s1 =	smov.u32 @p2 s0;
	p2 =	sne.s32 s22, s17  }
.Ltmp1:
0x609: {  	_ = 	snop;
	(pc) =	sbr.rel @!p2 .LBB2_26-.Ltmp1, $4  }
0x60a: {  	_ = 	snop  }
0x60b: {  	s23 =	smov.u32 s20  }
0x60c: {  	s31 =	sadd.s32 $0x1, s22;
	s20 =	smov.u32 s21;
	p0 =	por !p0, !p0  }
0x60d: {  	p1 =	por !p1, !p1;
	s22 =	smov.u32 s31;
	s21 =	smov.u32 s1  }
.LBB2_1:
0x60e: {  	p2 =	sge.u32 s22, s13  }
0x60f: {  	s0 =	smulhi.u32 @!p2 $0xAAAAAAAB, s22  }
0x610: {  	s1 =	smov.u32 s21;
	p3 =	sgt.s32 @!p2 s21, $0x9ED0  }
0x611: {  	s2 =	sshra.s32 @!p2 s21, $0x1F;
	p3 =	por !p3, p2;
	s0 =	sshrl.u32 @!p2 s0, $0x1  }
0x612: {  	s2 =	sand.u32 @!p2 s2, s21;
	s1 =	simm.s32 @p3 $0x9ED0;
	s0 =	smul.u32 @!p2 $0x3, s0  }
0x613: {  	s1 =	ssub.s32 @!p2 s1, s2  }
0x614: {  	s1 =	sadd.s32 @!p2 $0xFFFF6130, s1;
	s0 =	ssub.s32 @!p2 s22, s0  }
0x615: {  	s2 =	sshll.u32 @!p2 s1, $0x2;
	p3 =	sgt.s32 @!p2 s1, $0x12F;
	s0 =	smul.u32 @!p2 $0x4C0, s0  }
0x616: {  	s6 =	sand.u32 @!p2 $0x7, s21;
	s1 =	ssub.s32 @!p2 $0x4C0, s2;
	p3 =	por !p3, p2  }
0x617: {  	s2 =	sshrl.u32 @!p2 s21, $0x3;
	s1 =	sshrl.u32 @!p2 s1, $0x2;
	s0 =	sshrl.u32 @!p2 s0, $0x2  }
0x618: {  	s2 =	sadd.s32 @!p2 s2, s14;
	s1 =	simm.s32 @!p3 $0x0;
	s0 =	sadd.s32 @!p2 $0xC988, s0  }
0x619: {  	[tilespmem:s0], [sflag:$0xA] =	stream.linear.gather @!p2 [hbm4b:s2+s6], s1, $0x38;
	[tilespmem:$0x1FF78] =	vst v63  }
0x61a: {  	s1 =	sadd.s32 $0xFFFFFFFF, s22  }
0x61b: {  	p2 =	sge.u32 s1, s13  }
0x61c: {  	p3 =	sgt.s32 @!p2 s20, $0x9ED0  }
0x61d: {  	s0 =	smov.u32 s20;
	s2 =	sshra.s32 @!p2 s20, $0x1F;
	p3 =	por !p3, p2  }
0x61e: {  	s2 =	sand.u32 @!p2 s2, s20;
	s0 =	simm.s32 @p3 $0x9ED0  }
0x61f: {  	s0 =	ssub.s32 @!p2 s0, s2  }
0x620: {  	s0 =	sadd.s32 @!p2 $0xFFFF6130, s0  }
0x621: {  	s2 =	sshll.u32 @!p2 s0, $0x2  }
0x622: {  	p3 =	sgt.s32 @!p2 s0, $0x12F;
	s0 =	ssub.s32 @!p2 $0x4C0, s2  }
0x623: {  	p3 =	por !p3, p2;
	s0 =	sshrl.u32 @!p2 s0, $0x2  }
0x624: {  	s6 =	simm.s32 @!p2 $0xA;
	s2 =	sand.u32 @!p2 $0x1, s1;
	s0 =	simm.s32 @!p3 $0x0  }
0x625: {  	s2 =	smul.u32 @!p2 $0x4C0, s2;
	_ =	swait.ge @!p2 [sflag:s6], s0  }
0x626: {  	s7 =	ssub.s32 @!p2 $0x0, s0;
	[sflag:s6] =	ssyncset.done @!p2 $0x0  }
0x627: {  	s2 =	sshrl.u32 @!p2 s2, $0x2;
	[sflag:s6] =	ssyncadd.s32 @!p2 s7;
	s6 =	sshrl.u32 @!p2 s20, $0x3  }
0x628: {  	s2 =	sadd.s32 @!p2 $0xCD18, s2;
	s7 =	sand.u32 @!p2 $0x7, s20;
	s6 =	sadd.s32 @!p2 s6, s15  }
0x629: {  	[tilespmem:s2], [sflag:$0xB] =	stream.linear.gather @!p2 [hbm4b:s6+s7], s0, $0x38;
	[tilespmem:$0x1FF78] =	vst v63  }
0x62a: {  	s0 =	ssub.s32 @!p2 $0xA000, s20  }
0x62b: {  	p3 =	slt.s32 @!p2 s0, $0x1  }
0x62c: {  	p3 =	por p2, p3  }
.Ltmp2:
0x62d: {  	_ = 	snop;
	(pc) =	sbr.rel @p3 .LBB2_7-.Ltmp2, $1  }
0x62e: {  	_ =	sdelay $0x3  }
0x62f: {  	s2 =	smulhi.u32 $0xAAAAAAAB, s1;
	_ =	sdelay $0x1  }
0x630: {  	s2 =	sshrl.u32 s2, $0x1  }
0x631: {  	s2 =	smul.u32 $0x3, s2;
	_ =	sdelay $0x1  }
0x632: {  	s29 =	ssub.s32 s1, s2  }
0x633: {  	s6 =	simm.s32 $0x1;
	s1 =	smul.u32 $0x4C0, s29  }
.Ltmp3:
0x634: {  	s6 =	simm.s32 @!p0 $0x0;
	(pc) =	sbr.rel .LBB2_4-.Ltmp3, $4  }
0x635: {  	s30 =	smul.u32 $0x26000, s6  }
0x636: {  	p3 =	slt.s32 @!p2 s0, $0x130;
	s1 =	sshrl.u32 s1, $0x2  }
0x637: {  	p2 =	por !p3, p2;
	s2 =	sshrl.u32 s30, $0x2;
	s31 =	sadd.s32 $0xC988, s1  }
0x638: {  	s24 =	simm.s32 $0x0;
	s0 =	simm.s32 @p2 $0x130;
	s1 =	sadd.s32 $0xCF78, s2;
	v1 =	vmov s31  }
.LBB2_3:
0x639: {  	p2 =	sge.s32 s24, s0  }
.Ltmp4:
0x63a: {  	_ = 	snop;
	(pc) =	sbr.rel @p2 .LBB2_7-.Ltmp4, $2  }
0x63b: {  	_ =	sdelay $0x2  }
0x63c: {  	s1 =	sadd.s32 $0x800, s1  }
.LBB2_4:
0x63d: {  	p2 =	sle.s32 s0, s24  }
.Ltmp5:
0x63e: {  	_ = 	snop;
	(pc) =	sbr.rel @p2 .LBB2_3-.Ltmp5, $2  }
0x63f: {  	_ =	sdelay $0x2  }
0x640: {  	s2 =	smov.u32 s24;
	s24 =	sadd.s32 $0x10, s24  }
0x641: {  	s6 =	ssub.s32 s0, s2  }
0x642: {  	p2 =	slt.s32 s6, $0x10  }
0x643: {  	s6 =	simm.s32 @!p2 $0x10  }
0x644: {  	v2 =	vmov s6  }
0x645: {  	vm0 =	vgt.s32 v2, v0;
	_ =	sdelay $0x5  }
0x646: {  	v2 =	vld.idx.msk [tilespmem:v1+s2+$0x0 ss:$0x1], vm0;
	_ =	sdelay $0x2  }
0x647: {  	s7 =	smov.u32 s0;
	p2 =	slt.s32 s24, s0  }
0x648: {  	s25 =	simm.s32 $0x0;
	s7 =	smov.u32 @p2 s24;
	s6 =	smov.u32 s1  }
.LBB2_6:
0x649: {  	(v2sf) =	vpush v2, s25;
	_ =	sdelay $0xc  }
0x64a: {  	s25 =	sadd.s32 $0x1, s25  }
0x64b: {  	s31 =	sadd.s32 s25, s2  }
0x64c: {  	p2 =	slt.s32 s31, s7;
	s10 =	spop (v2sf)  }
.Ltmp6:
0x64d: {  	s10 =	sshll.u32 s10, $0x4;
	(pc) =	sbr.rel @p2 .LBB2_6-.Ltmp6, $4  }
0x64e: {  	s10 =	sand.u32 $0x1FFFFFF0, s10  }
0x64f: {  	s10 =	sadd.s32 s4, s10  }
0x650: {  	[tilespmem:s6], [sflag:$0x9] =	stream.linear.gather [hbm4b:s10+s18], $0x41, $0x38;
	[tilespmem:$0x1FF78] =	vst v63  }
0x651: {  	s6 =	sadd.s32 $0x80, s6  }
.Ltmp7:
0x652: {  	_ = 	snop;
	(pc) =	sbr.rel .LBB2_3-.Ltmp7, $1  }
0x653: {  	_ =	sdelay $0x3  }
.LBB2_7:
0x654: {  	p2 =	slt.u32 s22, $0x2  }
.Ltmp8:
0x655: {  	_ = 	snop;
	(pc) =	sbr.rel @p2 .LBB2_25-.Ltmp8, $1  }
0x656: {  	_ =	sdelay $0x3  }
0x657: {  	s0 =	ssub.s32 $0xA000, s23;
	p2 =	sgt.s32 s23, $0x9ED0  }
0x658: {  	s1 =	smov.u32 s23;
	s2 =	sshra.s32 s23, $0x1F;
	p3 =	slt.s32 s0, $0x130  }
0x659: {  	s1 =	simm.s32 @!p2 $0x9ED0;
	s2 =	sand.u32 s2, s23;
	s0 =	simm.s32 @!p3 $0x130  }
0x65a: {  	s1 =	ssub.s32 s1, s2;
	s0 =	smul.u32 $0x104, s0  }
0x65b: {  	s1 =	sadd.s32 $0xFFFF6130, s1  }
0x65c: {  	s29 =	simm.s32 $0x9;
	s25 =	sshll.u32 s1, $0x2;
	s0 =	sshrl.u32 s0, $0x2  }
0x65d: {  	p2 =	sgt.s32 s1, $0x12F;
	s26 =	ssub.s32 $0x4C0, s25;
	_ =	swait.ge [sflag:s29], s0  }
0x65e: {  	s0 =	ssub.s32 $0x0, s0;
	s1 =	sshrl.u32 s26, $0x2;
	[sflag:s29] =	ssyncset.done $0x0  }
0x65f: {  	s1 =	simm.s32 @p2 $0x0;
	[sflag:s29] =	ssyncadd.s32 s0  }
0x660: {  	_ =	swait.ge [sflag:s12], s1  }
0x661: {  	s30 =	ssub.s32 $0x0, s1;
	[sflag:s12] =	ssyncset.done $0x0  }
0x662: {  	[sflag:s12] =	ssyncadd.s32 s30  }
0x663: {  	v1 =	vld [tilespmem:$0xBF48];
	_ =	sdelay $0x4  }
0x664: {  	(v2sf) =	vpush v1, $0x0  }
0x665: {  	(v2sf) =	vpush v1, $0x1  }
0x666: {  	(v2sf) =	vpush v1, $0x2;
	_ =	sdelay $0x3  }
0x667: {  	s0 =	sadd.s32 $0x130, s23  }
0x668: {  	p2 =	slt.s32 s9, s0;
	s1 =	ssub.s32 $0x14000, s23  }
0x669: {  	s0 =	smov.u32 @p2 s9;
	p2 =	sgt.s32 s1, $0x0  }
0x66a: {  	s0 =	ssub.s32 s0, s23;
	s1 =	simm.s32 @!p2 $0x0  }
0x66b: {  	p2 =	slt.s32 s1, s0  }
0x66c: {  	s0 =	smov.u32 @p2 s1  }
0x66d: {  	s26 =	simm.s32 $0x1;
	p2 =	slt.s32 s0, $0x1  }
.Ltmp9:
0x66e: {  	s26 =	simm.s32 @!p1 $0x0;
	(pc) =	sbr.rel @p2 .LBB2_12-.Ltmp9, $4  }
0x66f: {  	s31 =	smul.u32 $0x4C0, s26  }
0x670: {  	s28 =	spop (v2sf)  }
0x671: {  	s2 =	sshrl.u32 s31, $0x2;
	s1 =	spop (v2sf)  }
0x672: {  	s24 =	sadd.s32 $0xCD18, s2;
	s23 =	spop (v2sf)  }
0x673: {  	s2 =	smin.u32 s0, $0x10  }
0x674: {  	v1 =	vmov s2  }
0x675: {  	p3 =	sgt.s32 s0, $0x10;
	vm1 =	vgt.u32 v1, v0  }
.Ltmp10:
0x676: {  	_ = 	snop;
	(pc) =	sbr.rel @!p3 .LBB2_11-.Ltmp10, $2  }
0x677: {  	_ =	sdelay $0x2  }
0x678: {  	s25 =	simm.s32 $0x10;
	s29 =	sadd.s32 $0xFFFFFFF0, s0;
	s2 =	smov.u32 s24;
	vm0 =	vmmov vm1  }
.LBB2_10:
0x679: {  	s6 =	smin.u32 s29, $0x10;
	s25 =	sadd.s32 $0x10, s25;
	v1 =	vld.msk [tilespmem:s2+$0x0 ss:$0x1], vm1  }
0x67a: {  	v2 =	vmov s6;
	p3 =	slt.s32 s25, s0  }
0x67b: {  	vm1 =	vgt.u32 v2, v0  }
.Ltmp11:
0x67c: {  	(pc) =	sbr.rel @p3 .LBB2_10-.Ltmp11, $3  }
0x67d: {  	_ =	sdelay $0x1  }
0x67e: {  	v1 =	vshll.u32 v1, $0x4  }
0x67f: {  	s29 =	sadd.s32 $0xFFFFFFF0, s29;
	[tilespmem:s2+$0x0] =	vst.msk vm0, v1;
	s2 =	sadd.s32 $0x10, s2;
	vm0 =	vmmov vm1  }
.LBB2_11:
0x680: {  	_ =	sdelay $0x4  }
0x681: {  	v1 =	vld.msk [tilespmem:s2+$0x0 ss:$0x1], vm1;
	_ =	sdelay $0x4  }
0x682: {  	v1 =	vshll.u32 v1, $0x4  }
0x683: {  	[tilespmem:s2+$0x0] =	vst.msk vm0, v1  }
.LBB2_12:
0x684: {  	s2 =	sand.u32 $0x1, s22  }
0x685: {  	s2 =	smul.u32 $0x130, s2  }
0x686: {  	p3 =	sne.s32 s1, $0xFFFFFFFF  }
0x687: {  	v1 =	vld.msk @!p3 [tilespmem:s2+$0xCD18], $0x1;
	_ =	sdelay $0x4  }
0x688: {  	(v2sf) =	vpush @!p3 v1, $0x0;
	_ =	sdelay $0xc  }
.Ltmp12:
0x689: {  	_ = 	snop;
	(pc) =	sbr.rel @p2 .LBB2_23-.Ltmp12, $4  }
0x68a: {  	_ = 	snop  }
0x68b: {  	s30 =	spop @!p3 (v2sf)  }
0x68c: {  	s23 =	simm.s32 @!p3 $0x0;
	s25 =	smov.u32 s30  }
0x68d: {  	[sflag:s19] =	ssyncpa.u1 $0x0;
	s30 =	smov.u32 @p3 s28;
	s25 =	smov.u32 @p3 s1  }
0x68e: {  	v1 =	vld.msk [tilespmem:s24+$0x0], $0x1;
	_ =	sdelay $0x4  }
0x68f: {  	(v2sf) =	vpush v1, $0x0;
	_ =	sdelay $0xd  }
0x690: {  	s2 =	smul.u32 $0x26000, s26  }
0x691: {  	s26 =	ssub.s32 $0x0, s0;
	s28 =	simm.s32 $0x0;
	s1 =	spop (v2sf)  }
0x692: {  	s7 =	smov.u32 s30;
	s0 =	sadd.s32 $0x1, s26;
	p2 =	seq.s32 s30, s1  }
0x693: {  	p4 =	seq.s32 s0, $0x0;
	p3 =	sgt.s32 @!p2 s30, $0x0;
	s6 =	smul.u32 @!p2 $0x140, s28  }
.Ltmp13:
0x694: {  	s2 =	sshrl.u32 s2, $0x2;
	p3 =	por !p3, p2;
	(pc) =	sbr.rel @p4 .LBB2_15-.Ltmp13, $4  }
0x695: {  	s29 =	sadd.s32 $0xCF98, s2;
	s7 =	simm.s32 @p3 $0x0  }
0x696: {  	s2 =	simm.s32 @!p2 $0x1;
	s6 =	sshra.s32 @!p2 s6, $0x2;
	s10 =	smin.u32 @!p2 s7, $0xCFF7  }
0x697: {  	s2 =	smov.u32 @p2 s28;
	s7 =	sadd.s32 @!p2 $0x5FF8, s6;
	s31 =	sand.u32 @!p2 $0xFFF8, s10  }
0x698: {  	s6 =	sand.u32 @!p2 $0x7, s10;
	s10 =	sadd.s32 @!p2 s5, s31;
	s31 =	sadd.s32 $0x1, s24  }
.LBB2_14:
0x699: {  	s11 =	smov.u32 s2  }
0x69a: {  	[tilespmem:s7], [sflag:$0x2] =	stream.linear.gather @!p2 [hbm4b:s10+s6], $0x41, $0x38;
	[tilespmem:$0x1FF78] =	vst v63  }
0x69b: {  	s0 =	sadd.s32 $0x1, s0;
	s6 =	smov.u32 s1;
	v1 =	vld.msk [tilespmem:s31+$0x0], $0x1  }
0x69c: {  	p3 =	seq.s32 s0, $0x0;
	_ =	sdelay $0x3  }
0x69d: {  	(v2sf) =	vpush v1, $0x0;
	_ =	sdelay $0xe  }
0x69e: {  	s1 =	spop (v2sf)  }
0x69f: {  	p2 =	seq.s32 s6, s1  }
0x6a0: {  	p4 =	sgt.s32 @!p2 s6, $0x0;
	s7 =	smul.u32 @!p2 $0x140, s2;
	s2 =	sadd.s32 @!p2 $0x1, s2  }
.Ltmp14:
0x6a1: {  	p4 =	por !p4, p2;
	s2 =	smov.u32 @p2 s11;
	(pc) =	sbr.rel @!p3 .LBB2_14-.Ltmp14, $4  }
0x6a2: {  	s6 =	simm.s32 @p4 $0x0;
	s7 =	sshra.s32 @!p2 s7, $0x2  }
0x6a3: {  	s6 =	smin.u32 @!p2 s6, $0xCFF7;
	s7 =	sadd.s32 @!p2 $0x5FF8, s7  }
0x6a4: {  	s10 =	sand.u32 @!p2 $0xFFF8, s6;
	s6 =	sand.u32 @!p2 $0x7, s6  }
0x6a5: {  	s31 =	sadd.s32 $0x1, s31;
	s10 =	sadd.s32 @!p2 s5, s10  }
.LBB2_15:
0x6a6: {  	s0 =	smul.u32 $0x104, s2  }
0x6a7: {  	[tilespmem:s7], [sflag:$0x2] =	stream.linear.gather @!p2 [hbm4b:s10+s6], $0x41, $0x38;
	[tilespmem:$0x1FF78] =	vst v63  }
.Ltmp15:
0x6a8: {  	_ = 	snop;
	(pc) =	sbr.rel .LBB2_16-.Ltmp15, $4  }
0x6a9: {  	s1 =	simm.s32 $0x2;
	s0 =	sshrl.u32 s0, $0x2  }
0x6aa: {  	_ =	swait.ge [sflag:s1], s0  }
0x6ab: {  	s0 =	ssub.s32 $0x0, s0;
	[sflag:s1] =	ssyncset.done $0x0  }
0x6ac: {  	[sflag:s1] =	ssyncadd.s32 s0;
	s0 =	simm.s32 $0x0  }
.LBB2_17:
0x6ad: {  	v1 =	vld [tilespmem:s29+$0xFFFFFFE0];
	_ =	sdelay $0x4  }
0x6ae: {  	[tilespmem:s1+$0xA8] =	vst.add.f32.msk $0xffff, v1  }
0x6af: {  	v1 =	vld [tilespmem:s29+$0xFFFFFFF0];
	_ =	sdelay $0x4  }
0x6b0: {  	[tilespmem:s1+$0xB8] =	vst.add.f32.msk $0xffff, v1  }
0x6b1: {  	v1 =	vld [tilespmem:s29+$0x0];
	_ =	sdelay $0x4  }
0x6b2: {  	[tilespmem:s1+$0xC8] =	vst.add.f32.msk $0xffff, v1  }
0x6b3: {  	v1 =	vld [tilespmem:s29+$0x10];
	_ =	sdelay $0x4  }
0x6b4: {  	[tilespmem:s1+$0xD8] =	vst.add.f32.msk $0xffff, v1  }
0x6b5: {  	v1 =	vld.msk [tilespmem:s29+$0x20], $0x1;
	_ =	sdelay $0x4  }
0x6b6: {  	[tilespmem:s1+$0xE8] =	vst.add.f32.msk $0x1, v1  }
.LBB2_21:
0x6b7: {  	s26 =	sadd.s32 $0x1, s26  }
0x6b8: {  	p2 =	seq.s32 s26, $0x0  }
.Ltmp16:
0x6b9: {  	_ = 	snop;
	(pc) =	sbr.rel @p2 .LBB2_22-.Ltmp16, $2  }
0x6ba: {  	_ =	sdelay $0x2  }
0x6bb: {  	s24 =	sadd.s32 $0x1, s24;
	s29 =	sadd.s32 $0x80, s29;
	s30 =	smov.u32 s31  }
.LBB2_16:
0x6bc: {  	v1 =	vld.msk [tilespmem:s24+$0x0], $0x1;
	_ =	sdelay $0x4  }
0x6bd: {  	(v2sf) =	vpush v1, $0x0;
	_ =	sdelay $0xe  }
0x6be: {  	s31 =	spop (v2sf)  }
0x6bf: {  	p2 =	sne.s32 s30, s31  }
.Ltmp17:
0x6c0: {  	_ = 	snop;
	(pc) =	sbr.rel @!p2 .LBB2_17-.Ltmp17, $3  }
0x6c1: {  	_ = 	snop  }
0x6c2: {  	s1 =	smul.u32 $0x140, s23;
	_ =	sdelay $0x1  }
0x6c3: {  	s1 =	sshra.s32 s1, $0x2  }
0x6c4: {  	p2 =	seq.s32 s30, s25  }
.Ltmp18:
0x6c5: {  	_ = 	snop;
	(pc) =	sbr.rel @!p2 .LBB2_19-.Ltmp18, $1  }
0x6c6: {  	_ =	sdelay $0x3  }
.Ltmp19:
0x6c7: {  	s1 =	sadd.s32 $0xA8, s1;
	(pc) =	sbr.rel .LBB2_20-.Ltmp19, $4  }
0x6c8: {  	[spmem:s16] =	stream.linear.scatter [tilespmem:s1], [sflag:$0x1], $0x41, $0x38;
	[tilespmem:$0x1FF78] =	vst v63  }
0x6c9: {  	_ =	swait.ge [sflag:s3], $0x41  }
0x6ca: {  	[sflag:s3] =	ssyncset.done $0x0  }
0x6cb: {  	[sflag:s3] =	ssyncadd.s32 $0xFFFFFFBF  }
.LBB2_19:
0x6cc: {  	s2 =	smul.u32 $0x140, s28;
	_ =	sdelay $0x1  }
0x6cd: {  	s2 =	sshra.s32 s2, $0x2  }
0x6ce: {  	v1 =	vld [tilespmem:s2+$0x5FF8];
	_ =	sdelay $0x4  }
0x6cf: {  	[tilespmem:s1+$0xA8] =	vst.add.f32.msk $0xffff, v1  }
0x6d0: {  	v1 =	vld [tilespmem:s2+$0x6008];
	_ =	sdelay $0x4  }
0x6d1: {  	[tilespmem:s1+$0xB8] =	vst.add.f32.msk $0xffff, v1  }
0x6d2: {  	v1 =	vld [tilespmem:s2+$0x6018];
	_ =	sdelay $0x4  }
0x6d3: {  	[tilespmem:s1+$0xC8] =	vst.add.f32.msk $0xffff, v1  }
0x6d4: {  	v1 =	vld [tilespmem:s2+$0x6028];
	_ =	sdelay $0x4  }
0x6d5: {  	[tilespmem:s1+$0xD8] =	vst.add.f32.msk $0xffff, v1  }
0x6d6: {  	v1 =	vld.msk [tilespmem:s2+$0x6038], $0x1;
	_ =	sdelay $0x2  }
0x6d7: {  	p2 =	sgt.u32 s30, $0xCFF7  }
0x6d8: {  	s2 =	sand.u32 @!p2 $0xFFF8, s30  }
0x6d9: {  	s6 =	sadd.s32 $0xA8, s1;
	[tilespmem:s1+$0xE8] =	vst.add.f32.msk $0x1, v1;
	s1 =	sadd.s32 @!p2 s5, s2;
	s2 =	sand.u32 @!p2 $0x7, s30  }
0x6da: {  	[hbm4b:s1+s2] =	stream.linear.scatter @!p2 [tilespmem:s6], [sflag:$0xC], $0x41, $0x38;
	[tilespmem:$0x1FF78] =	vst v63  }
0x6db: {  	s1 =	simm.s32 $0x0  }
0x6dc: {  	s1 =	simm.s32 @!p2 $0x104  }
0x6dd: {  	s0 =	sadd.s32 s1, s0  }
.LBB2_20:
0x6de: {  	s1 =	sadd.s32 $0x1, s23  }
0x6df: {  	s2 =	sshrl.u32 s1, $0x4  }
0x6e0: {  	s2 =	smulhi.u32 $0xD79435F, s2;
	_ =	sdelay $0x1  }
0x6e1: {  	s2 =	smul.u32 $0x130, s2  }
0x6e2: {  	v1 =	vld [tilespmem:s29+$0xFFFFFFE0]  }
0x6e3: {  	s23 =	ssub.s32 s1, s2  }
0x6e4: {  	s1 =	smul.u32 $0x140, s23;
	_ =	sdelay $0x1  }
0x6e5: {  	s1 =	sshrl.u32 s1, $0x2  }
0x6e6: {  	[tilespmem:s1+$0xA8] =	vst v1  }
0x6e7: {  	v1 =	vld [tilespmem:s29+$0xFFFFFFF0];
	_ =	sdelay $0x4  }
0x6e8: {  	[tilespmem:s1+$0xB8] =	vst v1  }
0x6e9: {  	v1 =	vld [tilespmem:s29+$0x0];
	_ =	sdelay $0x4  }
0x6ea: {  	[tilespmem:s1+$0xC8] =	vst v1  }
0x6eb: {  	v1 =	vld [tilespmem:s29+$0x10];
	_ =	sdelay $0x4  }
0x6ec: {  	[tilespmem:s1+$0xD8] =	vst v1  }
0x6ed: {  	v1 =	vld.msk [tilespmem:s29+$0x20], $0x1  }
.Ltmp20:
0x6ee: {  	_ = 	snop;
	(pc) =	sbr.rel .LBB2_21-.Ltmp20, $2  }
0x6ef: {  	_ =	sdelay $0x2  }
0x6f0: {  	s28 =	sadd.s32 $0x1, s28;
	[tilespmem:s1+$0xE8] =	vst.msk $0x1, v1  }
.LBB2_23:
.Ltmp21:
0x6f1: {  	(pc) =	sbr.rel .LBB2_24-.Ltmp21, $4  }
0x6f2: {  	_ = 	snop  }
0x6f3: {  	s0 =	simm.s32 $0x2  }
0x6f4: {  	_ =	swait.ge [sflag:s0], $0x0  }
0x6f5: {  	s31 =	smov.u32 s30;
	[sflag:s0] =	ssyncset.done $0x0;
	s0 =	simm.s32 $0x0  }
.LBB2_26:
0x6f6: {  	_ =	sfence.sel $0x180000  }
0x6f7: {  	s0 =	simm.s32 $0x9;
	[bflag:$0x0] =	sbarrier.arrive $0xFFFF  }
0x6f8: {  	s24 =	simm.s32 $0xA;
	[sflag:s0] =	ssyncpa.u1 $0x1  }
0x6f9: {  	s25 =	simm.s32 $0xB;
	[sflag:s24] =	ssyncpa.u1 $0x1  }
0x6fa: {  	s26 =	simm.s32 $0x2;
	[sflag:s25] =	ssyncpa.u1 $0x1  }
0x6fb: {  	[sflag:s26] =	ssyncpa.u1 $0x1  }
0x6fc: {  	v0 =	vld [tilespmem:$0xBF48];
	_ =	sdelay $0x4  }
0x6fd: {  	(v2sf) =	vpush v0, $0x0  }
0x6fe: {  	(v2sf) =	vpush v0, $0x1  }
0x6ff: {  	(v2sf) =	vpush v0, $0x2;
	_ =	sdelay $0xc  }
0x700: {  	s0 =	spop (v2sf)  }
0x701: {  	s1 =	spop (v2sf)  }
0x702: {  	s2 =	smov.u32 s0;
	p0 =	sne.s32 s0, s1;
	s3 =	spop (v2sf)  }
0x703: {  	s2 =	simm.s32 @!p0 $0xFFFFFFFF;
	p0 =	seq.s32 s3, $0xFFFFFFFF  }
0x704: {  	v2 =	vimm.s32 $0x1;
	v3 =	vlaneseq.u32;
	v1 =	vmov s2;
	p1 =	sne.s32 @!p0 s0, s1  }
0x705: {  	s14 =	stileid.u32;
	v0 =	vperm.xlane v0, v2;
	s0 =	simm.s32 @!p0 $0x1;
	v1 =	vperm.xlane v1, v3;
	p1 =	por !p1, p0  }
0x706: {  	vm0 =	vcmask $0x3F04;
	s2 =	sshll.u32 s14, $0x1;
	s1 =	smul.u32 @!p0 $0x140, s3;
	s0 =	simm.s32 @p1 $0x0  }
0x707: {  	s6 =	simm.s32 $0xBF48;
	v0 =	vsel vm0, v1, v0;
	s0 =	sor.u32 @!p0 s0, s2  }
0x708: {  	s4 =	sor.u32 $0xA00, s2;
	s1 =	sshra.s32 @!p0 s1, $0x2;
	[tilespmem:$0xBF48] =	vst v0;
	s0 =	smul.u32 @!p0 $0x140, s0  }
0x709: {  	[spmem:s4] =	stream.linear.scatter [tilespmem:s6], [sflag:$0x1], $0x2, $0x38;
	[tilespmem:$0x1FF78] =	vst v63  }
0x70a: {  	s1 =	sadd.s32 @!p0 $0xA8, s1;
	s0 =	sshrl.u32 @!p0 s0, $0x2  }
0x70b: {  	[spmem:s0] =	stream.linear.scatter @!p0 [tilespmem:s1], [sflag:$0x1], $0x50, $0x38;
	[tilespmem:$0x1FF78] =	vst v63  }
0x70c: {  	s0 =	simm.s32 @!p0 $0x52  }
0x70d: {  	s28 =	simm.s32 $0x1;
	s0 =	simm.s32 @p0 $0x2  }
0x70e: {  	_ =	swait.ge [sflag:s28], s0  }
0x70f: {  	s0 =	ssub.s32 $0x0, s0;
	[sflag:s28] =	ssyncset.done $0x0  }
0x710: {  	p0 =	sne.s32 s14, $0x0;
	[sflag:s28] =	ssyncadd.s32 s0  }
.Ltmp22:
0x711: {  	_ =	sfence.stream.spmem;
	(pc) =	sbr.rel @p0 .LBB2_43-.Ltmp22, $4  }
0x712: {  	s29 =	simm.s32 $0x3;
	[bflag:$0x0] =	sbarrier.arrive $0xFFFF  }
0x713: {  	s30 =	simm.s32 $0x4;
	[sflag:s29] =	ssyncpa.u1 $0x1  }
0x714: {  	s31 =	simm.s32 $0x3C;
	[sflag:s30] =	ssyncpa.u1 $0x1  }
0x715: {  	s15 =	rddreg [dreg:$0x4];
	[sflag:s31] =	ssyncpa.u1 $0x1  }
0x716: {  	_ =	sfence.stream.spmem;
	s0 =	simm.s32 $0x5  }
0x717: {  	s1 =	simm.s32 $0xA00;
	s2 =	simm.s32 $0xBF58;
	[sflag:s0] =	ssyncpa.u1 $0x0  }
0x718: {  	[tilespmem:s2], [sflag:$0x5] =	stream.linear.gather [spmem:s1], $0x20, $0x38;
	[tilespmem:$0x1FF78] =	vst v63  }
0x719: {  	s26 =	simm.s32 $0x0;
	s28 =	simm.s32 $0xBF78  }
0x71a: {  	[tilespmem:s28], [sflag:$0x5] =	stream.linear.gather [spmem:s26], $0xA00, $0x38;
	[tilespmem:$0x1FF78] =	vst v63  }
0x71b: {  	_ =	swait.ge [sflag:s0], $0xA20  }
0x71c: {  	[sflag:s0] =	ssyncset.done $0x0  }
0x71d: {  	s29 =	simm.s32 $0x0;
	[sflag:s0] =	ssyncadd.s32 $0xFFFFF5E0  }
0x71e: {  	v0 =	vld.msk [tilespmem:s29+$0xBF58], $0x1;
	_ =	sdelay $0x1  }
0x71f: {  	s30 =	simm.s32 $0x1  }
0x720: {  	v1 =	vld.msk [tilespmem:s30+$0xBF58], $0x1;
	_ =	sdelay $0x1  }
0x721: {  	(v2sf) =	vpush v0, $0x0;
	_ =	sdelay $0x2  }
0x722: {  	(v2sf) =	vpush v1, $0x0;
	_ =	sdelay $0x2  }
0x723: {  	s31 =	simm.s32 $0x2  }
0x724: {  	v0 =	vld.msk [tilespmem:s31+$0xBF58], $0x1;
	_ =	sdelay $0x2  }
0x725: {  	s1 =	simm.s32 $0xFFFFFFFF;
	s2 =	simm.s32 $0xFFFFFFFF;
	s0 =	simm.s32 $0xC  }
.LBB2_28:
0x726: {  	s3 =	smov.u32 s2;
	s4 =	smov.u32 s1  }
0x727: {  	s1 =	sshra.s32 s0, $0x2;
	p1 =	sne.s32 s0, $0x7C;
	s0 =	sadd.s32 $0x4, s0;
	(v2sf) =	vpush v0, $0x0  }
0x728: {  	v0 =	vld.msk [tilespmem:s1+$0xBF58], $0x1  }
.Ltmp23:
0x729: {  	(pc) =	sbr.rel @p1 .LBB2_28-.Ltmp23, $4  }
0x72a: {  	s2 =	spop (v2sf)  }
0x72b: {  	p2 =	sne.s32 s4, $0xFFFFFFFF;
	s1 =	smov.u32 s2  }
0x72c: {  	p3 =	seq.s32 s2, $0xFFFFFFFF;
	s1 =	smov.u32 @p2 s4  }
0x72d: {  	s2 =	smov.u32 @p3 s3;
	s1 =	smov.u32 @p3 s4  }
0x72e: {  	(v2sf) =	vpush v0, $0x0;
	_ =	sdelay $0x8  }
0x72f: {  	s0 =	spop (v2sf)  }
0x730: {  	p1 =	sne.s32 s1, $0xFFFFFFFF;
	s3 =	smov.u32 s0  }
0x731: {  	s9 =	simm.s32 $0x6;
	p2 =	seq.s32 s0, $0xFFFFFFFF;
	s3 =	smov.u32 @p1 s1  }
0x732: {  	s10 =	simm.s32 $0xBEF8;
	s3 =	smov.u32 @p2 s1;
	s1 =	spop (v2sf)  }
0x733: {  	s0 =	smov.u32 @p2 s2;
	p1 =	sne.s32 s3, $0xFFFFFFFF;
	s6 =	smov.u32 s1  }
.Ltmp24:
0x734: {  	p2 =	seq.s32 s1, $0xFFFFFFFF;
	s6 =	smov.u32 @p1 s3;
	(pc) =	sbr.rel .LBB2_30-.Ltmp24, $4  }
0x735: {  	s11 =	simm.s32 $0x0;
	s6 =	smov.u32 @p2 s3;
	s4 =	spop (v2sf)  }
0x736: {  	[sflag:s9] =	ssyncpa.u1 $0x0;
	p1 =	sne.s32 s6, $0xFFFFFFFF;
	s8 =	smov.u32 s4  }
0x737: {  	s1 =	smov.u32 @p2 s0;
	p2 =	seq.s32 s4, $0xFFFFFFFF;
	s8 =	smov.u32 @p1 s6  }
0x738: {  	s3 =	simm.s32 $0x0;
	s4 =	smov.u32 @p2 s1;
	s8 =	smov.u32 @p2 s6  }
.LBB2_36:
0x739: {  	p1 =	sgt.u32 s0, $0xCFF7  }
0x73a: {  	p2 =	seq.s32 @!p1 s0, s8  }
0x73b: {  	p1 =	por p1, p2  }
0x73c: {  	p2 =	sne.s32 @!p1 s0, s4  }
0x73d: {  	p1 =	por p1, !p2  }
0x73e: {  	s0 =	smul.u32 @p1 $0x140, s11;
	_ =	sdelay $0x1  }
0x73f: {  	s1 =	sand.u32 @!p1 $0xFFF8, s0  }
0x740: {  	s0 =	sand.u32 @!p1 $0x7, s0;
	s1 =	sadd.s32 @!p1 s5, s1  }
0x741: {  	[tilespmem:s10], [sflag:$0x6] =	stream.linear.gather @!p1 [hbm4b:s1+s0], $0x41, $0x38;
	[tilespmem:$0x1FF78] =	vst v63  }
0x742: {  	_ =	swait.ge @!p1 [sflag:s9], $0x41  }
0x743: {  	[sflag:s9] =	ssyncset.done @!p1 $0x0  }
0x744: {  	[sflag:s9] =	ssyncadd.s32 @!p1 $0xFFFFFFBF  }
0x745: {  	v1 =	vld @!p1 [tilespmem:$0xBEF8];
	_ =	sdelay $0x1  }
0x746: {  	s0 =	smul.u32 @!p1 $0x140, s11;
	_ =	sdelay $0x1  }
0x747: {  	s1 =	sshra.s32 @!p1 s0, $0x2  }
0x748: {  	[tilespmem:s1+$0xBF78] =	vst.add.f32.msk @!p1 $0xffff, v1  }
0x749: {  	v1 =	vld @!p1 [tilespmem:$0xBF08];
	_ =	sdelay $0x4  }
0x74a: {  	[tilespmem:s1+$0xBF88] =	vst.add.f32.msk @!p1 $0xffff, v1  }
0x74b: {  	v1 =	vld @!p1 [tilespmem:$0xBF18];
	_ =	sdelay $0x4  }
0x74c: {  	[tilespmem:s1+$0xBF98] =	vst.add.f32.msk @!p1 $0xffff, v1  }
0x74d: {  	v1 =	vld @!p1 [tilespmem:$0xBF28];
	_ =	sdelay $0x4  }
0x74e: {  	[tilespmem:s1+$0xBFA8] =	vst.add.f32.msk @!p1 $0xffff, v1  }
0x74f: {  	v1 =	vld @!p1 [tilespmem:$0xBF38];
	_ =	sdelay $0x4  }
0x750: {  	[tilespmem:s1+$0xBFB8] =	vst.add.f32.msk @!p1 $0xffff, v1  }
0x751: {  	s0 =	sshra.s32 s0, $0x2;
	[tilespmem:s3+$0xBF58] =	vst.msk $0x1, v0  }
0x752: {  	v0 =	vld [tilespmem:s0+$0xBF78];
	_ =	sdelay $0x1  }
0x753: {  	s31 =	smul.u32 $0x140, s3;
	_ =	sdelay $0x1  }
0x754: {  	s1 =	sshra.s32 s31, $0x2  }
0x755: {  	[tilespmem:s1+$0xBF78] =	vst v0  }
0x756: {  	v0 =	vld [tilespmem:s0+$0xBF88];
	_ =	sdelay $0x4  }
0x757: {  	[tilespmem:s1+$0xBF88] =	vst v0  }
0x758: {  	v0 =	vld [tilespmem:s0+$0xBF98];
	_ =	sdelay $0x4  }
0x759: {  	[tilespmem:s1+$0xBF98] =	vst v0  }
0x75a: {  	v0 =	vld [tilespmem:s0+$0xBFA8];
	_ =	sdelay $0x4  }
0x75b: {  	[tilespmem:s1+$0xBFA8] =	vst v0  }
0x75c: {  	v0 =	vld [tilespmem:s0+$0xBFB8];
	_ =	sdelay $0x4  }
0x75d: {  	s3 =	sadd.s32 $0x1, s3;
	[tilespmem:s1+$0xBFB8] =	vst v0  }
.LBB2_37:
0x75e: {  	s11 =	sadd.s32 $0x1, s11  }
0x75f: {  	p1 =	sne.s32 s11, $0x20  }
.Ltmp25:
0x760: {  	_ = 	snop;
	(pc) =	sbr.rel @!p1 .LBB2_38-.Ltmp25, $1  }
0x761: {  	_ =	sdelay $0x3  }
.LBB2_30:
0x762: {  	v0 =	vld.msk [tilespmem:s11+$0xBF58], $0x1;
	_ =	sdelay $0x4  }
0x763: {  	(v2sf) =	vpush v0, $0x0;
	_ =	sdelay $0xe  }
0x764: {  	s0 =	spop (v2sf)  }
0x765: {  	p1 =	seq.s32 s0, $0xFFFFFFFF  }
.Ltmp26:
0x766: {  	_ = 	snop;
	(pc) =	sbr.rel @p1 .LBB2_37-.Ltmp26, $1  }
0x767: {  	_ =	sdelay $0x3  }
0x768: {  	p1 =	slt.s32 s3, $0x1  }
.Ltmp27:
0x769: {  	_ = 	snop;
	(pc) =	sbr.rel @p1 .LBB2_36-.Ltmp27, $1  }
0x76a: {  	_ =	sdelay $0x3  }
0x76b: {  	s12 =	simm.s32 $0xBF58;
	p1 =	por $0x0, $0x0  }
0x76c: {  	v1 =	vld.msk @!p1 [tilespmem:s12+$0x0], $0x1;
	_ =	sdelay $0x4  }
0x76d: {  	(v2sf) =	vpush @!p1 v1, $0x0;
	_ =	sdelay $0xd  }
0x76e: {  	p3 =	sne.s32 s3, $0x1  }
.Ltmp28:
0x76f: {  	s1 =	spop @!p1 (v2sf);
	(pc) =	sbr.rel @!p3 .LBB2_34-.Ltmp28, $4  }
0x770: {  	p2 =	seq.s32 @!p1 s0, s1  }
0x771: {  	s13 =	simm.s32 $0x0;
	p2 =	por !p2, p1  }
0x772: {  	s2 =	simm.s32 $0xFFFFFFFF;
	s13 =	simm.s32 @p2 $0xFFFFFFFF  }
0x773: {  	s1 =	simm.s32 $0x1;
	s13 =	smov.u32 @p1 s2  }
.LBB2_33:
0x774: {  	s2 =	smov.u32 s13;
	p1 =	sne.s32 s13, $0xFFFFFFFF  }
0x775: {  	s12 =	sadd.s32 $0x1, s12;
	s13 =	smov.u32 s1;
	s1 =	sadd.s32 $0x1, s1  }
0x776: {  	p2 =	sne.s32 s3, s1;
	v1 =	vld.msk @!p1 [tilespmem:s12+$0x0], $0x1;
	_ =	sdelay $0x4  }
0x777: {  	(v2sf) =	vpush @!p1 v1, $0x0;
	_ =	sdelay $0xe  }
.Ltmp29:
0x778: {  	s6 =	spop @!p1 (v2sf);
	(pc) =	sbr.rel @p2 .LBB2_33-.Ltmp29, $4  }
0x779: {  	p3 =	seq.s32 @!p1 s0, s6  }
0x77a: {  	p3 =	por !p3, p1  }
0x77b: {  	s13 =	simm.s32 @p3 $0xFFFFFFFF  }
0x77c: {  	s13 =	smov.u32 @p1 s2  }
.LBB2_34:
0x77d: {  	p1 =	seq.s32 s13, $0xFFFFFFFF  }
.Ltmp30:
0x77e: {  	_ = 	snop;
	(pc) =	sbr.rel @p1 .LBB2_36-.Ltmp30, $1  }
0x77f: {  	_ =	sdelay $0x3  }
0x780: {  	s0 =	smul.u32 $0x140, s11;
	_ =	sdelay $0x1  }
0x781: {  	s0 =	sshra.s32 s0, $0x2  }
0x782: {  	v0 =	vld [tilespmem:s0+$0xBF78];
	_ =	sdelay $0x1  }
0x783: {  	s1 =	smul.u32 $0x140, s13;
	_ =	sdelay $0x1  }
0x784: {  	s1 =	sshra.s32 s1, $0x2  }
0x785: {  	[tilespmem:s1+$0xBF78] =	vst.add.f32.msk $0xffff, v0  }
0x786: {  	v0 =	vld [tilespmem:s0+$0xBF88];
	_ =	sdelay $0x4  }
0x787: {  	[tilespmem:s1+$0xBF88] =	vst.add.f32.msk $0xffff, v0  }
0x788: {  	v0 =	vld [tilespmem:s0+$0xBF98];
	_ =	sdelay $0x4  }
0x789: {  	[tilespmem:s1+$0xBF98] =	vst.add.f32.msk $0xffff, v0  }
0x78a: {  	v0 =	vld [tilespmem:s0+$0xBFA8];
	_ =	sdelay $0x4  }
0x78b: {  	[tilespmem:s1+$0xBFA8] =	vst.add.f32.msk $0xffff, v0  }
0x78c: {  	v0 =	vld [tilespmem:s0+$0xBFB8]  }
.Ltmp31:
0x78d: {  	_ = 	snop;
	(pc) =	sbr.rel .LBB2_37-.Ltmp31, $2  }
0x78e: {  	_ =	sdelay $0x2  }
0x78f: {  	[tilespmem:s1+$0xBFB8] =	vst.add.f32.msk $0xffff, v0  }
.LBB2_38:
0x790: {  	s0 =	simm.s32 $0x6;
	p1 =	seq.s32 s3, $0x0  }
0x791: {  	[sflag:s0] =	ssyncpa.u1 $0x1;
	v0 =	vimm.s32 @p1 $0xFFFFFFFF  }
0x792: {  	s0 =	sadd.s32 $0xFFFFFFFF, s3;
	[tilespmem:$0xC978] =	vst @p1 v0  }
0x793: {  	v0 =	vld.msk @!p1 [tilespmem:s0+$0xBF58], $0x1;
	_ =	sdelay $0x1  }
0x794: {  	v1 =	vld.msk @!p1 [tilespmem:$0xBF58], $0x1;
	_ =	sdelay $0x2  }
0x795: {  	p2 =	seq.s32 @!p1 s0, $0x0;
	v0 =	vbroadcast @!p1 v0, $0x0  }
0x796: {  	vm0 =	vmmov @!p1 $0x1;
	p3 =	por !p2, p1  }
0x797: {  	p2 =	sne.s32 @!p1 s8, s4;
	v1 =	vnsel @!p1 vm0, $0xFFFFFFFF, v1;
	vm0 =	vcmask @!p1 $0x308;
	v0 =	vpsel !p3, $0xFFFFFFFF, v0  }
0x798: {  	p3 =	por !p2, p1;
	v0 =	vsel @!p1 vm0, v1, v0  }
0x799: {  	s1 =	simm.s32 @!p1 $0xBF78;
	s2 =	simm.s32 @!p1 $0x0;
	s4 =	smul.u32 @!p3 $0x140, s0;
	[tilespmem:$0xC978] =	vst @!p1 v0  }
0x79a: {  	[spmem:s2] =	stream.linear.scatter @!p1 [tilespmem:s1], [sflag:$0x1], $0x50, $0x38;
	[tilespmem:$0x1FF78] =	vst v63  }
0x79b: {  	s1 =	sshra.s32 @!p3 s4, $0x2  }
0x79c: {  	s2 =	simm.s32 @!p3 $0x50;
	s1 =	sadd.s32 @!p3 $0xBF78, s1  }
0x79d: {  	[spmem:s2] =	stream.linear.scatter @!p3 [tilespmem:s1], [sflag:$0x1], $0x50, $0x38;
	[tilespmem:$0x1FF78] =	vst v63  }
0x79e: {  	s1 =	simm.s32 @!p3 $0x1  }
0x79f: {  	_ =	swait.ge @!p3 [sflag:s1], $0xA0  }
0x7a0: {  	p1 =	por p2, p1;
	[sflag:s1] =	ssyncset.done @!p3 $0x0  }
0x7a1: {  	[sflag:s1] =	ssyncadd.s32 @!p3 $0xFFFFFF60;
	s1 =	simm.s32 @!p1 $0x1  }
0x7a2: {  	_ =	swait.ge @!p1 [sflag:s1], $0x50  }
0x7a3: {  	s29 =	simm.s32 $0xC978;
	[sflag:s1] =	ssyncset.done @!p1 $0x0  }
0x7a4: {  	s30 =	simm.s32 $0xA00;
	s31 =	simm.s32 $0x1;
	[sflag:s1] =	ssyncadd.s32 @!p1 $0xFFFFFFB0  }
0x7a5: {  	[spmem:s30] =	stream.linear.scatter [tilespmem:s29], [sflag:$0x1], $0x10, $0x38;
	[tilespmem:$0x1FF78] =	vst v63  }
0x7a6: {  	_ =	swait.ge [sflag:s31], $0x10  }
0x7a7: {  	[sflag:s31] =	ssyncset.done $0x0  }
0x7a8: {  	p1 =	seq.s32 s15, $0x0;
	s9 =	rddreg [dreg:$0x1];
	[sflag:s31] =	ssyncadd.s32 $0xFFFFFFF0  }
0x7a9: {  	s2 =	sshll.u32 @p1 s9, $0xE;
	s8 =	rddreg [dreg:$0x2]  }
0x7aa: {  	s1 =	sadd.s32 @p1 $0x15C3C, s2;
	s2 =	sshll.u32 @p1 s8, $0x11  }
0x7ab: {  	_ =	sfence.stream.spmem;
	s1 =	sor.u32 @p1 s2, s1  }
0x7ac: {  	[sflag:s1] =	ssyncadd.remote.s32 @p1 $0x1;
	s1 =	simm.s32 @p1 $0x4  }
0x7ad: {  	s4 =	simm.s32 @!p1 $0x3C;
	s2 =	sand.u32 $0xFFFFFFFE, s9;
	_ =	swait.ge @p1 [sflag:s1], $0x16  }
0x7ae: {  	s6 =	simm.s32 @!p1 $0x0;
	s2 =	sadd.s32 @!p1 $0x4, s2;
	[sflag:s1] =	ssyncset.done @p1 $0x0  }
0x7af: {  	s7 =	simm.s32 @!p1 $0xA0;
	[sflag:s1] =	ssyncadd.s32 @p1 $0xFFFFFFEA;
	s1 =	sshll.u32 @!p1 s2, $0x1A  }
0x7b0: {  	s2 =	sshll.u32 @!p1 s2, $0xD;
	s1 =	sor.u32 @!p1 s1, s8;
	_ =	swait.eq @!p1 [sflag:s4], $0x1  }
0x7b1: {  	s2 =	sor.u32 @!p1 $0x1C04, s2;
	s4 =	simm.s32 @!p1 $0x1C03;
	s1 =	sor.u32 @!p1 $0x80004000, s1  }
0x7b2: {  	[spmem:s7], [sflag:s2] =	dma.general @!p1 [spmem:s6], [sflag:s4], length:$0x14, [dreg:$0x0], stride_count:$0x0, ici_dest:s1, dma_misc:DstOpCode:WRITE  }
0x7b3: {  	p2 =	slt.s32 s0, $0x2;
	s6 =	simm.s32 @!p1 $0x140;
	s7 =	simm.s32 @!p1 $0x142  }
0x7b4: {  	[spmem:s7], [sflag:s2] =	dma.general @!p1 [spmem:s6], [sflag:s4], length:$0x2, [dreg:$0x0], stride_count:$0x0, ici_dest:s1, dma_misc:DstOpCode:WRITE  }
.Ltmp32:
0x7b5: {  	s1 =	simm.s32 @!p1 $0x3;
	(pc) =	sbr.rel @p2 .LBB2_42-.Ltmp32, $4  }
0x7b6: {  	s2 =	sshll.u32 @!p1 s9, $0xE;
	_ =	swait.ge @!p1 [sflag:s1], $0x16  }
0x7b7: {  	s4 =	sshll.u32 @!p1 s8, $0x11;
	s2 =	sadd.s32 @!p1 $0x11C3C, s2;
	[sflag:s1] =	ssyncset.done @!p1 $0x0  }
0x7b8: {  	[sflag:s1] =	ssyncadd.s32 @!p1 $0xFFFFFFEA;
	s1 =	sor.u32 @!p1 s4, s2  }
0x7b9: {  	s0 =	simm.s32 $0x0;
	[sflag:s1] =	ssyncadd.remote.s32 @!p1 $0xFFFFFFFF  }
0x7ba: {  	s0 =	simm.s32 $0xBF59  }
0x7bb: {  	v0 =	vld.msk [tilespmem:s0+$0x0], $0x1;
	_ =	sdelay $0x4  }
0x7bc: {  	(v2sf) =	vpush v0, $0x0;
	_ =	sdelay $0xc  }
0x7bd: {  	s1 =	sadd.s32 $0xFFFFFFFE, s3  }
0x7be: {  	s1 =	sadd.s32 $0xFFFFFFFF, s1  }
0x7bf: {  	p2 =	sne.s32 s1, $0x0;
	s2 =	spop (v2sf)  }
.Ltmp33:
0x7c0: {  	p1 =	sgt.u32 s2, $0xCFF7;
	(pc) =	sbr.rel @!p2 .LBB2_41-.Ltmp33, $4  }
0x7c1: {  	s4 =	simm.s32 $0x0;
	s3 =	sand.u32 @!p1 $0xFFF8, s2  }
0x7c2: {  	s0 =	simm.s32 $0xBFC8;
	s2 =	sand.u32 @!p1 $0x7, s2;
	s3 =	sadd.s32 @!p1 s5, s3  }
0x7c3: {  	[hbm4b:s3+s2] =	stream.linear.scatter @!p1 [tilespmem:s0], [sflag:$0x5], $0x41, $0x38;
	[tilespmem:$0x1FF78] =	vst v63  }
0x7c4: {  	s4 =	simm.s32 @!p1 $0x104;
	s2 =	simm.s32 $0x0;
	s3 =	simm.s32 $0xBF5A  }
.LBB2_40:
0x7c5: {  	v0 =	vld.msk [tilespmem:s3+$0x0], $0x1;
	s1 =	sadd.s32 $0xFFFFFFFF, s1;
	s2 =	sadd.s32 s2, s4  }
0x7c6: {  	p1 =	sne.s32 s1, $0x0;
	_ =	sdelay $0x3  }
0x7c7: {  	(v2sf) =	vpush v0, $0x0;
	_ =	sdelay $0xe  }
.Ltmp34:
0x7c8: {  	s6 =	spop (v2sf);
	(pc) =	sbr.rel @p1 .LBB2_40-.Ltmp34, $4  }
0x7c9: {  	s4 =	simm.s32 $0x0;
	p2 =	sgt.u32 s6, $0xCFF7  }
0x7ca: {  	s0 =	sadd.s32 $0x50, s0;
	s4 =	simm.s32 @!p2 $0x104;
	s7 =	sand.u32 @!p2 $0xFFF8, s6  }
0x7cb: {  	s3 =	sadd.s32 $0x1, s3;
	s6 =	sand.u32 @!p2 $0x7, s6;
	s7 =	sadd.s32 @!p2 s5, s7  }
0x7cc: {  	[hbm4b:s7+s6] =	stream.linear.scatter @!p2 [tilespmem:s0], [sflag:$0x5], $0x41, $0x38;
	[tilespmem:$0x1FF78] =	vst v63  }
.LBB2_41:
0x7cd: {  	s0 =	sadd.s32 s2, s4  }
0x7ce: {  	s0 =	sshrl.u32 s0, $0x2  }
.LBB2_42:
0x7cf: {  	s1 =	simm.s32 $0x5  }
0x7d0: {  	_ =	swait.ge [sflag:s1], s0  }
0x7d1: {  	s31 =	ssub.s32 $0x0, s0;
	[sflag:s1] =	ssyncset.done $0x0  }
0x7d2: {  	[sflag:s1] =	ssyncadd.s32 s31  }
0x7d3: {  	[sflag:s1] =	ssyncpa.u1 $0x1  }
.LBB2_43:
0x7d4: {  	s0 =	sor.u32 s15, s14  }
0x7d5: {  	p1 =	sne.s32 s0, $0x0  }
.Ltmp35:
0x7d6: {  	_ = 	snop;
	(pc) =	sbr.rel @p1 .LBB2_58-.Ltmp35, $3  }
0x7d7: {  	_ =	sdelay $0x1  }
0x7d8: {  	[bflag:$0x0] =	sbarrier.arrive $0xFFFF  }
0x7d9: {  	_ =	sfence  }
0x7da: {  	s0 =	simm.s32 $0x7  }
0x7db: {  	s1 =	simm.s32 $0xA00;
	s2 =	simm.s32 $0xBF58;
	[sflag:s0] =	ssyncpa.u1 $0x0  }
0x7dc: {  	[tilespmem:s2], [sflag:$0x7] =	stream.linear.gather [spmem:s1], $0x20, $0x38;
	[tilespmem:$0x1FF78] =	vst v63  }
0x7dd: {  	s30 =	simm.s32 $0xBF78;
	s1 =	simm.s32 $0x0  }
0x7de: {  	[tilespmem:s30], [sflag:$0x7] =	stream.linear.gather [spmem:s1], $0xA00, $0x38;
	[tilespmem:$0x1FF78] =	vst v63  }
.Ltmp36:
0x7df: {  	_ = 	snop;
	(pc) =	sbr.rel .LBB2_45-.Ltmp36, $4  }
0x7e0: {  	_ =	swait.ge [sflag:s0], $0xA20  }
0x7e1: {  	[sflag:s0] =	ssyncset.done $0x0  }
0x7e2: {  	s31 =	simm.s32 $0x8;
	[sflag:s0] =	ssyncadd.s32 $0xFFFFF5E0  }
0x7e3: {  	s2 =	simm.s32 $0x0;
	[sflag:s31] =	ssyncpa.u1 $0x0  }
.LBB2_51:
0x7e4: {  	p1 =	slt.u32 s0, $0xCFF8  }
0x7e5: {  	s3 =	sand.u32 @p1 $0xFFF8, s0  }
0x7e6: {  	s0 =	sand.u32 @p1 $0x7, s0;
	s4 =	simm.s32 @p1 $0xBEF8;
	s3 =	sadd.s32 @p1 s5, s3  }
0x7e7: {  	[tilespmem:s4], [sflag:$0x8] =	stream.linear.gather @p1 [hbm4b:s3+s0], $0x41, $0x38;
	[tilespmem:$0x1FF78] =	vst v63  }
0x7e8: {  	s0 =	simm.s32 @p1 $0x8  }
0x7e9: {  	_ =	swait.ge @p1 [sflag:s0], $0x41  }
0x7ea: {  	[sflag:s0] =	ssyncset.done @p1 $0x0  }
0x7eb: {  	[sflag:s0] =	ssyncadd.s32 @p1 $0xFFFFFFBF  }
0x7ec: {  	v1 =	vld @p1 [tilespmem:$0xBEF8];
	_ =	sdelay $0x1  }
0x7ed: {  	s0 =	smul.u32 @p1 $0x140, s2;
	_ =	sdelay $0x1  }
0x7ee: {  	s3 =	sshra.s32 @p1 s0, $0x2  }
0x7ef: {  	[tilespmem:s3+$0xBF78] =	vst.add.f32.msk @p1 $0xffff, v1  }
0x7f0: {  	v1 =	vld @p1 [tilespmem:$0xBF08];
	_ =	sdelay $0x4  }
0x7f1: {  	[tilespmem:s3+$0xBF88] =	vst.add.f32.msk @p1 $0xffff, v1  }
0x7f2: {  	v1 =	vld @p1 [tilespmem:$0xBF18];
	_ =	sdelay $0x4  }
0x7f3: {  	[tilespmem:s3+$0xBF98] =	vst.add.f32.msk @p1 $0xffff, v1  }
0x7f4: {  	v1 =	vld @p1 [tilespmem:$0xBF28];
	_ =	sdelay $0x4  }
0x7f5: {  	[tilespmem:s3+$0xBFA8] =	vst.add.f32.msk @p1 $0xffff, v1  }
0x7f6: {  	v1 =	vld @p1 [tilespmem:$0xBF38];
	_ =	sdelay $0x2  }
0x7f7: {  	s4 =	smul.u32 @!p1 $0x140, s2;
	_ =	sdelay $0x1  }
0x7f8: {  	s4 =	smov.u32 @p1 s0;
	[tilespmem:s3+$0xBFB8] =	vst.add.f32.msk @p1 $0xffff, v1  }
0x7f9: {  	s0 =	sshra.s32 s4, $0x2;
	[tilespmem:s1+$0xBF58] =	vst.msk $0x1, v0  }
0x7fa: {  	v0 =	vld [tilespmem:s0+$0xBF78];
	_ =	sdelay $0x1  }
0x7fb: {  	s31 =	smul.u32 $0x140, s1;
	_ =	sdelay $0x1  }
0x7fc: {  	s3 =	sshra.s32 s31, $0x2  }
0x7fd: {  	[tilespmem:s3+$0xBF78] =	vst v0  }
0x7fe: {  	v0 =	vld [tilespmem:s0+$0xBF88];
	_ =	sdelay $0x4  }
0x7ff: {  	[tilespmem:s3+$0xBF88] =	vst v0  }
0x800: {  	v0 =	vld [tilespmem:s0+$0xBF98];
	_ =	sdelay $0x4  }
0x801: {  	[tilespmem:s3+$0xBF98] =	vst v0  }
0x802: {  	v0 =	vld [tilespmem:s0+$0xBFA8];
	_ =	sdelay $0x4  }
0x803: {  	[tilespmem:s3+$0xBFA8] =	vst v0  }
0x804: {  	v0 =	vld [tilespmem:s0+$0xBFB8];
	_ =	sdelay $0x4  }
0x805: {  	s1 =	sadd.s32 $0x1, s1;
	[tilespmem:s3+$0xBFB8] =	vst v0  }
.LBB2_52:
0x806: {  	s2 =	sadd.s32 $0x1, s2  }
0x807: {  	p1 =	sne.s32 s2, $0x20  }
.Ltmp37:
0x808: {  	_ = 	snop;
	(pc) =	sbr.rel @!p1 .LBB2_53-.Ltmp37, $1  }
0x809: {  	_ =	sdelay $0x3  }
.LBB2_45:
0x80a: {  	v0 =	vld.msk [tilespmem:s2+$0xBF58], $0x1;
	_ =	sdelay $0x4  }
0x80b: {  	(v2sf) =	vpush v0, $0x0;
	_ =	sdelay $0xe  }
0x80c: {  	s0 =	spop (v2sf)  }
0x80d: {  	p1 =	seq.s32 s0, $0xFFFFFFFF  }
.Ltmp38:
0x80e: {  	_ = 	snop;
	(pc) =	sbr.rel @p1 .LBB2_52-.Ltmp38, $1  }
0x80f: {  	_ =	sdelay $0x3  }
0x810: {  	p1 =	slt.s32 s1, $0x1  }
.Ltmp39:
0x811: {  	_ = 	snop;
	(pc) =	sbr.rel @p1 .LBB2_51-.Ltmp39, $1  }
0x812: {  	_ =	sdelay $0x3  }
0x813: {  	s3 =	simm.s32 $0xBF58;
	p1 =	por $0x0, $0x0  }
0x814: {  	v1 =	vld.msk @!p1 [tilespmem:s3+$0x0], $0x1;
	_ =	sdelay $0x4  }
0x815: {  	(v2sf) =	vpush @!p1 v1, $0x0;
	_ =	sdelay $0xd  }
0x816: {  	p3 =	sne.s32 s1, $0x1  }
.Ltmp40:
0x817: {  	s4 =	spop @!p1 (v2sf);
	(pc) =	sbr.rel @!p3 .LBB2_49-.Ltmp40, $4  }
0x818: {  	p2 =	seq.s32 @!p1 s0, s4  }
0x819: {  	s4 =	simm.s32 $0x0;
	p2 =	por !p2, p1  }
0x81a: {  	s7 =	simm.s32 $0xFFFFFFFF;
	s4 =	simm.s32 @p2 $0xFFFFFFFF  }
0x81b: {  	s6 =	simm.s32 $0x1;
	s4 =	smov.u32 @p1 s7  }
.LBB2_48:
0x81c: {  	s7 =	smov.u32 s4;
	p1 =	sne.s32 s4, $0xFFFFFFFF  }
0x81d: {  	s3 =	sadd.s32 $0x1, s3;
	s4 =	smov.u32 s6;
	s6 =	sadd.s32 $0x1, s6  }
0x81e: {  	p2 =	sne.s32 s1, s6;
	v1 =	vld.msk @!p1 [tilespmem:s3+$0x0], $0x1;
	_ =	sdelay $0x4  }
0x81f: {  	(v2sf) =	vpush @!p1 v1, $0x0;
	_ =	sdelay $0xe  }
.Ltmp41:
0x820: {  	s8 =	spop @!p1 (v2sf);
	(pc) =	sbr.rel @p2 .LBB2_48-.Ltmp41, $4  }
0x821: {  	p3 =	seq.s32 @!p1 s0, s8  }
0x822: {  	p3 =	por !p3, p1  }
0x823: {  	s4 =	simm.s32 @p3 $0xFFFFFFFF  }
0x824: {  	s4 =	smov.u32 @p1 s7  }
.LBB2_49:
0x825: {  	p1 =	seq.s32 s4, $0xFFFFFFFF  }
.Ltmp42:
0x826: {  	_ = 	snop;
	(pc) =	sbr.rel @p1 .LBB2_51-.Ltmp42, $1  }
0x827: {  	_ =	sdelay $0x3  }
0x828: {  	s0 =	smul.u32 $0x140, s2;
	_ =	sdelay $0x1  }
0x829: {  	s0 =	sshra.s32 s0, $0x2  }
0x82a: {  	v0 =	vld [tilespmem:s0+$0xBF78];
	_ =	sdelay $0x1  }
0x82b: {  	s3 =	smul.u32 $0x140, s4;
	_ =	sdelay $0x1  }
0x82c: {  	s3 =	sshra.s32 s3, $0x2  }
0x82d: {  	[tilespmem:s3+$0xBF78] =	vst.add.f32.msk $0xffff, v0  }
0x82e: {  	v0 =	vld [tilespmem:s0+$0xBF88];
	_ =	sdelay $0x4  }
0x82f: {  	[tilespmem:s3+$0xBF88] =	vst.add.f32.msk $0xffff, v0  }
0x830: {  	v0 =	vld [tilespmem:s0+$0xBF98];
	_ =	sdelay $0x4  }
0x831: {  	[tilespmem:s3+$0xBF98] =	vst.add.f32.msk $0xffff, v0  }
0x832: {  	v0 =	vld [tilespmem:s0+$0xBFA8];
	_ =	sdelay $0x4  }
0x833: {  	[tilespmem:s3+$0xBFA8] =	vst.add.f32.msk $0xffff, v0  }
0x834: {  	v0 =	vld [tilespmem:s0+$0xBFB8]  }
.Ltmp43:
0x835: {  	_ = 	snop;
	(pc) =	sbr.rel .LBB2_52-.Ltmp43, $2  }
0x836: {  	_ =	sdelay $0x2  }
0x837: {  	[tilespmem:s3+$0xBFB8] =	vst.add.f32.msk $0xffff, v0  }
.LBB2_53:
0x838: {  	p1 =	slt.s32 s1, $0x1  }
.Ltmp44:
0x839: {  	_ = 	snop;
	(pc) =	sbr.rel @p1 .LBB2_57-.Ltmp44, $3  }
0x83a: {  	_ =	sdelay $0x1  }
0x83b: {  	s0 =	simm.s32 $0x8  }
0x83c: {  	[sflag:s0] =	ssyncpa.u1 $0x1;
	s0 =	simm.s32 $0x0  }
0x83d: {  	s2 =	simm.s32 $0xBF58  }
0x83e: {  	v0 =	vld.msk [tilespmem:s2+$0x0], $0x1;
	_ =	sdelay $0x4  }
0x83f: {  	(v2sf) =	vpush v0, $0x0;
	_ =	sdelay $0xe  }
0x840: {  	s1 =	sadd.s32 $0xFFFFFFFF, s1;
	s3 =	spop (v2sf)  }
0x841: {  	p2 =	sne.s32 s1, $0x0;
	p1 =	sgt.u32 s3, $0xCFF7  }
.Ltmp45:
0x842: {  	s4 =	sand.u32 @!p1 $0xFFF8, s3;
	(pc) =	sbr.rel @!p2 .LBB2_56-.Ltmp45, $4  }
0x843: {  	s2 =	simm.s32 $0xBF78;
	s3 =	sand.u32 @!p1 $0x7, s3;
	s4 =	sadd.s32 @!p1 s5, s4  }
0x844: {  	[hbm4b:s4+s3] =	stream.linear.scatter @!p1 [tilespmem:s2], [sflag:$0x7], $0x41, $0x38;
	[tilespmem:$0x1FF78] =	vst v63  }
0x845: {  	s4 =	simm.s32 $0x0  }
0x846: {  	s3 =	simm.s32 $0xBF59;
	s4 =	simm.s32 @!p1 $0x104  }
.LBB2_55:
0x847: {  	v0 =	vld.msk [tilespmem:s3+$0x0], $0x1;
	s1 =	sadd.s32 $0xFFFFFFFF, s1;
	s0 =	sadd.s32 s0, s4  }
0x848: {  	p1 =	sne.s32 s1, $0x0;
	_ =	sdelay $0x3  }
0x849: {  	(v2sf) =	vpush v0, $0x0;
	_ =	sdelay $0xe  }
.Ltmp46:
0x84a: {  	s6 =	spop (v2sf);
	(pc) =	sbr.rel @p1 .LBB2_55-.Ltmp46, $4  }
0x84b: {  	s4 =	simm.s32 $0x0;
	p2 =	sgt.u32 s6, $0xCFF7  }
0x84c: {  	s2 =	sadd.s32 $0x50, s2;
	s4 =	simm.s32 @!p2 $0x104;
	s7 =	sand.u32 @!p2 $0xFFF8, s6  }
0x84d: {  	s3 =	sadd.s32 $0x1, s3;
	s6 =	sand.u32 @!p2 $0x7, s6;
	s7 =	sadd.s32 @!p2 s5, s7  }
0x84e: {  	[hbm4b:s7+s6] =	stream.linear.scatter @!p2 [tilespmem:s2], [sflag:$0x7], $0x41, $0x38;
	[tilespmem:$0x1FF78] =	vst v63  }
.LBB2_56:
0x84f: {  	s0 =	sadd.s32 s0, s4  }
0x850: {  	s0 =	sshrl.u32 s0, $0x2  }
.LBB2_57:
0x851: {  	s1 =	simm.s32 $0x7  }
0x852: {  	_ =	swait.ge [sflag:s1], s0  }
0x853: {  	s31 =	ssub.s32 $0x0, s0;
	[sflag:s1] =	ssyncset.done $0x0  }
0x854: {  	[sflag:s1] =	ssyncadd.s32 s31  }
0x855: {  	[sflag:s1] =	ssyncpa.u1 $0x1  }
.LBB2_58:
0x856: {  	_ =	sfence;
	s0 =	simm.s32 $0x1  }
0x857: {  	[sflag:s0] =	ssyncpa.u1 $0x1  }
0x858: {  	_ =	strace $0x90000053  }
0x859: {  	[bflag:$0x2] =	sbarrier.arrive $0xFFFF  }
0x85a: {  	s0 =	rddreg [dreg:$0x3]  }
0x85b: {  	s0 =	sadd.s32 @!p0 $0x100000, s0  }
0x85c: {  	[sflag:s0] =	ssyncadd.tile.s32 @!p0 $0x1;
	_ =	shalt  }
.Lfunc_end2:
_tile_overlayer_lowered:
.L_overlay_start_2:
0x85d: {  	(tag) =	ssettag $0x2  }
0x85e: {  	s0 =	rddreg [dreg:$0x0];
	s2 =	stileid.u32  }
0x85f: {  	s1 =	rddreg [dreg:$0x1];
	p0 =	sne.s32 s2, $0x0  }
0x860: {  	s3 =	rddreg [dreg:$0x2];
	[bflag:$0x3] =	sbarrier.arrive $0xFFFF;
	s2 =	simm.s32 @!p0 $0x1C01  }
0x861: {  	[timem:s3], [sflag:s2] =	dma.local @!p0 [hbm:s0], s1  }
0x862: {  	s0 =	simm.s32 @!p0 $0x1  }
0x863: {  	_ =	swait.ge @!p0 [sflag:s0], s1  }
0x864: {  	s1 =	ssub.s32 @!p0 $0x0, s1;
	[sflag:s0] =	ssyncset.done @!p0 $0x0  }
0x865: {  	[sflag:s0] =	ssyncadd.s32 @!p0 s1  }
0x866: {  	[bflag:$0x3] =	sbarrier.arrive $0xFFFF  }
0x867: {  	_ =	shalt  }

// kernel: scatter_offload_async_start
scs
__scs_entry_jumppad:
0x0: {  	(pc) =	sbr.rel $0x88, $3  }
0x1: {  	(tag) =	ssettag $0x0;
	lr =	simm.s32 $0x1  }
0x2: {  	[smem:$0x3F94] =	sst lr;
	_ =	strace $0xD0000000  }
0x3: {  	_ = 	snop  }
0x4: {  	_ = 	snop  }
0x5: {  	_ = 	snop  }
0x6: {  	_ = 	snop  }
0x7: {  	_ = 	snop  }
__scs_overlays_trampoline_lowered:
0x8: {  	[smem:$0x3FA3] =	sst s0  }
0x9: {  	[smem:$0x3FA4] =	sst s1  }
0xa: {  	[smem:$0x3FA5] =	sst s2  }
0xb: {  	[smem:$0x3FA6] =	sst s3  }
0xc: {  	[smem:$0x3FA7] =	sst s4  }
0xd: {  	[smem:$0x3FA8] =	sst s5  }
0xe: {  	[smem:$0x3FA9] =	sst s6  }
0xf: {  	[smem:$0x3FAA] =	sst s7  }
0x10: {  	[smem:$0x3FAB] =	sst s8  }
0x11: {  	[smem:$0x3FAC] =	sst s9;
	s0 =	simm.s32 @!p0 $0x0  }
0x12: {  	s1 =	sld [smem:$0x3F92];
	s0 =	simm.s32 @p0 $0x1  }
0x13: {  	[smem:$0x3FAD] =	sst s0;
	s0 =	simm.s32 @!p1 $0x0  }
0x14: {  	s2 =	sld [smem:$0x3F91];
	s0 =	simm.s32 @p1 $0x1  }
0x15: {  	[smem:$0x3FAE] =	sst s0;
	s0 =	simm.s32 @!p2 $0x0  }
0x16: {  	s3 =	sld [smem:$0x3FDB];
	s0 =	simm.s32 @p2 $0x1  }
0x17: {  	s4 =	simm.s32 $0x1BF5;
	[smem:$0x3FB0] =	sst s0  }
0x18: {  	s0 =	sld [smem:$0x3F93];
	_ =	swait.ge [sflag:s4], $0x0  }
0x19: {  	s7 =	sld [smem:$0x3F94]  }
0x1a: {  	s8 =	sadd.s32 $0xFFFFE003, lr  }
0x1b: {  	s9 =	sadd.s32 $0xFFFFFEF7, lr;
	s5 =	simm.s32 $0xFFFFFFFF;
	p2 =	slt.u32 s8, $0xFFFFF086  }
0x1c: {  	p1 =	slt.u32 s9, $0xF7A;
	s5 =	simm.s32 @!p2 $0x0  }
0x1d: {  	s5 =	simm.s32 @p1 $0x1;
	p0 =	seq.s32 s7, s2  }
0x1e: {  	s7 =	smul.u32 @!p0 $0xF7A, s2;
	p2 =	seq.s32 @!p0 s5, $0x0  }
0x1f: {  	s9 =	smul.u32 $0xF7A, s1;
	s8 =	simm.s32 @!p0 $0x1BF5;
	p2 =	por !p2, p0  }
0x20: {  	[sflag:s8] =	ssyncset.s32 @!p0 $0xFFFFF086;
	s6 =	sadd.s32 @!p0 s3, s7;
	s7 =	simm.s32 @!p0 $0x108  }
0x21: {  	s3 =	sadd.s32 s3, s9;
	s6 =	sadd.s32 @!p0 $0x88, s6;
	s7 =	simm.s32 @p2 $0x1082  }
0x22: {  	[simem:s7], [sflag:s8] =	dma.local @!p0 [hbm:s6], $0xF7A  }
0x23: {  	s9 =	sor.u32 $0xD0000000, s2;
	s6 =	simm.s32 $0x108;
	_ =	swait.ge @!p0 [sflag:s8], $0x0  }
0x24: {  	s3 =	sadd.s32 $0x88, s3;
	s6 =	simm.s32 @!p1 $0x1082;
	[sflag:s4] =	ssyncset.s32 $0xFFFFF086  }
0x25: {  	[simem:s6], [sflag:s4] =	dma.local [hbm:s3], $0xF7A  }
0x26: {  	[smem:$0x3F94] =	sst s1;
	(tag) =	ssettag s2;
	_ =	strace s9  }
0x27: {  	s1 =	sld [smem:$0x3FA4]  }
0x28: {  	s2 =	sld [smem:$0x3FA5]  }
0x29: {  	s4 =	sld [smem:$0x3FA7]  }
0x2a: {  	p0 =	seq.s32 s5, $0x0;
	s5 =	sld [smem:$0x3FA8]  }
0x2b: {  	s6 =	sld [smem:$0x3FA9]  }
0x2c: {  	s7 =	sld [smem:$0x3FAA]  }
0x2d: {  	s3 =	simm.s32 $0x108;
	s8 =	sld [smem:$0x3FAB]  }
0x2e: {  	s3 =	simm.s32 @!p0 $0x1082;
	s9 =	sld [smem:$0x3FAC]  }
0x2f: {  	lr =	sadd.s32 s0, s3;
	s0 =	sld [smem:$0x3FA3]  }
0x30: {  	s3 =	sld [smem:$0x3FA6]  }
0x31: {  	[smem:$0x3FAF] =	sst s10  }
0x32: {  	s10 =	sld [smem:$0x3FAD];
	_ =	sdelay $0x3  }
0x33: {  	p0 =	seq.s32 s10, $0x1;
	s10 =	sld [smem:$0x3FAF];
	_ =	sdelay $0x3  }
0x34: {  	[smem:$0x3FAF] =	sst s10  }
0x35: {  	s10 =	sld [smem:$0x3FAE];
	_ =	sdelay $0x3  }
0x36: {  	p1 =	seq.s32 s10, $0x1;
	s10 =	sld [smem:$0x3FAF];
	_ =	sdelay $0x3  }
0x37: {  	[smem:$0x3FAF] =	sst s10  }
0x38: {  	s10 =	sld [smem:$0x3FB0]  }
0x39: {  	_ = 	snop;
	(pc) =	sbr.ind lr, $3  }
0x3a: {  	_ = 	snop  }
0x3b: {  	_ = 	snop  }
0x3c: {  	p2 =	seq.s32 s10, $0x1;
	s10 =	sld [smem:$0x3FAF]  }
0x3d: {  	_ =	shalt  }
0x3e: {  	_ =	shalt  }
0x3f: {  	_ =	shalt  }
0x40: {  	_ =	shalt  }
0x41: {  	_ =	shalt  }
0x42: {  	_ =	shalt  }
0x43: {  	_ =	shalt  }
0x44: {  	_ =	shalt  }
0x45: {  	_ =	shalt  }
0x46: {  	_ =	shalt  }
0x47: {  	_ =	shalt  }
0x48: {  	_ =	shalt  }
0x49: {  	_ =	shalt  }
0x4a: {  	_ =	shalt  }
0x4b: {  	_ =	shalt  }
0x4c: {  	_ =	shalt  }
0x4d: {  	_ =	shalt  }
0x4e: {  	_ =	shalt  }
0x4f: {  	_ =	shalt  }
0x50: {  	_ =	shalt  }
0x51: {  	_ =	shalt  }
0x52: {  	_ =	shalt  }
0x53: {  	_ =	shalt  }
0x54: {  	_ =	shalt  }
0x55: {  	_ =	shalt  }
0x56: {  	_ =	shalt  }
0x57: {  	_ =	shalt  }
0x58: {  	_ =	shalt  }
0x59: {  	_ =	shalt  }
0x5a: {  	_ =	shalt  }
0x5b: {  	_ =	shalt  }
0x5c: {  	_ =	shalt  }
0x5d: {  	_ =	shalt  }
0x5e: {  	_ =	shalt  }
0x5f: {  	_ =	shalt  }
0x60: {  	_ =	shalt  }
0x61: {  	_ =	shalt  }
0x62: {  	_ =	shalt  }
0x63: {  	_ =	shalt  }
0x64: {  	_ =	shalt  }
0x65: {  	_ =	shalt  }
0x66: {  	_ =	shalt  }
0x67: {  	_ =	shalt  }
0x68: {  	_ =	shalt  }
0x69: {  	_ =	shalt  }
0x6a: {  	_ =	shalt  }
0x6b: {  	_ =	shalt  }
0x6c: {  	_ =	shalt  }
0x6d: {  	_ =	shalt  }
0x6e: {  	_ =	shalt  }
0x6f: {  	_ =	shalt  }
0x70: {  	_ =	shalt  }
0x71: {  	_ =	shalt  }
0x72: {  	_ =	shalt  }
0x73: {  	_ =	shalt  }
0x74: {  	_ =	shalt  }
0x75: {  	_ =	shalt  }
0x76: {  	_ =	shalt  }
0x77: {  	_ =	shalt  }
0x78: {  	_ =	shalt  }
0x79: {  	_ =	shalt  }
0x7a: {  	_ =	shalt  }
0x7b: {  	_ =	shalt  }
0x7c: {  	_ =	shalt  }
0x7d: {  	_ =	shalt  }
0x7e: {  	_ =	shalt  }
0x7f: {  	_ =	shalt  }
0x80: {  	_ =	shalt  }
0x81: {  	_ =	shalt  }
0x82: {  	_ =	shalt  }
0x83: {  	_ =	shalt  }
0x84: {  	_ =	shalt  }
0x85: {  	_ =	shalt  }
0x86: {  	_ =	shalt  }
0x87: {  	_ =	shalt  }
.Lfunc_end0:
.L_simem_size_0:
called_computation_lowered:
.L_overlay_start_0:
0x88: {  	s0 =	sld [smem:$0x3FD9]  }
0x89: {  	s1 =	sld [smem:$0x3FFE];
	_ =	sdelay $0x3  }
0x8a: {  	s0 =	sadd.s32 s1, s0  }
0x8b: {  	[smem:$0x3FBB] =	sst s0  }
0x8c: {  	_ = 	snop  }
0x8d: {  	(tm) =	ssettm $0x1  }
0x8e: {  	s15 =	sld [smem:$0x3FFB];
	_ =	sdelay $0x3  }
0x8f: {  	_ =	strace s15  }
0x90: {  	s0 =	sld [smem:$0x3FFC];
	_ =	sdelay $0x3  }
0x91: {  	_ =	strace s0  }
0x92: {  	s0 =	sld [smem:$0x3FFD];
	_ =	sdelay $0x3  }
0x93: {  	_ =	strace s0  }
0x94: {  	_ =	strace $0x8FFFFFFF  }
0x95: {  	s16 =	sld [smem:$0x3FDB];
	_ =	sdelay $0x1  }
0x96: {  	s17 =	simm.s32 $_scs_section_size  }
0x97: {  	s2 =	simm.s32 $_size__tile_overlayer_lowered;
	s3 =	simm.s32 $_tile_overlayer_lowered  }
0x98: {  	s20 =	simm.s32 $0x1BFF;
	s19 =	sshll.u32 s3, $0x1;
	s0 =	sadd.s32 s17, s16  }
0x99: {  	s4 =	simm.s32 $0x0;
	s18 =	sshll.u32 s2, $0x1;
	s2 =	sadd.s32 s19, s0  }
0x9a: {  	[timem:s4], [sflag:s20] =	dma.local [hbm:s2], s18  }
0x9b: {  	_ =	swait.ge [sflag:s20], s18  }
0x9c: {  	s1 =	ssub.s32 $0x0, s18;
	[sflag:s20] =	ssyncset.done $0x0  }
0x9d: {  	[sflag:s20] =	ssyncadd.s32 s1;
	_ =	sdelay $0x1  }
0x9e: {  	s21 =	simm.s32 $0x1B8B  }
0x9f: {  	_ =	swait.ge [sflag:s21], $0x1  }
0xa0: {  	[sflag:s21] =	ssyncset.done $0x0  }
0xa1: {  	s23 =	simm.s32 $0x1B8E;
	s22 =	sld [smem:$0x3FFE];
	[sflag:s21] =	ssyncadd.s32 $0xFFFFFFFF  }
0xa2: {  	s24 =	simm.s32 $execute0_lowered;
	[smem:$0x3FD2] =	sst s23  }
0xa3: {  	s2 =	sshll.u32 s24, $0x1;
	_ =	strace $0x80000046;
	[dreg:$0x1] =	wrdreg $0xFFFFFFFF  }
0xa4: {  	s25 =	simm.s32 $_size_execute0_lowered;
	s0 =	sadd.s32 s0, s2;
	[dreg:$0x0] =	wrdreg $0x0  }
0xa5: {  	s2 =	sshll.u32 s25, $0x1;
	[dreg:$0x2] =	wrdreg s0  }
0xa6: {  	[dreg:$0x3] =	wrdreg s2  }
0xa7: {  	[dreg:$0x4] =	wrdreg $0xC0  }
0xa8: {  	_ =	task [dreg:s4], $0x5FFFF  }
0xa9: {  	[dreg:$0x1] =	wrdreg $0xFFFFFFFF  }
0xaa: {  	[dreg:$0x0] =	wrdreg $0x60  }
0xab: {  	[dreg:$0x2] =	wrdreg s22  }
0xac: {  	[dreg:$0x3] =	wrdreg $0x9  }
0xad: {  	_ =	task.clear_ibuf [dreg:s4], $0x4FFFF;
	_ =	strace $0x90000046  }
0xae: {  	s26 =	simm.s32 $0x9;
	_ =	strace $0x80000048  }
0xaf: {  	_ =	swait.ge [sflag:s26], $0x1  }
0xb0: {  	[sflag:s26] =	ssyncadd.s32 $0xFFFFFFFF  }
0xb1: {  	_ =	strace $0x90000048  }
0xb2: {  	_ =	sfence  }
0xb3: {  	s28 =	sld [smem:$0x0];
	_ =	sdelay $0x1  }
0xb4: {  	s29 =	srdreg.scid  }
0xb5: {  	s30 =	sshll.u32 s29, $0xD;
	s31 =	sshrl.u32 s29, $0x2  }
0xb6: {  	s1 =	sand.u32 $0x1, s29;
	s2 =	sand.u32 $0x4000, s30;
	s0 =	sadd.s32 s31, s28  }
0xb7: {  	s1 =	sor.u32 s2, s1;
	s0 =	sshll.u32 s0, $0x11  }
0xb8: {  	s0 =	sor.u32 s0, s1  }
0xb9: {  	s0 =	sadd.s32 $0x8F2B, s0  }
0xba: {  	[sflag:s0] =	ssyncadd.remote.s32 $0x1  }
0xbb: {  	_ =	sfence.sel $0xFFFF  }
0xbc: {  	[dreg:$0x0] =	wrdreg $0xFFFFFFFF;
	(pc) =	sbr.abs _section_cstart, $3  }
0xbd: {  	[dreg:$0x1] =	wrdreg $0xFFFFFFFF  }
0xbe: {  	_ =	task.clear_ibuf [dreg:s4], $0x2FFFF;
	_ =	strace $0x9FFFFFFF  }
0xbf: {  	(tm) =	ssettm $0x7FFFFFFF  }
tec
execute0_lowered:
.L_overlay_start_1:
0x0: {  	(tag) =	ssettag $0x1  }
0x1: {  	s0 =	rddreg [dreg:$0x0];
	_ =	strace $0x80000047;
	s3 =	simm.s32 $0x1  }
0x2: {  	v1 =	vimm.s32 $0xFFFFFFFF;
	[sflag:s3] =	ssyncpa.u1 $0x0  }
0x3: {  	[tilespmem:$0x10] =	vst v1  }
0x4: {  	v0 =	vimm.f32 $-Inf;
	[tilespmem:$0x20] =	vst v1  }
0x5: {  	[tilespmem:$0x30] =	vst v0  }
0x6: {  	s2 =	simm.s32 $0x2;
	s26 =	stileid.u32;
	[tilespmem:$0x40] =	vst v0  }
0x7: {  	s5 =	simm.s32 $0x7;
	s7 =	simm.s32 $0x8;
	s31 =	simm.s32 $0x9;
	[tilespmem:$0x50] =	vst v0  }
0x8: {  	s14 =	simm.s32 $0x0;
	s15 =	simm.s32 $0x100;
	s19 =	simm.s32 $0x8DA0;
	[tilespmem:$0x60] =	vst v1  }
0x9: {  	s20 =	simm.s32 $0xF;
	s21 =	simm.s32 $0x50;
	s22 =	simm.s32 $0x3F7F;
	[tilespmem:$0x70] =	vst v1  }
0xa: {  	s23 =	simm.s32 $0x20;
	s24 =	simm.s32 $0x30;
	s25 =	simm.s32 $0x7DFF;
	[tilespmem:$0x80] =	vst v1  }
0xb: {  	s30 =	simm.s32 $0x0;
	s29 =	simm.s32 $0x0;
	s6 =	smul.u32 $0xFA0, s26;
	v1 =	vimm.s32 $0x0;
	[tilespmem:$0xB0] =	vst v0  }
.Ltmp0:
0xc: {  	s1 =	sadd.s32 $0x8000, s0;
	s4 =	sadd.s32 $0x4000, s0;
	[tilespmem:$0x90] =	vst v1;
	(pc) =	sbr.rel .LBB2_1-.Ltmp0, $4  }
0xd: {  	s8 =	sadd.s32 $0x6000, s0;
	s10 =	sshll.u32 s26, $0x1;
	[tilespmem:$0xA0] =	vst v1;
	[sflag:s2] =	ssyncpa.u1 $0x0  }
0xe: {  	s12 =	sshllo.u32 s26, $0x1;
	s26 =	simm.s32 $0x80;
	[sflag:s5] =	ssyncpa.u1 $0x0  }
0xf: {  	vm0 =	vmmov $0xffff;
	v2 =	vlaneseq.u32;
	vm1 =	vmxor vm1, vm1;
	s11 =	sor.u32 $0x81, s10;
	s13 =	sor.u32 $0x80, s10;
	[sflag:s7] =	ssyncpa.u1 $0x0  }
0x10: {  	vm2 =	vmmov $0x1;
	v3 =	vimm.f32 $0.0e+00;
	vm3 =	vcmask $0x3F3C;
	s9 =	sadd.s32 $0xFA0, s6;
	s28 =	smov.u32 s6;
	[sflag:s31] =	ssyncpa.u1 $0x0  }
.LBB2_3:
0x11: {  	s0 =	sshrl.u32 s28, $0x3  }
0x12: {  	s2 =	sand.u32 $0x7, s28;
	s0 =	sadd.s32 s4, s0  }
0x13: {  	[tilespmem:s15], [sflag:$0x7] =	stream.linear.gather [hbm4b:s0+s2], $0xFA0, $0x38;
	[tilespmem:$0x8DC0] =	vst v63  }
.LBB2_4:
0x14: {  	s0 =	sadd.s32 $0xFA0, s28  }
0x15: {  	s2 =	smov.u32 s6;
	s29 =	sadd.s32 $0x1, s29;
	p0 =	slt.s32 s0, s9  }
0x16: {  	s2 =	smov.u32 @p0 s0;
	p0 =	sne.s32 s29, $0x4  }
.Ltmp1:
0x17: {  	_ = 	snop;
	(pc) =	sbr.rel @!p0 .LBB2_13-.Ltmp1, $2  }
0x18: {  	_ =	sdelay $0x2  }
0x19: {  	s30 =	smov.u32 s28;
	s28 =	smov.u32 s2  }
.LBB2_1:
0x1a: {  	p0 =	sgt.s32 s29, $0x1  }
.Ltmp2:
0x1b: {  	_ = 	snop;
	(pc) =	sbr.rel @p0 .LBB2_11-.Ltmp2, $1  }
0x1c: {  	_ =	sdelay $0x3  }
0x1d: {  	p0 =	seq.s32 s29, $0x0  }
.Ltmp3:
0x1e: {  	_ = 	snop;
	(pc) =	sbr.rel @p0 .LBB2_3-.Ltmp3, $1  }
0x1f: {  	_ =	sdelay $0x3  }
0x20: {  	_ =	swait.ge [sflag:s5], $0xFA0  }
0x21: {  	[sflag:s5] =	ssyncset.done $0x0  }
0x22: {  	[sflag:s5] =	ssyncadd.s32 $0xFFFFF060;
	(ifvalue) =	ssetifvalue $0xFFFFFFFF;
	v4 =	vld.msk [tilespmem:s15+$0x0 ss:$0x1], $0xffff;
	_ =	sdelay $0x4  }
0x23: {  	v5 =	vperm.xlane v4, v1  }
0x24: {  	vm4 =	vlt.u32 v4, $0x1000  }
0x25: {  	v4 =	vnsel vm4, $0xFFFFFFFE, v4;
	vm4 =	vlt.u32 v5, $0x1000  }
0x26: {  	[tilespmem:$0x70] =	vst v4;
	v4 =	vnsel vm4, $0xFFFFFFFE, v5  }
0x27: {  	s17 =	simm.s32 $0x1090;
	[tilespmem:$0x80] =	vst v4  }
0x28: {  	v4 =	vld.msk [tilespmem:s17+$0x0 ss:$0x1], $0xffff;
	_ =	sdelay $0x4  }
0x29: {  	(xrf1) =	vunique.msk.u32 $0xffff, v4;
	_ =	sdelay $0xd  }
0x2a: {  	v5 =	vimm.s32 $0xFFFFFFFF;
	v6, _, _ =	vpop (xrf1)  }
0x2b: {  	vm5 =	vne.s32 v4, v5;
	vm4 =	veq.s32 v6, v2  }
0x2c: {  	vm6 =	vlt.u32 v4, $0x1000;
	vm4 =	vmand vm5, vm4  }
0x2d: {  	vm4 =	vmand vm6, vm4  }
0x2e: {  	v5 =	vnsel vm4, $0xFFFFFFFF, v4;
	_ =	sdelay $0x3  }
0x2f: {  	s0 =	simm.s32 $0x3F70;
	(ifvalue) =	ssetifvalue $0xFFFFFFFF  }
0x30: {  	v4 =	vperm.xlane v4, v1;
	[tilespmem:s0], [sflag:$0x8] =	stream.indirect_vreg.gather [hbm4b:s1+s14], $0x1, v5, vm0, $0x4038;
	v5 =	vnsel vm6, $0xFFFFFFFE, v5;
	[tilespmem:$0x8DC0] =	vst v63  }
0x31: {  	s2 =	simm.s32 $0x0;
	s16 =	simm.s32 $0x1080;
	[tilespmem:s17+$0x0] =	vst v5  }
.LBB2_6:
0x32: {  	v5 =	vld.msk [tilespmem:s16+$0x0 ss:$0x1], $0xffff;
	s2 =	sadd.s32 $0x10, s2;
	v6 =	vmov v4;
	s17 =	smov.u32 s16  }
0x33: {  	p0 =	slt.u32 s2, $0xF90;
	_ =	sdelay $0x4  }
0x34: {  	v4 =	vperm.xlane v5, v1;
	(xrf1) =	vunique.msk.u32 $0xffff, v5;
	_ =	sdelay $0xd  }
0x35: {  	v7, _, _ =	vpop (xrf1)  }
0x36: {  	vm5 =	vne.s32 v5, v6;
	vm4 =	veq.s32 v7, v2  }
0x37: {  	vm6 =	vlt.u32 v5, $0x1000;
	vm4 =	vmand vm5, vm4  }
0x38: {  	vm4 =	vmand vm6, vm4  }
0x39: {  	v5 =	vnsel vm4, $0xFFFFFFFF, v5  }
.Ltmp4:
0x3a: {  	v6 =	vnsel vm6, $0xFFFFFFFE, v5;
	(pc) =	sbr.rel @p0 .LBB2_6-.Ltmp4, $3  }
0x3b: {  	_ =	sdelay $0x1  }
0x3c: {  	s16 =	sadd.s32 $0xFFFFFFF0, s16;
	s0 =	sadd.s32 $0xFFFFFFF0, s0;
	(ifvalue) =	ssetifvalue $0xFFFFFFFF  }
0x3d: {  	[tilespmem:s0], [sflag:$0x8] =	stream.indirect_vreg.gather [hbm4b:s1+s14], $0x1, v5, vm0, $0x4038;
	[tilespmem:s17+$0x0] =	vst v6  }
.Ltmp5:
0x3e: {  	(pc) =	sbr.rel .LBB2_4-.Ltmp5, $4  }
0x3f: {  	_ = 	snop  }
0x40: {  	s0 =	sshrl.u32 s30, $0x3  }
0x41: {  	s2 =	simm.s32 $0x4F20;
	s0 =	sadd.s32 s8, s0  }
0x42: {  	[tilespmem:s2], [sflag:$0x8] =	stream.linear.gather [hbm:s0], $0xFA0, $0x38;
	[tilespmem:$0x8DC0] =	vst v63  }
.LBB2_11:
0x43: {  	p0 =	seq.s32 s29, $0x2  }
.Ltmp6:
0x44: {  	_ = 	snop;
	(pc) =	sbr.rel @!p0 .LBB2_12-.Ltmp6, $1  }
0x45: {  	_ =	sdelay $0x3  }
0x46: {  	_ =	swait.ge [sflag:s7], $0x1F40  }
0x47: {  	[sflag:s7] =	ssyncset.done $0x0  }
0x48: {  	s0 =	simm.s32 $0x109F;
	[sflag:s7] =	ssyncadd.s32 $0xFFFFE0C0  }
0x49: {  	[spmem:s11] =	stream.linear.scatter [tilespmem:s0], [sflag:$0x1], $0x1, $0x38;
	[tilespmem:$0x8DC0] =	vst v63  }
0x4a: {  	_ =	swait.ge [sflag:s3], $0x1  }
0x4b: {  	[sflag:s3] =	ssyncset.done $0x0  }
0x4c: {  	[sflag:s3] =	ssyncadd.s32 $0xFFFFFFFF  }
0x4d: {  	v5 =	vld [tilespmem:$0x10]  }
0x4e: {  	v6 =	vld [tilespmem:$0x70]  }
0x4f: {  	v4 =	vld [tilespmem:$0x80];
	_ =	sdelay $0x2  }
0x50: {  	(v2sf) =	vpush v5, $0x0  }
0x51: {  	(v2sf) =	vpush v6, $0x0  }
0x52: {  	(v2sf) =	vpush v4, $0x0;
	_ =	sdelay $0xc  }
0x53: {  	s18 =	spop (v2sf)  }
0x54: {  	s2 =	spop (v2sf)  }
0x55: {  	s30 =	spop (v2sf)  }
0x56: {  	p0 =	seq.s32 s18, s2;
	p1 =	seq.s32 s30, s18  }
0x57: {  	p1 =	por p0, p1  }
0x58: {  	s2 =	simm.s32 $0x10;
	v5 =	vpsel p1, $0xFFFFFFFF, v5  }
0x59: {  	[tilespmem:s2+$0x0] =	vst.msk $0x1, v5  }
0x5a: {  	v5 =	vld [tilespmem:$0x30]  }
0x5b: {  	v6 =	vld [tilespmem:$0x4F20]  }
0x5c: {  	v7 =	vld [tilespmem:$0x40];
	_ =	sdelay $0x2  }
0x5d: {  	vm4 =	vmmov vm1  }
0x5e: {  	vm5 =	vmmov vm2;
	s16 =	simm.s32 $0x4F20;
	vm4 =	vmmov @p0 vm2;
	v6 =	vmax.f32 v5, v6  }
0x5f: {  	vm5 =	vmmov @p1 vm1;
	v5 =	vmax.f32 v5, v7;
	[tilespmem:s16+$0x0] =	vst.msk vm4, v6  }
0x60: {  	[tilespmem:s19+$0x0] =	vst.msk vm5, v5  }
0x61: {  	v5 =	vld [tilespmem:$0x3F70];
	_ =	sdelay $0x4  }
0x62: {  	v5 =	vshift.insert v5, v3, s20;
	_ =	sdelay $0x1  }
0x63: {  	v6 =	vimm.f32 $-Inf;
	[tilespmem:s21+$0x0] =	vst.msk $0x1, v5  }
0x64: {  	[tilespmem:s22+$0x0] =	vst.msk $0x1, v6  }
0x65: {  	v5 =	vld [tilespmem:$0x1090];
	_ =	sdelay $0x4  }
0x66: {  	v5 =	vshift.insert v5, v1, s20;
	_ =	sdelay $0x1  }
0x67: {  	s17 =	simm.s32 $0x100;
	[tilespmem:s23+$0x0] =	vst.msk $0x1, v5  }
0x68: {  	v7 =	vld [tilespmem:s17+$0x0]  }
0x69: {  	v8 =	vld [tilespmem:s16+$0x0];
	_ =	sdelay $0x4  }
0x6a: {  	vm4 =	vne.s32 v7, $0xFFFFFFFF;
	v6 =	vmax.f32 v8, v6  }
0x6b: {  	(xrf0) =	vmax.seg.scan.f32 vm4, v6  }
0x6c: {  	s18 =	simm.s32 $0x2FE0;
	v8 =	vld [tilespmem:$0xA0]  }
0x6d: {  	v9 =	vld [tilespmem:s18+$0x0];
	_ =	sdelay $0x1  }
0x6e: {  	v6 =	vperm.xlane v5, v1;
	_ =	sdelay $0x1  }
0x6f: {  	vm6 =	veq.s32 v7, v4;
	vm7 =	veq.s32 v7, v6;
	vm5 =	veq.s32 v8, $0x1;
	v8, _, _ =	vpop (xrf0)  }
0x70: {  	vm8 =	vgt.u32 v7, $0xFFFFFFFD;
	vm7 =	vmor vm7, vm6;
	v9 =	vmax.f32 v8, v9  }
0x71: {  	s31 =	simm.s32 $0x6E60;
	v10 =	vld [tilespmem:$0x90];
	vm7 =	vmor vm7, vm8;
	v9 =	vsel vm6, v8, v9  }
0x72: {  	[tilespmem:s31+$0x0] =	vst v9;
	v9 =	vsel vm7, $0xFFFFFFFF, v7;
	_ =	sdelay $0x1  }
0x73: {  	vm9 =	vmand vm4, vm3  }
0x74: {  	s0 =	simm.s32 $0x0;
	s2 =	simm.s32 $0x4F30;
	s16 =	simm.s32 $0x110;
	v11 =	vsel vm9, $0xFF800000, v8  }
0x75: {  	s17 =	simm.s32 $0x6E70;
	s18 =	simm.s32 $0x2FF0;
	vm4 =	vmor vm5, vm6;
	v7 =	vsel vm6, v8, v10;
	v8 =	vshift.insert v11, v0, s20;
	(ifvalue) =	ssetifvalue $0xFFFFFFFF  }
.LBB2_9:
0x76: {  	[hbm4b:s1+s14] =	stream.indirect_vreg.scatter [tilespmem:s31], [sflag:$0x2], $0x1, v9, vm0, $0x4038;
	[tilespmem:$0x8DC0] =	vst v63  }
0x77: {  	s0 =	sadd.s32 $0x10, s0;
	s31 =	smov.u32 s17;
	v9 =	vld [tilespmem:s16+$0x0]  }
0x78: {  	p0 =	slt.u32 s0, $0xF90;
	v10 =	vld [tilespmem:s2+$0x0];
	_ =	sdelay $0x4  }
0x79: {  	vm5 =	vne.s32 v9, $0xFFFFFFFF;
	v8 =	vmax.f32 v10, v8  }
0x7a: {  	(xrf0) =	vmax.seg.scan.f32 vm5, v8;
	_ =	sdelay $0x1  }
0x7b: {  	v8 =	vld [tilespmem:s18+$0x0]  }
0x7c: {  	vm6 =	veq.s32 v9, v4;
	vm7 =	veq.s32 v9, v6  }
0x7d: {  	vm8 =	vgt.u32 v9, $0xFFFFFFFD;
	vm4 =	vmor vm4, vm6;
	vm7 =	vmor vm7, vm6  }
0x7e: {  	vm7 =	vmor vm7, vm8  }
.Ltmp7:
0x7f: {  	vm5 =	vmand vm5, vm3;
	v9 =	vsel vm7, $0xFFFFFFFF, v9;
	v10, _, _ =	vpop (xrf0);
	(pc) =	sbr.rel @p0 .LBB2_9-.Ltmp7, $4  }
0x80: {  	v7 =	vsel vm6, v10, v7;
	v8 =	vmax.f32 v10, v8;
	v11 =	vsel vm5, $0xFF800000, v10  }
0x81: {  	v10 =	vsel vm6, v10, v8;
	v8 =	vshift.insert v11, v0, s20  }
0x82: {  	s16 =	sadd.s32 $0x10, s16;
	s2 =	sadd.s32 $0x10, s2;
	[tilespmem:s17+$0x0] =	vst v10  }
0x83: {  	s18 =	sadd.s32 $0x10, s18;
	s17 =	sadd.s32 $0x10, s17;
	(ifvalue) =	ssetifvalue $0xFFFFFFFF  }
0x84: {  	_ =	sdelay $0x3  }
0x85: {  	[hbm4b:s1+s14] =	stream.indirect_vreg.scatter [tilespmem:s31], [sflag:$0x2], $0x1, v9, vm0, $0x4038;
	[tilespmem:$0x8DC0] =	vst v63  }
0x86: {  	v4 =	vld [tilespmem:$0x7DF0];
	_ =	sdelay $0x4  }
0x87: {  	v4 =	vshift.insert v4, v3, s20;
	_ =	sdelay $0x1  }
0x88: {  	[tilespmem:s24+$0x0] =	vst.msk $0x1, v4  }
0x89: {  	v4 =	vsel vm4, $0x1, v1;
	[tilespmem:$0x90] =	vst v7  }
0x8a: {  	[tilespmem:$0xA0] =	vst v4  }
0x8b: {  	[spmem:s12] =	stream.linear.scatter [tilespmem:s25], [sflag:$0x1], $0x1, $0x38;
	[tilespmem:$0x8DC0] =	vst v63  }
0x8c: {  	v4 =	vmctz.xlane vm4;
	_ =	swait.ge [sflag:s3], $0x1  }
0x8d: {  	(v2sf) =	vpush v5, $0x0  }
0x8e: {  	(v2sf) =	vpush v4, $0x0;
	_ =	sdelay $0xd  }
0x8f: {  	s0 =	spop (v2sf)  }
0x90: {  	s2 =	spop (v2sf)  }
0x91: {  	[sflag:s3] =	ssyncset.done $0x0;
	p0 =	sne.s32 s30, s0;
	p1 =	slt.s32 s2, $0xF  }
0x92: {  	[sflag:s3] =	ssyncadd.s32 $0xFFFFFFFF;
	v4 =	vimm.s32 @!p0 $0xFFFFFFFF;
	s2 =	simm.s32 @!p1 $0xF  }
0x93: {  	[tilespmem:$0x80] =	vst @!p0 v4;
	s31 =	sadd.s32 $0x90, s2  }
0x94: {  	[spmem:s10] =	stream.linear.scatter [tilespmem:s31], [sflag:$0x1], $0x1, $0x38;
	[tilespmem:$0x8DC0] =	vst v63  }
0x95: {  	_ =	swait.ge [sflag:s3], $0x1  }
0x96: {  	[sflag:s3] =	ssyncset.done $0x0  }
0x97: {  	[sflag:s3] =	ssyncadd.s32 $0xFFFFFFFF  }
0x98: {  	[spmem:s13] =	stream.linear.scatter [tilespmem:s26], [sflag:$0x1], $0x1, $0x38;
	[tilespmem:$0x8DC0] =	vst v63  }
0x99: {  	_ =	swait.ge [sflag:s3], $0x1  }
0x9a: {  	[sflag:s3] =	ssyncset.done $0x0  }
0x9b: {  	[sflag:s3] =	ssyncadd.s32 $0xFFFFFFFF;
	(ifvalue) =	ssetifvalue $0xFFFFFFFF;
	v4 =	vld [tilespmem:$0x10];
	_ =	sdelay $0x3  }
.Ltmp8:
0x9c: {  	_ = 	snop;
	(pc) =	sbr.rel .LBB2_4-.Ltmp8, $3  }
0x9d: {  	_ =	sdelay $0x1  }
0x9e: {  	(ifvalue) =	ssetifvalue $0xFFFFFFFF  }
0x9f: {  	[hbm4b:s1+s14] =	stream.indirect_vreg.scatter [tilespmem:s19], [sflag:$0x9], $0x1, v4, vm0, $0x4038;
	[tilespmem:$0x8DC0] =	vst v63  }
.LBB2_12:
0xa0: {  	s0 =	simm.s32 $0x2  }
0xa1: {  	_ =	swait.ge [sflag:s0], $0xFA0  }
0xa2: {  	[sflag:s0] =	ssyncset.done $0x0  }
0xa3: {  	s31 =	simm.s32 $0x9;
	[sflag:s0] =	ssyncadd.s32 $0xFFFFF060  }
0xa4: {  	_ =	swait.ge [sflag:s31], $0x10  }
0xa5: {  	[sflag:s31] =	ssyncset.done $0x0  }
0xa6: {  	[sflag:s31] =	ssyncadd.s32 $0xFFFFFFF0  }
.LBB2_13:
0xa7: {  	_ =	sfence.sel $0x180000  }
0xa8: {  	s0 =	simm.s32 $0x7;
	[bflag:$0x0] =	sbarrier.arrive $0xFFFF  }
0xa9: {  	s26 =	simm.s32 $0x8;
	[sflag:s0] =	ssyncpa.u1 $0x1  }
0xaa: {  	s28 =	simm.s32 $0x9;
	[sflag:s26] =	ssyncpa.u1 $0x1  }
0xab: {  	[sflag:s28] =	ssyncpa.u1 $0x1  }
0xac: {  	_ =	sfence.stream.spmem  }
0xad: {  	s29 =	simm.s32 $0x3;
	[bflag:$0x0] =	sbarrier.arrive $0xFFFF  }
0xae: {  	s30 =	simm.s32 $0x4;
	[sflag:s29] =	ssyncpa.u1 $0x1  }
0xaf: {  	s31 =	simm.s32 $0x3C;
	s2 =	stileid.u32;
	[sflag:s30] =	ssyncpa.u1 $0x1  }
0xb0: {  	p0 =	sne.s32 s2, $0x0;
	[sflag:s31] =	ssyncpa.u1 $0x1  }
0xb1: {  	s0 =	simm.s32 @p0 $0x1;
	_ =	sfence @p0  }
0xb2: {  	[sflag:s0] =	ssyncpa.u1 @p0 $0x1;
	s0 =	simm.s32 @p0 $0x2  }
0xb3: {  	[sflag:s0] =	ssyncpa.u1 @p0 $0x1  }
0xb4: {  	_ =	strace @p0 $0x90000047  }
0xb5: {  	[bflag:$0x2] =	sbarrier.arrive @p0 $0xFFFF  }
0xb6: {  	_ =	shalt @p0  }
.LBB2_14:
0xb7: {  	_ =	sfence.stream.spmem;
	s0 =	simm.s32 $0x5  }
0xb8: {  	s2 =	simm.s32 $0x80;
	s3 =	simm.s32 $0xC0;
	[sflag:s0] =	ssyncpa.u1 $0x0  }
0xb9: {  	[tilespmem:s3], [sflag:$0x5] =	stream.linear.gather [spmem:s2], $0x20, $0x38;
	[tilespmem:$0x8DC0] =	vst v63  }
0xba: {  	s30 =	simm.s32 $0xE0;
	s2 =	simm.s32 $0x0  }
0xbb: {  	[tilespmem:s30], [sflag:$0x5] =	stream.linear.gather [spmem:s2], $0x20, $0x38;
	[tilespmem:$0x8DC0] =	vst v63  }
.Ltmp9:
0xbc: {  	_ = 	snop;
	(pc) =	sbr.rel .LBB2_15-.Ltmp9, $4  }
0xbd: {  	_ =	swait.ge [sflag:s0], $0x40  }
0xbe: {  	[sflag:s0] =	ssyncset.done $0x0  }
0xbf: {  	s31 =	simm.s32 $0x6;
	[sflag:s0] =	ssyncadd.s32 $0xFFFFFFC0  }
0xc0: {  	s3 =	simm.s32 $0x0;
	[sflag:s31] =	ssyncpa.u1 $0x0  }
.LBB2_20:
0xc1: {  	p0 =	sgt.u32 s4, $0xFFF  }
0xc2: {  	s0 =	sshrl.u32 @!p0 s4, $0x3  }
0xc3: {  	s4 =	sand.u32 @!p0 $0x7, s4;
	s5 =	simm.s32 @!p0 $0xB0;
	s0 =	sadd.s32 @!p0 s1, s0  }
0xc4: {  	[tilespmem:s5], [sflag:$0x6] =	stream.linear.gather @!p0 [hbm4b:s0+s4], $0x1, $0x38;
	[tilespmem:$0x8DC0] =	vst v63  }
0xc5: {  	s0 =	simm.s32 @!p0 $0x6  }
0xc6: {  	_ =	swait.ge @!p0 [sflag:s0], $0x1  }
0xc7: {  	[sflag:s0] =	ssyncset.done @!p0 $0x0  }
0xc8: {  	[sflag:s0] =	ssyncadd.s32 @!p0 $0xFFFFFFFF  }
0xc9: {  	v1 =	vld.msk @!p0 [tilespmem:$0xB0], $0x1  }
0xca: {  	v2 =	vld.msk @!p0 [tilespmem:s3+$0xE0], $0x1;
	_ =	sdelay $0x4  }
0xcb: {  	v1 =	vmax.f32 @!p0 v2, v1  }
0xcc: {  	[tilespmem:s3+$0xE0] =	vst.msk @!p0 $0x1, v1  }
0xcd: {  	[tilespmem:s2+$0xC0] =	vst.msk $0x1, v0  }
0xce: {  	v0 =	vld.msk [tilespmem:s3+$0xE0], $0x1;
	_ =	sdelay $0x4  }
0xcf: {  	[tilespmem:s2+$0xE0] =	vst.msk $0x1, v0;
	s2 =	sadd.s32 $0x1, s2  }
.LBB2_22:
0xd0: {  	s3 =	sadd.s32 $0x1, s3  }
0xd1: {  	p0 =	sne.s32 s3, $0x20  }
.Ltmp10:
0xd2: {  	_ = 	snop;
	(pc) =	sbr.rel @!p0 .LBB2_23-.Ltmp10, $1  }
0xd3: {  	_ =	sdelay $0x3  }
.LBB2_15:
0xd4: {  	v0 =	vld.msk [tilespmem:s3+$0xC0], $0x1;
	_ =	sdelay $0x4  }
0xd5: {  	(v2sf) =	vpush v0, $0x0;
	_ =	sdelay $0xe  }
0xd6: {  	s4 =	spop (v2sf)  }
0xd7: {  	p0 =	seq.s32 s4, $0xFFFFFFFF  }
.Ltmp11:
0xd8: {  	_ = 	snop;
	(pc) =	sbr.rel @p0 .LBB2_22-.Ltmp11, $1  }
0xd9: {  	_ =	sdelay $0x3  }
0xda: {  	p0 =	slt.s32 s2, $0x1  }
.Ltmp12:
0xdb: {  	_ = 	snop;
	(pc) =	sbr.rel @p0 .LBB2_20-.Ltmp12, $1  }
0xdc: {  	_ =	sdelay $0x3  }
0xdd: {  	s0 =	simm.s32 $0xC0;
	p0 =	por $0x0, $0x0  }
0xde: {  	v1 =	vld.msk @!p0 [tilespmem:s0+$0x0], $0x1;
	_ =	sdelay $0x4  }
0xdf: {  	(v2sf) =	vpush @!p0 v1, $0x0;
	_ =	sdelay $0xd  }
0xe0: {  	p2 =	sne.s32 s2, $0x1  }
.Ltmp13:
0xe1: {  	s5 =	spop @!p0 (v2sf);
	(pc) =	sbr.rel @!p2 .LBB2_19-.Ltmp13, $4  }
0xe2: {  	p1 =	seq.s32 @!p0 s4, s5  }
0xe3: {  	s5 =	simm.s32 $0x0;
	p1 =	por !p1, p0  }
0xe4: {  	s7 =	simm.s32 $0xFFFFFFFF;
	s5 =	simm.s32 @p1 $0xFFFFFFFF  }
0xe5: {  	s6 =	simm.s32 $0x1;
	s5 =	smov.u32 @p0 s7  }
.LBB2_18:
0xe6: {  	s7 =	smov.u32 s5;
	p0 =	sne.s32 s5, $0xFFFFFFFF  }
0xe7: {  	s0 =	sadd.s32 $0x1, s0;
	s5 =	smov.u32 s6;
	s6 =	sadd.s32 $0x1, s6  }
0xe8: {  	p1 =	sne.s32 s2, s6;
	v1 =	vld.msk @!p0 [tilespmem:s0+$0x0], $0x1;
	_ =	sdelay $0x4  }
0xe9: {  	(v2sf) =	vpush @!p0 v1, $0x0;
	_ =	sdelay $0xe  }
.Ltmp14:
0xea: {  	s8 =	spop @!p0 (v2sf);
	(pc) =	sbr.rel @p1 .LBB2_18-.Ltmp14, $4  }
0xeb: {  	p2 =	seq.s32 @!p0 s4, s8  }
0xec: {  	p2 =	por !p2, p0  }
0xed: {  	s5 =	simm.s32 @p2 $0xFFFFFFFF  }
0xee: {  	s5 =	smov.u32 @p0 s7  }
.LBB2_19:
0xef: {  	p0 =	sne.s32 s5, $0xFFFFFFFF  }
.Ltmp15:
0xf0: {  	_ = 	snop;
	(pc) =	sbr.rel @!p0 .LBB2_20-.Ltmp15, $1  }
0xf1: {  	_ =	sdelay $0x3  }
0xf2: {  	v0 =	vld.msk [tilespmem:s3+$0xE0], $0x1  }
0xf3: {  	v1 =	vld.msk [tilespmem:s5+$0xE0], $0x1;
	_ =	sdelay $0x1  }
.Ltmp16:
0xf4: {  	_ = 	snop;
	(pc) =	sbr.rel .LBB2_22-.Ltmp16, $3  }
0xf5: {  	_ =	sdelay $0x1  }
0xf6: {  	v0 =	vmax.f32 v1, v0  }
0xf7: {  	[tilespmem:s5+$0xE0] =	vst.msk $0x1, v0  }
.LBB2_23:
0xf8: {  	p0 =	slt.s32 s2, $0x1  }
.Ltmp17:
0xf9: {  	_ = 	snop;
	(pc) =	sbr.rel @p0 .LBB2_27-.Ltmp17, $3  }
0xfa: {  	_ =	sdelay $0x1  }
0xfb: {  	s0 =	simm.s32 $0x6  }
0xfc: {  	s3 =	simm.s32 $0x0;
	[sflag:s0] =	ssyncpa.u1 $0x1  }
0xfd: {  	s0 =	simm.s32 $0xC0  }
0xfe: {  	v0 =	vld.msk [tilespmem:s0+$0x0], $0x1;
	_ =	sdelay $0x4  }
0xff: {  	(v2sf) =	vpush v0, $0x0;
	_ =	sdelay $0xe  }
0x100: {  	s2 =	sadd.s32 $0xFFFFFFFF, s2;
	s4 =	spop (v2sf)  }
0x101: {  	p1 =	sne.s32 s2, $0x0;
	p0 =	sgt.u32 s4, $0xFFF  }
.Ltmp18:
0x102: {  	s5 =	sshrl.u32 @!p0 s4, $0x3;
	(pc) =	sbr.rel @!p1 .LBB2_26-.Ltmp18, $4  }
0x103: {  	s0 =	simm.s32 $0xE0;
	s4 =	sand.u32 @!p0 $0x7, s4;
	s5 =	sadd.s32 @!p0 s1, s5  }
0x104: {  	[hbm4b:s5+s4] =	stream.linear.scatter @!p0 [tilespmem:s0], [sflag:$0x5], $0x1, $0x38;
	[tilespmem:$0x8DC0] =	vst v63  }
0x105: {  	s5 =	simm.s32 $0x0  }
0x106: {  	s4 =	simm.s32 $0xC1;
	s5 =	simm.s32 @!p0 $0x4  }
.LBB2_25:
0x107: {  	v0 =	vld.msk [tilespmem:s4+$0x0], $0x1;
	s2 =	sadd.s32 $0xFFFFFFFF, s2;
	s3 =	sadd.s32 s3, s5  }
0x108: {  	p0 =	sne.s32 s2, $0x0;
	_ =	sdelay $0x3  }
0x109: {  	(v2sf) =	vpush v0, $0x0;
	_ =	sdelay $0xe  }
.Ltmp19:
0x10a: {  	s6 =	spop (v2sf);
	(pc) =	sbr.rel @p0 .LBB2_25-.Ltmp19, $4  }
0x10b: {  	s5 =	simm.s32 $0x0;
	p1 =	sgt.u32 s6, $0xFFF  }
0x10c: {  	s0 =	sadd.s32 $0x1, s0;
	s5 =	simm.s32 @!p1 $0x4;
	s7 =	sshrl.u32 @!p1 s6, $0x3  }
0x10d: {  	s4 =	sadd.s32 $0x1, s4;
	s6 =	sand.u32 @!p1 $0x7, s6;
	s7 =	sadd.s32 @!p1 s1, s7  }
0x10e: {  	[hbm4b:s7+s6] =	stream.linear.scatter @!p1 [tilespmem:s0], [sflag:$0x5], $0x1, $0x38;
	[tilespmem:$0x8DC0] =	vst v63  }
.LBB2_26:
0x10f: {  	s0 =	sadd.s32 s3, s5  }
0x110: {  	s3 =	sshrl.u32 s0, $0x2  }
.LBB2_27:
0x111: {  	s0 =	simm.s32 $0x5  }
0x112: {  	_ =	swait.ge [sflag:s0], s3  }
0x113: {  	s1 =	ssub.s32 $0x0, s3;
	[sflag:s0] =	ssyncset.done $0x0  }
0x114: {  	[sflag:s0] =	ssyncadd.s32 s1  }
0x115: {  	[sflag:s0] =	ssyncpa.u1 $0x1  }
0x116: {  	s29 =	simm.s32 $0x1;
	_ =	sfence  }
0x117: {  	s30 =	simm.s32 $0x2;
	[sflag:s29] =	ssyncpa.u1 $0x1  }
0x118: {  	[sflag:s30] =	ssyncpa.u1 $0x1  }
0x119: {  	_ =	strace $0x90000047  }
0x11a: {  	[bflag:$0x2] =	sbarrier.arrive $0xFFFF  }
0x11b: {  	s31 =	rddreg [dreg:$0x1]  }
0x11c: {  	s0 =	sadd.s32 $0x100000, s31  }
0x11d: {  	[sflag:s0] =	ssyncadd.tile.s32 $0x1;
	_ =	shalt  }
.Lfunc_end2:
_tile_overlayer_lowered:
.L_overlay_start_2:
0x11e: {  	(tag) =	ssettag $0x2  }
0x11f: {  	s0 =	rddreg [dreg:$0x0];
	s2 =	stileid.u32  }
0x120: {  	s1 =	rddreg [dreg:$0x1];
	p0 =	sne.s32 s2, $0x0  }
0x121: {  	s3 =	rddreg [dreg:$0x2];
	[bflag:$0x3] =	sbarrier.arrive $0xFFFF;
	s2 =	simm.s32 @!p0 $0x1C01  }
0x122: {  	[timem:s3], [sflag:s2] =	dma.local @!p0 [hbm:s0], s1  }
0x123: {  	s0 =	simm.s32 @!p0 $0x1  }
0x124: {  	_ =	swait.ge @!p0 [sflag:s0], s1  }
0x125: {  	s1 =	ssub.s32 @!p0 $0x0, s1;
	[sflag:s0] =	ssyncset.done @!p0 $0x0  }
0x126: {  	[sflag:s0] =	ssyncadd.s32 @!p0 s1  }
0x127: {  	[bflag:$0x3] =	sbarrier.arrive $0xFFFF  }
0x128: {  	_ =	shalt  }

</sc_bundles>
